<compile_context>
chip_gen: v7x
topology: tpu7x:2x2x1
jax: 0.10.2.dev20260603
libtpu: 0.0.44.dev20260713+nightly
codegen_flags: <defaults>
</compile_context>

<pallas_src>
import dataclasses

import jax
import jax.numpy as jnp
from jax import lax
from jax.experimental import pallas as pl
from jax.experimental.pallas import tpu as pltpu
from jax.experimental.pallas import tpu_sc as plsc

N_NODES = 10000
N_EDGES = 320000
D_IN = 128
D_EDGE = 16
D_OUT = 128
DP = D_OUT // 2

NC = 2
NS = 16
NW = NC * NS
CHUNK = 80
N_CHUNKS = N_EDGES // CHUNK
NG_MAX = (N_CHUNKS + NW - 1) // NW
ZCH = 16
N_ZCH = N_NODES // ZCH


def _pack_rows(x32):
    lo = lax.bitcast_convert_type(x32[:, :DP].astype(jnp.bfloat16),
                                  jnp.uint16).astype(jnp.uint32)
    hi = lax.bitcast_convert_type(x32[:, DP:].astype(jnp.bfloat16),
                                  jnp.uint16).astype(jnp.uint32)
    return lax.bitcast_convert_type(lo | (hi << 16), jnp.int32)


def _proj_body(e_ref, x_ref, w_ref, b_ref, eb_ref, p_ref):
    w = w_ref[...]
    eb = jnp.dot(e_ref[...], w[D_IN:], preferred_element_type=jnp.float32)
    eb_ref[...] = _pack_rows(eb)
    p_ref[...] = jnp.dot(x_ref[...], w[:D_IN],
                         preferred_element_type=jnp.float32) + b_ref[...]


def _self_proj_body(x_ref, w_ref, b_ref, o_ref):
    o_ref[...] = jnp.dot(x_ref[...], w_ref[...][:D_IN],
                         preferred_element_type=jnp.float32) + b_ref[...]


def _apply_body(f1_ref, p_ref, w_ref, o_ref):
    hn = p_ref[0] + p_ref[1]
    acc = jnp.dot(hn, w_ref[...][D_IN:], preferred_element_type=jnp.float32)
    o_ref[...] = jnp.maximum(acc + f1_ref[...], 0.0)


def _lo_f32(w):
    return plsc.bitcast(w << 16, jnp.float32)


def _hi_f32(w):
    return plsc.bitcast(w & jnp.int32(-65536), jnp.float32)


def _sc_segment_body(p_hbm, eb_hbm, src_hbm, dst_hbm, out_hbm,
                     srcv, dstv, pbv, ebv,
                     isems, dsems, gsems, ssems, osem, acc):
    c = lax.axis_index("c")
    s = lax.axis_index("s")
    wid = c * NS + s

    for r in range(ZCH):
        for j in range(8):
            pbv[0][r, pl.ds(j * 16, 16)] = jnp.zeros((16,), jnp.float32)

    zsrc = pbv[0].at[pl.ds(0, ZCH)]
    n_zero = (N_ZCH + NS - 1) // NS

    @pl.loop(0, n_zero)
    def _(g):
        cidx = s + NS * g

        @pl.when(cidx < N_ZCH)
        def _():
            pltpu.async_copy(zsrc, acc.at[pl.ds(cidx * ZCH, ZCH)], osem)

    @pl.loop(0, n_zero)
    def _(g):
        cidx = s + NS * g

        @pl.when(cidx < N_ZCH)
        def _():
            pltpu.make_async_copy(zsrc, acc.at[pl.ds(cidx * ZCH, ZCH)],
                                  osem).wait()

    plsc.subcore_barrier()

    def stage_a(g, i, checked=True):
        ch = wid + NW * g

        def body():
            pltpu.async_copy(src_hbm.at[pl.ds(ch, 1)], srcv[i], isems[i])
            pltpu.async_copy(dst_hbm.at[pl.ds(ch, 1)], dstv[i], isems[i])

        if checked:
            pl.when(ch < N_CHUNKS)(body)
        else:
            body()

    def stage_b(g, i, d, drain, checked=True):
        ch = wid + NW * g

        def body():
            pltpu.make_async_copy(src_hbm.at[pl.ds(ch, 1)], srcv[i],
                                  isems[i]).wait()
            pltpu.make_async_copy(dst_hbm.at[pl.ds(ch, 1)], dstv[i],
                                  isems[i]).wait()
            if drain:
                pltpu.make_async_copy(pbv[d], acc.at[dstv[(i + 2) % 4].at[0]],
                                      ssems[d]).wait()
            pltpu.async_copy(eb_hbm.at[pl.ds(ch * CHUNK, CHUNK)], ebv[d],
                             dsems[d])
            pltpu.async_copy(p_hbm.at[srcv[i].at[0]], pbv[d], gsems[d])

        if checked:
            pl.when(ch < N_CHUNKS)(body)
        else:
            body()

    def stage_c(g, i, d, checked=True):
        ch = wid + NW * g

        def body():
            pltpu.make_async_copy(eb_hbm.at[pl.ds(ch * CHUNK, CHUNK)], ebv[d],
                                  dsems[d]).wait()
            pltpu.make_async_copy(p_hbm.at[srcv[i].at[0]], pbv[d],
                                  gsems[d]).wait()

            @pl.loop(0, CHUNK // 2)
            def _(t):
                for k in range(2):
                    r = t * 2 + k
                    for j in range(4):
                        we = ebv[d][r, pl.ds(j * 16, 16)]
                        pa = pbv[d][r, pl.ds(j * 16, 16)]
                        pb = pbv[d][r, pl.ds(DP + j * 16, 16)]
                        pbv[d][r, pl.ds(j * 16, 16)] = jnp.maximum(
                            _lo_f32(we) + pa, 0.0)
                        pbv[d][r, pl.ds(DP + j * 16, 16)] = jnp.maximum(
                            _hi_f32(we) + pb, 0.0)

            pltpu.async_copy(pbv[d], acc.at[dstv[i].at[0]], ssems[d],
                             add=True)

        if checked:
            pl.when(ch < N_CHUNKS)(body)
        else:
            body()

    stage_a(0, 0, checked=False)
    stage_a(1, 1, checked=False)
    stage_b(0, 0, 0, drain=False, checked=False)
    stage_a(2, 2, checked=False)
    for b in range(4):
        g = b
        stage_b(g + 1, (b + 1) % 4, (b + 1) % 2, drain=(g >= 1),
                checked=False)
        stage_c(g, b % 4, b % 2, checked=False)
        stage_a(g + 3, (b + 3) % 4, checked=False)

    @pl.loop(4, ((NG_MAX + 3) // 4) * 4, step=4)
    def _(t):
        for b in range(4):
            g = t + b
            stage_b(g + 1, (b + 1) % 4, (b + 1) % 2, drain=True)
            stage_c(g, b % 4, b % 2)
            stage_a(g + 3, (b + 3) % 4)

    for g in range(NG_MAX - 3, NG_MAX):
        ch = wid + NW * g

        @pl.when(jnp.logical_and(ch < N_CHUNKS, ch + 2 * NW >= N_CHUNKS))
        def _():
            pltpu.make_async_copy(pbv[g % 2], acc.at[dstv[g % 4].at[0]],
                                  ssems[g % 2]).wait()

    plsc.subcore_barrier()

    @pl.loop(0, n_zero)
    def _(g):
        cidx = s + NS * g

        @pl.when(cidx < N_ZCH)
        def _():
            pltpu.async_copy(acc.at[pl.ds(cidx * ZCH, ZCH)],
                             out_hbm.at[c, pl.ds(cidx * ZCH, ZCH)], osem)

    @pl.loop(0, n_zero)
    def _(g):
        cidx = s + NS * g

        @pl.when(cidx < N_ZCH)
        def _():
            pltpu.make_async_copy(acc.at[pl.ds(cidx * ZCH, ZCH)],
                                  out_hbm.at[c, pl.ds(cidx * ZCH, ZCH)],
                                  osem).wait()


@jax.jit
def kernel(nfeats, efeats, edge_index, W_msg, b_msg, W_apply, b_apply):
    edge_index = edge_index.astype(jnp.int32)
    src = edge_index[0].reshape(N_CHUNKS, CHUNK)
    dst = edge_index[1].reshape(N_CHUNKS, CHUNK)
    b_msg2 = b_msg.reshape(1, D_OUT)
    b_apply2 = b_apply.reshape(1, D_OUT)

    GP = 50
    EBLK = N_EDGES // GP
    PBLK = N_NODES // GP
    eb, p = pl.pallas_call(
        _proj_body,
        grid=(GP,),
        in_specs=[
            pl.BlockSpec((EBLK, D_EDGE), lambda i: (i, 0)),
            pl.BlockSpec((PBLK, D_IN), lambda i: (i, 0)),
            pl.BlockSpec((D_IN + D_EDGE, D_OUT), lambda i: (0, 0)),
            pl.BlockSpec((1, D_OUT), lambda i: (0, 0)),
        ],
        out_specs=[
            pl.BlockSpec((EBLK, DP), lambda i: (i, 0)),
            pl.BlockSpec((PBLK, D_OUT), lambda i: (i, 0)),
        ],
        out_shape=[
            jax.ShapeDtypeStruct((N_EDGES, DP), jnp.int32),
            jax.ShapeDtypeStruct((N_NODES, D_OUT), jnp.float32),
        ],
    )(efeats, nfeats, W_msg, b_msg2)

    FBLK = 2000
    f1 = pl.pallas_call(
        _self_proj_body,
        grid=(N_NODES // FBLK,),
        in_specs=[
            pl.BlockSpec((FBLK, D_IN), lambda i: (i, 0)),
            pl.BlockSpec((D_IN + D_OUT, D_OUT), lambda i: (0, 0)),
            pl.BlockSpec((1, D_OUT), lambda i: (0, 0)),
        ],
        out_specs=pl.BlockSpec((FBLK, D_OUT), lambda i: (i, 0)),
        out_shape=jax.ShapeDtypeStruct((N_NODES, D_OUT), jnp.float32),
    )(nfeats, W_apply, b_apply2)

    mesh = plsc.VectorSubcoreMesh(core_axis_name="c", subcore_axis_name="s")
    sc_params = pltpu.CompilerParams()
    if "needs_layout_passes" in pltpu.CompilerParams.__dataclass_fields__:
        sc_params = dataclasses.replace(sc_params, needs_layout_passes=False)
    sc_fn = pl.kernel(
        _sc_segment_body,
        out_type=jax.ShapeDtypeStruct((NC, N_NODES, D_OUT), jnp.float32),
        mesh=mesh,
        compiler_params=sc_params,
        scratch_types=[
            [pltpu.VMEM((1, CHUNK), jnp.int32) for _ in range(4)],
            [pltpu.VMEM((1, CHUNK), jnp.int32) for _ in range(4)],
            [pltpu.VMEM((CHUNK, D_OUT), jnp.float32) for _ in range(2)],
            [pltpu.VMEM((CHUNK, DP), jnp.int32) for _ in range(2)],
            [pltpu.SemaphoreType.DMA for _ in range(4)],
            [pltpu.SemaphoreType.DMA for _ in range(2)],
            [pltpu.SemaphoreType.DMA for _ in range(2)],
            [pltpu.SemaphoreType.DMA for _ in range(2)],
            pltpu.SemaphoreType.DMA,
            pltpu.VMEM_SHARED((N_NODES, D_OUT), jnp.float32),
        ],
    )
    partials = sc_fn(p, eb, src, dst)

    ABLK = 1000
    h = pl.pallas_call(
        _apply_body,
        grid=(N_NODES // ABLK,),
        in_specs=[
            pl.BlockSpec((ABLK, D_OUT), lambda i: (i, 0)),
            pl.BlockSpec((NC, ABLK, D_OUT), lambda i: (0, i, 0)),
            pl.BlockSpec((D_IN + D_OUT, D_OUT), lambda i: (0, 0)),
        ],
        out_specs=pl.BlockSpec((ABLK, D_OUT), lambda i: (i, 0)),
        out_shape=jax.ShapeDtypeStruct((N_NODES, D_OUT), jnp.float32),
    )(f1, partials, W_apply)
    return h

# --- scband reference (transcript-rebuilt; emitter-appended) ---
"""Pipeline reference for scband-sageelayer-33200097198873 (READ-ONLY COPY).

The authoritative reference and input builder live on the scoring server;
editing this copy changes nothing except your own understanding.
"""

import jax, jax.numpy as jnp
import numpy as np

N_NODES = 10000
N_EDGES = 320000
D_IN = 128
D_EDGE = 16
D_OUT = 128

def setup_inputs(seed: int = 0) -> dict:
    key = jax.random.key(seed)
    k1, k2, k3, k4, k5, k6, k7 = jax.random.split(key, 7)
    nfeats = jax.random.normal(k1, (N_NODES, D_IN), dtype=jnp.float32)
    efeats = jax.random.normal(k2, (N_EDGES, D_EDGE), dtype=jnp.float32)
    edge_index = jax.random.randint(k3, (2, N_EDGES), 0, N_NODES, dtype=jnp.int64)
    # W_msg: Linear(ndim_in + edims -> ndim_out), stored as (in, out) for x @ W
    lim_msg = 1.0 / np.sqrt(D_IN + D_EDGE)
    W_msg = jax.random.uniform(k4, (D_IN + D_EDGE, D_OUT), minval=-lim_msg, maxval=lim_msg, dtype=jnp.float32)
    b_msg = jax.random.uniform(k5, (D_OUT,), minval=-lim_msg, maxval=lim_msg, dtype=jnp.float32)
    # W_apply: Linear(ndim_in + ndim_out -> ndim_out)
    lim_app = 1.0 / np.sqrt(D_IN + D_OUT)
    W_apply = jax.random.uniform(k6, (D_IN + D_OUT, D_OUT), minval=-lim_app, maxval=lim_app, dtype=jnp.float32)
    b_apply = jax.random.uniform(k7, (D_OUT,), minval=-lim_app, maxval=lim_app, dtype=jnp.float32)
    return {"nfeats": nfeats, "efeats": efeats, "edge_index": edge_index,
            "W_msg": W_msg, "b_msg": b_msg, "W_apply": W_apply, "b_apply": b_apply}

def reference(nfeats, efeats, edge_index, W_msg, b_msg, W_apply, b_apply):
    src = edge_index[0]
    dst = edge_index[1]
    # message: m = relu(W_msg(cat([src_h, edge_h])))
    src_h = jnp.take(nfeats, src, axis=0)
    msg_in = jnp.concatenate([src_h, efeats], axis=1)
    m = jax.nn.relu(msg_in @ W_msg + b_msg)
    # aggregate: sum over incoming edges per dst node
    h_neigh = jax.ops.segment_sum(m, dst, num_segments=N_NODES)
    # apply: h = relu(W_apply(cat([h, h_neigh])))
    app_in = jnp.concatenate([nfeats, h_neigh], axis=1)
    h = jax.nn.relu(app_in @ W_apply + b_apply)
    return h

if __name__ == "__main__":
    import jax
    _d = setup_inputs()
    print(jax.jit(kernel)(*tuple(_d.values())))

</pallas_src>

<mosaic_0001>
#map = affine_map<(d0, d1) -> (0, 0)>
#map1 = affine_map<(d0, d1) -> (0, 0, 0)>
module attributes {stable_mosaic.version = 14 : i64} {
  func.func @_sc_segment_body(%arg0: i32, %arg1: i32, %arg2: memref<10000x128xf32, #tpu.memory_space<hbm>>, %arg3: memref<320000x64xi32, #tpu.memory_space<hbm>>, %arg4: memref<4000x80xi32, #tpu.memory_space<hbm>>, %arg5: memref<4000x80xi32, #tpu.memory_space<hbm>>, %arg6: memref<2x10000x128xf32, #tpu.memory_space<hbm>>, %arg7: memref<1x80xi32, #tpu.memory_space<vmem>>, %arg8: memref<1x80xi32, #tpu.memory_space<vmem>>, %arg9: memref<1x80xi32, #tpu.memory_space<vmem>>, %arg10: memref<1x80xi32, #tpu.memory_space<vmem>>, %arg11: memref<1x80xi32, #tpu.memory_space<vmem>>, %arg12: memref<1x80xi32, #tpu.memory_space<vmem>>, %arg13: memref<1x80xi32, #tpu.memory_space<vmem>>, %arg14: memref<1x80xi32, #tpu.memory_space<vmem>>, %arg15: memref<80x128xf32, #tpu.memory_space<vmem>>, %arg16: memref<80x128xf32, #tpu.memory_space<vmem>>, %arg17: memref<80x64xi32, #tpu.memory_space<vmem>>, %arg18: memref<80x64xi32, #tpu.memory_space<vmem>>, %arg19: memref<!tpu.dma_semaphore, #tpu.memory_space<semaphore_mem>>, %arg20: memref<!tpu.dma_semaphore, #tpu.memory_space<semaphore_mem>>, %arg21: memref<!tpu.dma_semaphore, #tpu.memory_space<semaphore_mem>>, %arg22: memref<!tpu.dma_semaphore, #tpu.memory_space<semaphore_mem>>, %arg23: memref<!tpu.dma_semaphore, #tpu.memory_space<semaphore_mem>>, %arg24: memref<!tpu.dma_semaphore, #tpu.memory_space<semaphore_mem>>, %arg25: memref<!tpu.dma_semaphore, #tpu.memory_space<semaphore_mem>>, %arg26: memref<!tpu.dma_semaphore, #tpu.memory_space<semaphore_mem>>, %arg27: memref<!tpu.dma_semaphore, #tpu.memory_space<semaphore_mem>>, %arg28: memref<!tpu.dma_semaphore, #tpu.memory_space<semaphore_mem>>, %arg29: memref<!tpu.dma_semaphore, #tpu.memory_space<semaphore_mem>>, %arg30: memref<10000x128xf32, #tpu.memory_space<vmem_shared>>) attributes {dimension_semantics = [#tpu.dimension_semantics<core_parallel>, #tpu.dimension_semantics<subcore_parallel>], iteration_bounds = array<i64: 2, 16>, scalar_prefetch = 0 : i64, scratch_operands = 24 : i64, tpu.core_type = #tpu.core_type<sc_vector_subcore>, window_params = [{transform_indices = #map}, {transform_indices = #map}, {transform_indices = #map}, {transform_indices = #map}, {transform_indices = #map1}]} {
    %mul3A = arith.constant 16 : i32
    %mul3A_0 = arith.muli %arg0, %mul3A : i32
    %add3A = arith.addi %mul3A_0, %arg1 : i32
    %broadcast_in_dim3A = arith.constant 0.000000e+00 : f32
    %broadcast_in_dim3A_1 = vector.broadcast %broadcast_in_dim3A : f32 to vector<16xf32>
    %swap3A = arith.constant 0 : i32
    %swap3A_2 = arith.index_cast %swap3A : i32 to index
    %swap3A_3 = arith.constant 0 : index
    %swap3A_4 = tpu.vector_load %arg15[%swap3A_2, %swap3A_3] {strides = array<i32>} : memref<80x128xf32, #tpu.memory_space<vmem>>, vector<16xf32>,
    tpu.vector_store %arg15[%swap3A_2, %swap3A_3], %broadcast_in_dim3A_1 {strides = array<i32>} : memref<80x128xf32, #tpu.memory_space<vmem>>, vector<16xf32>,
    %broadcast_in_dim3A_5 = arith.constant 0.000000e+00 : f32
    %broadcast_in_dim3A_6 = vector.broadcast %broadcast_in_dim3A_5 : f32 to vector<16xf32>
    %swap3A_7 = arith.constant 0 : i32
    %swap3A_8 = arith.index_cast %swap3A_7 : i32 to index
    %swap3A_9 = arith.constant 16 : index
    %swap3A_10 = tpu.vector_load %arg15[%swap3A_8, %swap3A_9] {strides = array<i32>} : memref<80x128xf32, #tpu.memory_space<vmem>>, vector<16xf32>,
    tpu.vector_store %arg15[%swap3A_8, %swap3A_9], %broadcast_in_dim3A_6 {strides = array<i32>} : memref<80x128xf32, #tpu.memory_space<vmem>>, vector<16xf32>,
    %broadcast_in_dim3A_11 = arith.constant 0.000000e+00 : f32
    %broadcast_in_dim3A_12 = vector.broadcast %broadcast_in_dim3A_11 : f32 to vector<16xf32>
    %swap3A_13 = arith.constant 0 : i32
    %swap3A_14 = arith.index_cast %swap3A_13 : i32 to index
    %swap3A_15 = arith.constant 32 : index
    %swap3A_16 = tpu.vector_load %arg15[%swap3A_14, %swap3A_15] {strides = array<i32>} : memref<80x128xf32, #tpu.memory_space<vmem>>, vector<16xf32>,
    tpu.vector_store %arg15[%swap3A_14, %swap3A_15], %broadcast_in_dim3A_12 {strides = array<i32>} : memref<80x128xf32, #tpu.memory_space<vmem>>, vector<16xf32>,
    %broadcast_in_dim3A_17 = arith.constant 0.000000e+00 : f32
    %broadcast_in_dim3A_18 = vector.broadcast %broadcast_in_dim3A_17 : f32 to vector<16xf32>
    %swap3A_19 = arith.constant 0 : i32
    %swap3A_20 = arith.index_cast %swap3A_19 : i32 to index
    %swap3A_21 = arith.constant 48 : index
    %swap3A_22 = tpu.vector_load %arg15[%swap3A_20, %swap3A_21] {strides = array<i32>} : memref<80x128xf32, #tpu.memory_space<vmem>>, vector<16xf32>,
    tpu.vector_store %arg15[%swap3A_20, %swap3A_21], %broadcast_in_dim3A_18 {strides = array<i32>} : memref<80x128xf32, #tpu.memory_space<vmem>>, vector<16xf32>,
    %broadcast_in_dim3A_23 = arith.constant 0.000000e+00 : f32
    %broadcast_in_dim3A_24 = vector.broadcast %broadcast_in_dim3A_23 : f32 to vector<16xf32>
    %swap3A_25 = arith.constant 0 : i32
    %swap3A_26 = arith.index_cast %swap3A_25 : i32 to index
    %swap3A_27 = arith.constant 64 : index
    %swap3A_28 = tpu.vector_load %arg15[%swap3A_26, %swap3A_27] {strides = array<i32>} : memref<80x128xf32, #tpu.memory_space<vmem>>, vector<16xf32>,
    tpu.vector_store %arg15[%swap3A_26, %swap3A_27], %broadcast_in_dim3A_24 {strides = array<i32>} : memref<80x128xf32, #tpu.memory_space<vmem>>, vector<16xf32>,
    %broadcast_in_dim3A_29 = arith.constant 0.000000e+00 : f32
    %broadcast_in_dim3A_30 = vector.broadcast %broadcast_in_dim3A_29 : f32 to vector<16xf32>
    %swap3A_31 = arith.constant 0 : i32
    %swap3A_32 = arith.index_cast %swap3A_31 : i32 to index
    %swap3A_33 = arith.constant 80 : index
    %swap3A_34 = tpu.vector_load %arg15[%swap3A_32, %swap3A_33] {strides = array<i32>} : memref<80x128xf32, #tpu.memory_space<vmem>>, vector<16xf32>,
    tpu.vector_store %arg15[%swap3A_32, %swap3A_33], %broadcast_in_dim3A_30 {strides = array<i32>} : memref<80x128xf32, #tpu.memory_space<vmem>>, vector<16xf32>,
    %broadcast_in_dim3A_35 = arith.constant 0.000000e+00 : f32
    %broadcast_in_dim3A_36 = vector.broadcast %broadcast_in_dim3A_35 : f32 to vector<16xf32>
    %swap3A_37 = arith.constant 0 : i32
    %swap3A_38 = arith.index_cast %swap3A_37 : i32 to index
    %swap3A_39 = arith.constant 96 : index
    %swap3A_40 = tpu.vector_load %arg15[%swap3A_38, %swap3A_39] {strides = array<i32>} : memref<80x128xf32, #tpu.memory_space<vmem>>, vector<16xf32>,
    tpu.vector_store %arg15[%swap3A_38, %swap3A_39], %broadcast_in_dim3A_36 {strides = array<i32>} : memref<80x128xf32, #tpu.memory_space<vmem>>, vector<16xf32>,
    %broadcast_in_dim3A_41 = arith.constant 0.000000e+00 : f32
    %broadcast_in_dim3A_42 = vector.broadcast %broadcast_in_dim3A_41 : f32 to vector<16xf32>
    %swap3A_43 = arith.constant 0 : i32
    %swap3A_44 = arith.index_cast %swap3A_43 : i32 to index
    %swap3A_45 = arith.constant 112 : index
    %swap3A_46 = tpu.vector_load %arg15[%swap3A_44, %swap3A_45] {strides = array<i32>} : memref<80x128xf32, #tpu.memory_space<vmem>>, vector<16xf32>,
    tpu.vector_store %arg15[%swap3A_44, %swap3A_45], %broadcast_in_dim3A_42 {strides = array<i32>} : memref<80x128xf32, #tpu.memory_space<vmem>>, vector<16xf32>,
    %broadcast_in_dim3A_47 = arith.constant 0.000000e+00 : f32
    %broadcast_in_dim3A_48 = vector.broadcast %broadcast_in_dim3A_47 : f32 to vector<16xf32>
    %swap3A_49 = arith.constant 1 : i32
    %swap3A_50 = arith.index_cast %swap3A_49 : i32 to index
    %swap3A_51 = arith.constant 0 : index
    %swap3A_52 = tpu.vector_load %arg15[%swap3A_50, %swap3A_51] {strides = array<i32>} : memref<80x128xf32, #tpu.memory_space<vmem>>, vector<16xf32>,
    tpu.vector_store %arg15[%swap3A_50, %swap3A_51], %broadcast_in_dim3A_48 {strides = array<i32>} : memref<80x128xf32, #tpu.memory_space<vmem>>, vector<16xf32>,
    %broadcast_in_dim3A_53 = arith.constant 0.000000e+00 : f32
    %broadcast_in_dim3A_54 = vector.broadcast %broadcast_in_dim3A_53 : f32 to vector<16xf32>
    %swap3A_55 = arith.constant 1 : i32
    %swap3A_56 = arith.index_cast %swap3A_55 : i32 to index
    %swap3A_57 = arith.constant 16 : index
    %swap3A_58 = tpu.vector_load %arg15[%swap3A_56, %swap3A_57] {strides = array<i32>} : memref<80x128xf32, #tpu.memory_space<vmem>>, vector<16xf32>,
    tpu.vector_store %arg15[%swap3A_56, %swap3A_57], %broadcast_in_dim3A_54 {strides = array<i32>} : memref<80x128xf32, #tpu.memory_space<vmem>>, vector<16xf32>,
    %broadcast_in_dim3A_59 = arith.constant 0.000000e+00 : f32
    %broadcast_in_dim3A_60 = vector.broadcast %broadcast_in_dim3A_59 : f32 to vector<16xf32>
    %swap3A_61 = arith.constant 1 : i32
    %swap3A_62 = arith.index_cast %swap3A_61 : i32 to index
    %swap3A_63 = arith.constant 32 : index
    %swap3A_64 = tpu.vector_load %arg15[%swap3A_62, %swap3A_63] {strides = array<i32>} : memref<80x128xf32, #tpu.memory_space<vmem>>, vector<16xf32>,
    tpu.vector_store %arg15[%swap3A_62, %swap3A_63], %broadcast_in_dim3A_60 {strides = array<i32>} : memref<80x128xf32, #tpu.memory_space<vmem>>, vector<16xf32>,
    %broadcast_in_dim3A_65 = arith.constant 0.000000e+00 : f32
    %broadcast_in_dim3A_66 = vector.broadcast %broadcast_in_dim3A_65 : f32 to vector<16xf32>
    %swap3A_67 = arith.constant 1 : i32
    %swap3A_68 = arith.index_cast %swap3A_67 : i32 to index
    %swap3A_69 = arith.constant 48 : index
    %swap3A_70 = tpu.vector_load %arg15[%swap3A_68, %swap3A_69] {strides = array<i32>} : memref<80x128xf32, #tpu.memory_space<vmem>>, vector<16xf32>,
    tpu.vector_store %arg15[%swap3A_68, %swap3A_69], %broadcast_in_dim3A_66 {strides = array<i32>} : memref<80x128xf32, #tpu.memory_space<vmem>>, vector<16xf32>,
    %broadcast_in_dim3A_71 = arith.constant 0.000000e+00 : f32
    %broadcast_in_dim3A_72 = vector.broadcast %broadcast_in_dim3A_71 : f32 to vector<16xf32>
    %swap3A_73 = arith.constant 1 : i32
    %swap3A_74 = arith.index_cast %swap3A_73 : i32 to index
    %swap3A_75 = arith.constant 64 : index
    %swap3A_76 = tpu.vector_load %arg15[%swap3A_74, %swap3A_75] {strides = array<i32>} : memref<80x128xf32, #tpu.memory_space<vmem>>, vector<16xf32>,
    tpu.vector_store %arg15[%swap3A_74, %swap3A_75], %broadcast_in_dim3A_72 {strides = array<i32>} : memref<80x128xf32, #tpu.memory_space<vmem>>, vector<16xf32>,
    %broadcast_in_dim3A_77 = arith.constant 0.000000e+00 : f32
    %broadcast_in_dim3A_78 = vector.broadcast %broadcast_in_dim3A_77 : f32 to vector<16xf32>
    %swap3A_79 = arith.constant 1 : i32
    %swap3A_80 = arith.index_cast %swap3A_79 : i32 to index
    %swap3A_81 = arith.constant 80 : index
    %swap3A_82 = tpu.vector_load %arg15[%swap3A_80, %swap3A_81] {strides = array<i32>} : memref<80x128xf32, #tpu.memory_space<vmem>>, vector<16xf32>,
    tpu.vector_store %arg15[%swap3A_80, %swap3A_81], %broadcast_in_dim3A_78 {strides = array<i32>} : memref<80x128xf32, #tpu.memory_space<vmem>>, vector<16xf32>,
    %broadcast_in_dim3A_83 = arith.constant 0.000000e+00 : f32
    %broadcast_in_dim3A_84 = vector.broadcast %broadcast_in_dim3A_83 : f32 to vector<16xf32>
    %swap3A_85 = arith.constant 1 : i32
    %swap3A_86 = arith.index_cast %swap3A_85 : i32 to index
    %swap3A_87 = arith.constant 96 : index
    %swap3A_88 = tpu.vector_load %arg15[%swap3A_86, %swap3A_87] {strides = array<i32>} : memref<80x128xf32, #tpu.memory_space<vmem>>, vector<16xf32>,
    tpu.vector_store %arg15[%swap3A_86, %swap3A_87], %broadcast_in_dim3A_84 {strides = array<i32>} : memref<80x128xf32, #tpu.memory_space<vmem>>, vector<16xf32>,
    %broadcast_in_dim3A_89 = arith.constant 0.000000e+00 : f32
    %broadcast_in_dim3A_90 = vector.broadcast %broadcast_in_dim3A_89 : f32 to vector<16xf32>
    %swap3A_91 = arith.constant 1 : i32
    %swap3A_92 = arith.index_cast %swap3A_91 : i32 to index
    %swap3A_93 = arith.constant 112 : index
    %swap3A_94 = tpu.vector_load %arg15[%swap3A_92, %swap3A_93] {strides = array<i32>} : memref<80x128xf32, #tpu.memory_space<vmem>>, vector<16xf32>,
    tpu.vector_store %arg15[%swap3A_92, %swap3A_93], %broadcast_in_dim3A_90 {strides = array<i32>} : memref<80x128xf32, #tpu.memory_space<vmem>>, vector<16xf32>,
    %broadcast_in_dim3A_95 = arith.constant 0.000000e+00 : f32
    %broadcast_in_dim3A_96 = vector.broadcast %broadcast_in_dim3A_95 : f32 to vector<16xf32>
    %swap3A_97 = arith.constant 2 : i32
    %swap3A_98 = arith.index_cast %swap3A_97 : i32 to index
    %swap3A_99 = arith.constant 0 : index
    %swap3A_100 = tpu.vector_load %arg15[%swap3A_98, %swap3A_99] {strides = array<i32>} : memref<80x128xf32, #tpu.memory_space<vmem>>, vector<16xf32>,
    tpu.vector_store %arg15[%swap3A_98, %swap3A_99], %broadcast_in_dim3A_96 {strides = array<i32>} : memref<80x128xf32, #tpu.memory_space<vmem>>, vector<16xf32>,
    %broadcast_in_dim3A_101 = arith.constant 0.000000e+00 : f32
    %broadcast_in_dim3A_102 = vector.broadcast %broadcast_in_dim3A_101 : f32 to vector<16xf32>
    %swap3A_103 = arith.constant 2 : i32
    %swap3A_104 = arith.index_cast %swap3A_103 : i32 to index
    %swap3A_105 = arith.constant 16 : index
    %swap3A_106 = tpu.vector_load %arg15[%swap3A_104, %swap3A_105] {strides = array<i32>} : memref<80x128xf32, #tpu.memory_space<vmem>>, vector<16xf32>,
    tpu.vector_store %arg15[%swap3A_104, %swap3A_105], %broadcast_in_dim3A_102 {strides = array<i32>} : memref<80x128xf32, #tpu.memory_space<vmem>>, vector<16xf32>,
    %broadcast_in_dim3A_107 = arith.constant 0.000000e+00 : f32
    %broadcast_in_dim3A_108 = vector.broadcast %broadcast_in_dim3A_107 : f32 to vector<16xf32>
    %swap3A_109 = arith.constant 2 : i32
    %swap3A_110 = arith.index_cast %swap3A_109 : i32 to index
    %swap3A_111 = arith.constant 32 : index
    %swap3A_112 = tpu.vector_load %arg15[%swap3A_110, %swap3A_111] {strides = array<i32>} : memref<80x128xf32, #tpu.memory_space<vmem>>, vector<16xf32>,
    tpu.vector_store %arg15[%swap3A_110, %swap3A_111], %broadcast_in_dim3A_108 {strides = array<i32>} : memref<80x128xf32, #tpu.memory_space<vmem>>, vector<16xf32>,
    %broadcast_in_dim3A_113 = arith.constant 0.000000e+00 : f32
    %broadcast_in_dim3A_114 = vector.broadcast %broadcast_in_dim3A_113 : f32 to vector<16xf32>
    %swap3A_115 = arith.constant 2 : i32
    %swap3A_116 = arith.index_cast %swap3A_115 : i32 to index
    %swap3A_117 = arith.constant 48 : index
    %swap3A_118 = tpu.vector_load %arg15[%swap3A_116, %swap3A_117] {strides = array<i32>} : memref<80x128xf32, #tpu.memory_space<vmem>>, vector<16xf32>,
    tpu.vector_store %arg15[%swap3A_116, %swap3A_117], %broadcast_in_dim3A_114 {strides = array<i32>} : memref<80x128xf32, #tpu.memory_space<vmem>>, vector<16xf32>,
    %broadcast_in_dim3A_119 = arith.constant 0.000000e+00 : f32
    %broadcast_in_dim3A_120 = vector.broadcast %broadcast_in_dim3A_119 : f32 to vector<16xf32>
    %swap3A_121 = arith.constant 2 : i32
    %swap3A_122 = arith.index_cast %swap3A_121 : i32 to index
    %swap3A_123 = arith.constant 64 : index
    %swap3A_124 = tpu.vector_load %arg15[%swap3A_122, %swap3A_123] {strides = array<i32>} : memref<80x128xf32, #tpu.memory_space<vmem>>, vector<16xf32>,
    tpu.vector_store %arg15[%swap3A_122, %swap3A_123], %broadcast_in_dim3A_120 {strides = array<i32>} : memref<80x128xf32, #tpu.memory_space<vmem>>, vector<16xf32>,
    %broadcast_in_dim3A_125 = arith.constant 0.000000e+00 : f32
    %broadcast_in_dim3A_126 = vector.broadcast %broadcast_in_dim3A_125 : f32 to vector<16xf32>
    %swap3A_127 = arith.constant 2 : i32
    %swap3A_128 = arith.index_cast %swap3A_127 : i32 to index
    %swap3A_129 = arith.constant 80 : index
    %swap3A_130 = tpu.vector_load %arg15[%swap3A_128, %swap3A_129] {strides = array<i32>} : memref<80x128xf32, #tpu.memory_space<vmem>>, vector<16xf32>,
    tpu.vector_store %arg15[%swap3A_128, %swap3A_129], %broadcast_in_dim3A_126 {strides = array<i32>} : memref<80x128xf32, #tpu.memory_space<vmem>>, vector<16xf32>,
    %broadcast_in_dim3A_131 = arith.constant 0.000000e+00 : f32
    %broadcast_in_dim3A_132 = vector.broadcast %broadcast_in_dim3A_131 : f32 to vector<16xf32>
    %swap3A_133 = arith.constant 2 : i32
    %swap3A_134 = arith.index_cast %swap3A_133 : i32 to index
    %swap3A_135 = arith.constant 96 : index
    %swap3A_136 = tpu.vector_load %arg15[%swap3A_134, %swap3A_135] {strides = array<i32>} : memref<80x128xf32, #tpu.memory_space<vmem>>, vector<16xf32>,
    tpu.vector_store %arg15[%swap3A_134, %swap3A_135], %broadcast_in_dim3A_132 {strides = array<i32>} : memref<80x128xf32, #tpu.memory_space<vmem>>, vector<16xf32>,
    %broadcast_in_dim3A_137 = arith.constant 0.000000e+00 : f32
    %broadcast_in_dim3A_138 = vector.broadcast %broadcast_in_dim3A_137 : f32 to vector<16xf32>
    %swap3A_139 = arith.constant 2 : i32
    %swap3A_140 = arith.index_cast %swap3A_139 : i32 to index
    %swap3A_141 = arith.constant 112 : index
    %swap3A_142 = tpu.vector_load %arg15[%swap3A_140, %swap3A_141] {strides = array<i32>} : memref<80x128xf32, #tpu.memory_space<vmem>>, vector<16xf32>,
    tpu.vector_store %arg15[%swap3A_140, %swap3A_141], %broadcast_in_dim3A_138 {strides = array<i32>} : memref<80x128xf32, #tpu.memory_space<vmem>>, vector<16xf32>,
    %broadcast_in_dim3A_143 = arith.constant 0.000000e+00 : f32
    %broadcast_in_dim3A_144 = vector.broadcast %broadcast_in_dim3A_143 : f32 to vector<16xf32>
    %swap3A_145 = arith.constant 3 : i32
    %swap3A_146 = arith.index_cast %swap3A_145 : i32 to index
    %swap3A_147 = arith.constant 0 : index
    %swap3A_148 = tpu.vector_load %arg15[%swap3A_146, %swap3A_147] {strides = array<i32>} : memref<80x128xf32, #tpu.memory_space<vmem>>, vector<16xf32>,
    tpu.vector_store %arg15[%swap3A_146, %swap3A_147], %broadcast_in_dim3A_144 {strides = array<i32>} : memref<80x128xf32, #tpu.memory_space<vmem>>, vector<16xf32>,
    %broadcast_in_dim3A_149 = arith.constant 0.000000e+00 : f32
    %broadcast_in_dim3A_150 = vector.broadcast %broadcast_in_dim3A_149 : f32 to vector<16xf32>
    %swap3A_151 = arith.constant 3 : i32
    %swap3A_152 = arith.index_cast %swap3A_151 : i32 to index
    %swap3A_153 = arith.constant 16 : index
    %swap3A_154 = tpu.vector_load %arg15[%swap3A_152, %swap3A_153] {strides = array<i32>} : memref<80x128xf32, #tpu.memory_space<vmem>>, vector<16xf32>,
    tpu.vector_store %arg15[%swap3A_152, %swap3A_153], %broadcast_in_dim3A_150 {strides = array<i32>} : memref<80x128xf32, #tpu.memory_space<vmem>>, vector<16xf32>,
    %broadcast_in_dim3A_155 = arith.constant 0.000000e+00 : f32
    %broadcast_in_dim3A_156 = vector.broadcast %broadcast_in_dim3A_155 : f32 to vector<16xf32>
    %swap3A_157 = arith.constant 3 : i32
    %swap3A_158 = arith.index_cast %swap3A_157 : i32 to index
    %swap3A_159 = arith.constant 32 : index
    %swap3A_160 = tpu.vector_load %arg15[%swap3A_158, %swap3A_159] {strides = array<i32>} : memref<80x128xf32, #tpu.memory_space<vmem>>, vector<16xf32>,
    tpu.vector_store %arg15[%swap3A_158, %swap3A_159], %broadcast_in_dim3A_156 {strides = array<i32>} : memref<80x128xf32, #tpu.memory_space<vmem>>, vector<16xf32>,
    %broadcast_in_dim3A_161 = arith.constant 0.000000e+00 : f32
    %broadcast_in_dim3A_162 = vector.broadcast %broadcast_in_dim3A_161 : f32 to vector<16xf32>
    %swap3A_163 = arith.constant 3 : i32
    %swap3A_164 = arith.index_cast %swap3A_163 : i32 to index
    %swap3A_165 = arith.constant 48 : index
    %swap3A_166 = tpu.vector_load %arg15[%swap3A_164, %swap3A_165] {strides = array<i32>} : memref<80x128xf32, #tpu.memory_space<vmem>>, vector<16xf32>,
    tpu.vector_store %arg15[%swap3A_164, %swap3A_165], %broadcast_in_dim3A_162 {strides = array<i32>} : memref<80x128xf32, #tpu.memory_space<vmem>>, vector<16xf32>,
    %broadcast_in_dim3A_167 = arith.constant 0.000000e+00 : f32
    %broadcast_in_dim3A_168 = vector.broadcast %broadcast_in_dim3A_167 : f32 to vector<16xf32>
    %swap3A_169 = arith.constant 3 : i32
    %swap3A_170 = arith.index_cast %swap3A_169 : i32 to index
    %swap3A_171 = arith.constant 64 : index
    %swap3A_172 = tpu.vector_load %arg15[%swap3A_170, %swap3A_171] {strides = array<i32>} : memref<80x128xf32, #tpu.memory_space<vmem>>, vector<16xf32>,
    tpu.vector_store %arg15[%swap3A_170, %swap3A_171], %broadcast_in_dim3A_168 {strides = array<i32>} : memref<80x128xf32, #tpu.memory_space<vmem>>, vector<16xf32>,
    %broadcast_in_dim3A_173 = arith.constant 0.000000e+00 : f32
    %broadcast_in_dim3A_174 = vector.broadcast %broadcast_in_dim3A_173 : f32 to vector<16xf32>
    %swap3A_175 = arith.constant 3 : i32
    %swap3A_176 = arith.index_cast %swap3A_175 : i32 to index
    %swap3A_177 = arith.constant 80 : index
    %swap3A_178 = tpu.vector_load %arg15[%swap3A_176, %swap3A_177] {strides = array<i32>} : memref<80x128xf32, #tpu.memory_space<vmem>>, vector<16xf32>,
    tpu.vector_store %arg15[%swap3A_176, %swap3A_177], %broadcast_in_dim3A_174 {strides = array<i32>} : memref<80x128xf32, #tpu.memory_space<vmem>>, vector<16xf32>,
    %broadcast_in_dim3A_179 = arith.constant 0.000000e+00 : f32
    %broadcast_in_dim3A_180 = vector.broadcast %broadcast_in_dim3A_179 : f32 to vector<16xf32>
    %swap3A_181 = arith.constant 3 : i32
    %swap3A_182 = arith.index_cast %swap3A_181 : i32 to index
    %swap3A_183 = arith.constant 96 : index
    %swap3A_184 = tpu.vector_load %arg15[%swap3A_182, %swap3A_183] {strides = array<i32>} : memref<80x128xf32, #tpu.memory_space<vmem>>, vector<16xf32>,
    tpu.vector_store %arg15[%swap3A_182, %swap3A_183], %broadcast_in_dim3A_180 {strides = array<i32>} : memref<80x128xf32, #tpu.memory_space<vmem>>, vector<16xf32>,
    %broadcast_in_dim3A_185 = arith.constant 0.000000e+00 : f32
    %broadcast_in_dim3A_186 = vector.broadcast %broadcast_in_dim3A_185 : f32 to vector<16xf32>
    %swap3A_187 = arith.constant 3 : i32
    %swap3A_188 = arith.index_cast %swap3A_187 : i32 to index
    %swap3A_189 = arith.constant 112 : index
    %swap3A_190 = tpu.vector_load %arg15[%swap3A_188, %swap3A_189] {strides = array<i32>} : memref<80x128xf32, #tpu.memory_space<vmem>>, vector<16xf32>,
    tpu.vector_store %arg15[%swap3A_188, %swap3A_189], %broadcast_in_dim3A_186 {strides = array<i32>} : memref<80x128xf32, #tpu.memory_space<vmem>>, vector<16xf32>,
    %broadcast_in_dim3A_191 = arith.constant 0.000000e+00 : f32
    %broadcast_in_dim3A_192 = vector.broadcast %broadcast_in_dim3A_191 : f32 to vector<16xf32>
    %swap3A_193 = arith.constant 4 : i32
    %swap3A_194 = arith.index_cast %swap3A_193 : i32 to index
    %swap3A_195 = arith.constant 0 : index
    %swap3A_196 = tpu.vector_load %arg15[%swap3A_194, %swap3A_195] {strides = array<i32>} : memref<80x128xf32, #tpu.memory_space<vmem>>, vector<16xf32>,
    tpu.vector_store %arg15[%swap3A_194, %swap3A_195], %broadcast_in_dim3A_192 {strides = array<i32>} : memref<80x128xf32, #tpu.memory_space<vmem>>, vector<16xf32>,
    %broadcast_in_dim3A_197 = arith.constant 0.000000e+00 : f32
    %broadcast_in_dim3A_198 = vector.broadcast %broadcast_in_dim3A_197 : f32 to vector<16xf32>
    %swap3A_199 = arith.constant 4 : i32
    %swap3A_200 = arith.index_cast %swap3A_199 : i32 to index
    %swap3A_201 = arith.constant 16 : index
    %swap3A_202 = tpu.vector_load %arg15[%swap3A_200, %swap3A_201] {strides = array<i32>} : memref<80x128xf32, #tpu.memory_space<vmem>>, vector<16xf32>,
    tpu.vector_store %arg15[%swap3A_200, %swap3A_201], %broadcast_in_dim3A_198 {strides = array<i32>} : memref<80x128xf32, #tpu.memory_space<vmem>>, vector<16xf32>,
    %broadcast_in_dim3A_203 = arith.constant 0.000000e+00 : f32
    %broadcast_in_dim3A_204 = vector.broadcast %broadcast_in_dim3A_203 : f32 to vector<16xf32>
    %swap3A_205 = arith.constant 4 : i32
    %swap3A_206 = arith.index_cast %swap3A_205 : i32 to index
    %swap3A_207 = arith.constant 32 : index
    %swap3A_208 = tpu.vector_load %arg15[%swap3A_206, %swap3A_207] {strides = array<i32>} : memref<80x128xf32, #tpu.memory_space<vmem>>, vector<16xf32>,
    tpu.vector_store %arg15[%swap3A_206, %swap3A_207], %broadcast_in_dim3A_204 {strides = array<i32>} : memref<80x128xf32, #tpu.memory_space<vmem>>, vector<16xf32>,
    %broadcast_in_dim3A_209 = arith.constant 0.000000e+00 : f32
    %broadcast_in_dim3A_210 = vector.broadcast %broadcast_in_dim3A_209 : f32 to vector<16xf32>
    %swap3A_211 = arith.constant 4 : i32
    %swap3A_212 = arith.index_cast %swap3A_211 : i32 to index
    %swap3A_213 = arith.constant 48 : index
    %swap3A_214 = tpu.vector_load %arg15[%swap3A_212, %swap3A_213] {strides = array<i32>} : memref<80x128xf32, #tpu.memory_space<vmem>>, vector<16xf32>,
    tpu.vector_store %arg15[%swap3A_212, %swap3A_213], %broadcast_in_dim3A_210 {strides = array<i32>} : memref<80x128xf32, #tpu.memory_space<vmem>>, vector<16xf32>,
    %broadcast_in_dim3A_215 = arith.constant 0.000000e+00 : f32
    %broadcast_in_dim3A_216 = vector.broadcast %broadcast_in_dim3A_215 : f32 to vector<16xf32>
    %swap3A_217 = arith.constant 4 : i32
    %swap3A_218 = arith.index_cast %swap3A_217 : i32 to index
    %swap3A_219 = arith.constant 64 : index
    %swap3A_220 = tpu.vector_load %arg15[%swap3A_218, %swap3A_219] {strides = array<i32>} : memref<80x128xf32, #tpu.memory_space<vmem>>, vector<16xf32>,
    tpu.vector_store %arg15[%swap3A_218, %swap3A_219], %broadcast_in_dim3A_216 {strides = array<i32>} : memref<80x128xf32, #tpu.memory_space<vmem>>, vector<16xf32>,
    %broadcast_in_dim3A_221 = arith.constant 0.000000e+00 : f32
    %broadcast_in_dim3A_222 = vector.broadcast %broadcast_in_dim3A_221 : f32 to vector<16xf32>
    %swap3A_223 = arith.constant 4 : i32
    %swap3A_224 = arith.index_cast %swap3A_223 : i32 to index
    %swap3A_225 = arith.constant 80 : index
    %swap3A_226 = tpu.vector_load %arg15[%swap3A_224, %swap3A_225] {strides = array<i32>} : memref<80x128xf32, #tpu.memory_space<vmem>>, vector<16xf32>,
    tpu.vector_store %arg15[%swap3A_224, %swap3A_225], %broadcast_in_dim3A_222 {strides = array<i32>} : memref<80x128xf32, #tpu.memory_space<vmem>>, vector<16xf32>,
    %broadcast_in_dim3A_227 = arith.constant 0.000000e+00 : f32
    %broadcast_in_dim3A_228 = vector.broadcast %broadcast_in_dim3A_227 : f32 to vector<16xf32>
    %swap3A_229 = arith.constant 4 : i32
    %swap3A_230 = arith.index_cast %swap3A_229 : i32 to index
    %swap3A_231 = arith.constant 96 : index
    %swap3A_232 = tpu.vector_load %arg15[%swap3A_230, %swap3A_231] {strides = array<i32>} : memref<80x128xf32, #tpu.memory_space<vmem>>, vector<16xf32>,
    tpu.vector_store %arg15[%swap3A_230, %swap3A_231], %broadcast_in_dim3A_228 {strides = array<i32>} : memref<80x128xf32, #tpu.memory_space<vmem>>, vector<16xf32>,
    %broadcast_in_dim3A_233 = arith.constant 0.000000e+00 : f32
    %broadcast_in_dim3A_234 = vector.broadcast %broadcast_in_dim3A_233 : f32 to vector<16xf32>
    %swap3A_235 = arith.constant 4 : i32
    %swap3A_236 = arith.index_cast %swap3A_235 : i32 to index
    %swap3A_237 = arith.constant 112 : index
    %swap3A_238 = tpu.vector_load %arg15[%swap3A_236, %swap3A_237] {strides = array<i32>} : memref<80x128xf32, #tpu.memory_space<vmem>>, vector<16xf32>,
    tpu.vector_store %arg15[%swap3A_236, %swap3A_237], %broadcast_in_dim3A_234 {strides = array<i32>} : memref<80x128xf32, #tpu.memory_space<vmem>>, vector<16xf32>,
    %broadcast_in_dim3A_239 = arith.constant 0.000000e+00 : f32
    %broadcast_in_dim3A_240 = vector.broadcast %broadcast_in_dim3A_239 : f32 to vector<16xf32>
    %swap3A_241 = arith.constant 5 : i32
    %swap3A_242 = arith.index_cast %swap3A_241 : i32 to index
    %swap3A_243 = arith.constant 0 : index
    %swap3A_244 = tpu.vector_load %arg15[%swap3A_242, %swap3A_243] {strides = array<i32>} : memref<80x128xf32, #tpu.memory_space<vmem>>, vector<16xf32>,
    tpu.vector_store %arg15[%swap3A_242, %swap3A_243], %broadcast_in_dim3A_240 {strides = array<i32>} : memref<80x128xf32, #tpu.memory_space<vmem>>, vector<16xf32>,
    %broadcast_in_dim3A_245 = arith.constant 0.000000e+00 : f32
    %broadcast_in_dim3A_246 = vector.broadcast %broadcast_in_dim3A_245 : f32 to vector<16xf32>
    %swap3A_247 = arith.constant 5 : i32
    %swap3A_248 = arith.index_cast %swap3A_247 : i32 to index
    %swap3A_249 = arith.constant 16 : index
    %swap3A_250 = tpu.vector_load %arg15[%swap3A_248, %swap3A_249] {strides = array<i32>} : memref<80x128xf32, #tpu.memory_space<vmem>>, vector<16xf32>,
    tpu.vector_store %arg15[%swap3A_248, %swap3A_249], %broadcast_in_dim3A_246 {strides = array<i32>} : memref<80x128xf32, #tpu.memory_space<vmem>>, vector<16xf32>,
    %broadcast_in_dim3A_251 = arith.constant 0.000000e+00 : f32
    %broadcast_in_dim3A_252 = vector.broadcast %broadcast_in_dim3A_251 : f32 to vector<16xf32>
    %swap3A_253 = arith.constant 5 : i32
    %swap3A_254 = arith.index_cast %swap3A_253 : i32 to index
    %swap3A_255 = arith.constant 32 : index
    %swap3A_256 = tpu.vector_load %arg15[%swap3A_254, %swap3A_255] {strides = array<i32>} : memref<80x128xf32, #tpu.memory_space<vmem>>, vector<16xf32>,
    tpu.vector_store %arg15[%swap3A_254, %swap3A_255], %broadcast_in_dim3A_252 {strides = array<i32>} : memref<80x128xf32, #tpu.memory_space<vmem>>, vector<16xf32>,
    %broadcast_in_dim3A_257 = arith.constant 0.000000e+00 : f32
    %broadcast_in_dim3A_258 = vector.broadcast %broadcast_in_dim3A_257 : f32 to vector<16xf32>
    %swap3A_259 = arith.constant 5 : i32
    %swap3A_260 = arith.index_cast %swap3A_259 : i32 to index
    %swap3A_261 = arith.constant 48 : index
    %swap3A_262 = tpu.vector_load %arg15[%swap3A_260, %swap3A_261] {strides = array<i32>} : memref<80x128xf32, #tpu.memory_space<vmem>>, vector<16xf32>,
    tpu.vector_store %arg15[%swap3A_260, %swap3A_261], %broadcast_in_dim3A_258 {strides = array<i32>} : memref<80x128xf32, #tpu.memory_space<vmem>>, vector<16xf32>,
    %broadcast_in_dim3A_263 = arith.constant 0.000000e+00 : f32
    %broadcast_in_dim3A_264 = vector.broadcast %broadcast_in_dim3A_263 : f32 to vector<16xf32>
    %swap3A_265 = arith.constant 5 : i32
    %swap3A_266 = arith.index_cast %swap3A_265 : i32 to index
    %swap3A_267 = arith.constant 64 : index
    %swap3A_268 = tpu.vector_load %arg15[%swap3A_266, %swap3A_267] {strides = array<i32>} : memref<80x128xf32, #tpu.memory_space<vmem>>, vector<16xf32>,
    tpu.vector_store %arg15[%swap3A_266, %swap3A_267], %broadcast_in_dim3A_264 {strides = array<i32>} : memref<80x128xf32, #tpu.memory_space<vmem>>, vector<16xf32>,
    %broadcast_in_dim3A_269 = arith.constant 0.000000e+00 : f32
    %broadcast_in_dim3A_270 = vector.broadcast %broadcast_in_dim3A_269 : f32 to vector<16xf32>
    %swap3A_271 = arith.constant 5 : i32
    %swap3A_272 = arith.index_cast %swap3A_271 : i32 to index
    %swap3A_273 = arith.constant 80 : index
    %swap3A_274 = tpu.vector_load %arg15[%swap3A_272, %swap3A_273] {strides = array<i32>} : memref<80x128xf32, #tpu.memory_space<vmem>>, vector<16xf32>,
    tpu.vector_store %arg15[%swap3A_272, %swap3A_273], %broadcast_in_dim3A_270 {strides = array<i32>} : memref<80x128xf32, #tpu.memory_space<vmem>>, vector<16xf32>,
    %broadcast_in_dim3A_275 = arith.constant 0.000000e+00 : f32
    %broadcast_in_dim3A_276 = vector.broadcast %broadcast_in_dim3A_275 : f32 to vector<16xf32>
    %swap3A_277 = arith.constant 5 : i32
    %swap3A_278 = arith.index_cast %swap3A_277 : i32 to index
    %swap3A_279 = arith.constant 96 : index
    %swap3A_280 = tpu.vector_load %arg15[%swap3A_278, %swap3A_279] {strides = array<i32>} : memref<80x128xf32, #tpu.memory_space<vmem>>, vector<16xf32>,
    tpu.vector_store %arg15[%swap3A_278, %swap3A_279], %broadcast_in_dim3A_276 {strides = array<i32>} : memref<80x128xf32, #tpu.memory_space<vmem>>, vector<16xf32>,
    %broadcast_in_dim3A_281 = arith.constant 0.000000e+00 : f32
    %broadcast_in_dim3A_282 = vector.broadcast %broadcast_in_dim3A_281 : f32 to vector<16xf32>
    %swap3A_283 = arith.constant 5 : i32
    %swap3A_284 = arith.index_cast %swap3A_283 : i32 to index
    %swap3A_285 = arith.constant 112 : index
    %swap3A_286 = tpu.vector_load %arg15[%swap3A_284, %swap3A_285] {strides = array<i32>} : memref<80x128xf32, #tpu.memory_space<vmem>>, vector<16xf32>,
    tpu.vector_store %arg15[%swap3A_284, %swap3A_285], %broadcast_in_dim3A_282 {strides = array<i32>} : memref<80x128xf32, #tpu.memory_space<vmem>>, vector<16xf32>,
    %broadcast_in_dim3A_287 = arith.constant 0.000000e+00 : f32
    %broadcast_in_dim3A_288 = vector.broadcast %broadcast_in_dim3A_287 : f32 to vector<16xf32>
    %swap3A_289 = arith.constant 6 : i32
    %swap3A_290 = arith.index_cast %swap3A_289 : i32 to index
    %swap3A_291 = arith.constant 0 : index
    %swap3A_292 = tpu.vector_load %arg15[%swap3A_290, %swap3A_291] {strides = array<i32>} : memref<80x128xf32, #tpu.memory_space<vmem>>, vector<16xf32>,
    tpu.vector_store %arg15[%swap3A_290, %swap3A_291], %broadcast_in_dim3A_288 {strides = array<i32>} : memref<80x128xf32, #tpu.memory_space<vmem>>, vector<16xf32>,
    %broadcast_in_dim3A_293 = arith.constant 0.000000e+00 : f32
    %broadcast_in_dim3A_294 = vector.broadcast %broadcast_in_dim3A_293 : f32 to vector<16xf32>
    %swap3A_295 = arith.constant 6 : i32
    %swap3A_296 = arith.index_cast %swap3A_295 : i32 to index
    %swap3A_297 = arith.constant 16 : index
    %swap3A_298 = tpu.vector_load %arg15[%swap3A_296, %swap3A_297] {strides = array<i32>} : memref<80x128xf32, #tpu.memory_space<vmem>>, vector<16xf32>,
    tpu.vector_store %arg15[%swap3A_296, %swap3A_297], %broadcast_in_dim3A_294 {strides = array<i32>} : memref<80x128xf32, #tpu.memory_space<vmem>>, vector<16xf32>,
    %broadcast_in_dim3A_299 = arith.constant 0.000000e+00 : f32
    %broadcast_in_dim3A_300 = vector.broadcast %broadcast_in_dim3A_299 : f32 to vector<16xf32>
    %swap3A_301 = arith.constant 6 : i32
    %swap3A_302 = arith.index_cast %swap3A_301 : i32 to index
    %swap3A_303 = arith.constant 32 : index
    %swap3A_304 = tpu.vector_load %arg15[%swap3A_302, %swap3A_303] {strides = array<i32>} : memref<80x128xf32, #tpu.memory_space<vmem>>, vector<16xf32>,
    tpu.vector_store %arg15[%swap3A_302, %swap3A_303], %broadcast_in_dim3A_300 {strides = array<i32>} : memref<80x128xf32, #tpu.memory_space<vmem>>, vector<16xf32>,
    %broadcast_in_dim3A_305 = arith.constant 0.000000e+00 : f32
    %broadcast_in_dim3A_306 = vector.broadcast %broadcast_in_dim3A_305 : f32 to vector<16xf32>
    %swap3A_307 = arith.constant 6 : i32
    %swap3A_308 = arith.index_cast %swap3A_307 : i32 to index
    %swap3A_309 = arith.constant 48 : index
    %swap3A_310 = tpu.vector_load %arg15[%swap3A_308, %swap3A_309] {strides = array<i32>} : memref<80x128xf32, #tpu.memory_space<vmem>>, vector<16xf32>,
    tpu.vector_store %arg15[%swap3A_308, %swap3A_309], %broadcast_in_dim3A_306 {strides = array<i32>} : memref<80x128xf32, #tpu.memory_space<vmem>>, vector<16xf32>,
    %broadcast_in_dim3A_311 = arith.constant 0.000000e+00 : f32
    %broadcast_in_dim3A_312 = vector.broadcast %broadcast_in_dim3A_311 : f32 to vector<16xf32>
    %swap3A_313 = arith.constant 6 : i32
    %swap3A_314 = arith.index_cast %swap3A_313 : i32 to index
    %swap3A_315 = arith.constant 64 : index
    %swap3A_316 = tpu.vector_load %arg15[%swap3A_314, %swap3A_315] {strides = array<i32>} : memref<80x128xf32, #tpu.memory_space<vmem>>, vector<16xf32>,
    tpu.vector_store %arg15[%swap3A_314, %swap3A_315], %broadcast_in_dim3A_312 {strides = array<i32>} : memref<80x128xf32, #tpu.memory_space<vmem>>, vector<16xf32>,
    %broadcast_in_dim3A_317 = arith.constant 0.000000e+00 : f32
    %broadcast_in_dim3A_318 = vector.broadcast %broadcast_in_dim3A_317 : f32 to vector<16xf32>
    %swap3A_319 = arith.constant 6 : i32
    %swap3A_320 = arith.index_cast %swap3A_319 : i32 to index
    %swap3A_321 = arith.constant 80 : index
    %swap3A_322 = tpu.vector_load %arg15[%swap3A_320, %swap3A_321] {strides = array<i32>} : memref<80x128xf32, #tpu.memory_space<vmem>>, vector<16xf32>,
    tpu.vector_store %arg15[%swap3A_320, %swap3A_321], %broadcast_in_dim3A_318 {strides = array<i32>} : memref<80x128xf32, #tpu.memory_space<vmem>>, vector<16xf32>,
    %broadcast_in_dim3A_323 = arith.constant 0.000000e+00 : f32
    %broadcast_in_dim3A_324 = vector.broadcast %broadcast_in_dim3A_323 : f32 to vector<16xf32>
    %swap3A_325 = arith.constant 6 : i32
    %swap3A_326 = arith.index_cast %swap3A_325 : i32 to index
    %swap3A_327 = arith.constant 96 : index
    %swap3A_328 = tpu.vector_load %arg15[%swap3A_326, %swap3A_327] {strides = array<i32>} : memref<80x128xf32, #tpu.memory_space<vmem>>, vector<16xf32>,
    tpu.vector_store %arg15[%swap3A_326, %swap3A_327], %broadcast_in_dim3A_324 {strides = array<i32>} : memref<80x128xf32, #tpu.memory_space<vmem>>, vector<16xf32>,
    %broadcast_in_dim3A_329 = arith.constant 0.000000e+00 : f32
    %broadcast_in_dim3A_330 = vector.broadcast %broadcast_in_dim3A_329 : f32 to vector<16xf32>
    %swap3A_331 = arith.constant 6 : i32
    %swap3A_332 = arith.index_cast %swap3A_331 : i32 to index
    %swap3A_333 = arith.constant 112 : index
    %swap3A_334 = tpu.vector_load %arg15[%swap3A_332, %swap3A_333] {strides = array<i32>} : memref<80x128xf32, #tpu.memory_space<vmem>>, vector<16xf32>,
    tpu.vector_store %arg15[%swap3A_332, %swap3A_333], %broadcast_in_dim3A_330 {strides = array<i32>} : memref<80x128xf32, #tpu.memory_space<vmem>>, vector<16xf32>,
    %broadcast_in_dim3A_335 = arith.constant 0.000000e+00 : f32
    %broadcast_in_dim3A_336 = vector.broadcast %broadcast_in_dim3A_335 : f32 to vector<16xf32>
    %swap3A_337 = arith.constant 7 : i32
    %swap3A_338 = arith.index_cast %swap3A_337 : i32 to index
    %swap3A_339 = arith.constant 0 : index
    %swap3A_340 = tpu.vector_load %arg15[%swap3A_338, %swap3A_339] {strides = array<i32>} : memref<80x128xf32, #tpu.memory_space<vmem>>, vector<16xf32>,
    tpu.vector_store %arg15[%swap3A_338, %swap3A_339], %broadcast_in_dim3A_336 {strides = array<i32>} : memref<80x128xf32, #tpu.memory_space<vmem>>, vector<16xf32>,
    %broadcast_in_dim3A_341 = arith.constant 0.000000e+00 : f32
    %broadcast_in_dim3A_342 = vector.broadcast %broadcast_in_dim3A_341 : f32 to vector<16xf32>
    %swap3A_343 = arith.constant 7 : i32
    %swap3A_344 = arith.index_cast %swap3A_343 : i32 to index
    %swap3A_345 = arith.constant 16 : index
    %swap3A_346 = tpu.vector_load %arg15[%swap3A_344, %swap3A_345] {strides = array<i32>} : memref<80x128xf32, #tpu.memory_space<vmem>>, vector<16xf32>,
    tpu.vector_store %arg15[%swap3A_344, %swap3A_345], %broadcast_in_dim3A_342 {strides = array<i32>} : memref<80x128xf32, #tpu.memory_space<vmem>>, vector<16xf32>,
    %broadcast_in_dim3A_347 = arith.constant 0.000000e+00 : f32
    %broadcast_in_dim3A_348 = vector.broadcast %broadcast_in_dim3A_347 : f32 to vector<16xf32>
    %swap3A_349 = arith.constant 7 : i32
    %swap3A_350 = arith.index_cast %swap3A_349 : i32 to index
    %swap3A_351 = arith.constant 32 : index
    %swap3A_352 = tpu.vector_load %arg15[%swap3A_350, %swap3A_351] {strides = array<i32>} : memref<80x128xf32, #tpu.memory_space<vmem>>, vector<16xf32>,
    tpu.vector_store %arg15[%swap3A_350, %swap3A_351], %broadcast_in_dim3A_348 {strides = array<i32>} : memref<80x128xf32, #tpu.memory_space<vmem>>, vector<16xf32>,
    %broadcast_in_dim3A_353 = arith.constant 0.000000e+00 : f32
    %broadcast_in_dim3A_354 = vector.broadcast %broadcast_in_dim3A_353 : f32 to vector<16xf32>
    %swap3A_355 = arith.constant 7 : i32
    %swap3A_356 = arith.index_cast %swap3A_355 : i32 to index
    %swap3A_357 = arith.constant 48 : index
    %swap3A_358 = tpu.vector_load %arg15[%swap3A_356, %swap3A_357] {strides = array<i32>} : memref<80x128xf32, #tpu.memory_space<vmem>>, vector<16xf32>,
    tpu.vector_store %arg15[%swap3A_356, %swap3A_357], %broadcast_in_dim3A_354 {strides = array<i32>} : memref<80x128xf32, #tpu.memory_space<vmem>>, vector<16xf32>,
    %broadcast_in_dim3A_359 = arith.constant 0.000000e+00 : f32
    %broadcast_in_dim3A_360 = vector.broadcast %broadcast_in_dim3A_359 : f32 to vector<16xf32>
    %swap3A_361 = arith.constant 7 : i32
    %swap3A_362 = arith.index_cast %swap3A_361 : i32 to index
    %swap3A_363 = arith.constant 64 : index
    %swap3A_364 = tpu.vector_load %arg15[%swap3A_362, %swap3A_363] {strides = array<i32>} : memref<80x128xf32, #tpu.memory_space<vmem>>, vector<16xf32>,
    tpu.vector_store %arg15[%swap3A_362, %swap3A_363], %broadcast_in_dim3A_360 {strides = array<i32>} : memref<80x128xf32, #tpu.memory_space<vmem>>, vector<16xf32>,
    %broadcast_in_dim3A_365 = arith.constant 0.000000e+00 : f32
    %broadcast_in_dim3A_366 = vector.broadcast %broadcast_in_dim3A_365 : f32 to vector<16xf32>
    %swap3A_367 = arith.constant 7 : i32
    %swap3A_368 = arith.index_cast %swap3A_367 : i32 to index
    %swap3A_369 = arith.constant 80 : index
    %swap3A_370 = tpu.vector_load %arg15[%swap3A_368, %swap3A_369] {strides = array<i32>} : memref<80x128xf32, #tpu.memory_space<vmem>>, vector<16xf32>,
    tpu.vector_store %arg15[%swap3A_368, %swap3A_369], %broadcast_in_dim3A_366 {strides = array<i32>} : memref<80x128xf32, #tpu.memory_space<vmem>>, vector<16xf32>,
    %broadcast_in_dim3A_371 = arith.constant 0.000000e+00 : f32
    %broadcast_in_dim3A_372 = vector.broadcast %broadcast_in_dim3A_371 : f32 to vector<16xf32>
    %swap3A_373 = arith.constant 7 : i32
    %swap3A_374 = arith.index_cast %swap3A_373 : i32 to index
    %swap3A_375 = arith.constant 96 : index
    %swap3A_376 = tpu.vector_load %arg15[%swap3A_374, %swap3A_375] {strides = array<i32>} : memref<80x128xf32, #tpu.memory_space<vmem>>, vector<16xf32>,
    tpu.vector_store %arg15[%swap3A_374, %swap3A_375], %broadcast_in_dim3A_372 {strides = array<i32>} : memref<80x128xf32, #tpu.memory_space<vmem>>, vector<16xf32>,
    %broadcast_in_dim3A_377 = arith.constant 0.000000e+00 : f32
    %broadcast_in_dim3A_378 = vector.broadcast %broadcast_in_dim3A_377 : f32 to vector<16xf32>
    %swap3A_379 = arith.constant 7 : i32
    %swap3A_380 = arith.index_cast %swap3A_379 : i32 to index
    %swap3A_381 = arith.constant 112 : index
    %swap3A_382 = tpu.vector_load %arg15[%swap3A_380, %swap3A_381] {strides = array<i32>} : memref<80x128xf32, #tpu.memory_space<vmem>>, vector<16xf32>,
    tpu.vector_store %arg15[%swap3A_380, %swap3A_381], %broadcast_in_dim3A_378 {strides = array<i32>} : memref<80x128xf32, #tpu.memory_space<vmem>>, vector<16xf32>,
    %broadcast_in_dim3A_383 = arith.constant 0.000000e+00 : f32
    %broadcast_in_dim3A_384 = vector.broadcast %broadcast_in_dim3A_383 : f32 to vector<16xf32>
    %swap3A_385 = arith.constant 8 : i32
    %swap3A_386 = arith.index_cast %swap3A_385 : i32 to index
    %swap3A_387 = arith.constant 0 : index
    %swap3A_388 = tpu.vector_load %arg15[%swap3A_386, %swap3A_387] {strides = array<i32>} : memref<80x128xf32, #tpu.memory_space<vmem>>, vector<16xf32>,
    tpu.vector_store %arg15[%swap3A_386, %swap3A_387], %broadcast_in_dim3A_384 {strides = array<i32>} : memref<80x128xf32, #tpu.memory_space<vmem>>, vector<16xf32>,
    %broadcast_in_dim3A_389 = arith.constant 0.000000e+00 : f32
    %broadcast_in_dim3A_390 = vector.broadcast %broadcast_in_dim3A_389 : f32 to vector<16xf32>
    %swap3A_391 = arith.constant 8 : i32
    %swap3A_392 = arith.index_cast %swap3A_391 : i32 to index
    %swap3A_393 = arith.constant 16 : index
    %swap3A_394 = tpu.vector_load %arg15[%swap3A_392, %swap3A_393] {strides = array<i32>} : memref<80x128xf32, #tpu.memory_space<vmem>>, vector<16xf32>,
    tpu.vector_store %arg15[%swap3A_392, %swap3A_393], %broadcast_in_dim3A_390 {strides = array<i32>} : memref<80x128xf32, #tpu.memory_space<vmem>>, vector<16xf32>,
    %broadcast_in_dim3A_395 = arith.constant 0.000000e+00 : f32
    %broadcast_in_dim3A_396 = vector.broadcast %broadcast_in_dim3A_395 : f32 to vector<16xf32>
    %swap3A_397 = arith.constant 8 : i32
    %swap3A_398 = arith.index_cast %swap3A_397 : i32 to index
    %swap3A_399 = arith.constant 32 : index
    %swap3A_400 = tpu.vector_load %arg15[%swap3A_398, %swap3A_399] {strides = array<i32>} : memref<80x128xf32, #tpu.memory_space<vmem>>, vector<16xf32>,
    tpu.vector_store %arg15[%swap3A_398, %swap3A_399], %broadcast_in_dim3A_396 {strides = array<i32>} : memref<80x128xf32, #tpu.memory_space<vmem>>, vector<16xf32>,
    %broadcast_in_dim3A_401 = arith.constant 0.000000e+00 : f32
    %broadcast_in_dim3A_402 = vector.broadcast %broadcast_in_dim3A_401 : f32 to vector<16xf32>
    %swap3A_403 = arith.constant 8 : i32
    %swap3A_404 = arith.index_cast %swap3A_403 : i32 to index
    %swap3A_405 = arith.constant 48 : index
    %swap3A_406 = tpu.vector_load %arg15[%swap3A_404, %swap3A_405] {strides = array<i32>} : memref<80x128xf32, #tpu.memory_space<vmem>>, vector<16xf32>,
    tpu.vector_store %arg15[%swap3A_404, %swap3A_405], %broadcast_in_dim3A_402 {strides = array<i32>} : memref<80x128xf32, #tpu.memory_space<vmem>>, vector<16xf32>,
    %broadcast_in_dim3A_407 = arith.constant 0.000000e+00 : f32
    %broadcast_in_dim3A_408 = vector.broadcast %broadcast_in_dim3A_407 : f32 to vector<16xf32>
    %swap3A_409 = arith.constant 8 : i32
    %swap3A_410 = arith.index_cast %swap3A_409 : i32 to index
    %swap3A_411 = arith.constant 64 : index
    %swap3A_412 = tpu.vector_load %arg15[%swap3A_410, %swap3A_411] {strides = array<i32>} : memref<80x128xf32, #tpu.memory_space<vmem>>, vector<16xf32>,
    tpu.vector_store %arg15[%swap3A_410, %swap3A_411], %broadcast_in_dim3A_408 {strides = array<i32>} : memref<80x128xf32, #tpu.memory_space<vmem>>, vector<16xf32>,
    %broadcast_in_dim3A_413 = arith.constant 0.000000e+00 : f32
    %broadcast_in_dim3A_414 = vector.broadcast %broadcast_in_dim3A_413 : f32 to vector<16xf32>
    %swap3A_415 = arith.constant 8 : i32
    %swap3A_416 = arith.index_cast %swap3A_415 : i32 to index
    %swap3A_417 = arith.constant 80 : index
    %swap3A_418 = tpu.vector_load %arg15[%swap3A_416, %swap3A_417] {strides = array<i32>} : memref<80x128xf32, #tpu.memory_space<vmem>>, vector<16xf32>,
    tpu.vector_store %arg15[%swap3A_416, %swap3A_417], %broadcast_in_dim3A_414 {strides = array<i32>} : memref<80x128xf32, #tpu.memory_space<vmem>>, vector<16xf32>,
    %broadcast_in_dim3A_419 = arith.constant 0.000000e+00 : f32
    %broadcast_in_dim3A_420 = vector.broadcast %broadcast_in_dim3A_419 : f32 to vector<16xf32>
    %swap3A_421 = arith.constant 8 : i32
    %swap3A_422 = arith.index_cast %swap3A_421 : i32 to index
    %swap3A_423 = arith.constant 96 : index
    %swap3A_424 = tpu.vector_load %arg15[%swap3A_422, %swap3A_423] {strides = array<i32>} : memref<80x128xf32, #tpu.memory_space<vmem>>, vector<16xf32>,
    tpu.vector_store %arg15[%swap3A_422, %swap3A_423], %broadcast_in_dim3A_420 {strides = array<i32>} : memref<80x128xf32, #tpu.memory_space<vmem>>, vector<16xf32>,
    %broadcast_in_dim3A_425 = arith.constant 0.000000e+00 : f32
    %broadcast_in_dim3A_426 = vector.broadcast %broadcast_in_dim3A_425 : f32 to vector<16xf32>
    %swap3A_427 = arith.constant 8 : i32
    %swap3A_428 = arith.index_cast %swap3A_427 : i32 to index
    %swap3A_429 = arith.constant 112 : index
    %swap3A_430 = tpu.vector_load %arg15[%swap3A_428, %swap3A_429] {strides = array<i32>} : memref<80x128xf32, #tpu.memory_space<vmem>>, vector<16xf32>,
    tpu.vector_store %arg15[%swap3A_428, %swap3A_429], %broadcast_in_dim3A_426 {strides = array<i32>} : memref<80x128xf32, #tpu.memory_space<vmem>>, vector<16xf32>,
    %broadcast_in_dim3A_431 = arith.constant 0.000000e+00 : f32
    %broadcast_in_dim3A_432 = vector.broadcast %broadcast_in_dim3A_431 : f32 to vector<16xf32>
    %swap3A_433 = arith.constant 9 : i32
    %swap3A_434 = arith.index_cast %swap3A_433 : i32 to index
    %swap3A_435 = arith.constant 0 : index
    %swap3A_436 = tpu.vector_load %arg15[%swap3A_434, %swap3A_435] {strides = array<i32>} : memref<80x128xf32, #tpu.memory_space<vmem>>, vector<16xf32>,
    tpu.vector_store %arg15[%swap3A_434, %swap3A_435], %broadcast_in_dim3A_432 {strides = array<i32>} : memref<80x128xf32, #tpu.memory_space<vmem>>, vector<16xf32>,
    %broadcast_in_dim3A_437 = arith.constant 0.000000e+00 : f32
    %broadcast_in_dim3A_438 = vector.broadcast %broadcast_in_dim3A_437 : f32 to vector<16xf32>
    %swap3A_439 = arith.constant 9 : i32
    %swap3A_440 = arith.index_cast %swap3A_439 : i32 to index
    %swap3A_441 = arith.constant 16 : index
    %swap3A_442 = tpu.vector_load %arg15[%swap3A_440, %swap3A_441] {strides = array<i32>} : memref<80x128xf32, #tpu.memory_space<vmem>>, vector<16xf32>,
    tpu.vector_store %arg15[%swap3A_440, %swap3A_441], %broadcast_in_dim3A_438 {strides = array<i32>} : memref<80x128xf32, #tpu.memory_space<vmem>>, vector<16xf32>,
    %broadcast_in_dim3A_443 = arith.constant 0.000000e+00 : f32
    %broadcast_in_dim3A_444 = vector.broadcast %broadcast_in_dim3A_443 : f32 to vector<16xf32>
    %swap3A_445 = arith.constant 9 : i32
    %swap3A_446 = arith.index_cast %swap3A_445 : i32 to index
    %swap3A_447 = arith.constant 32 : index
    %swap3A_448 = tpu.vector_load %arg15[%swap3A_446, %swap3A_447] {strides = array<i32>} : memref<80x128xf32, #tpu.memory_space<vmem>>, vector<16xf32>,
    tpu.vector_store %arg15[%swap3A_446, %swap3A_447], %broadcast_in_dim3A_444 {strides = array<i32>} : memref<80x128xf32, #tpu.memory_space<vmem>>, vector<16xf32>,
    %broadcast_in_dim3A_449 = arith.constant 0.000000e+00 : f32
    %broadcast_in_dim3A_450 = vector.broadcast %broadcast_in_dim3A_449 : f32 to vector<16xf32>
    %swap3A_451 = arith.constant 9 : i32
    %swap3A_452 = arith.index_cast %swap3A_451 : i32 to index
    %swap3A_453 = arith.constant 48 : index
    %swap3A_454 = tpu.vector_load %arg15[%swap3A_452, %swap3A_453] {strides = array<i32>} : memref<80x128xf32, #tpu.memory_space<vmem>>, vector<16xf32>,
    tpu.vector_store %arg15[%swap3A_452, %swap3A_453], %broadcast_in_dim3A_450 {strides = array<i32>} : memref<80x128xf32, #tpu.memory_space<vmem>>, vector<16xf32>,
    %broadcast_in_dim3A_455 = arith.constant 0.000000e+00 : f32
    %broadcast_in_dim3A_456 = vector.broadcast %broadcast_in_dim3A_455 : f32 to vector<16xf32>
    %swap3A_457 = arith.constant 9 : i32
    %swap3A_458 = arith.index_cast %swap3A_457 : i32 to index
    %swap3A_459 = arith.constant 64 : index
    %swap3A_460 = tpu.vector_load %arg15[%swap3A_458, %swap3A_459] {strides = array<i32>} : memref<80x128xf32, #tpu.memory_space<vmem>>, vector<16xf32>,
    tpu.vector_store %arg15[%swap3A_458, %swap3A_459], %broadcast_in_dim3A_456 {strides = array<i32>} : memref<80x128xf32, #tpu.memory_space<vmem>>, vector<16xf32>,
    %broadcast_in_dim3A_461 = arith.constant 0.000000e+00 : f32
    %broadcast_in_dim3A_462 = vector.broadcast %broadcast_in_dim3A_461 : f32 to vector<16xf32>
    %swap3A_463 = arith.constant 9 : i32
    %swap3A_464 = arith.index_cast %swap3A_463 : i32 to index
    %swap3A_465 = arith.constant 80 : index
    %swap3A_466 = tpu.vector_load %arg15[%swap3A_464, %swap3A_465] {strides = array<i32>} : memref<80x128xf32, #tpu.memory_space<vmem>>, vector<16xf32>,
    tpu.vector_store %arg15[%swap3A_464, %swap3A_465], %broadcast_in_dim3A_462 {strides = array<i32>} : memref<80x128xf32, #tpu.memory_space<vmem>>, vector<16xf32>,
    %broadcast_in_dim3A_467 = arith.constant 0.000000e+00 : f32
    %broadcast_in_dim3A_468 = vector.broadcast %broadcast_in_dim3A_467 : f32 to vector<16xf32>
    %swap3A_469 = arith.constant 9 : i32
    %swap3A_470 = arith.index_cast %swap3A_469 : i32 to index
    %swap3A_471 = arith.constant 96 : index
    %swap3A_472 = tpu.vector_load %arg15[%swap3A_470, %swap3A_471] {strides = array<i32>} : memref<80x128xf32, #tpu.memory_space<vmem>>, vector<16xf32>,
    tpu.vector_store %arg15[%swap3A_470, %swap3A_471], %broadcast_in_dim3A_468 {strides = array<i32>} : memref<80x128xf32, #tpu.memory_space<vmem>>, vector<16xf32>,
    %broadcast_in_dim3A_473 = arith.constant 0.000000e+00 : f32
    %broadcast_in_dim3A_474 = vector.broadcast %broadcast_in_dim3A_473 : f32 to vector<16xf32>
    %swap3A_475 = arith.constant 9 : i32
    %swap3A_476 = arith.index_cast %swap3A_475 : i32 to index
    %swap3A_477 = arith.constant 112 : index
    %swap3A_478 = tpu.vector_load %arg15[%swap3A_476, %swap3A_477] {strides = array<i32>} : memref<80x128xf32, #tpu.memory_space<vmem>>, vector<16xf32>,
    tpu.vector_store %arg15[%swap3A_476, %swap3A_477], %broadcast_in_dim3A_474 {strides = array<i32>} : memref<80x128xf32, #tpu.memory_space<vmem>>, vector<16xf32>,
    %broadcast_in_dim3A_479 = arith.constant 0.000000e+00 : f32
    %broadcast_in_dim3A_480 = vector.broadcast %broadcast_in_dim3A_479 : f32 to vector<16xf32>
    %swap3A_481 = arith.constant 10 : i32
    %swap3A_482 = arith.index_cast %swap3A_481 : i32 to index
    %swap3A_483 = arith.constant 0 : index
    %swap3A_484 = tpu.vector_load %arg15[%swap3A_482, %swap3A_483] {strides = array<i32>} : memref<80x128xf32, #tpu.memory_space<vmem>>, vector<16xf32>,
    tpu.vector_store %arg15[%swap3A_482, %swap3A_483], %broadcast_in_dim3A_480 {strides = array<i32>} : memref<80x128xf32, #tpu.memory_space<vmem>>, vector<16xf32>,
    %broadcast_in_dim3A_485 = arith.constant 0.000000e+00 : f32
    %broadcast_in_dim3A_486 = vector.broadcast %broadcast_in_dim3A_485 : f32 to vector<16xf32>
    %swap3A_487 = arith.constant 10 : i32
    %swap3A_488 = arith.index_cast %swap3A_487 : i32 to index
    %swap3A_489 = arith.constant 16 : index
    %swap3A_490 = tpu.vector_load %arg15[%swap3A_488, %swap3A_489] {strides = array<i32>} : memref<80x128xf32, #tpu.memory_space<vmem>>, vector<16xf32>,
    tpu.vector_store %arg15[%swap3A_488, %swap3A_489], %broadcast_in_dim3A_486 {strides = array<i32>} : memref<80x128xf32, #tpu.memory_space<vmem>>, vector<16xf32>,
    %broadcast_in_dim3A_491 = arith.constant 0.000000e+00 : f32
    %broadcast_in_dim3A_492 = vector.broadcast %broadcast_in_dim3A_491 : f32 to vector<16xf32>
    %swap3A_493 = arith.constant 10 : i32
    %swap3A_494 = arith.index_cast %swap3A_493 : i32 to index
    %swap3A_495 = arith.constant 32 : index
    %swap3A_496 = tpu.vector_load %arg15[%swap3A_494, %swap3A_495] {strides = array<i32>} : memref<80x128xf32, #tpu.memory_space<vmem>>, vector<16xf32>,
    tpu.vector_store %arg15[%swap3A_494, %swap3A_495], %broadcast_in_dim3A_492 {strides = array<i32>} : memref<80x128xf32, #tpu.memory_space<vmem>>, vector<16xf32>,
    %broadcast_in_dim3A_497 = arith.constant 0.000000e+00 : f32
    %broadcast_in_dim3A_498 = vector.broadcast %broadcast_in_dim3A_497 : f32 to vector<16xf32>
    %swap3A_499 = arith.constant 10 : i32
    %swap3A_500 = arith.index_cast %swap3A_499 : i32 to index
    %swap3A_501 = arith.constant 48 : index
    %swap3A_502 = tpu.vector_load %arg15[%swap3A_500, %swap3A_501] {strides = array<i32>} : memref<80x128xf32, #tpu.memory_space<vmem>>, vector<16xf32>,
    tpu.vector_store %arg15[%swap3A_500, %swap3A_501], %broadcast_in_dim3A_498 {strides = array<i32>} : memref<80x128xf32, #tpu.memory_space<vmem>>, vector<16xf32>,
    %broadcast_in_dim3A_503 = arith.constant 0.000000e+00 : f32
    %broadcast_in_dim3A_504 = vector.broadcast %broadcast_in_dim3A_503 : f32 to vector<16xf32>
    %swap3A_505 = arith.constant 10 : i32
    %swap3A_506 = arith.index_cast %swap3A_505 : i32 to index
    %swap3A_507 = arith.constant 64 : index
    %swap3A_508 = tpu.vector_load %arg15[%swap3A_506, %swap3A_507] {strides = array<i32>} : memref<80x128xf32, #tpu.memory_space<vmem>>, vector<16xf32>,
    tpu.vector_store %arg15[%swap3A_506, %swap3A_507], %broadcast_in_dim3A_504 {strides = array<i32>} : memref<80x128xf32, #tpu.memory_space<vmem>>, vector<16xf32>,
    %broadcast_in_dim3A_509 = arith.constant 0.000000e+00 : f32
    %broadcast_in_dim3A_510 = vector.broadcast %broadcast_in_dim3A_509 : f32 to vector<16xf32>
    %swap3A_511 = arith.constant 10 : i32
    %swap3A_512 = arith.index_cast %swap3A_511 : i32 to index
    %swap3A_513 = arith.constant 80 : index
    %swap3A_514 = tpu.vector_load %arg15[%swap3A_512, %swap3A_513] {strides = array<i32>} : memref<80x128xf32, #tpu.memory_space<vmem>>, vector<16xf32>,
    tpu.vector_store %arg15[%swap3A_512, %swap3A_513], %broadcast_in_dim3A_510 {strides = array<i32>} : memref<80x128xf32, #tpu.memory_space<vmem>>, vector<16xf32>,
    %broadcast_in_dim3A_515 = arith.constant 0.000000e+00 : f32
    %broadcast_in_dim3A_516 = vector.broadcast %broadcast_in_dim3A_515 : f32 to vector<16xf32>
    %swap3A_517 = arith.constant 10 : i32
    %swap3A_518 = arith.index_cast %swap3A_517 : i32 to index
    %swap3A_519 = arith.constant 96 : index
    %swap3A_520 = tpu.vector_load %arg15[%swap3A_518, %swap3A_519] {strides = array<i32>} : memref<80x128xf32, #tpu.memory_space<vmem>>, vector<16xf32>,
    tpu.vector_store %arg15[%swap3A_518, %swap3A_519], %broadcast_in_dim3A_516 {strides = array<i32>} : memref<80x128xf32, #tpu.memory_space<vmem>>, vector<16xf32>,
    %broadcast_in_dim3A_521 = arith.constant 0.000000e+00 : f32
    %broadcast_in_dim3A_522 = vector.broadcast %broadcast_in_dim3A_521 : f32 to vector<16xf32>
    %swap3A_523 = arith.constant 10 : i32
    %swap3A_524 = arith.index_cast %swap3A_523 : i32 to index
    %swap3A_525 = arith.constant 112 : index
    %swap3A_526 = tpu.vector_load %arg15[%swap3A_524, %swap3A_525] {strides = array<i32>} : memref<80x128xf32, #tpu.memory_space<vmem>>, vector<16xf32>,
    tpu.vector_store %arg15[%swap3A_524, %swap3A_525], %broadcast_in_dim3A_522 {strides = array<i32>} : memref<80x128xf32, #tpu.memory_space<vmem>>, vector<16xf32>,
    %broadcast_in_dim3A_527 = arith.constant 0.000000e+00 : f32
    %broadcast_in_dim3A_528 = vector.broadcast %broadcast_in_dim3A_527 : f32 to vector<16xf32>
    %swap3A_529 = arith.constant 11 : i32
    %swap3A_530 = arith.index_cast %swap3A_529 : i32 to index
    %swap3A_531 = arith.constant 0 : index
    %swap3A_532 = tpu.vector_load %arg15[%swap3A_530, %swap3A_531] {strides = array<i32>} : memref<80x128xf32, #tpu.memory_space<vmem>>, vector<16xf32>,
    tpu.vector_store %arg15[%swap3A_530, %swap3A_531], %broadcast_in_dim3A_528 {strides = array<i32>} : memref<80x128xf32, #tpu.memory_space<vmem>>, vector<16xf32>,
    %broadcast_in_dim3A_533 = arith.constant 0.000000e+00 : f32
    %broadcast_in_dim3A_534 = vector.broadcast %broadcast_in_dim3A_533 : f32 to vector<16xf32>
    %swap3A_535 = arith.constant 11 : i32
    %swap3A_536 = arith.index_cast %swap3A_535 : i32 to index
    %swap3A_537 = arith.constant 16 : index
    %swap3A_538 = tpu.vector_load %arg15[%swap3A_536, %swap3A_537] {strides = array<i32>} : memref<80x128xf32, #tpu.memory_space<vmem>>, vector<16xf32>,
    tpu.vector_store %arg15[%swap3A_536, %swap3A_537], %broadcast_in_dim3A_534 {strides = array<i32>} : memref<80x128xf32, #tpu.memory_space<vmem>>, vector<16xf32>,
    %broadcast_in_dim3A_539 = arith.constant 0.000000e+00 : f32
    %broadcast_in_dim3A_540 = vector.broadcast %broadcast_in_dim3A_539 : f32 to vector<16xf32>
    %swap3A_541 = arith.constant 11 : i32
    %swap3A_542 = arith.index_cast %swap3A_541 : i32 to index
    %swap3A_543 = arith.constant 32 : index
    %swap3A_544 = tpu.vector_load %arg15[%swap3A_542, %swap3A_543] {strides = array<i32>} : memref<80x128xf32, #tpu.memory_space<vmem>>, vector<16xf32>,
    tpu.vector_store %arg15[%swap3A_542, %swap3A_543], %broadcast_in_dim3A_540 {strides = array<i32>} : memref<80x128xf32, #tpu.memory_space<vmem>>, vector<16xf32>,
    %broadcast_in_dim3A_545 = arith.constant 0.000000e+00 : f32
    %broadcast_in_dim3A_546 = vector.broadcast %broadcast_in_dim3A_545 : f32 to vector<16xf32>
    %swap3A_547 = arith.constant 11 : i32
    %swap3A_548 = arith.index_cast %swap3A_547 : i32 to index
    %swap3A_549 = arith.constant 48 : index
    %swap3A_550 = tpu.vector_load %arg15[%swap3A_548, %swap3A_549] {strides = array<i32>} : memref<80x128xf32, #tpu.memory_space<vmem>>, vector<16xf32>,
    tpu.vector_store %arg15[%swap3A_548, %swap3A_549], %broadcast_in_dim3A_546 {strides = array<i32>} : memref<80x128xf32, #tpu.memory_space<vmem>>, vector<16xf32>,
    %broadcast_in_dim3A_551 = arith.constant 0.000000e+00 : f32
    %broadcast_in_dim3A_552 = vector.broadcast %broadcast_in_dim3A_551 : f32 to vector<16xf32>
    %swap3A_553 = arith.constant 11 : i32
    %swap3A_554 = arith.index_cast %swap3A_553 : i32 to index
    %swap3A_555 = arith.constant 64 : index
    %swap3A_556 = tpu.vector_load %arg15[%swap3A_554, %swap3A_555] {strides = array<i32>} : memref<80x128xf32, #tpu.memory_space<vmem>>, vector<16xf32>,
    tpu.vector_store %arg15[%swap3A_554, %swap3A_555], %broadcast_in_dim3A_552 {strides = array<i32>} : memref<80x128xf32, #tpu.memory_space<vmem>>, vector<16xf32>,
    %broadcast_in_dim3A_557 = arith.constant 0.000000e+00 : f32
    %broadcast_in_dim3A_558 = vector.broadcast %broadcast_in_dim3A_557 : f32 to vector<16xf32>
    %swap3A_559 = arith.constant 11 : i32
    %swap3A_560 = arith.index_cast %swap3A_559 : i32 to index
    %swap3A_561 = arith.constant 80 : index
    %swap3A_562 = tpu.vector_load %arg15[%swap3A_560, %swap3A_561] {strides = array<i32>} : memref<80x128xf32, #tpu.memory_space<vmem>>, vector<16xf32>,
    tpu.vector_store %arg15[%swap3A_560, %swap3A_561], %broadcast_in_dim3A_558 {strides = array<i32>} : memref<80x128xf32, #tpu.memory_space<vmem>>, vector<16xf32>,
    %broadcast_in_dim3A_563 = arith.constant 0.000000e+00 : f32
    %broadcast_in_dim3A_564 = vector.broadcast %broadcast_in_dim3A_563 : f32 to vector<16xf32>
    %swap3A_565 = arith.constant 11 : i32
    %swap3A_566 = arith.index_cast %swap3A_565 : i32 to index
    %swap3A_567 = arith.constant 96 : index
    %swap3A_568 = tpu.vector_load %arg15[%swap3A_566, %swap3A_567] {strides = array<i32>} : memref<80x128xf32, #tpu.memory_space<vmem>>, vector<16xf32>,
    tpu.vector_store %arg15[%swap3A_566, %swap3A_567], %broadcast_in_dim3A_564 {strides = array<i32>} : memref<80x128xf32, #tpu.memory_space<vmem>>, vector<16xf32>,
    %broadcast_in_dim3A_569 = arith.constant 0.000000e+00 : f32
    %broadcast_in_dim3A_570 = vector.broadcast %broadcast_in_dim3A_569 : f32 to vector<16xf32>
    %swap3A_571 = arith.constant 11 : i32
    %swap3A_572 = arith.index_cast %swap3A_571 : i32 to index
    %swap3A_573 = arith.constant 112 : index
    %swap3A_574 = tpu.vector_load %arg15[%swap3A_572, %swap3A_573] {strides = array<i32>} : memref<80x128xf32, #tpu.memory_space<vmem>>, vector<16xf32>,
    tpu.vector_store %arg15[%swap3A_572, %swap3A_573], %broadcast_in_dim3A_570 {strides = array<i32>} : memref<80x128xf32, #tpu.memory_space<vmem>>, vector<16xf32>,
    %broadcast_in_dim3A_575 = arith.constant 0.000000e+00 : f32
    %broadcast_in_dim3A_576 = vector.broadcast %broadcast_in_dim3A_575 : f32 to vector<16xf32>
    %swap3A_577 = arith.constant 12 : i32
    %swap3A_578 = arith.index_cast %swap3A_577 : i32 to index
    %swap3A_579 = arith.constant 0 : index
    %swap3A_580 = tpu.vector_load %arg15[%swap3A_578, %swap3A_579] {strides = array<i32>} : memref<80x128xf32, #tpu.memory_space<vmem>>, vector<16xf32>,
    tpu.vector_store %arg15[%swap3A_578, %swap3A_579], %broadcast_in_dim3A_576 {strides = array<i32>} : memref<80x128xf32, #tpu.memory_space<vmem>>, vector<16xf32>,
    %broadcast_in_dim3A_581 = arith.constant 0.000000e+00 : f32
    %broadcast_in_dim3A_582 = vector.broadcast %broadcast_in_dim3A_581 : f32 to vector<16xf32>
    %swap3A_583 = arith.constant 12 : i32
    %swap3A_584 = arith.index_cast %swap3A_583 : i32 to index
    %swap3A_585 = arith.constant 16 : index
    %swap3A_586 = tpu.vector_load %arg15[%swap3A_584, %swap3A_585] {strides = array<i32>} : memref<80x128xf32, #tpu.memory_space<vmem>>, vector<16xf32>,
    tpu.vector_store %arg15[%swap3A_584, %swap3A_585], %broadcast_in_dim3A_582 {strides = array<i32>} : memref<80x128xf32, #tpu.memory_space<vmem>>, vector<16xf32>,
    %broadcast_in_dim3A_587 = arith.constant 0.000000e+00 : f32
    %broadcast_in_dim3A_588 = vector.broadcast %broadcast_in_dim3A_587 : f32 to vector<16xf32>
    %swap3A_589 = arith.constant 12 : i32
    %swap3A_590 = arith.index_cast %swap3A_589 : i32 to index
    %swap3A_591 = arith.constant 32 : index
    %swap3A_592 = tpu.vector_load %arg15[%swap3A_590, %swap3A_591] {strides = array<i32>} : memref<80x128xf32, #tpu.memory_space<vmem>>, vector<16xf32>,
    tpu.vector_store %arg15[%swap3A_590, %swap3A_591], %broadcast_in_dim3A_588 {strides = array<i32>} : memref<80x128xf32, #tpu.memory_space<vmem>>, vector<16xf32>,
    %broadcast_in_dim3A_593 = arith.constant 0.000000e+00 : f32
    %broadcast_in_dim3A_594 = vector.broadcast %broadcast_in_dim3A_593 : f32 to vector<16xf32>
    %swap3A_595 = arith.constant 12 : i32
    %swap3A_596 = arith.index_cast %swap3A_595 : i32 to index
    %swap3A_597 = arith.constant 48 : index
    %swap3A_598 = tpu.vector_load %arg15[%swap3A_596, %swap3A_597] {strides = array<i32>} : memref<80x128xf32, #tpu.memory_space<vmem>>, vector<16xf32>,
    tpu.vector_store %arg15[%swap3A_596, %swap3A_597], %broadcast_in_dim3A_594 {strides = array<i32>} : memref<80x128xf32, #tpu.memory_space<vmem>>, vector<16xf32>,
    %broadcast_in_dim3A_599 = arith.constant 0.000000e+00 : f32
    %broadcast_in_dim3A_600 = vector.broadcast %broadcast_in_dim3A_599 : f32 to vector<16xf32>
    %swap3A_601 = arith.constant 12 : i32
    %swap3A_602 = arith.index_cast %swap3A_601 : i32 to index
    %swap3A_603 = arith.constant 64 : index
    %swap3A_604 = tpu.vector_load %arg15[%swap3A_602, %swap3A_603] {strides = array<i32>} : memref<80x128xf32, #tpu.memory_space<vmem>>, vector<16xf32>,
    tpu.vector_store %arg15[%swap3A_602, %swap3A_603], %broadcast_in_dim3A_600 {strides = array<i32>} : memref<80x128xf32, #tpu.memory_space<vmem>>, vector<16xf32>,
    %broadcast_in_dim3A_605 = arith.constant 0.000000e+00 : f32
    %broadcast_in_dim3A_606 = vector.broadcast %broadcast_in_dim3A_605 : f32 to vector<16xf32>
    %swap3A_607 = arith.constant 12 : i32
    %swap3A_608 = arith.index_cast %swap3A_607 : i32 to index
    %swap3A_609 = arith.constant 80 : index
    %swap3A_610 = tpu.vector_load %arg15[%swap3A_608, %swap3A_609] {strides = array<i32>} : memref<80x128xf32, #tpu.memory_space<vmem>>, vector<16xf32>,
    tpu.vector_store %arg15[%swap3A_608, %swap3A_609], %broadcast_in_dim3A_606 {strides = array<i32>} : memref<80x128xf32, #tpu.memory_space<vmem>>, vector<16xf32>,
    %broadcast_in_dim3A_611 = arith.constant 0.000000e+00 : f32
    %broadcast_in_dim3A_612 = vector.broadcast %broadcast_in_dim3A_611 : f32 to vector<16xf32>
    %swap3A_613 = arith.constant 12 : i32
    %swap3A_614 = arith.index_cast %swap3A_613 : i32 to index
    %swap3A_615 = arith.constant 96 : index
    %swap3A_616 = tpu.vector_load %arg15[%swap3A_614, %swap3A_615] {strides = array<i32>} : memref<80x128xf32, #tpu.memory_space<vmem>>, vector<16xf32>,
    tpu.vector_store %arg15[%swap3A_614, %swap3A_615], %broadcast_in_dim3A_612 {strides = array<i32>} : memref<80x128xf32, #tpu.memory_space<vmem>>, vector<16xf32>,
    %broadcast_in_dim3A_617 = arith.constant 0.000000e+00 : f32
    %broadcast_in_dim3A_618 = vector.broadcast %broadcast_in_dim3A_617 : f32 to vector<16xf32>
    %swap3A_619 = arith.constant 12 : i32
    %swap3A_620 = arith.index_cast %swap3A_619 : i32 to index
    %swap3A_621 = arith.constant 112 : index
    %swap3A_622 = tpu.vector_load %arg15[%swap3A_620, %swap3A_621] {strides = array<i32>} : memref<80x128xf32, #tpu.memory_space<vmem>>, vector<16xf32>,
    tpu.vector_store %arg15[%swap3A_620, %swap3A_621], %broadcast_in_dim3A_618 {strides = array<i32>} : memref<80x128xf32, #tpu.memory_space<vmem>>, vector<16xf32>,
    %broadcast_in_dim3A_623 = arith.constant 0.000000e+00 : f32
    %broadcast_in_dim3A_624 = vector.broadcast %broadcast_in_dim3A_623 : f32 to vector<16xf32>
    %swap3A_625 = arith.constant 13 : i32
    %swap3A_626 = arith.index_cast %swap3A_625 : i32 to index
    %swap3A_627 = arith.constant 0 : index
    %swap3A_628 = tpu.vector_load %arg15[%swap3A_626, %swap3A_627] {strides = array<i32>} : memref<80x128xf32, #tpu.memory_space<vmem>>, vector<16xf32>,
    tpu.vector_store %arg15[%swap3A_626, %swap3A_627], %broadcast_in_dim3A_624 {strides = array<i32>} : memref<80x128xf32, #tpu.memory_space<vmem>>, vector<16xf32>,
    %broadcast_in_dim3A_629 = arith.constant 0.000000e+00 : f32
    %broadcast_in_dim3A_630 = vector.broadcast %broadcast_in_dim3A_629 : f32 to vector<16xf32>
    %swap3A_631 = arith.constant 13 : i32
    %swap3A_632 = arith.index_cast %swap3A_631 : i32 to index
    %swap3A_633 = arith.constant 16 : index
    %swap3A_634 = tpu.vector_load %arg15[%swap3A_632, %swap3A_633] {strides = array<i32>} : memref<80x128xf32, #tpu.memory_space<vmem>>, vector<16xf32>,
    tpu.vector_store %arg15[%swap3A_632, %swap3A_633], %broadcast_in_dim3A_630 {strides = array<i32>} : memref<80x128xf32, #tpu.memory_space<vmem>>, vector<16xf32>,
    %broadcast_in_dim3A_635 = arith.constant 0.000000e+00 : f32
    %broadcast_in_dim3A_636 = vector.broadcast %broadcast_in_dim3A_635 : f32 to vector<16xf32>
    %swap3A_637 = arith.constant 13 : i32
    %swap3A_638 = arith.index_cast %swap3A_637 : i32 to index
    %swap3A_639 = arith.constant 32 : index
    %swap3A_640 = tpu.vector_load %arg15[%swap3A_638, %swap3A_639] {strides = array<i32>} : memref<80x128xf32, #tpu.memory_space<vmem>>, vector<16xf32>,
    tpu.vector_store %arg15[%swap3A_638, %swap3A_639], %broadcast_in_dim3A_636 {strides = array<i32>} : memref<80x128xf32, #tpu.memory_space<vmem>>, vector<16xf32>,
    %broadcast_in_dim3A_641 = arith.constant 0.000000e+00 : f32
    %broadcast_in_dim3A_642 = vector.broadcast %broadcast_in_dim3A_641 : f32 to vector<16xf32>
    %swap3A_643 = arith.constant 13 : i32
    %swap3A_644 = arith.index_cast %swap3A_643 : i32 to index
    %swap3A_645 = arith.constant 48 : index
    %swap3A_646 = tpu.vector_load %arg15[%swap3A_644, %swap3A_645] {strides = array<i32>} : memref<80x128xf32, #tpu.memory_space<vmem>>, vector<16xf32>,
    tpu.vector_store %arg15[%swap3A_644, %swap3A_645], %broadcast_in_dim3A_642 {strides = array<i32>} : memref<80x128xf32, #tpu.memory_space<vmem>>, vector<16xf32>,
    %broadcast_in_dim3A_647 = arith.constant 0.000000e+00 : f32
    %broadcast_in_dim3A_648 = vector.broadcast %broadcast_in_dim3A_647 : f32 to vector<16xf32>
    %swap3A_649 = arith.constant 13 : i32
    %swap3A_650 = arith.index_cast %swap3A_649 : i32 to index
    %swap3A_651 = arith.constant 64 : index
    %swap3A_652 = tpu.vector_load %arg15[%swap3A_650, %swap3A_651] {strides = array<i32>} : memref<80x128xf32, #tpu.memory_space<vmem>>, vector<16xf32>,
    tpu.vector_store %arg15[%swap3A_650, %swap3A_651], %broadcast_in_dim3A_648 {strides = array<i32>} : memref<80x128xf32, #tpu.memory_space<vmem>>, vector<16xf32>,
    %broadcast_in_dim3A_653 = arith.constant 0.000000e+00 : f32
    %broadcast_in_dim3A_654 = vector.broadcast %broadcast_in_dim3A_653 : f32 to vector<16xf32>
    %swap3A_655 = arith.constant 13 : i32
    %swap3A_656 = arith.index_cast %swap3A_655 : i32 to index
    %swap3A_657 = arith.constant 80 : index
    %swap3A_658 = tpu.vector_load %arg15[%swap3A_656, %swap3A_657] {strides = array<i32>} : memref<80x128xf32, #tpu.memory_space<vmem>>, vector<16xf32>,
    tpu.vector_store %arg15[%swap3A_656, %swap3A_657], %broadcast_in_dim3A_654 {strides = array<i32>} : memref<80x128xf32, #tpu.memory_space<vmem>>, vector<16xf32>,
    %broadcast_in_dim3A_659 = arith.constant 0.000000e+00 : f32
    %broadcast_in_dim3A_660 = vector.broadcast %broadcast_in_dim3A_659 : f32 to vector<16xf32>
    %swap3A_661 = arith.constant 13 : i32
    %swap3A_662 = arith.index_cast %swap3A_661 : i32 to index
    %swap3A_663 = arith.constant 96 : index
    %swap3A_664 = tpu.vector_load %arg15[%swap3A_662, %swap3A_663] {strides = array<i32>} : memref<80x128xf32, #tpu.memory_space<vmem>>, vector<16xf32>,
    tpu.vector_store %arg15[%swap3A_662, %swap3A_663], %broadcast_in_dim3A_660 {strides = array<i32>} : memref<80x128xf32, #tpu.memory_space<vmem>>, vector<16xf32>,
    %broadcast_in_dim3A_665 = arith.constant 0.000000e+00 : f32
    %broadcast_in_dim3A_666 = vector.broadcast %broadcast_in_dim3A_665 : f32 to vector<16xf32>
    %swap3A_667 = arith.constant 13 : i32
    %swap3A_668 = arith.index_cast %swap3A_667 : i32 to index
    %swap3A_669 = arith.constant 112 : index
    %swap3A_670 = tpu.vector_load %arg15[%swap3A_668, %swap3A_669] {strides = array<i32>} : memref<80x128xf32, #tpu.memory_space<vmem>>, vector<16xf32>,
    tpu.vector_store %arg15[%swap3A_668, %swap3A_669], %broadcast_in_dim3A_666 {strides = array<i32>} : memref<80x128xf32, #tpu.memory_space<vmem>>, vector<16xf32>,
    %broadcast_in_dim3A_671 = arith.constant 0.000000e+00 : f32
    %broadcast_in_dim3A_672 = vector.broadcast %broadcast_in_dim3A_671 : f32 to vector<16xf32>
    %swap3A_673 = arith.constant 14 : i32
    %swap3A_674 = arith.index_cast %swap3A_673 : i32 to index
    %swap3A_675 = arith.constant 0 : index
    %swap3A_676 = tpu.vector_load %arg15[%swap3A_674, %swap3A_675] {strides = array<i32>} : memref<80x128xf32, #tpu.memory_space<vmem>>, vector<16xf32>,
    tpu.vector_store %arg15[%swap3A_674, %swap3A_675], %broadcast_in_dim3A_672 {strides = array<i32>} : memref<80x128xf32, #tpu.memory_space<vmem>>, vector<16xf32>,
    %broadcast_in_dim3A_677 = arith.constant 0.000000e+00 : f32
    %broadcast_in_dim3A_678 = vector.broadcast %broadcast_in_dim3A_677 : f32 to vector<16xf32>
    %swap3A_679 = arith.constant 14 : i32
    %swap3A_680 = arith.index_cast %swap3A_679 : i32 to index
    %swap3A_681 = arith.constant 16 : index
    %swap3A_682 = tpu.vector_load %arg15[%swap3A_680, %swap3A_681] {strides = array<i32>} : memref<80x128xf32, #tpu.memory_space<vmem>>, vector<16xf32>,
    tpu.vector_store %arg15[%swap3A_680, %swap3A_681], %broadcast_in_dim3A_678 {strides = array<i32>} : memref<80x128xf32, #tpu.memory_space<vmem>>, vector<16xf32>,
    %broadcast_in_dim3A_683 = arith.constant 0.000000e+00 : f32
    %broadcast_in_dim3A_684 = vector.broadcast %broadcast_in_dim3A_683 : f32 to vector<16xf32>
    %swap3A_685 = arith.constant 14 : i32
    %swap3A_686 = arith.index_cast %swap3A_685 : i32 to index
    %swap3A_687 = arith.constant 32 : index
    %swap3A_688 = tpu.vector_load %arg15[%swap3A_686, %swap3A_687] {strides = array<i32>} : memref<80x128xf32, #tpu.memory_space<vmem>>, vector<16xf32>,
    tpu.vector_store %arg15[%swap3A_686, %swap3A_687], %broadcast_in_dim3A_684 {strides = array<i32>} : memref<80x128xf32, #tpu.memory_space<vmem>>, vector<16xf32>,
    %broadcast_in_dim3A_689 = arith.constant 0.000000e+00 : f32
    %broadcast_in_dim3A_690 = vector.broadcast %broadcast_in_dim3A_689 : f32 to vector<16xf32>
    %swap3A_691 = arith.constant 14 : i32
    %swap3A_692 = arith.index_cast %swap3A_691 : i32 to index
    %swap3A_693 = arith.constant 48 : index
    %swap3A_694 = tpu.vector_load %arg15[%swap3A_692, %swap3A_693] {strides = array<i32>} : memref<80x128xf32, #tpu.memory_space<vmem>>, vector<16xf32>,
    tpu.vector_store %arg15[%swap3A_692, %swap3A_693], %broadcast_in_dim3A_690 {strides = array<i32>} : memref<80x128xf32, #tpu.memory_space<vmem>>, vector<16xf32>,
    %broadcast_in_dim3A_695 = arith.constant 0.000000e+00 : f32
    %broadcast_in_dim3A_696 = vector.broadcast %broadcast_in_dim3A_695 : f32 to vector<16xf32>
    %swap3A_697 = arith.constant 14 : i32
    %swap3A_698 = arith.index_cast %swap3A_697 : i32 to index
    %swap3A_699 = arith.constant 64 : index
    %swap3A_700 = tpu.vector_load %arg15[%swap3A_698, %swap3A_699] {strides = array<i32>} : memref<80x128xf32, #tpu.memory_space<vmem>>, vector<16xf32>,
    tpu.vector_store %arg15[%swap3A_698, %swap3A_699], %broadcast_in_dim3A_696 {strides = array<i32>} : memref<80x128xf32, #tpu.memory_space<vmem>>, vector<16xf32>,
    %broadcast_in_dim3A_701 = arith.constant 0.000000e+00 : f32
    %broadcast_in_dim3A_702 = vector.broadcast %broadcast_in_dim3A_701 : f32 to vector<16xf32>
    %swap3A_703 = arith.constant 14 : i32
    %swap3A_704 = arith.index_cast %swap3A_703 : i32 to index
    %swap3A_705 = arith.constant 80 : index
    %swap3A_706 = tpu.vector_load %arg15[%swap3A_704, %swap3A_705] {strides = array<i32>} : memref<80x128xf32, #tpu.memory_space<vmem>>, vector<16xf32>,
    tpu.vector_store %arg15[%swap3A_704, %swap3A_705], %broadcast_in_dim3A_702 {strides = array<i32>} : memref<80x128xf32, #tpu.memory_space<vmem>>, vector<16xf32>,
    %broadcast_in_dim3A_707 = arith.constant 0.000000e+00 : f32
    %broadcast_in_dim3A_708 = vector.broadcast %broadcast_in_dim3A_707 : f32 to vector<16xf32>
    %swap3A_709 = arith.constant 14 : i32
    %swap3A_710 = arith.index_cast %swap3A_709 : i32 to index
    %swap3A_711 = arith.constant 96 : index
    %swap3A_712 = tpu.vector_load %arg15[%swap3A_710, %swap3A_711] {strides = array<i32>} : memref<80x128xf32, #tpu.memory_space<vmem>>, vector<16xf32>,
    tpu.vector_store %arg15[%swap3A_710, %swap3A_711], %broadcast_in_dim3A_708 {strides = array<i32>} : memref<80x128xf32, #tpu.memory_space<vmem>>, vector<16xf32>,
    %broadcast_in_dim3A_713 = arith.constant 0.000000e+00 : f32
    %broadcast_in_dim3A_714 = vector.broadcast %broadcast_in_dim3A_713 : f32 to vector<16xf32>
    %swap3A_715 = arith.constant 14 : i32
    %swap3A_716 = arith.index_cast %swap3A_715 : i32 to index
    %swap3A_717 = arith.constant 112 : index
    %swap3A_718 = tpu.vector_load %arg15[%swap3A_716, %swap3A_717] {strides = array<i32>} : memref<80x128xf32, #tpu.memory_space<vmem>>, vector<16xf32>,
    tpu.vector_store %arg15[%swap3A_716, %swap3A_717], %broadcast_in_dim3A_714 {strides = array<i32>} : memref<80x128xf32, #tpu.memory_space<vmem>>, vector<16xf32>,
    %broadcast_in_dim3A_719 = arith.constant 0.000000e+00 : f32
    %broadcast_in_dim3A_720 = vector.broadcast %broadcast_in_dim3A_719 : f32 to vector<16xf32>
    %swap3A_721 = arith.constant 15 : i32
    %swap3A_722 = arith.index_cast %swap3A_721 : i32 to index
    %swap3A_723 = arith.constant 0 : index
    %swap3A_724 = tpu.vector_load %arg15[%swap3A_722, %swap3A_723] {strides = array<i32>} : memref<80x128xf32, #tpu.memory_space<vmem>>, vector<16xf32>,
    tpu.vector_store %arg15[%swap3A_722, %swap3A_723], %broadcast_in_dim3A_720 {strides = array<i32>} : memref<80x128xf32, #tpu.memory_space<vmem>>, vector<16xf32>,
    %broadcast_in_dim3A_725 = arith.constant 0.000000e+00 : f32
    %broadcast_in_dim3A_726 = vector.broadcast %broadcast_in_dim3A_725 : f32 to vector<16xf32>
    %swap3A_727 = arith.constant 15 : i32
    %swap3A_728 = arith.index_cast %swap3A_727 : i32 to index
    %swap3A_729 = arith.constant 16 : index
    %swap3A_730 = tpu.vector_load %arg15[%swap3A_728, %swap3A_729] {strides = array<i32>} : memref<80x128xf32, #tpu.memory_space<vmem>>, vector<16xf32>,
    tpu.vector_store %arg15[%swap3A_728, %swap3A_729], %broadcast_in_dim3A_726 {strides = array<i32>} : memref<80x128xf32, #tpu.memory_space<vmem>>, vector<16xf32>,
    %broadcast_in_dim3A_731 = arith.constant 0.000000e+00 : f32
    %broadcast_in_dim3A_732 = vector.broadcast %broadcast_in_dim3A_731 : f32 to vector<16xf32>
    %swap3A_733 = arith.constant 15 : i32
    %swap3A_734 = arith.index_cast %swap3A_733 : i32 to index
    %swap3A_735 = arith.constant 32 : index
    %swap3A_736 = tpu.vector_load %arg15[%swap3A_734, %swap3A_735] {strides = array<i32>} : memref<80x128xf32, #tpu.memory_space<vmem>>, vector<16xf32>,
    tpu.vector_store %arg15[%swap3A_734, %swap3A_735], %broadcast_in_dim3A_732 {strides = array<i32>} : memref<80x128xf32, #tpu.memory_space<vmem>>, vector<16xf32>,
    %broadcast_in_dim3A_737 = arith.constant 0.000000e+00 : f32
    %broadcast_in_dim3A_738 = vector.broadcast %broadcast_in_dim3A_737 : f32 to vector<16xf32>
    %swap3A_739 = arith.constant 15 : i32
    %swap3A_740 = arith.index_cast %swap3A_739 : i32 to index
    %swap3A_741 = arith.constant 48 : index
    %swap3A_742 = tpu.vector_load %arg15[%swap3A_740, %swap3A_741] {strides = array<i32>} : memref<80x128xf32, #tpu.memory_space<vmem>>, vector<16xf32>,
    tpu.vector_store %arg15[%swap3A_740, %swap3A_741], %broadcast_in_dim3A_738 {strides = array<i32>} : memref<80x128xf32, #tpu.memory_space<vmem>>, vector<16xf32>,
    %broadcast_in_dim3A_743 = arith.constant 0.000000e+00 : f32
    %broadcast_in_dim3A_744 = vector.broadcast %broadcast_in_dim3A_743 : f32 to vector<16xf32>
    %swap3A_745 = arith.constant 15 : i32
    %swap3A_746 = arith.index_cast %swap3A_745 : i32 to index
    %swap3A_747 = arith.constant 64 : index
    %swap3A_748 = tpu.vector_load %arg15[%swap3A_746, %swap3A_747] {strides = array<i32>} : memref<80x128xf32, #tpu.memory_space<vmem>>, vector<16xf32>,
    tpu.vector_store %arg15[%swap3A_746, %swap3A_747], %broadcast_in_dim3A_744 {strides = array<i32>} : memref<80x128xf32, #tpu.memory_space<vmem>>, vector<16xf32>,
    %broadcast_in_dim3A_749 = arith.constant 0.000000e+00 : f32
    %broadcast_in_dim3A_750 = vector.broadcast %broadcast_in_dim3A_749 : f32 to vector<16xf32>
    %swap3A_751 = arith.constant 15 : i32
    %swap3A_752 = arith.index_cast %swap3A_751 : i32 to index
    %swap3A_753 = arith.constant 80 : index
    %swap3A_754 = tpu.vector_load %arg15[%swap3A_752, %swap3A_753] {strides = array<i32>} : memref<80x128xf32, #tpu.memory_space<vmem>>, vector<16xf32>,
    tpu.vector_store %arg15[%swap3A_752, %swap3A_753], %broadcast_in_dim3A_750 {strides = array<i32>} : memref<80x128xf32, #tpu.memory_space<vmem>>, vector<16xf32>,
    %broadcast_in_dim3A_755 = arith.constant 0.000000e+00 : f32
    %broadcast_in_dim3A_756 = vector.broadcast %broadcast_in_dim3A_755 : f32 to vector<16xf32>
    %swap3A_757 = arith.constant 15 : i32
    %swap3A_758 = arith.index_cast %swap3A_757 : i32 to index
    %swap3A_759 = arith.constant 96 : index
    %swap3A_760 = tpu.vector_load %arg15[%swap3A_758, %swap3A_759] {strides = array<i32>} : memref<80x128xf32, #tpu.memory_space<vmem>>, vector<16xf32>,
    tpu.vector_store %arg15[%swap3A_758, %swap3A_759], %broadcast_in_dim3A_756 {strides = array<i32>} : memref<80x128xf32, #tpu.memory_space<vmem>>, vector<16xf32>,
    %broadcast_in_dim3A_761 = arith.constant 0.000000e+00 : f32
    %broadcast_in_dim3A_762 = vector.broadcast %broadcast_in_dim3A_761 : f32 to vector<16xf32>
    %swap3A_763 = arith.constant 15 : i32
    %swap3A_764 = arith.index_cast %swap3A_763 : i32 to index
    %swap3A_765 = arith.constant 112 : index
    %swap3A_766 = tpu.vector_load %arg15[%swap3A_764, %swap3A_765] {strides = array<i32>} : memref<80x128xf32, #tpu.memory_space<vmem>>, vector<16xf32>,
    tpu.vector_store %arg15[%swap3A_764, %swap3A_765], %broadcast_in_dim3A_762 {strides = array<i32>} : memref<80x128xf32, #tpu.memory_space<vmem>>, vector<16xf32>,
    %scan3A = arith.constant 0 : i32
    %scan3A_767 = arith.constant 40 : i32
    %scan3A_768 = arith.addi %scan3A, %scan3A_767 : i32
    %scan3A_769 = arith.constant 1 : i32
    scf.for %scan3A_1135 = %scan3A to %scan3A_768 step %scan3A_769  : i32 {
      %mul3A_1136 = arith.constant 1 : i32
      %mul3A_1137 = arith.muli %scan3A_1135, %mul3A_1136 : i32
      %add3A_1138 = arith.constant 0 : i32
      %add3A_1139 = arith.addi %add3A_1138, %mul3A_1137 : i32
      %mul3A_1140 = arith.constant 16 : i32
      %mul3A_1141 = arith.muli %mul3A_1140, %add3A_1139 : i32
      %add3A_1142 = arith.addi %arg1, %mul3A_1141 : i32
      %lt3A_1143 = arith.constant 625 : i32
      %lt3A_1144 = arith.cmpi slt, %add3A_1142, %lt3A_1143 : i32
      %convert_element_type3A_1145 = arith.extui %lt3A_1144 : i1 to i32
      %cond3A_1146 = arith.constant 0 : i32
      %cond3A_1147 = arith.cmpi ne, %convert_element_type3A_1145, %cond3A_1146 : i32
      scf.if %cond3A_1147 {
        %mul3A_1148 = arith.constant 16 : i32
        %mul3A_1149 = arith.muli %add3A_1142, %mul3A_1148 : i32
        %dma_start3A_1150 = arith.constant 0 : i32
        %dma_start3A_1151 = arith.constant 0 : i32
        %dma_start3A_1152 = tpu.memref_slice %arg15[%dma_start3A_1150, %dma_start3A_1151] : memref<80x128xf32, #tpu.memory_space<vmem>> -> memref<16x128xf32, #tpu.memory_space<vmem>>
        %dma_start3A_1153 = arith.constant 0 : i32
        %dma_start3A_1154 = tpu.memref_slice %arg30[%mul3A_1149, %dma_start3A_1153] : memref<10000x128xf32, #tpu.memory_space<vmem_shared>> -> memref<16x128xf32, #tpu.memory_space<vmem_shared>>
        %dma_start3A_1155 = arith.constant 0 : i32
        %dma_start3A_1156 = tpu.memref_slice %arg30[%mul3A_1149, %dma_start3A_1155] : memref<10000x128xf32, #tpu.memory_space<vmem_shared>> -> memref<16x128xf32, #tpu.memory_space<vmem_shared>>
        %dma_start3A_1157 = arith.constant 0 : i32
        %dma_start3A_1158 = arith.constant 0 : i32
        %dma_start3A_1159 = tpu.memref_slice %arg15[%dma_start3A_1157, %dma_start3A_1158] : memref<80x128xf32, #tpu.memory_space<vmem>> -> memref<16x128xf32, #tpu.memory_space<vmem>>
        tpu.enqueue_dma source(%dma_start3A_1159 : memref<16x128xf32, #tpu.memory_space<vmem>>) target(%dma_start3A_1156 : memref<16x128xf32, #tpu.memory_space<vmem_shared>>) target_semaphore(%arg29 : memref<!tpu.dma_semaphore, #tpu.memory_space<semaphore_mem>>)
      } else {
      }
    }
    %scan3A_770 = arith.constant 40 : i32
    %scan3A_771 = arith.constant 0 : i32
    %scan3A_772 = arith.constant 40 : i32
    %scan3A_773 = arith.addi %scan3A_771, %scan3A_772 : i32
    %scan3A_774 = arith.constant 1 : i32
    scf.for %scan3A_1135 = %scan3A_771 to %scan3A_773 step %scan3A_774  : i32 {
      %mul3A_1136 = arith.constant 1 : i32
      %mul3A_1137 = arith.muli %scan3A_1135, %mul3A_1136 : i32
      %add3A_1138 = arith.constant 0 : i32
      %add3A_1139 = arith.addi %add3A_1138, %mul3A_1137 : i32
      %mul3A_1140 = arith.constant 16 : i32
      %mul3A_1141 = arith.muli %mul3A_1140, %add3A_1139 : i32
      %add3A_1142 = arith.addi %arg1, %mul3A_1141 : i32
      %lt3A_1143 = arith.constant 625 : i32
      %lt3A_1144 = arith.cmpi slt, %add3A_1142, %lt3A_1143 : i32
      %convert_element_type3A_1145 = arith.extui %lt3A_1144 : i1 to i32
      %cond3A_1146 = arith.constant 0 : i32
      %cond3A_1147 = arith.cmpi ne, %convert_element_type3A_1145, %cond3A_1146 : i32
      scf.if %cond3A_1147 {
        %mul3A_1148 = arith.constant 16 : i32
        %mul3A_1149 = arith.muli %add3A_1142, %mul3A_1148 : i32
        %dma_wait3A_1150 = arith.constant 0 : i32
        %dma_wait3A_1151 = arith.constant 0 : i32
        %dma_wait3A_1152 = tpu.memref_slice %arg15[%dma_wait3A_1150, %dma_wait3A_1151] : memref<80x128xf32, #tpu.memory_space<vmem>> -> memref<16x128xf32, #tpu.memory_space<vmem>>
        %dma_wait3A_1153 = arith.constant 0 : i32
        %dma_wait3A_1154 = tpu.memref_slice %arg30[%mul3A_1149, %dma_wait3A_1153] : memref<10000x128xf32, #tpu.memory_space<vmem_shared>> -> memref<16x128xf32, #tpu.memory_space<vmem_shared>>
        %dma_wait3A_1155 = arith.constant 0 : i32
        %dma_wait3A_1156 = tpu.memref_slice %arg30[%mul3A_1149, %dma_wait3A_1155] : memref<10000x128xf32, #tpu.memory_space<vmem_shared>> -> memref<16x128xf32, #tpu.memory_space<vmem_shared>>
        %dma_wait3A_1157 = arith.constant 0 : i32
        %dma_wait3A_1158 = arith.constant 0 : i32
        %dma_wait3A_1159 = tpu.memref_slice %arg15[%dma_wait3A_1157, %dma_wait3A_1158] : memref<80x128xf32, #tpu.memory_space<vmem>> -> memref<16x128xf32, #tpu.memory_space<vmem>>
        tpu.wait_dma2 semaphore(%arg29 : memref<!tpu.dma_semaphore, #tpu.memory_space<semaphore_mem>>) src(%dma_wait3A_1159 : memref<16x128xf32, #tpu.memory_space<vmem>>) dst(%dma_wait3A_1156 : memref<16x128xf32, #tpu.memory_space<vmem_shared>>)
      } else {
      }
    }
    %scan3A_775 = arith.constant 40 : i32
    %barrier3A = arith.constant 0 : index
    tpu.barrier barrier_id(%barrier3A)
    %add3A_776 = arith.constant 0 : i32
    %add3A_777 = arith.addi %add3A, %add3A_776 : i32
    %dma_start3A = arith.constant 0 : i32
    %dma_start3A_778 = tpu.memref_slice %arg4[%add3A_777, %dma_start3A] : memref<4000x80xi32, #tpu.memory_space<hbm>> -> memref<1x80xi32, #tpu.memory_space<hbm>>
    %dma_start3A_779 = arith.constant 0 : i32
    %dma_start3A_780 = tpu.memref_slice %arg4[%add3A_777, %dma_start3A_779] : memref<4000x80xi32, #tpu.memory_space<hbm>> -> memref<1x80xi32, #tpu.memory_space<hbm>>
    tpu.enqueue_dma source(%dma_start3A_780 : memref<1x80xi32, #tpu.memory_space<hbm>>) target(%arg7 : memref<1x80xi32, #tpu.memory_space<vmem>>) target_semaphore(%arg19 : memref<!tpu.dma_semaphore, #tpu.memory_space<semaphore_mem>>)
    %dma_start3A_781 = arith.constant 0 : i32
    %dma_start3A_782 = tpu.memref_slice %arg5[%add3A_777, %dma_start3A_781] : memref<4000x80xi32, #tpu.memory_space<hbm>> -> memref<1x80xi32, #tpu.memory_space<hbm>>
    %dma_start3A_783 = arith.constant 0 : i32
    %dma_start3A_784 = tpu.memref_slice %arg5[%add3A_777, %dma_start3A_783] : memref<4000x80xi32, #tpu.memory_space<hbm>> -> memref<1x80xi32, #tpu.memory_space<hbm>>
    tpu.enqueue_dma source(%dma_start3A_784 : memref<1x80xi32, #tpu.memory_space<hbm>>) target(%arg11 : memref<1x80xi32, #tpu.memory_space<vmem>>) target_semaphore(%arg19 : memref<!tpu.dma_semaphore, #tpu.memory_space<semaphore_mem>>)
    %add3A_785 = arith.constant 32 : i32
    %add3A_786 = arith.addi %add3A, %add3A_785 : i32
    %dma_start3A_787 = arith.constant 0 : i32
    %dma_start3A_788 = tpu.memref_slice %arg4[%add3A_786, %dma_start3A_787] : memref<4000x80xi32, #tpu.memory_space<hbm>> -> memref<1x80xi32, #tpu.memory_space<hbm>>
    %dma_start3A_789 = arith.constant 0 : i32
    %dma_start3A_790 = tpu.memref_slice %arg4[%add3A_786, %dma_start3A_789] : memref<4000x80xi32, #tpu.memory_space<hbm>> -> memref<1x80xi32, #tpu.memory_space<hbm>>
    tpu.enqueue_dma source(%dma_start3A_790 : memref<1x80xi32, #tpu.memory_space<hbm>>) target(%arg8 : memref<1x80xi32, #tpu.memory_space<vmem>>) target_semaphore(%arg20 : memref<!tpu.dma_semaphore, #tpu.memory_space<semaphore_mem>>)
    %dma_start3A_791 = arith.constant 0 : i32
    %dma_start3A_792 = tpu.memref_slice %arg5[%add3A_786, %dma_start3A_791] : memref<4000x80xi32, #tpu.memory_space<hbm>> -> memref<1x80xi32, #tpu.memory_space<hbm>>
    %dma_start3A_793 = arith.constant 0 : i32
    %dma_start3A_794 = tpu.memref_slice %arg5[%add3A_786, %dma_start3A_793] : memref<4000x80xi32, #tpu.memory_space<hbm>> -> memref<1x80xi32, #tpu.memory_space<hbm>>
    tpu.enqueue_dma source(%dma_start3A_794 : memref<1x80xi32, #tpu.memory_space<hbm>>) target(%arg12 : memref<1x80xi32, #tpu.memory_space<vmem>>) target_semaphore(%arg20 : memref<!tpu.dma_semaphore, #tpu.memory_space<semaphore_mem>>)
    %add3A_795 = arith.constant 0 : i32
    %add3A_796 = arith.addi %add3A, %add3A_795 : i32
    %dma_wait3A = arith.constant 0 : i32
    %dma_wait3A_797 = tpu.memref_slice %arg4[%add3A_796, %dma_wait3A] : memref<4000x80xi32, #tpu.memory_space<hbm>> -> memref<1x80xi32, #tpu.memory_space<hbm>>
    %dma_wait3A_798 = arith.constant 0 : i32
    %dma_wait3A_799 = tpu.memref_slice %arg4[%add3A_796, %dma_wait3A_798] : memref<4000x80xi32, #tpu.memory_space<hbm>> -> memref<1x80xi32, #tpu.memory_space<hbm>>
    tpu.wait_dma2 semaphore(%arg19 : memref<!tpu.dma_semaphore, #tpu.memory_space<semaphore_mem>>) src(%dma_wait3A_799 : memref<1x80xi32, #tpu.memory_space<hbm>>) dst(%arg7 : memref<1x80xi32, #tpu.memory_space<vmem>>)
    %dma_wait3A_800 = arith.constant 0 : i32
    %dma_wait3A_801 = tpu.memref_slice %arg5[%add3A_796, %dma_wait3A_800] : memref<4000x80xi32, #tpu.memory_space<hbm>> -> memref<1x80xi32, #tpu.memory_space<hbm>>
    %dma_wait3A_802 = arith.constant 0 : i32
    %dma_wait3A_803 = tpu.memref_slice %arg5[%add3A_796, %dma_wait3A_802] : memref<4000x80xi32, #tpu.memory_space<hbm>> -> memref<1x80xi32, #tpu.memory_space<hbm>>
    tpu.wait_dma2 semaphore(%arg19 : memref<!tpu.dma_semaphore, #tpu.memory_space<semaphore_mem>>) src(%dma_wait3A_803 : memref<1x80xi32, #tpu.memory_space<hbm>>) dst(%arg11 : memref<1x80xi32, #tpu.memory_space<vmem>>)
    %mul3A_804 = arith.constant 80 : i32
    %mul3A_805 = arith.muli %add3A_796, %mul3A_804 : i32
    %dma_start3A_806 = arith.constant 0 : i32
    %dma_start3A_807 = tpu.memref_slice %arg3[%mul3A_805, %dma_start3A_806] : memref<320000x64xi32, #tpu.memory_space<hbm>> -> memref<80x64xi32, #tpu.memory_space<hbm>>
    %dma_start3A_808 = arith.constant 0 : i32
    %dma_start3A_809 = tpu.memref_slice %arg3[%mul3A_805, %dma_start3A_808] : memref<320000x64xi32, #tpu.memory_space<hbm>> -> memref<80x64xi32, #tpu.memory_space<hbm>>
    tpu.enqueue_dma source(%dma_start3A_809 : memref<80x64xi32, #tpu.memory_space<hbm>>) target(%arg17 : memref<80x64xi32, #tpu.memory_space<vmem>>) target_semaphore(%arg23 : memref<!tpu.dma_semaphore, #tpu.memory_space<semaphore_mem>>)
    %dma_start3A_810 = arith.constant 0 : i32
    %dma_start3A_811 = arith.constant 0 : i32
    %dma_start3A_812 = tpu.memref_slice %arg7[%dma_start3A_810, %dma_start3A_811] : memref<1x80xi32, #tpu.memory_space<vmem>> -> memref<1x80xi32, #tpu.memory_space<vmem>>
    %dma_start3A_813 = tpu.memref_squeeze %dma_start3A_812 : memref<1x80xi32, #tpu.memory_space<vmem>> -> memref<80xi32, #tpu.memory_space<vmem>>
    %dma_start3A_814 = arith.constant 0 : i32
    %dma_start3A_815 = arith.constant 0 : i32
    %dma_start3A_816 = tpu.memref_slice %arg2[%dma_start3A_814, %dma_start3A_815] : memref<10000x128xf32, #tpu.memory_space<hbm>> -> memref<10000x128xf32, #tpu.memory_space<hbm>>
    tpu.enqueue_indirect_dma source(%dma_start3A_816 : memref<10000x128xf32, #tpu.memory_space<hbm>>) target(%arg15 : memref<80x128xf32, #tpu.memory_space<vmem>>) offsets(%dma_start3A_813 : memref<80xi32, #tpu.memory_space<vmem>>) semaphore(%arg25 : memref<!tpu.dma_semaphore, #tpu.memory_space<semaphore_mem>>)
    %add3A_817 = arith.constant 64 : i32
    %add3A_818 = arith.addi %add3A, %add3A_817 : i32
    %dma_start3A_819 = arith.constant 0 : i32
    %dma_start3A_820 = tpu.memref_slice %arg4[%add3A_818, %dma_start3A_819] : memref<4000x80xi32, #tpu.memory_space<hbm>> -> memref<1x80xi32, #tpu.memory_space<hbm>>
    %dma_start3A_821 = arith.constant 0 : i32
    %dma_start3A_822 = tpu.memref_slice %arg4[%add3A_818, %dma_start3A_821] : memref<4000x80xi32, #tpu.memory_space<hbm>> -> memref<1x80xi32, #tpu.memory_space<hbm>>
    tpu.enqueue_dma source(%dma_start3A_822 : memref<1x80xi32, #tpu.memory_space<hbm>>) target(%arg9 : memref<1x80xi32, #tpu.memory_space<vmem>>) target_semaphore(%arg21 : memref<!tpu.dma_semaphore, #tpu.memory_space<semaphore_mem>>)
    %dma_start3A_823 = arith.constant 0 : i32
    %dma_start3A_824 = tpu.memref_slice %arg5[%add3A_818, %dma_start3A_823] : memref<4000x80xi32, #tpu.memory_space<hbm>> -> memref<1x80xi32, #tpu.memory_space<hbm>>
    %dma_start3A_825 = arith.constant 0 : i32
    %dma_start3A_826 = tpu.memref_slice %arg5[%add3A_818, %dma_start3A_825] : memref<4000x80xi32, #tpu.memory_space<hbm>> -> memref<1x80xi32, #tpu.memory_space<hbm>>
    tpu.enqueue_dma source(%dma_start3A_826 : memref<1x80xi32, #tpu.memory_space<hbm>>) target(%arg13 : memref<1x80xi32, #tpu.memory_space<vmem>>) target_semaphore(%arg21 : memref<!tpu.dma_semaphore, #tpu.memory_space<semaphore_mem>>)
    %add3A_827 = arith.constant 32 : i32
    %add3A_828 = arith.addi %add3A, %add3A_827 : i32
    %dma_wait3A_829 = arith.constant 0 : i32
    %dma_wait3A_830 = tpu.memref_slice %arg4[%add3A_828, %dma_wait3A_829] : memref<4000x80xi32, #tpu.memory_space<hbm>> -> memref<1x80xi32, #tpu.memory_space<hbm>>
    %dma_wait3A_831 = arith.constant 0 : i32
    %dma_wait3A_832 = tpu.memref_slice %arg4[%add3A_828, %dma_wait3A_831] : memref<4000x80xi32, #tpu.memory_space<hbm>> -> memref<1x80xi32, #tpu.memory_space<hbm>>
    tpu.wait_dma2 semaphore(%arg20 : memref<!tpu.dma_semaphore, #tpu.memory_space<semaphore_mem>>) src(%dma_wait3A_832 : memref<1x80xi32, #tpu.memory_space<hbm>>) dst(%arg8 : memref<1x80xi32, #tpu.memory_space<vmem>>)
    %dma_wait3A_833 = arith.constant 0 : i32
    %dma_wait3A_834 = tpu.memref_slice %arg5[%add3A_828, %dma_wait3A_833] : memref<4000x80xi32, #tpu.memory_space<hbm>> -> memref<1x80xi32, #tpu.memory_space<hbm>>
    %dma_wait3A_835 = arith.constant 0 : i32
    %dma_wait3A_836 = tpu.memref_slice %arg5[%add3A_828, %dma_wait3A_835] : memref<4000x80xi32, #tpu.memory_space<hbm>> -> memref<1x80xi32, #tpu.memory_space<hbm>>
    tpu.wait_dma2 semaphore(%arg20 : memref<!tpu.dma_semaphore, #tpu.memory_space<semaphore_mem>>) src(%dma_wait3A_836 : memref<1x80xi32, #tpu.memory_space<hbm>>) dst(%arg12 : memref<1x80xi32, #tpu.memory_space<vmem>>)
    %mul3A_837 = arith.constant 80 : i32
    %mul3A_838 = arith.muli %add3A_828, %mul3A_837 : i32
    %dma_start3A_839 = arith.constant 0 : i32
    %dma_start3A_840 = tpu.memref_slice %arg3[%mul3A_838, %dma_start3A_839] : memref<320000x64xi32, #tpu.memory_space<hbm>> -> memref<80x64xi32, #tpu.memory_space<hbm>>
    %dma_start3A_841 = arith.constant 0 : i32
    %dma_start3A_842 = tpu.memref_slice %arg3[%mul3A_838, %dma_start3A_841] : memref<320000x64xi32, #tpu.memory_space<hbm>> -> memref<80x64xi32, #tpu.memory_space<hbm>>
    tpu.enqueue_dma source(%dma_start3A_842 : memref<80x64xi32, #tpu.memory_space<hbm>>) target(%arg18 : memref<80x64xi32, #tpu.memory_space<vmem>>) target_semaphore(%arg24 : memref<!tpu.dma_semaphore, #tpu.memory_space<semaphore_mem>>)
    %dma_start3A_843 = arith.constant 0 : i32
    %dma_start3A_844 = arith.constant 0 : i32
    %dma_start3A_845 = tpu.memref_slice %arg8[%dma_start3A_843, %dma_start3A_844] : memref<1x80xi32, #tpu.memory_space<vmem>> -> memref<1x80xi32, #tpu.memory_space<vmem>>
    %dma_start3A_846 = tpu.memref_squeeze %dma_start3A_845 : memref<1x80xi32, #tpu.memory_space<vmem>> -> memref<80xi32, #tpu.memory_space<vmem>>
    %dma_start3A_847 = arith.constant 0 : i32
    %dma_start3A_848 = arith.constant 0 : i32
    %dma_start3A_849 = tpu.memref_slice %arg2[%dma_start3A_847, %dma_start3A_848] : memref<10000x128xf32, #tpu.memory_space<hbm>> -> memref<10000x128xf32, #tpu.memory_space<hbm>>
    tpu.enqueue_indirect_dma source(%dma_start3A_849 : memref<10000x128xf32, #tpu.memory_space<hbm>>) target(%arg16 : memref<80x128xf32, #tpu.memory_space<vmem>>) offsets(%dma_start3A_846 : memref<80xi32, #tpu.memory_space<vmem>>) semaphore(%arg26 : memref<!tpu.dma_semaphore, #tpu.memory_space<semaphore_mem>>)
    %add3A_850 = arith.constant 0 : i32
    %add3A_851 = arith.addi %add3A, %add3A_850 : i32
    %mul3A_852 = arith.constant 80 : i32
    %mul3A_853 = arith.muli %add3A_851, %mul3A_852 : i32
    %dma_wait3A_854 = arith.constant 0 : i32
    %dma_wait3A_855 = tpu.memref_slice %arg3[%mul3A_853, %dma_wait3A_854] : memref<320000x64xi32, #tpu.memory_space<hbm>> -> memref<80x64xi32, #tpu.memory_space<hbm>>
    %dma_wait3A_856 = arith.constant 0 : i32
    %dma_wait3A_857 = tpu.memref_slice %arg3[%mul3A_853, %dma_wait3A_856] : memref<320000x64xi32, #tpu.memory_space<hbm>> -> memref<80x64xi32, #tpu.memory_space<hbm>>
    tpu.wait_dma2 semaphore(%arg23 : memref<!tpu.dma_semaphore, #tpu.memory_space<semaphore_mem>>) src(%dma_wait3A_857 : memref<80x64xi32, #tpu.memory_space<hbm>>) dst(%arg17 : memref<80x64xi32, #tpu.memory_space<vmem>>)
    %dma_wait3A_858 = arith.constant 0 : i32
    %dma_wait3A_859 = arith.constant 0 : i32
    %dma_wait3A_860 = tpu.memref_slice %arg7[%dma_wait3A_858, %dma_wait3A_859] : memref<1x80xi32, #tpu.memory_space<vmem>> -> memref<1x80xi32, #tpu.memory_space<vmem>>
    %dma_wait3A_861 = tpu.memref_squeeze %dma_wait3A_860 : memref<1x80xi32, #tpu.memory_space<vmem>> -> memref<80xi32, #tpu.memory_space<vmem>>
    %dma_wait3A_862 = arith.constant 0 : i32
    %dma_wait3A_863 = arith.constant 0 : i32
    %dma_wait3A_864 = tpu.memref_slice %arg2[%dma_wait3A_862, %dma_wait3A_863] : memref<10000x128xf32, #tpu.memory_space<hbm>> -> memref<10000x128xf32, #tpu.memory_space<hbm>>
    tpu.wait_indirect_dma semaphore(%arg25 : memref<!tpu.dma_semaphore, #tpu.memory_space<semaphore_mem>>) src(%dma_wait3A_864 : memref<10000x128xf32, #tpu.memory_space<hbm>>) dst(%arg15 : memref<80x128xf32, #tpu.memory_space<vmem>>)
    %scan3A_865 = arith.constant 0 : i32
    %scan3A_866 = arith.constant 40 : i32
    %scan3A_867 = arith.addi %scan3A_865, %scan3A_866 : i32
    %scan3A_868 = arith.constant 1 : i32
    scf.for %scan3A_1135 = %scan3A_865 to %scan3A_867 step %scan3A_868  : i32 {
      %mul3A_1136 = arith.constant 1 : i32
      %mul3A_1137 = arith.muli %scan3A_1135, %mul3A_1136 : i32
      %add3A_1138 = arith.constant 0 : i32
      %add3A_1139 = arith.addi %add3A_1138, %mul3A_1137 : i32
      %mul3A_1140 = arith.constant 2 : i32
      %mul3A_1141 = arith.muli %add3A_1139, %mul3A_1140 : i32
      %add3A_1142 = arith.constant 0 : i32
      %add3A_1143 = arith.addi %mul3A_1141, %add3A_1142 : i32
      %get3A = arith.index_cast %add3A_1143 : i32 to index
      %get3A_1144 = arith.constant 0 : index
      %get3A_1145 = tpu.vector_load %arg17[%get3A, %get3A_1144] {strides = array<i32>} : memref<80x64xi32, #tpu.memory_space<vmem>>, vector<16xi32>,
      %get3A_1146 = arith.index_cast %add3A_1143 : i32 to index
      %get3A_1147 = arith.constant 0 : index
      %get3A_1148 = tpu.vector_load %arg15[%get3A_1146, %get3A_1147] {strides = array<i32>} : memref<80x128xf32, #tpu.memory_space<vmem>>, vector<16xf32>,
      %get3A_1149 = arith.index_cast %add3A_1143 : i32 to index
      %get3A_1150 = arith.constant 64 : index
      %get3A_1151 = tpu.vector_load %arg15[%get3A_1149, %get3A_1150] {strides = array<i32>} : memref<80x128xf32, #tpu.memory_space<vmem>>, vector<16xf32>,
      %shift_left3A = arith.constant 16 : i32
      %shift_left3A_1152 = vector.broadcast %shift_left3A : i32 to vector<16xi32>
      %shift_left3A_1153 = arith.shli %get3A_1145, %shift_left3A_1152 : vector<16xi32>
      %bitcast3A = vector.bitcast %shift_left3A_1153 : vector<16xi32> to vector<16xf32>
      %add3A_1154 = arith.addf %bitcast3A, %get3A_1148 : vector<16xf32>
      %max3A = arith.constant 0.000000e+00 : f32
      %max3A_1155 = vector.broadcast %max3A : f32 to vector<16xf32>
      %max3A_1156 = arith.maximumf %add3A_1154, %max3A_1155 : vector<16xf32>
      %swap3A_1157 = arith.index_cast %add3A_1143 : i32 to index
      %swap3A_1158 = arith.constant 0 : index
      %swap3A_1159 = tpu.vector_load %arg15[%swap3A_1157, %swap3A_1158] {strides = array<i32>} : memref<80x128xf32, #tpu.memory_space<vmem>>, vector<16xf32>,
      tpu.vector_store %arg15[%swap3A_1157, %swap3A_1158], %max3A_1156 {strides = array<i32>} : memref<80x128xf32, #tpu.memory_space<vmem>>, vector<16xf32>,
      %and3A_1160 = arith.constant -65536 : i32
      %and3A_1161 = vector.broadcast %and3A_1160 : i32 to vector<16xi32>
      %and3A_1162 = arith.andi %get3A_1145, %and3A_1161 : vector<16xi32>
      %bitcast3A_1163 = vector.bitcast %and3A_1162 : vector<16xi32> to vector<16xf32>
      %add3A_1164 = arith.addf %bitcast3A_1163, %get3A_1151 : vector<16xf32>
      %max3A_1165 = arith.constant 0.000000e+00 : f32
      %max3A_1166 = vector.broadcast %max3A_1165 : f32 to vector<16xf32>
      %max3A_1167 = arith.maximumf %add3A_1164, %max3A_1166 : vector<16xf32>
      %swap3A_1168 = arith.index_cast %add3A_1143 : i32 to index
      %swap3A_1169 = arith.constant 64 : index
      %swap3A_1170 = tpu.vector_load %arg15[%swap3A_1168, %swap3A_1169] {strides = array<i32>} : memref<80x128xf32, #tpu.memory_space<vmem>>, vector<16xf32>,
      tpu.vector_store %arg15[%swap3A_1168, %swap3A_1169], %max3A_1167 {strides = array<i32>} : memref<80x128xf32, #tpu.memory_space<vmem>>, vector<16xf32>,
      %get3A_1171 = arith.index_cast %add3A_1143 : i32 to index
      %get3A_1172 = arith.constant 16 : index
      %get3A_1173 = tpu.vector_load %arg17[%get3A_1171, %get3A_1172] {strides = array<i32>} : memref<80x64xi32, #tpu.memory_space<vmem>>, vector<16xi32>,
      %get3A_1174 = arith.index_cast %add3A_1143 : i32 to index
      %get3A_1175 = arith.constant 16 : index
      %get3A_1176 = tpu.vector_load %arg15[%get3A_1174, %get3A_1175] {strides = array<i32>} : memref<80x128xf32, #tpu.memory_space<vmem>>, vector<16xf32>,
      %get3A_1177 = arith.index_cast %add3A_1143 : i32 to index
      %get3A_1178 = arith.constant 80 : index
      %get3A_1179 = tpu.vector_load %arg15[%get3A_1177, %get3A_1178] {strides = array<i32>} : memref<80x128xf32, #tpu.memory_space<vmem>>, vector<16xf32>,
      %shift_left3A_1180 = arith.constant 16 : i32
      %shift_left3A_1181 = vector.broadcast %shift_left3A_1180 : i32 to vector<16xi32>
      %shift_left3A_1182 = arith.shli %get3A_1173, %shift_left3A_1181 : vector<16xi32>
      %bitcast3A_1183 = vector.bitcast %shift_left3A_1182 : vector<16xi32> to vector<16xf32>
      %add3A_1184 = arith.addf %bitcast3A_1183, %get3A_1176 : vector<16xf32>
      %max3A_1185 = arith.constant 0.000000e+00 : f32
      %max3A_1186 = vector.broadcast %max3A_1185 : f32 to vector<16xf32>
      %max3A_1187 = arith.maximumf %add3A_1184, %max3A_1186 : vector<16xf32>
      %swap3A_1188 = arith.index_cast %add3A_1143 : i32 to index
      %swap3A_1189 = arith.constant 16 : index
      %swap3A_1190 = tpu.vector_load %arg15[%swap3A_1188, %swap3A_1189] {strides = array<i32>} : memref<80x128xf32, #tpu.memory_space<vmem>>, vector<16xf32>,
      tpu.vector_store %arg15[%swap3A_1188, %swap3A_1189], %max3A_1187 {strides = array<i32>} : memref<80x128xf32, #tpu.memory_space<vmem>>, vector<16xf32>,
      %and3A_1191 = arith.constant -65536 : i32
      %and3A_1192 = vector.broadcast %and3A_1191 : i32 to vector<16xi32>
      %and3A_1193 = arith.andi %get3A_1173, %and3A_1192 : vector<16xi32>
      %bitcast3A_1194 = vector.bitcast %and3A_1193 : vector<16xi32> to vector<16xf32>
      %add3A_1195 = arith.addf %bitcast3A_1194, %get3A_1179 : vector<16xf32>
      %max3A_1196 = arith.constant 0.000000e+00 : f32
      %max3A_1197 = vector.broadcast %max3A_1196 : f32 to vector<16xf32>
      %max3A_1198 = arith.maximumf %add3A_1195, %max3A_1197 : vector<16xf32>
      %swap3A_1199 = arith.index_cast %add3A_1143 : i32 to index
      %swap3A_1200 = arith.constant 80 : index
      %swap3A_1201 = tpu.vector_load %arg15[%swap3A_1199, %swap3A_1200] {strides = array<i32>} : memref<80x128xf32, #tpu.memory_space<vmem>>, vector<16xf32>,
      tpu.vector_store %arg15[%swap3A_1199, %swap3A_1200], %max3A_1198 {strides = array<i32>} : memref<80x128xf32, #tpu.memory_space<vmem>>, vector<16xf32>,
      %get3A_1202 = arith.index_cast %add3A_1143 : i32 to index
      %get3A_1203 = arith.constant 32 : index
      %get3A_1204 = tpu.vector_load %arg17[%get3A_1202, %get3A_1203] {strides = array<i32>} : memref<80x64xi32, #tpu.memory_space<vmem>>, vector<16xi32>,
      %get3A_1205 = arith.index_cast %add3A_1143 : i32 to index
      %get3A_1206 = arith.constant 32 : index
      %get3A_1207 = tpu.vector_load %arg15[%get3A_1205, %get3A_1206] {strides = array<i32>} : memref<80x128xf32, #tpu.memory_space<vmem>>, vector<16xf32>,
      %get3A_1208 = arith.index_cast %add3A_1143 : i32 to index
      %get3A_1209 = arith.constant 96 : index
      %get3A_1210 = tpu.vector_load %arg15[%get3A_1208, %get3A_1209] {strides = array<i32>} : memref<80x128xf32, #tpu.memory_space<vmem>>, vector<16xf32>,
      %shift_left3A_1211 = arith.constant 16 : i32
      %shift_left3A_1212 = vector.broadcast %shift_left3A_1211 : i32 to vector<16xi32>
      %shift_left3A_1213 = arith.shli %get3A_1204, %shift_left3A_1212 : vector<16xi32>
      %bitcast3A_1214 = vector.bitcast %shift_left3A_1213 : vector<16xi32> to vector<16xf32>
      %add3A_1215 = arith.addf %bitcast3A_1214, %get3A_1207 : vector<16xf32>
      %max3A_1216 = arith.constant 0.000000e+00 : f32
      %max3A_1217 = vector.broadcast %max3A_1216 : f32 to vector<16xf32>
      %max3A_1218 = arith.maximumf %add3A_1215, %max3A_1217 : vector<16xf32>
      %swap3A_1219 = arith.index_cast %add3A_1143 : i32 to index
      %swap3A_1220 = arith.constant 32 : index
      %swap3A_1221 = tpu.vector_load %arg15[%swap3A_1219, %swap3A_1220] {strides = array<i32>} : memref<80x128xf32, #tpu.memory_space<vmem>>, vector<16xf32>,
      tpu.vector_store %arg15[%swap3A_1219, %swap3A_1220], %max3A_1218 {strides = array<i32>} : memref<80x128xf32, #tpu.memory_space<vmem>>, vector<16xf32>,
      %and3A_1222 = arith.constant -65536 : i32
      %and3A_1223 = vector.broadcast %and3A_1222 : i32 to vector<16xi32>
      %and3A_1224 = arith.andi %get3A_1204, %and3A_1223 : vector<16xi32>
      %bitcast3A_1225 = vector.bitcast %and3A_1224 : vector<16xi32> to vector<16xf32>
      %add3A_1226 = arith.addf %bitcast3A_1225, %get3A_1210 : vector<16xf32>
      %max3A_1227 = arith.constant 0.000000e+00 : f32
      %max3A_1228 = vector.broadcast %max3A_1227 : f32 to vector<16xf32>
      %max3A_1229 = arith.maximumf %add3A_1226, %max3A_1228 : vector<16xf32>
      %swap3A_1230 = arith.index_cast %add3A_1143 : i32 to index
      %swap3A_1231 = arith.constant 96 : index
      %swap3A_1232 = tpu.vector_load %arg15[%swap3A_1230, %swap3A_1231] {strides = array<i32>} : memref<80x128xf32, #tpu.memory_space<vmem>>, vector<16xf32>,
      tpu.vector_store %arg15[%swap3A_1230, %swap3A_1231], %max3A_1229 {strides = array<i32>} : memref<80x128xf32, #tpu.memory_space<vmem>>, vector<16xf32>,
      %get3A_1233 = arith.index_cast %add3A_1143 : i32 to index
      %get3A_1234 = arith.constant 48 : index
      %get3A_1235 = tpu.vector_load %arg17[%get3A_1233, %get3A_1234] {strides = array<i32>} : memref<80x64xi32, #tpu.memory_space<vmem>>, vector<16xi32>,
      %get3A_1236 = arith.index_cast %add3A_1143 : i32 to index
      %get3A_1237 = arith.constant 48 : index
      %get3A_1238 = tpu.vector_load %arg15[%get3A_1236, %get3A_1237] {strides = array<i32>} : memref<80x128xf32, #tpu.memory_space<vmem>>, vector<16xf32>,
      %get3A_1239 = arith.index_cast %add3A_1143 : i32 to index
      %get3A_1240 = arith.constant 112 : index
      %get3A_1241 = tpu.vector_load %arg15[%get3A_1239, %get3A_1240] {strides = array<i32>} : memref<80x128xf32, #tpu.memory_space<vmem>>, vector<16xf32>,
      %shift_left3A_1242 = arith.constant 16 : i32
      %shift_left3A_1243 = vector.broadcast %shift_left3A_1242 : i32 to vector<16xi32>
      %shift_left3A_1244 = arith.shli %get3A_1235, %shift_left3A_1243 : vector<16xi32>
      %bitcast3A_1245 = vector.bitcast %shift_left3A_1244 : vector<16xi32> to vector<16xf32>
      %add3A_1246 = arith.addf %bitcast3A_1245, %get3A_1238 : vector<16xf32>
      %max3A_1247 = arith.constant 0.000000e+00 : f32
      %max3A_1248 = vector.broadcast %max3A_1247 : f32 to vector<16xf32>
      %max3A_1249 = arith.maximumf %add3A_1246, %max3A_1248 : vector<16xf32>
      %swap3A_1250 = arith.index_cast %add3A_1143 : i32 to index
      %swap3A_1251 = arith.constant 48 : index
      %swap3A_1252 = tpu.vector_load %arg15[%swap3A_1250, %swap3A_1251] {strides = array<i32>} : memref<80x128xf32, #tpu.memory_space<vmem>>, vector<16xf32>,
      tpu.vector_store %arg15[%swap3A_1250, %swap3A_1251], %max3A_1249 {strides = array<i32>} : memref<80x128xf32, #tpu.memory_space<vmem>>, vector<16xf32>,
      %and3A_1253 = arith.constant -65536 : i32
      %and3A_1254 = vector.broadcast %and3A_1253 : i32 to vector<16xi32>
      %and3A_1255 = arith.andi %get3A_1235, %and3A_1254 : vector<16xi32>
      %bitcast3A_1256 = vector.bitcast %and3A_1255 : vector<16xi32> to vector<16xf32>
      %add3A_1257 = arith.addf %bitcast3A_1256, %get3A_1241 : vector<16xf32>
      %max3A_1258 = arith.constant 0.000000e+00 : f32
      %max3A_1259 = vector.broadcast %max3A_1258 : f32 to vector<16xf32>
      %max3A_1260 = arith.maximumf %add3A_1257, %max3A_1259 : vector<16xf32>
      %swap3A_1261 = arith.index_cast %add3A_1143 : i32 to index
      %swap3A_1262 = arith.constant 112 : index
      %swap3A_1263 = tpu.vector_load %arg15[%swap3A_1261, %swap3A_1262] {strides = array<i32>} : memref<80x128xf32, #tpu.memory_space<vmem>>, vector<16xf32>,
      tpu.vector_store %arg15[%swap3A_1261, %swap3A_1262], %max3A_1260 {strides = array<i32>} : memref<80x128xf32, #tpu.memory_space<vmem>>, vector<16xf32>,
      %mul3A_1264 = arith.constant 2 : i32
      %mul3A_1265 = arith.muli %add3A_1139, %mul3A_1264 : i32
      %add3A_1266 = arith.constant 1 : i32
      %add3A_1267 = arith.addi %mul3A_1265, %add3A_1266 : i32
      %get3A_1268 = arith.index_cast %add3A_1267 : i32 to index
      %get3A_1269 = arith.constant 0 : index
      %get3A_1270 = tpu.vector_load %arg17[%get3A_1268, %get3A_1269] {strides = array<i32>} : memref<80x64xi32, #tpu.memory_space<vmem>>, vector<16xi32>,
      %get3A_1271 = arith.index_cast %add3A_1267 : i32 to index
      %get3A_1272 = arith.constant 0 : index
      %get3A_1273 = tpu.vector_load %arg15[%get3A_1271, %get3A_1272] {strides = array<i32>} : memref<80x128xf32, #tpu.memory_space<vmem>>, vector<16xf32>,
      %get3A_1274 = arith.index_cast %add3A_1267 : i32 to index
      %get3A_1275 = arith.constant 64 : index
      %get3A_1276 = tpu.vector_load %arg15[%get3A_1274, %get3A_1275] {strides = array<i32>} : memref<80x128xf32, #tpu.memory_space<vmem>>, vector<16xf32>,
      %shift_left3A_1277 = arith.constant 16 : i32
      %shift_left3A_1278 = vector.broadcast %shift_left3A_1277 : i32 to vector<16xi32>
      %shift_left3A_1279 = arith.shli %get3A_1270, %shift_left3A_1278 : vector<16xi32>
      %bitcast3A_1280 = vector.bitcast %shift_left3A_1279 : vector<16xi32> to vector<16xf32>
      %add3A_1281 = arith.addf %bitcast3A_1280, %get3A_1273 : vector<16xf32>
      %max3A_1282 = arith.constant 0.000000e+00 : f32
      %max3A_1283 = vector.broadcast %max3A_1282 : f32 to vector<16xf32>
      %max3A_1284 = arith.maximumf %add3A_1281, %max3A_1283 : vector<16xf32>
      %swap3A_1285 = arith.index_cast %add3A_1267 : i32 to index
      %swap3A_1286 = arith.constant 0 : index
      %swap3A_1287 = tpu.vector_load %arg15[%swap3A_1285, %swap3A_1286] {strides = array<i32>} : memref<80x128xf32, #tpu.memory_space<vmem>>, vector<16xf32>,
      tpu.vector_store %arg15[%swap3A_1285, %swap3A_1286], %max3A_1284 {strides = array<i32>} : memref<80x128xf32, #tpu.memory_space<vmem>>, vector<16xf32>,
      %and3A_1288 = arith.constant -65536 : i32
      %and3A_1289 = vector.broadcast %and3A_1288 : i32 to vector<16xi32>
      %and3A_1290 = arith.andi %get3A_1270, %and3A_1289 : vector<16xi32>
      %bitcast3A_1291 = vector.bitcast %and3A_1290 : vector<16xi32> to vector<16xf32>
      %add3A_1292 = arith.addf %bitcast3A_1291, %get3A_1276 : vector<16xf32>
      %max3A_1293 = arith.constant 0.000000e+00 : f32
      %max3A_1294 = vector.broadcast %max3A_1293 : f32 to vector<16xf32>
      %max3A_1295 = arith.maximumf %add3A_1292, %max3A_1294 : vector<16xf32>
      %swap3A_1296 = arith.index_cast %add3A_1267 : i32 to index
      %swap3A_1297 = arith.constant 64 : index
      %swap3A_1298 = tpu.vector_load %arg15[%swap3A_1296, %swap3A_1297] {strides = array<i32>} : memref<80x128xf32, #tpu.memory_space<vmem>>, vector<16xf32>,
      tpu.vector_store %arg15[%swap3A_1296, %swap3A_1297], %max3A_1295 {strides = array<i32>} : memref<80x128xf32, #tpu.memory_space<vmem>>, vector<16xf32>,
      %get3A_1299 = arith.index_cast %add3A_1267 : i32 to index
      %get3A_1300 = arith.constant 16 : index
      %get3A_1301 = tpu.vector_load %arg17[%get3A_1299, %get3A_1300] {strides = array<i32>} : memref<80x64xi32, #tpu.memory_space<vmem>>, vector<16xi32>,
      %get3A_1302 = arith.index_cast %add3A_1267 : i32 to index
      %get3A_1303 = arith.constant 16 : index
      %get3A_1304 = tpu.vector_load %arg15[%get3A_1302, %get3A_1303] {strides = array<i32>} : memref<80x128xf32, #tpu.memory_space<vmem>>, vector<16xf32>,
      %get3A_1305 = arith.index_cast %add3A_1267 : i32 to index
      %get3A_1306 = arith.constant 80 : index
      %get3A_1307 = tpu.vector_load %arg15[%get3A_1305, %get3A_1306] {strides = array<i32>} : memref<80x128xf32, #tpu.memory_space<vmem>>, vector<16xf32>,
      %shift_left3A_1308 = arith.constant 16 : i32
      %shift_left3A_1309 = vector.broadcast %shift_left3A_1308 : i32 to vector<16xi32>
      %shift_left3A_1310 = arith.shli %get3A_1301, %shift_left3A_1309 : vector<16xi32>
      %bitcast3A_1311 = vector.bitcast %shift_left3A_1310 : vector<16xi32> to vector<16xf32>
      %add3A_1312 = arith.addf %bitcast3A_1311, %get3A_1304 : vector<16xf32>
      %max3A_1313 = arith.constant 0.000000e+00 : f32
      %max3A_1314 = vector.broadcast %max3A_1313 : f32 to vector<16xf32>
      %max3A_1315 = arith.maximumf %add3A_1312, %max3A_1314 : vector<16xf32>
      %swap3A_1316 = arith.index_cast %add3A_1267 : i32 to index
      %swap3A_1317 = arith.constant 16 : index
      %swap3A_1318 = tpu.vector_load %arg15[%swap3A_1316, %swap3A_1317] {strides = array<i32>} : memref<80x128xf32, #tpu.memory_space<vmem>>, vector<16xf32>,
      tpu.vector_store %arg15[%swap3A_1316, %swap3A_1317], %max3A_1315 {strides = array<i32>} : memref<80x128xf32, #tpu.memory_space<vmem>>, vector<16xf32>,
      %and3A_1319 = arith.constant -65536 : i32
      %and3A_1320 = vector.broadcast %and3A_1319 : i32 to vector<16xi32>
      %and3A_1321 = arith.andi %get3A_1301, %and3A_1320 : vector<16xi32>
      %bitcast3A_1322 = vector.bitcast %and3A_1321 : vector<16xi32> to vector<16xf32>
      %add3A_1323 = arith.addf %bitcast3A_1322, %get3A_1307 : vector<16xf32>
      %max3A_1324 = arith.constant 0.000000e+00 : f32
      %max3A_1325 = vector.broadcast %max3A_1324 : f32 to vector<16xf32>
      %max3A_1326 = arith.maximumf %add3A_1323, %max3A_1325 : vector<16xf32>
      %swap3A_1327 = arith.index_cast %add3A_1267 : i32 to index
      %swap3A_1328 = arith.constant 80 : index
      %swap3A_1329 = tpu.vector_load %arg15[%swap3A_1327, %swap3A_1328] {strides = array<i32>} : memref<80x128xf32, #tpu.memory_space<vmem>>, vector<16xf32>,
      tpu.vector_store %arg15[%swap3A_1327, %swap3A_1328], %max3A_1326 {strides = array<i32>} : memref<80x128xf32, #tpu.memory_space<vmem>>, vector<16xf32>,
      %get3A_1330 = arith.index_cast %add3A_1267 : i32 to index
      %get3A_1331 = arith.constant 32 : index
      %get3A_1332 = tpu.vector_load %arg17[%get3A_1330, %get3A_1331] {strides = array<i32>} : memref<80x64xi32, #tpu.memory_space<vmem>>, vector<16xi32>,
      %get3A_1333 = arith.index_cast %add3A_1267 : i32 to index
      %get3A_1334 = arith.constant 32 : index
      %get3A_1335 = tpu.vector_load %arg15[%get3A_1333, %get3A_1334] {strides = array<i32>} : memref<80x128xf32, #tpu.memory_space<vmem>>, vector<16xf32>,
      %get3A_1336 = arith.index_cast %add3A_1267 : i32 to index
      %get3A_1337 = arith.constant 96 : index
      %get3A_1338 = tpu.vector_load %arg15[%get3A_1336, %get3A_1337] {strides = array<i32>} : memref<80x128xf32, #tpu.memory_space<vmem>>, vector<16xf32>,
      %shift_left3A_1339 = arith.constant 16 : i32
      %shift_left3A_1340 = vector.broadcast %shift_left3A_1339 : i32 to vector<16xi32>
      %shift_left3A_1341 = arith.shli %get3A_1332, %shift_left3A_1340 : vector<16xi32>
      %bitcast3A_1342 = vector.bitcast %shift_left3A_1341 : vector<16xi32> to vector<16xf32>
      %add3A_1343 = arith.addf %bitcast3A_1342, %get3A_1335 : vector<16xf32>
      %max3A_1344 = arith.constant 0.000000e+00 : f32
      %max3A_1345 = vector.broadcast %max3A_1344 : f32 to vector<16xf32>
      %max3A_1346 = arith.maximumf %add3A_1343, %max3A_1345 : vector<16xf32>
      %swap3A_1347 = arith.index_cast %add3A_1267 : i32 to index
      %swap3A_1348 = arith.constant 32 : index
      %swap3A_1349 = tpu.vector_load %arg15[%swap3A_1347, %swap3A_1348] {strides = array<i32>} : memref<80x128xf32, #tpu.memory_space<vmem>>, vector<16xf32>,
      tpu.vector_store %arg15[%swap3A_1347, %swap3A_1348], %max3A_1346 {strides = array<i32>} : memref<80x128xf32, #tpu.memory_space<vmem>>, vector<16xf32>,
      %and3A_1350 = arith.constant -65536 : i32
      %and3A_1351 = vector.broadcast %and3A_1350 : i32 to vector<16xi32>
      %and3A_1352 = arith.andi %get3A_1332, %and3A_1351 : vector<16xi32>
      %bitcast3A_1353 = vector.bitcast %and3A_1352 : vector<16xi32> to vector<16xf32>
      %add3A_1354 = arith.addf %bitcast3A_1353, %get3A_1338 : vector<16xf32>
      %max3A_1355 = arith.constant 0.000000e+00 : f32
      %max3A_1356 = vector.broadcast %max3A_1355 : f32 to vector<16xf32>
      %max3A_1357 = arith.maximumf %add3A_1354, %max3A_1356 : vector<16xf32>
      %swap3A_1358 = arith.index_cast %add3A_1267 : i32 to index
      %swap3A_1359 = arith.constant 96 : index
      %swap3A_1360 = tpu.vector_load %arg15[%swap3A_1358, %swap3A_1359] {strides = array<i32>} : memref<80x128xf32, #tpu.memory_space<vmem>>, vector<16xf32>,
      tpu.vector_store %arg15[%swap3A_1358, %swap3A_1359], %max3A_1357 {strides = array<i32>} : memref<80x128xf32, #tpu.memory_space<vmem>>, vector<16xf32>,
      %get3A_1361 = arith.index_cast %add3A_1267 : i32 to index
      %get3A_1362 = arith.constant 48 : index
      %get3A_1363 = tpu.vector_load %arg17[%get3A_1361, %get3A_1362] {strides = array<i32>} : memref<80x64xi32, #tpu.memory_space<vmem>>, vector<16xi32>,
      %get3A_1364 = arith.index_cast %add3A_1267 : i32 to index
      %get3A_1365 = arith.constant 48 : index
      %get3A_1366 = tpu.vector_load %arg15[%get3A_1364, %get3A_1365] {strides = array<i32>} : memref<80x128xf32, #tpu.memory_space<vmem>>, vector<16xf32>,
      %get3A_1367 = arith.index_cast %add3A_1267 : i32 to index
      %get3A_1368 = arith.constant 112 : index
      %get3A_1369 = tpu.vector_load %arg15[%get3A_1367, %get3A_1368] {strides = array<i32>} : memref<80x128xf32, #tpu.memory_space<vmem>>, vector<16xf32>,
      %shift_left3A_1370 = arith.constant 16 : i32
      %shift_left3A_1371 = vector.broadcast %shift_left3A_1370 : i32 to vector<16xi32>
      %shift_left3A_1372 = arith.shli %get3A_1363, %shift_left3A_1371 : vector<16xi32>
      %bitcast3A_1373 = vector.bitcast %shift_left3A_1372 : vector<16xi32> to vector<16xf32>
      %add3A_1374 = arith.addf %bitcast3A_1373, %get3A_1366 : vector<16xf32>
      %max3A_1375 = arith.constant 0.000000e+00 : f32
      %max3A_1376 = vector.broadcast %max3A_1375 : f32 to vector<16xf32>
      %max3A_1377 = arith.maximumf %add3A_1374, %max3A_1376 : vector<16xf32>
      %swap3A_1378 = arith.index_cast %add3A_1267 : i32 to index
      %swap3A_1379 = arith.constant 48 : index
      %swap3A_1380 = tpu.vector_load %arg15[%swap3A_1378, %swap3A_1379] {strides = array<i32>} : memref<80x128xf32, #tpu.memory_space<vmem>>, vector<16xf32>,
      tpu.vector_store %arg15[%swap3A_1378, %swap3A_1379], %max3A_1377 {strides = array<i32>} : memref<80x128xf32, #tpu.memory_space<vmem>>, vector<16xf32>,
      %and3A_1381 = arith.constant -65536 : i32
      %and3A_1382 = vector.broadcast %and3A_1381 : i32 to vector<16xi32>
      %and3A_1383 = arith.andi %get3A_1363, %and3A_1382 : vector<16xi32>
      %bitcast3A_1384 = vector.bitcast %and3A_1383 : vector<16xi32> to vector<16xf32>
      %add3A_1385 = arith.addf %bitcast3A_1384, %get3A_1369 : vector<16xf32>
      %max3A_1386 = arith.constant 0.000000e+00 : f32
      %max3A_1387 = vector.broadcast %max3A_1386 : f32 to vector<16xf32>
      %max3A_1388 = arith.maximumf %add3A_1385, %max3A_1387 : vector<16xf32>
      %swap3A_1389 = arith.index_cast %add3A_1267 : i32 to index
      %swap3A_1390 = arith.constant 112 : index
      %swap3A_1391 = tpu.vector_load %arg15[%swap3A_1389, %swap3A_1390] {strides = array<i32>} : memref<80x128xf32, #tpu.memory_space<vmem>>, vector<16xf32>,
      tpu.vector_store %arg15[%swap3A_1389, %swap3A_1390], %max3A_1388 {strides = array<i32>} : memref<80x128xf32, #tpu.memory_space<vmem>>, vector<16xf32>,
    }
    %scan3A_869 = arith.constant 40 : i32
    %dma_start3A_870 = arith.constant 0 : i32
    %dma_start3A_871 = arith.constant 0 : i32
    %dma_start3A_872 = tpu.memref_slice %arg11[%dma_start3A_870, %dma_start3A_871] : memref<1x80xi32, #tpu.memory_space<vmem>> -> memref<1x80xi32, #tpu.memory_space<vmem>>
    %dma_start3A_873 = tpu.memref_squeeze %dma_start3A_872 : memref<1x80xi32, #tpu.memory_space<vmem>> -> memref<80xi32, #tpu.memory_space<vmem>>
    %dma_start3A_874 = arith.constant 0 : i32
    %dma_start3A_875 = arith.constant 0 : i32
    %dma_start3A_876 = tpu.memref_slice %arg30[%dma_start3A_874, %dma_start3A_875] : memref<10000x128xf32, #tpu.memory_space<vmem_shared>> -> memref<10000x128xf32, #tpu.memory_space<vmem_shared>>
    tpu.enqueue_indirect_dma source(%arg15 : memref<80x128xf32, #tpu.memory_space<vmem>>) target(%dma_start3A_876 : memref<10000x128xf32, #tpu.memory_space<vmem_shared>>) offsets(%dma_start3A_873 : memref<80xi32, #tpu.memory_space<vmem>>) semaphore(%arg27 : memref<!tpu.dma_semaphore, #tpu.memory_space<semaphore_mem>>) {add = true}
    %add3A_877 = arith.constant 96 : i32
    %add3A_878 = arith.addi %add3A, %add3A_877 : i32
    %dma_start3A_879 = arith.constant 0 : i32
    %dma_start3A_880 = tpu.memref_slice %arg4[%add3A_878, %dma_start3A_879] : memref<4000x80xi32, #tpu.memory_space<hbm>> -> memref<1x80xi32, #tpu.memory_space<hbm>>
    %dma_start3A_881 = arith.constant 0 : i32
    %dma_start3A_882 = tpu.memref_slice %arg4[%add3A_878, %dma_start3A_881] : memref<4000x80xi32, #tpu.memory_space<hbm>> -> memref<1x80xi32, #tpu.memory_space<hbm>>
    tpu.enqueue_dma source(%dma_start3A_882 : memref<1x80xi32, #tpu.memory_space<hbm>>) target(%arg10 : memref<1x80xi32, #tpu.memory_space<vmem>>) target_semaphore(%arg22 : memref<!tpu.dma_semaphore, #tpu.memory_space<semaphore_mem>>)
    %dma_start3A_883 = arith.constant 0 : i32
    %dma_start3A_884 = tpu.memref_slice %arg5[%add3A_878, %dma_start3A_883] : memref<4000x80xi32, #tpu.memory_space<hbm>> -> memref<1x80xi32, #tpu.memory_space<hbm>>
    %dma_start3A_885 = arith.constant 0 : i32
    %dma_start3A_886 = tpu.memref_slice %arg5[%add3A_878, %dma_start3A_885] : memref<4000x80xi32, #tpu.memory_space<hbm>> -> memref<1x80xi32, #tpu.memory_space<hbm>>
    tpu.enqueue_dma source(%dma_start3A_886 : memref<1x80xi32, #tpu.memory_space<hbm>>) target(%arg14 : memref<1x80xi32, #tpu.memory_space<vmem>>) target_semaphore(%arg22 : memref<!tpu.dma_semaphore, #tpu.memory_space<semaphore_mem>>)
    %add3A_887 = arith.constant 64 : i32
    %add3A_888 = arith.addi %add3A, %add3A_887 : i32
    %dma_wait3A_889 = arith.constant 0 : i32
    %dma_wait3A_890 = tpu.memref_slice %arg4[%add3A_888, %dma_wait3A_889] : memref<4000x80xi32, #tpu.memory_space<hbm>> -> memref<1x80xi32, #tpu.memory_space<hbm>>
    %dma_wait3A_891 = arith.constant 0 : i32
    %dma_wait3A_892 = tpu.memref_slice %arg4[%add3A_888, %dma_wait3A_891] : memref<4000x80xi32, #tpu.memory_space<hbm>> -> memref<1x80xi32, #tpu.memory_space<hbm>>
    tpu.wait_dma2 semaphore(%arg21 : memref<!tpu.dma_semaphore, #tpu.memory_space<semaphore_mem>>) src(%dma_wait3A_892 : memref<1x80xi32, #tpu.memory_space<hbm>>) dst(%arg9 : memref<1x80xi32, #tpu.memory_space<vmem>>)
    %dma_wait3A_893 = arith.constant 0 : i32
    %dma_wait3A_894 = tpu.memref_slice %arg5[%add3A_888, %dma_wait3A_893] : memref<4000x80xi32, #tpu.memory_space<hbm>> -> memref<1x80xi32, #tpu.memory_space<hbm>>
    %dma_wait3A_895 = arith.constant 0 : i32
    %dma_wait3A_896 = tpu.memref_slice %arg5[%add3A_888, %dma_wait3A_895] : memref<4000x80xi32, #tpu.memory_space<hbm>> -> memref<1x80xi32, #tpu.memory_space<hbm>>
    tpu.wait_dma2 semaphore(%arg21 : memref<!tpu.dma_semaphore, #tpu.memory_space<semaphore_mem>>) src(%dma_wait3A_896 : memref<1x80xi32, #tpu.memory_space<hbm>>) dst(%arg13 : memref<1x80xi32, #tpu.memory_space<vmem>>)
    %dma_wait3A_897 = arith.constant 0 : i32
    %dma_wait3A_898 = arith.constant 0 : i32
    %dma_wait3A_899 = tpu.memref_slice %arg11[%dma_wait3A_897, %dma_wait3A_898] : memref<1x80xi32, #tpu.memory_space<vmem>> -> memref<1x80xi32, #tpu.memory_space<vmem>>
    %dma_wait3A_900 = tpu.memref_squeeze %dma_wait3A_899 : memref<1x80xi32, #tpu.memory_space<vmem>> -> memref<80xi32, #tpu.memory_space<vmem>>
    %dma_wait3A_901 = arith.constant 0 : i32
    %dma_wait3A_902 = arith.constant 0 : i32
    %dma_wait3A_903 = tpu.memref_slice %arg30[%dma_wait3A_901, %dma_wait3A_902] : memref<10000x128xf32, #tpu.memory_space<vmem_shared>> -> memref<10000x128xf32, #tpu.memory_space<vmem_shared>>
    tpu.wait_indirect_dma semaphore(%arg27 : memref<!tpu.dma_semaphore, #tpu.memory_space<semaphore_mem>>) src(%arg15 : memref<80x128xf32, #tpu.memory_space<vmem>>) dst(%dma_wait3A_903 : memref<10000x128xf32, #tpu.memory_space<vmem_shared>>)
    %mul3A_904 = arith.constant 80 : i32
    %mul3A_905 = arith.muli %add3A_888, %mul3A_904 : i32
    %dma_start3A_906 = arith.constant 0 : i32
    %dma_start3A_907 = tpu.memref_slice %arg3[%mul3A_905, %dma_start3A_906] : memref<320000x64xi32, #tpu.memory_space<hbm>> -> memref<80x64xi32, #tpu.memory_space<hbm>>
    %dma_start3A_908 = arith.constant 0 : i32
    %dma_start3A_909 = tpu.memref_slice %arg3[%mul3A_905, %dma_start3A_908] : memref<320000x64xi32, #tpu.memory_space<hbm>> -> memref<80x64xi32, #tpu.memory_space<hbm>>
    tpu.enqueue_dma source(%dma_start3A_909 : memref<80x64xi32, #tpu.memory_space<hbm>>) target(%arg17 : memref<80x64xi32, #tpu.memory_space<vmem>>) target_semaphore(%arg23 : memref<!tpu.dma_semaphore, #tpu.memory_space<semaphore_mem>>)
    %dma_start3A_910 = arith.constant 0 : i32
    %dma_start3A_911 = arith.constant 0 : i32
    %dma_start3A_912 = tpu.memref_slice %arg9[%dma_start3A_910, %dma_start3A_911] : memref<1x80xi32, #tpu.memory_space<vmem>> -> memref<1x80xi32, #tpu.memory_space<vmem>>
    %dma_start3A_913 = tpu.memref_squeeze %dma_start3A_912 : memref<1x80xi32, #tpu.memory_space<vmem>> -> memref<80xi32, #tpu.memory_space<vmem>>
    %dma_start3A_914 = arith.constant 0 : i32
    %dma_start3A_915 = arith.constant 0 : i32
    %dma_start3A_916 = tpu.memref_slice %arg2[%dma_start3A_914, %dma_start3A_915] : memref<10000x128xf32, #tpu.memory_space<hbm>> -> memref<10000x128xf32, #tpu.memory_space<hbm>>
    tpu.enqueue_indirect_dma source(%dma_start3A_916 : memref<10000x128xf32, #tpu.memory_space<hbm>>) target(%arg15 : memref<80x128xf32, #tpu.memory_space<vmem>>) offsets(%dma_start3A_913 : memref<80xi32, #tpu.memory_space<vmem>>) semaphore(%arg25 : memref<!tpu.dma_semaphore, #tpu.memory_space<semaphore_mem>>)
    %add3A_917 = arith.constant 32 : i32
    %add3A_918 = arith.addi %add3A, %add3A_917 : i32
    %mul3A_919 = arith.constant 80 : i32
    %mul3A_920 = arith.muli %add3A_918, %mul3A_919 : i32
    %dma_wait3A_921 = arith.constant 0 : i32
    %dma_wait3A_922 = tpu.memref_slice %arg3[%mul3A_920, %dma_wait3A_921] : memref<320000x64xi32, #tpu.memory_space<hbm>> -> memref<80x64xi32, #tpu.memory_space<hbm>>
    %dma_wait3A_923 = arith.constant 0 : i32
    %dma_wait3A_924 = tpu.memref_slice %arg3[%mul3A_920, %dma_wait3A_923] : memref<320000x64xi32, #tpu.memory_space<hbm>> -> memref<80x64xi32, #tpu.memory_space<hbm>>
    tpu.wait_dma2 semaphore(%arg24 : memref<!tpu.dma_semaphore, #tpu.memory_space<semaphore_mem>>) src(%dma_wait3A_924 : memref<80x64xi32, #tpu.memory_space<hbm>>) dst(%arg18 : memref<80x64xi32, #tpu.memory_space<vmem>>)
    %dma_wait3A_925 = arith.constant 0 : i32
    %dma_wait3A_926 = arith.constant 0 : i32
    %dma_wait3A_927 = tpu.memref_slice %arg8[%dma_wait3A_925, %dma_wait3A_926] : memref<1x80xi32, #tpu.memory_space<vmem>> -> memref<1x80xi32, #tpu.memory_space<vmem>>
    %dma_wait3A_928 = tpu.memref_squeeze %dma_wait3A_927 : memref<1x80xi32, #tpu.memory_space<vmem>> -> memref<80xi32, #tpu.memory_space<vmem>>
    %dma_wait3A_929 = arith.constant 0 : i32
    %dma_wait3A_930 = arith.constant 0 : i32
    %dma_wait3A_931 = tpu.memref_slice %arg2[%dma_wait3A_929, %dma_wait3A_930] : memref<10000x128xf32, #tpu.memory_space<hbm>> -> memref<10000x128xf32, #tpu.memory_space<hbm>>
    tpu.wait_indirect_dma semaphore(%arg26 : memref<!tpu.dma_semaphore, #tpu.memory_space<semaphore_mem>>) src(%dma_wait3A_931 : memref<10000x128xf32, #tpu.memory_space<hbm>>) dst(%arg16 : memref<80x128xf32, #tpu.memory_space<vmem>>)
    %scan3A_932 = arith.constant 0 : i32
    %scan3A_933 = arith.constant 40 : i32
    %scan3A_934 = arith.addi %scan3A_932, %scan3A_933 : i32
    %scan3A_935 = arith.constant 1 : i32
    scf.for %scan3A_1135 = %scan3A_932 to %scan3A_934 step %scan3A_935  : i32 {
      %mul3A_1136 = arith.constant 1 : i32
      %mul3A_1137 = arith.muli %scan3A_1135, %mul3A_1136 : i32
      %add3A_1138 = arith.constant 0 : i32
      %add3A_1139 = arith.addi %add3A_1138, %mul3A_1137 : i32
      %mul3A_1140 = arith.constant 2 : i32
      %mul3A_1141 = arith.muli %add3A_1139, %mul3A_1140 : i32
      %add3A_1142 = arith.constant 0 : i32
      %add3A_1143 = arith.addi %mul3A_1141, %add3A_1142 : i32
      %get3A = arith.index_cast %add3A_1143 : i32 to index
      %get3A_1144 = arith.constant 0 : index
      %get3A_1145 = tpu.vector_load %arg18[%get3A, %get3A_1144] {strides = array<i32>} : memref<80x64xi32, #tpu.memory_space<vmem>>, vector<16xi32>,
      %get3A_1146 = arith.index_cast %add3A_1143 : i32 to index
      %get3A_1147 = arith.constant 0 : index
      %get3A_1148 = tpu.vector_load %arg16[%get3A_1146, %get3A_1147] {strides = array<i32>} : memref<80x128xf32, #tpu.memory_space<vmem>>, vector<16xf32>,
      %get3A_1149 = arith.index_cast %add3A_1143 : i32 to index
      %get3A_1150 = arith.constant 64 : index
      %get3A_1151 = tpu.vector_load %arg16[%get3A_1149, %get3A_1150] {strides = array<i32>} : memref<80x128xf32, #tpu.memory_space<vmem>>, vector<16xf32>,
      %shift_left3A = arith.constant 16 : i32
      %shift_left3A_1152 = vector.broadcast %shift_left3A : i32 to vector<16xi32>
      %shift_left3A_1153 = arith.shli %get3A_1145, %shift_left3A_1152 : vector<16xi32>
      %bitcast3A = vector.bitcast %shift_left3A_1153 : vector<16xi32> to vector<16xf32>
      %add3A_1154 = arith.addf %bitcast3A, %get3A_1148 : vector<16xf32>
      %max3A = arith.constant 0.000000e+00 : f32
      %max3A_1155 = vector.broadcast %max3A : f32 to vector<16xf32>
      %max3A_1156 = arith.maximumf %add3A_1154, %max3A_1155 : vector<16xf32>
      %swap3A_1157 = arith.index_cast %add3A_1143 : i32 to index
      %swap3A_1158 = arith.constant 0 : index
      %swap3A_1159 = tpu.vector_load %arg16[%swap3A_1157, %swap3A_1158] {strides = array<i32>} : memref<80x128xf32, #tpu.memory_space<vmem>>, vector<16xf32>,
      tpu.vector_store %arg16[%swap3A_1157, %swap3A_1158], %max3A_1156 {strides = array<i32>} : memref<80x128xf32, #tpu.memory_space<vmem>>, vector<16xf32>,
      %and3A_1160 = arith.constant -65536 : i32
      %and3A_1161 = vector.broadcast %and3A_1160 : i32 to vector<16xi32>
      %and3A_1162 = arith.andi %get3A_1145, %and3A_1161 : vector<16xi32>
      %bitcast3A_1163 = vector.bitcast %and3A_1162 : vector<16xi32> to vector<16xf32>
      %add3A_1164 = arith.addf %bitcast3A_1163, %get3A_1151 : vector<16xf32>
      %max3A_1165 = arith.constant 0.000000e+00 : f32
      %max3A_1166 = vector.broadcast %max3A_1165 : f32 to vector<16xf32>
      %max3A_1167 = arith.maximumf %add3A_1164, %max3A_1166 : vector<16xf32>
      %swap3A_1168 = arith.index_cast %add3A_1143 : i32 to index
      %swap3A_1169 = arith.constant 64 : index
      %swap3A_1170 = tpu.vector_load %arg16[%swap3A_1168, %swap3A_1169] {strides = array<i32>} : memref<80x128xf32, #tpu.memory_space<vmem>>, vector<16xf32>,
      tpu.vector_store %arg16[%swap3A_1168, %swap3A_1169], %max3A_1167 {strides = array<i32>} : memref<80x128xf32, #tpu.memory_space<vmem>>, vector<16xf32>,
      %get3A_1171 = arith.index_cast %add3A_1143 : i32 to index
      %get3A_1172 = arith.constant 16 : index
      %get3A_1173 = tpu.vector_load %arg18[%get3A_1171, %get3A_1172] {strides = array<i32>} : memref<80x64xi32, #tpu.memory_space<vmem>>, vector<16xi32>,
      %get3A_1174 = arith.index_cast %add3A_1143 : i32 to index
      %get3A_1175 = arith.constant 16 : index
      %get3A_1176 = tpu.vector_load %arg16[%get3A_1174, %get3A_1175] {strides = array<i32>} : memref<80x128xf32, #tpu.memory_space<vmem>>, vector<16xf32>,
      %get3A_1177 = arith.index_cast %add3A_1143 : i32 to index
      %get3A_1178 = arith.constant 80 : index
      %get3A_1179 = tpu.vector_load %arg16[%get3A_1177, %get3A_1178] {strides = array<i32>} : memref<80x128xf32, #tpu.memory_space<vmem>>, vector<16xf32>,
      %shift_left3A_1180 = arith.constant 16 : i32
      %shift_left3A_1181 = vector.broadcast %shift_left3A_1180 : i32 to vector<16xi32>
      %shift_left3A_1182 = arith.shli %get3A_1173, %shift_left3A_1181 : vector<16xi32>
      %bitcast3A_1183 = vector.bitcast %shift_left3A_1182 : vector<16xi32> to vector<16xf32>
      %add3A_1184 = arith.addf %bitcast3A_1183, %get3A_1176 : vector<16xf32>
      %max3A_1185 = arith.constant 0.000000e+00 : f32
      %max3A_1186 = vector.broadcast %max3A_1185 : f32 to vector<16xf32>
      %max3A_1187 = arith.maximumf %add3A_1184, %max3A_1186 : vector<16xf32>
      %swap3A_1188 = arith.index_cast %add3A_1143 : i32 to index
      %swap3A_1189 = arith.constant 16 : index
      %swap3A_1190 = tpu.vector_load %arg16[%swap3A_1188, %swap3A_1189] {strides = array<i32>} : memref<80x128xf32, #tpu.memory_space<vmem>>, vector<16xf32>,
      tpu.vector_store %arg16[%swap3A_1188, %swap3A_1189], %max3A_1187 {strides = array<i32>} : memref<80x128xf32, #tpu.memory_space<vmem>>, vector<16xf32>,
      %and3A_1191 = arith.constant -65536 : i32
      %and3A_1192 = vector.broadcast %and3A_1191 : i32 to vector<16xi32>
      %and3A_1193 = arith.andi %get3A_1173, %and3A_1192 : vector<16xi32>
      %bitcast3A_1194 = vector.bitcast %and3A_1193 : vector<16xi32> to vector<16xf32>
      %add3A_1195 = arith.addf %bitcast3A_1194, %get3A_1179 : vector<16xf32>
      %max3A_1196 = arith.constant 0.000000e+00 : f32
      %max3A_1197 = vector.broadcast %max3A_1196 : f32 to vector<16xf32>
      %max3A_1198 = arith.maximumf %add3A_1195, %max3A_1197 : vector<16xf32>
      %swap3A_1199 = arith.index_cast %add3A_1143 : i32 to index
      %swap3A_1200 = arith.constant 80 : index
      %swap3A_1201 = tpu.vector_load %arg16[%swap3A_1199, %swap3A_1200] {strides = array<i32>} : memref<80x128xf32, #tpu.memory_space<vmem>>, vector<16xf32>,
      tpu.vector_store %arg16[%swap3A_1199, %swap3A_1200], %max3A_1198 {strides = array<i32>} : memref<80x128xf32, #tpu.memory_space<vmem>>, vector<16xf32>,
      %get3A_1202 = arith.index_cast %add3A_1143 : i32 to index
      %get3A_1203 = arith.constant 32 : index
      %get3A_1204 = tpu.vector_load %arg18[%get3A_1202, %get3A_1203] {strides = array<i32>} : memref<80x64xi32, #tpu.memory_space<vmem>>, vector<16xi32>,
      %get3A_1205 = arith.index_cast %add3A_1143 : i32 to index
      %get3A_1206 = arith.constant 32 : index
      %get3A_1207 = tpu.vector_load %arg16[%get3A_1205, %get3A_1206] {strides = array<i32>} : memref<80x128xf32, #tpu.memory_space<vmem>>, vector<16xf32>,
      %get3A_1208 = arith.index_cast %add3A_1143 : i32 to index
      %get3A_1209 = arith.constant 96 : index
      %get3A_1210 = tpu.vector_load %arg16[%get3A_1208, %get3A_1209] {strides = array<i32>} : memref<80x128xf32, #tpu.memory_space<vmem>>, vector<16xf32>,
      %shift_left3A_1211 = arith.constant 16 : i32
      %shift_left3A_1212 = vector.broadcast %shift_left3A_1211 : i32 to vector<16xi32>
      %shift_left3A_1213 = arith.shli %get3A_1204, %shift_left3A_1212 : vector<16xi32>
      %bitcast3A_1214 = vector.bitcast %shift_left3A_1213 : vector<16xi32> to vector<16xf32>
      %add3A_1215 = arith.addf %bitcast3A_1214, %get3A_1207 : vector<16xf32>
      %max3A_1216 = arith.constant 0.000000e+00 : f32
      %max3A_1217 = vector.broadcast %max3A_1216 : f32 to vector<16xf32>
      %max3A_1218 = arith.maximumf %add3A_1215, %max3A_1217 : vector<16xf32>
      %swap3A_1219 = arith.index_cast %add3A_1143 : i32 to index
      %swap3A_1220 = arith.constant 32 : index
      %swap3A_1221 = tpu.vector_load %arg16[%swap3A_1219, %swap3A_1220] {strides = array<i32>} : memref<80x128xf32, #tpu.memory_space<vmem>>, vector<16xf32>,
      tpu.vector_store %arg16[%swap3A_1219, %swap3A_1220], %max3A_1218 {strides = array<i32>} : memref<80x128xf32, #tpu.memory_space<vmem>>, vector<16xf32>,
      %and3A_1222 = arith.constant -65536 : i32
      %and3A_1223 = vector.broadcast %and3A_1222 : i32 to vector<16xi32>
      %and3A_1224 = arith.andi %get3A_1204, %and3A_1223 : vector<16xi32>
      %bitcast3A_1225 = vector.bitcast %and3A_1224 : vector<16xi32> to vector<16xf32>
      %add3A_1226 = arith.addf %bitcast3A_1225, %get3A_1210 : vector<16xf32>
      %max3A_1227 = arith.constant 0.000000e+00 : f32
      %max3A_1228 = vector.broadcast %max3A_1227 : f32 to vector<16xf32>
      %max3A_1229 = arith.maximumf %add3A_1226, %max3A_1228 : vector<16xf32>
      %swap3A_1230 = arith.index_cast %add3A_1143 : i32 to index
      %swap3A_1231 = arith.constant 96 : index
      %swap3A_1232 = tpu.vector_load %arg16[%swap3A_1230, %swap3A_1231] {strides = array<i32>} : memref<80x128xf32, #tpu.memory_space<vmem>>, vector<16xf32>,
      tpu.vector_store %arg16[%swap3A_1230, %swap3A_1231], %max3A_1229 {strides = array<i32>} : memref<80x128xf32, #tpu.memory_space<vmem>>, vector<16xf32>,
      %get3A_1233 = arith.index_cast %add3A_1143 : i32 to index
      %get3A_1234 = arith.constant 48 : index
      %get3A_1235 = tpu.vector_load %arg18[%get3A_1233, %get3A_1234] {strides = array<i32>} : memref<80x64xi32, #tpu.memory_space<vmem>>, vector<16xi32>,
      %get3A_1236 = arith.index_cast %add3A_1143 : i32 to index
      %get3A_1237 = arith.constant 48 : index
      %get3A_1238 = tpu.vector_load %arg16[%get3A_1236, %get3A_1237] {strides = array<i32>} : memref<80x128xf32, #tpu.memory_space<vmem>>, vector<16xf32>,
      %get3A_1239 = arith.index_cast %add3A_1143 : i32 to index
      %get3A_1240 = arith.constant 112 : index
      %get3A_1241 = tpu.vector_load %arg16[%get3A_1239, %get3A_1240] {strides = array<i32>} : memref<80x128xf32, #tpu.memory_space<vmem>>, vector<16xf32>,
      %shift_left3A_1242 = arith.constant 16 : i32
      %shift_left3A_1243 = vector.broadcast %shift_left3A_1242 : i32 to vector<16xi32>
      %shift_left3A_1244 = arith.shli %get3A_1235, %shift_left3A_1243 : vector<16xi32>
      %bitcast3A_1245 = vector.bitcast %shift_left3A_1244 : vector<16xi32> to vector<16xf32>
      %add3A_1246 = arith.addf %bitcast3A_1245, %get3A_1238 : vector<16xf32>
      %max3A_1247 = arith.constant 0.000000e+00 : f32
      %max3A_1248 = vector.broadcast %max3A_1247 : f32 to vector<16xf32>
      %max3A_1249 = arith.maximumf %add3A_1246, %max3A_1248 : vector<16xf32>
      %swap3A_1250 = arith.index_cast %add3A_1143 : i32 to index
      %swap3A_1251 = arith.constant 48 : index
      %swap3A_1252 = tpu.vector_load %arg16[%swap3A_1250, %swap3A_1251] {strides = array<i32>} : memref<80x128xf32, #tpu.memory_space<vmem>>, vector<16xf32>,
      tpu.vector_store %arg16[%swap3A_1250, %swap3A_1251], %max3A_1249 {strides = array<i32>} : memref<80x128xf32, #tpu.memory_space<vmem>>, vector<16xf32>,
      %and3A_1253 = arith.constant -65536 : i32
      %and3A_1254 = vector.broadcast %and3A_1253 : i32 to vector<16xi32>
      %and3A_1255 = arith.andi %get3A_1235, %and3A_1254 : vector<16xi32>
      %bitcast3A_1256 = vector.bitcast %and3A_1255 : vector<16xi32> to vector<16xf32>
      %add3A_1257 = arith.addf %bitcast3A_1256, %get3A_1241 : vector<16xf32>
      %max3A_1258 = arith.constant 0.000000e+00 : f32
      %max3A_1259 = vector.broadcast %max3A_1258 : f32 to vector<16xf32>
      %max3A_1260 = arith.maximumf %add3A_1257, %max3A_1259 : vector<16xf32>
      %swap3A_1261 = arith.index_cast %add3A_1143 : i32 to index
      %swap3A_1262 = arith.constant 112 : index
      %swap3A_1263 = tpu.vector_load %arg16[%swap3A_1261, %swap3A_1262] {strides = array<i32>} : memref<80x128xf32, #tpu.memory_space<vmem>>, vector<16xf32>,
      tpu.vector_store %arg16[%swap3A_1261, %swap3A_1262], %max3A_1260 {strides = array<i32>} : memref<80x128xf32, #tpu.memory_space<vmem>>, vector<16xf32>,
      %mul3A_1264 = arith.constant 2 : i32
      %mul3A_1265 = arith.muli %add3A_1139, %mul3A_1264 : i32
      %add3A_1266 = arith.constant 1 : i32
      %add3A_1267 = arith.addi %mul3A_1265, %add3A_1266 : i32
      %get3A_1268 = arith.index_cast %add3A_1267 : i32 to index
      %get3A_1269 = arith.constant 0 : index
      %get3A_1270 = tpu.vector_load %arg18[%get3A_1268, %get3A_1269] {strides = array<i32>} : memref<80x64xi32, #tpu.memory_space<vmem>>, vector<16xi32>,
      %get3A_1271 = arith.index_cast %add3A_1267 : i32 to index
      %get3A_1272 = arith.constant 0 : index
      %get3A_1273 = tpu.vector_load %arg16[%get3A_1271, %get3A_1272] {strides = array<i32>} : memref<80x128xf32, #tpu.memory_space<vmem>>, vector<16xf32>,
      %get3A_1274 = arith.index_cast %add3A_1267 : i32 to index
      %get3A_1275 = arith.constant 64 : index
      %get3A_1276 = tpu.vector_load %arg16[%get3A_1274, %get3A_1275] {strides = array<i32>} : memref<80x128xf32, #tpu.memory_space<vmem>>, vector<16xf32>,
      %shift_left3A_1277 = arith.constant 16 : i32
      %shift_left3A_1278 = vector.broadcast %shift_left3A_1277 : i32 to vector<16xi32>
      %shift_left3A_1279 = arith.shli %get3A_1270, %shift_left3A_1278 : vector<16xi32>
      %bitcast3A_1280 = vector.bitcast %shift_left3A_1279 : vector<16xi32> to vector<16xf32>
      %add3A_1281 = arith.addf %bitcast3A_1280, %get3A_1273 : vector<16xf32>
      %max3A_1282 = arith.constant 0.000000e+00 : f32
      %max3A_1283 = vector.broadcast %max3A_1282 : f32 to vector<16xf32>
      %max3A_1284 = arith.maximumf %add3A_1281, %max3A_1283 : vector<16xf32>
      %swap3A_1285 = arith.index_cast %add3A_1267 : i32 to index
      %swap3A_1286 = arith.constant 0 : index
      %swap3A_1287 = tpu.vector_load %arg16[%swap3A_1285, %swap3A_1286] {strides = array<i32>} : memref<80x128xf32, #tpu.memory_space<vmem>>, vector<16xf32>,
      tpu.vector_store %arg16[%swap3A_1285, %swap3A_1286], %max3A_1284 {strides = array<i32>} : memref<80x128xf32, #tpu.memory_space<vmem>>, vector<16xf32>,
      %and3A_1288 = arith.constant -65536 : i32
      %and3A_1289 = vector.broadcast %and3A_1288 : i32 to vector<16xi32>
      %and3A_1290 = arith.andi %get3A_1270, %and3A_1289 : vector<16xi32>
      %bitcast3A_1291 = vector.bitcast %and3A_1290 : vector<16xi32> to vector<16xf32>
      %add3A_1292 = arith.addf %bitcast3A_1291, %get3A_1276 : vector<16xf32>
      %max3A_1293 = arith.constant 0.000000e+00 : f32
      %max3A_1294 = vector.broadcast %max3A_1293 : f32 to vector<16xf32>
      %max3A_1295 = arith.maximumf %add3A_1292, %max3A_1294 : vector<16xf32>
      %swap3A_1296 = arith.index_cast %add3A_1267 : i32 to index
      %swap3A_1297 = arith.constant 64 : index
      %swap3A_1298 = tpu.vector_load %arg16[%swap3A_1296, %swap3A_1297] {strides = array<i32>} : memref<80x128xf32, #tpu.memory_space<vmem>>, vector<16xf32>,
      tpu.vector_store %arg16[%swap3A_1296, %swap3A_1297], %max3A_1295 {strides = array<i32>} : memref<80x128xf32, #tpu.memory_space<vmem>>, vector<16xf32>,
      %get3A_1299 = arith.index_cast %add3A_1267 : i32 to index
      %get3A_1300 = arith.constant 16 : index
      %get3A_1301 = tpu.vector_load %arg18[%get3A_1299, %get3A_1300] {strides = array<i32>} : memref<80x64xi32, #tpu.memory_space<vmem>>, vector<16xi32>,
      %get3A_1302 = arith.index_cast %add3A_1267 : i32 to index
      %get3A_1303 = arith.constant 16 : index
      %get3A_1304 = tpu.vector_load %arg16[%get3A_1302, %get3A_1303] {strides = array<i32>} : memref<80x128xf32, #tpu.memory_space<vmem>>, vector<16xf32>,
      %get3A_1305 = arith.index_cast %add3A_1267 : i32 to index
      %get3A_1306 = arith.constant 80 : index
      %get3A_1307 = tpu.vector_load %arg16[%get3A_1305, %get3A_1306] {strides = array<i32>} : memref<80x128xf32, #tpu.memory_space<vmem>>, vector<16xf32>,
      %shift_left3A_1308 = arith.constant 16 : i32
      %shift_left3A_1309 = vector.broadcast %shift_left3A_1308 : i32 to vector<16xi32>
      %shift_left3A_1310 = arith.shli %get3A_1301, %shift_left3A_1309 : vector<16xi32>
      %bitcast3A_1311 = vector.bitcast %shift_left3A_1310 : vector<16xi32> to vector<16xf32>
      %add3A_1312 = arith.addf %bitcast3A_1311, %get3A_1304 : vector<16xf32>
      %max3A_1313 = arith.constant 0.000000e+00 : f32
      %max3A_1314 = vector.broadcast %max3A_1313 : f32 to vector<16xf32>
      %max3A_1315 = arith.maximumf %add3A_1312, %max3A_1314 : vector<16xf32>
      %swap3A_1316 = arith.index_cast %add3A_1267 : i32 to index
      %swap3A_1317 = arith.constant 16 : index
      %swap3A_1318 = tpu.vector_load %arg16[%swap3A_1316, %swap3A_1317] {strides = array<i32>} : memref<80x128xf32, #tpu.memory_space<vmem>>, vector<16xf32>,
      tpu.vector_store %arg16[%swap3A_1316, %swap3A_1317], %max3A_1315 {strides = array<i32>} : memref<80x128xf32, #tpu.memory_space<vmem>>, vector<16xf32>,
      %and3A_1319 = arith.constant -65536 : i32
      %and3A_1320 = vector.broadcast %and3A_1319 : i32 to vector<16xi32>
      %and3A_1321 = arith.andi %get3A_1301, %and3A_1320 : vector<16xi32>
      %bitcast3A_1322 = vector.bitcast %and3A_1321 : vector<16xi32> to vector<16xf32>
      %add3A_1323 = arith.addf %bitcast3A_1322, %get3A_1307 : vector<16xf32>
      %max3A_1324 = arith.constant 0.000000e+00 : f32
      %max3A_1325 = vector.broadcast %max3A_1324 : f32 to vector<16xf32>
      %max3A_1326 = arith.maximumf %add3A_1323, %max3A_1325 : vector<16xf32>
      %swap3A_1327 = arith.index_cast %add3A_1267 : i32 to index
      %swap3A_1328 = arith.constant 80 : index
      %swap3A_1329 = tpu.vector_load %arg16[%swap3A_1327, %swap3A_1328] {strides = array<i32>} : memref<80x128xf32, #tpu.memory_space<vmem>>, vector<16xf32>,
      tpu.vector_store %arg16[%swap3A_1327, %swap3A_1328], %max3A_1326 {strides = array<i32>} : memref<80x128xf32, #tpu.memory_space<vmem>>, vector<16xf32>,
      %get3A_1330 = arith.index_cast %add3A_1267 : i32 to index
      %get3A_1331 = arith.constant 32 : index
      %get3A_1332 = tpu.vector_load %arg18[%get3A_1330, %get3A_1331] {strides = array<i32>} : memref<80x64xi32, #tpu.memory_space<vmem>>, vector<16xi32>,
      %get3A_1333 = arith.index_cast %add3A_1267 : i32 to index
      %get3A_1334 = arith.constant 32 : index
      %get3A_1335 = tpu.vector_load %arg16[%get3A_1333, %get3A_1334] {strides = array<i32>} : memref<80x128xf32, #tpu.memory_space<vmem>>, vector<16xf32>,
      %get3A_1336 = arith.index_cast %add3A_1267 : i32 to index
      %get3A_1337 = arith.constant 96 : index
      %get3A_1338 = tpu.vector_load %arg16[%get3A_1336, %get3A_1337] {strides = array<i32>} : memref<80x128xf32, #tpu.memory_space<vmem>>, vector<16xf32>,
      %shift_left3A_1339 = arith.constant 16 : i32
      %shift_left3A_1340 = vector.broadcast %shift_left3A_1339 : i32 to vector<16xi32>
      %shift_left3A_1341 = arith.shli %get3A_1332, %shift_left3A_1340 : vector<16xi32>
      %bitcast3A_1342 = vector.bitcast %shift_left3A_1341 : vector<16xi32> to vector<16xf32>
      %add3A_1343 = arith.addf %bitcast3A_1342, %get3A_1335 : vector<16xf32>
      %max3A_1344 = arith.constant 0.000000e+00 : f32
      %max3A_1345 = vector.broadcast %max3A_1344 : f32 to vector<16xf32>
      %max3A_1346 = arith.maximumf %add3A_1343, %max3A_1345 : vector<16xf32>
      %swap3A_1347 = arith.index_cast %add3A_1267 : i32 to index
      %swap3A_1348 = arith.constant 32 : index
      %swap3A_1349 = tpu.vector_load %arg16[%swap3A_1347, %swap3A_1348] {strides = array<i32>} : memref<80x128xf32, #tpu.memory_space<vmem>>, vector<16xf32>,
      tpu.vector_store %arg16[%swap3A_1347, %swap3A_1348], %max3A_1346 {strides = array<i32>} : memref<80x128xf32, #tpu.memory_space<vmem>>, vector<16xf32>,
      %and3A_1350 = arith.constant -65536 : i32
      %and3A_1351 = vector.broadcast %and3A_1350 : i32 to vector<16xi32>
      %and3A_1352 = arith.andi %get3A_1332, %and3A_1351 : vector<16xi32>
      %bitcast3A_1353 = vector.bitcast %and3A_1352 : vector<16xi32> to vector<16xf32>
      %add3A_1354 = arith.addf %bitcast3A_1353, %get3A_1338 : vector<16xf32>
      %max3A_1355 = arith.constant 0.000000e+00 : f32
      %max3A_1356 = vector.broadcast %max3A_1355 : f32 to vector<16xf32>
      %max3A_1357 = arith.maximumf %add3A_1354, %max3A_1356 : vector<16xf32>
      %swap3A_1358 = arith.index_cast %add3A_1267 : i32 to index
      %swap3A_1359 = arith.constant 96 : index
      %swap3A_1360 = tpu.vector_load %arg16[%swap3A_1358, %swap3A_1359] {strides = array<i32>} : memref<80x128xf32, #tpu.memory_space<vmem>>, vector<16xf32>,
      tpu.vector_store %arg16[%swap3A_1358, %swap3A_1359], %max3A_1357 {strides = array<i32>} : memref<80x128xf32, #tpu.memory_space<vmem>>, vector<16xf32>,
      %get3A_1361 = arith.index_cast %add3A_1267 : i32 to index
      %get3A_1362 = arith.constant 48 : index
      %get3A_1363 = tpu.vector_load %arg18[%get3A_1361, %get3A_1362] {strides = array<i32>} : memref<80x64xi32, #tpu.memory_space<vmem>>, vector<16xi32>,
      %get3A_1364 = arith.index_cast %add3A_1267 : i32 to index
      %get3A_1365 = arith.constant 48 : index
      %get3A_1366 = tpu.vector_load %arg16[%get3A_1364, %get3A_1365] {strides = array<i32>} : memref<80x128xf32, #tpu.memory_space<vmem>>, vector<16xf32>,
      %get3A_1367 = arith.index_cast %add3A_1267 : i32 to index
      %get3A_1368 = arith.constant 112 : index
      %get3A_1369 = tpu.vector_load %arg16[%get3A_1367, %get3A_1368] {strides = array<i32>} : memref<80x128xf32, #tpu.memory_space<vmem>>, vector<16xf32>,
      %shift_left3A_1370 = arith.constant 16 : i32
      %shift_left3A_1371 = vector.broadcast %shift_left3A_1370 : i32 to vector<16xi32>
      %shift_left3A_1372 = arith.shli %get3A_1363, %shift_left3A_1371 : vector<16xi32>
      %bitcast3A_1373 = vector.bitcast %shift_left3A_1372 : vector<16xi32> to vector<16xf32>
      %add3A_1374 = arith.addf %bitcast3A_1373, %get3A_1366 : vector<16xf32>
      %max3A_1375 = arith.constant 0.000000e+00 : f32
      %max3A_1376 = vector.broadcast %max3A_1375 : f32 to vector<16xf32>
      %max3A_1377 = arith.maximumf %add3A_1374, %max3A_1376 : vector<16xf32>
      %swap3A_1378 = arith.index_cast %add3A_1267 : i32 to index
      %swap3A_1379 = arith.constant 48 : index
      %swap3A_1380 = tpu.vector_load %arg16[%swap3A_1378, %swap3A_1379] {strides = array<i32>} : memref<80x128xf32, #tpu.memory_space<vmem>>, vector<16xf32>,
      tpu.vector_store %arg16[%swap3A_1378, %swap3A_1379], %max3A_1377 {strides = array<i32>} : memref<80x128xf32, #tpu.memory_space<vmem>>, vector<16xf32>,
      %and3A_1381 = arith.constant -65536 : i32
      %and3A_1382 = vector.broadcast %and3A_1381 : i32 to vector<16xi32>
      %and3A_1383 = arith.andi %get3A_1363, %and3A_1382 : vector<16xi32>
      %bitcast3A_1384 = vector.bitcast %and3A_1383 : vector<16xi32> to vector<16xf32>
      %add3A_1385 = arith.addf %bitcast3A_1384, %get3A_1369 : vector<16xf32>
      %max3A_1386 = arith.constant 0.000000e+00 : f32
      %max3A_1387 = vector.broadcast %max3A_1386 : f32 to vector<16xf32>
      %max3A_1388 = arith.maximumf %add3A_1385, %max3A_1387 : vector<16xf32>
      %swap3A_1389 = arith.index_cast %add3A_1267 : i32 to index
      %swap3A_1390 = arith.constant 112 : index
      %swap3A_1391 = tpu.vector_load %arg16[%swap3A_1389, %swap3A_1390] {strides = array<i32>} : memref<80x128xf32, #tpu.memory_space<vmem>>, vector<16xf32>,
      tpu.vector_store %arg16[%swap3A_1389, %swap3A_1390], %max3A_1388 {strides = array<i32>} : memref<80x128xf32, #tpu.memory_space<vmem>>, vector<16xf32>,
    }
    %scan3A_936 = arith.constant 40 : i32
    %dma_start3A_937 = arith.constant 0 : i32
    %dma_start3A_938 = arith.constant 0 : i32
    %dma_start3A_939 = tpu.memref_slice %arg12[%dma_start3A_937, %dma_start3A_938] : memref<1x80xi32, #tpu.memory_space<vmem>> -> memref<1x80xi32, #tpu.memory_space<vmem>>
    %dma_start3A_940 = tpu.memref_squeeze %dma_start3A_939 : memref<1x80xi32, #tpu.memory_space<vmem>> -> memref<80xi32, #tpu.memory_space<vmem>>
    %dma_start3A_941 = arith.constant 0 : i32
    %dma_start3A_942 = arith.constant 0 : i32
    %dma_start3A_943 = tpu.memref_slice %arg30[%dma_start3A_941, %dma_start3A_942] : memref<10000x128xf32, #tpu.memory_space<vmem_shared>> -> memref<10000x128xf32, #tpu.memory_space<vmem_shared>>
    tpu.enqueue_indirect_dma source(%arg16 : memref<80x128xf32, #tpu.memory_space<vmem>>) target(%dma_start3A_943 : memref<10000x128xf32, #tpu.memory_space<vmem_shared>>) offsets(%dma_start3A_940 : memref<80xi32, #tpu.memory_space<vmem>>) semaphore(%arg28 : memref<!tpu.dma_semaphore, #tpu.memory_space<semaphore_mem>>) {add = true}
    %add3A_944 = arith.constant 128 : i32
    %add3A_945 = arith.addi %add3A, %add3A_944 : i32
    %dma_start3A_946 = arith.constant 0 : i32
    %dma_start3A_947 = tpu.memref_slice %arg4[%add3A_945, %dma_start3A_946] : memref<4000x80xi32, #tpu.memory_space<hbm>> -> memref<1x80xi32, #tpu.memory_space<hbm>>
    %dma_start3A_948 = arith.constant 0 : i32
    %dma_start3A_949 = tpu.memref_slice %arg4[%add3A_945, %dma_start3A_948] : memref<4000x80xi32, #tpu.memory_space<hbm>> -> memref<1x80xi32, #tpu.memory_space<hbm>>
    tpu.enqueue_dma source(%dma_start3A_949 : memref<1x80xi32, #tpu.memory_space<hbm>>) target(%arg7 : memref<1x80xi32, #tpu.memory_space<vmem>>) target_semaphore(%arg19 : memref<!tpu.dma_semaphore, #tpu.memory_space<semaphore_mem>>)
    %dma_start3A_950 = arith.constant 0 : i32
    %dma_start3A_951 = tpu.memref_slice %arg5[%add3A_945, %dma_start3A_950] : memref<4000x80xi32, #tpu.memory_space<hbm>> -> memref<1x80xi32, #tpu.memory_space<hbm>>
    %dma_start3A_952 = arith.constant 0 : i32
    %dma_start3A_953 = tpu.memref_slice %arg5[%add3A_945, %dma_start3A_952] : memref<4000x80xi32, #tpu.memory_space<hbm>> -> memref<1x80xi32, #tpu.memory_space<hbm>>
    tpu.enqueue_dma source(%dma_start3A_953 : memref<1x80xi32, #tpu.memory_space<hbm>>) target(%arg11 : memref<1x80xi32, #tpu.memory_space<vmem>>) target_semaphore(%arg19 : memref<!tpu.dma_semaphore, #tpu.memory_space<semaphore_mem>>)
    %add3A_954 = arith.constant 96 : i32
    %add3A_955 = arith.addi %add3A, %add3A_954 : i32
    %dma_wait3A_956 = arith.constant 0 : i32
    %dma_wait3A_957 = tpu.memref_slice %arg4[%add3A_955, %dma_wait3A_956] : memref<4000x80xi32, #tpu.memory_space<hbm>> -> memref<1x80xi32, #tpu.memory_space<hbm>>
    %dma_wait3A_958 = arith.constant 0 : i32
    %dma_wait3A_959 = tpu.memref_slice %arg4[%add3A_955, %dma_wait3A_958] : memref<4000x80xi32, #tpu.memory_space<hbm>> -> memref<1x80xi32, #tpu.memory_space<hbm>>
    tpu.wait_dma2 semaphore(%arg22 : memref<!tpu.dma_semaphore, #tpu.memory_space<semaphore_mem>>) src(%dma_wait3A_959 : memref<1x80xi32, #tpu.memory_space<hbm>>) dst(%arg10 : memref<1x80xi32, #tpu.memory_space<vmem>>)
    %dma_wait3A_960 = arith.constant 0 : i32
    %dma_wait3A_961 = tpu.memref_slice %arg5[%add3A_955, %dma_wait3A_960] : memref<4000x80xi32, #tpu.memory_space<hbm>> -> memref<1x80xi32, #tpu.memory_space<hbm>>
    %dma_wait3A_962 = arith.constant 0 : i32
    %dma_wait3A_963 = tpu.memref_slice %arg5[%add3A_955, %dma_wait3A_962] : memref<4000x80xi32, #tpu.memory_space<hbm>> -> memref<1x80xi32, #tpu.memory_space<hbm>>
    tpu.wait_dma2 semaphore(%arg22 : memref<!tpu.dma_semaphore, #tpu.memory_space<semaphore_mem>>) src(%dma_wait3A_963 : memref<1x80xi32, #tpu.memory_space<hbm>>) dst(%arg14 : memref<1x80xi32, #tpu.memory_space<vmem>>)
    %dma_wait3A_964 = arith.constant 0 : i32
    %dma_wait3A_965 = arith.constant 0 : i32
    %dma_wait3A_966 = tpu.memref_slice %arg12[%dma_wait3A_964, %dma_wait3A_965] : memref<1x80xi32, #tpu.memory_space<vmem>> -> memref<1x80xi32, #tpu.memory_space<vmem>>
    %dma_wait3A_967 = tpu.memref_squeeze %dma_wait3A_966 : memref<1x80xi32, #tpu.memory_space<vmem>> -> memref<80xi32, #tpu.memory_space<vmem>>
    %dma_wait3A_968 = arith.constant 0 : i32
    %dma_wait3A_969 = arith.constant 0 : i32
    %dma_wait3A_970 = tpu.memref_slice %arg30[%dma_wait3A_968, %dma_wait3A_969] : memref<10000x128xf32, #tpu.memory_space<vmem_shared>> -> memref<10000x128xf32, #tpu.memory_space<vmem_shared>>
    tpu.wait_indirect_dma semaphore(%arg28 : memref<!tpu.dma_semaphore, #tpu.memory_space<semaphore_mem>>) src(%arg16 : memref<80x128xf32, #tpu.memory_space<vmem>>) dst(%dma_wait3A_970 : memref<10000x128xf32, #tpu.memory_space<vmem_shared>>)
    %mul3A_971 = arith.constant 80 : i32
    %mul3A_972 = arith.muli %add3A_955, %mul3A_971 : i32
    %dma_start3A_973 = arith.constant 0 : i32
    %dma_start3A_974 = tpu.memref_slice %arg3[%mul3A_972, %dma_start3A_973] : memref<320000x64xi32, #tpu.memory_space<hbm>> -> memref<80x64xi32, #tpu.memory_space<hbm>>
    %dma_start3A_975 = arith.constant 0 : i32
    %dma_start3A_976 = tpu.memref_slice %arg3[%mul3A_972, %dma_start3A_975] : memref<320000x64xi32, #tpu.memory_space<hbm>> -> memref<80x64xi32, #tpu.memory_space<hbm>>
    tpu.enqueue_dma source(%dma_start3A_976 : memref<80x64xi32, #tpu.memory_space<hbm>>) target(%arg18 : memref<80x64xi32, #tpu.memory_space<vmem>>) target_semaphore(%arg24 : memref<!tpu.dma_semaphore, #tpu.memory_space<semaphore_mem>>)
    %dma_start3A_977 = arith.constant 0 : i32
    %dma_start3A_978 = arith.constant 0 : i32
    %dma_start3A_979 = tpu.memref_slice %arg10[%dma_start3A_977, %dma_start3A_978] : memref<1x80xi32, #tpu.memory_space<vmem>> -> memref<1x80xi32, #tpu.memory_space<vmem>>
    %dma_start3A_980 = tpu.memref_squeeze %dma_start3A_979 : memref<1x80xi32, #tpu.memory_space<vmem>> -> memref<80xi32, #tpu.memory_space<vmem>>
    %dma_start3A_981 = arith.constant 0 : i32
    %dma_start3A_982 = arith.constant 0 : i32
    %dma_start3A_983 = tpu.memref_slice %arg2[%dma_start3A_981, %dma_start3A_982] : memref<10000x128xf32, #tpu.memory_space<hbm>> -> memref<10000x128xf32, #tpu.memory_space<hbm>>
    tpu.enqueue_indirect_dma source(%dma_start3A_983 : memref<10000x128xf32, #tpu.memory_space<hbm>>) target(%arg16 : memref<80x128xf32, #tpu.memory_space<vmem>>) offsets(%dma_start3A_980 : memref<80xi32, #tpu.memory_space<vmem>>) semaphore(%arg26 : memref<!tpu.dma_semaphore, #tpu.memory_space<semaphore_mem>>)
    %add3A_984 = arith.constant 64 : i32
    %add3A_985 = arith.addi %add3A, %add3A_984 : i32
    %mul3A_986 = arith.constant 80 : i32
    %mul3A_987 = arith.muli %add3A_985, %mul3A_986 : i32
    %dma_wait3A_988 = arith.constant 0 : i32
    %dma_wait3A_989 = tpu.memref_slice %arg3[%mul3A_987, %dma_wait3A_988] : memref<320000x64xi32, #tpu.memory_space<hbm>> -> memref<80x64xi32, #tpu.memory_space<hbm>>
    %dma_wait3A_990 = arith.constant 0 : i32
    %dma_wait3A_991 = tpu.memref_slice %arg3[%mul3A_987, %dma_wait3A_990] : memref<320000x64xi32, #tpu.memory_space<hbm>> -> memref<80x64xi32, #tpu.memory_space<hbm>>
    tpu.wait_dma2 semaphore(%arg23 : memref<!tpu.dma_semaphore, #tpu.memory_space<semaphore_mem>>) src(%dma_wait3A_991 : memref<80x64xi32, #tpu.memory_space<hbm>>) dst(%arg17 : memref<80x64xi32, #tpu.memory_space<vmem>>)
    %dma_wait3A_992 = arith.constant 0 : i32
    %dma_wait3A_993 = arith.constant 0 : i32
    %dma_wait3A_994 = tpu.memref_slice %arg9[%dma_wait3A_992, %dma_wait3A_993] : memref<1x80xi32, #tpu.memory_space<vmem>> -> memref<1x80xi32, #tpu.memory_space<vmem>>
    %dma_wait3A_995 = tpu.memref_squeeze %dma_wait3A_994 : memref<1x80xi32, #tpu.memory_space<vmem>> -> memref<80xi32, #tpu.memory_space<vmem>>
    %dma_wait3A_996 = arith.constant 0 : i32
    %dma_wait3A_997 = arith.constant 0 : i32
    %dma_wait3A_998 = tpu.memref_slice %arg2[%dma_wait3A_996, %dma_wait3A_997] : memref<10000x128xf32, #tpu.memory_space<hbm>> -> memref<10000x128xf32, #tpu.memory_space<hbm>>
    tpu.wait_indirect_dma semaphore(%arg25 : memref<!tpu.dma_semaphore, #tpu.memory_space<semaphore_mem>>) src(%dma_wait3A_998 : memref<10000x128xf32, #tpu.memory_space<hbm>>) dst(%arg15 : memref<80x128xf32, #tpu.memory_space<vmem>>)
    %scan3A_999 = arith.constant 0 : i32
    %scan3A_1000 = arith.constant 40 : i32
    %scan3A_1001 = arith.addi %scan3A_999, %scan3A_1000 : i32
    %scan3A_1002 = arith.constant 1 : i32
    scf.for %scan3A_1135 = %scan3A_999 to %scan3A_1001 step %scan3A_1002  : i32 {
      %mul3A_1136 = arith.constant 1 : i32
      %mul3A_1137 = arith.muli %scan3A_1135, %mul3A_1136 : i32
      %add3A_1138 = arith.constant 0 : i32
      %add3A_1139 = arith.addi %add3A_1138, %mul3A_1137 : i32
      %mul3A_1140 = arith.constant 2 : i32
      %mul3A_1141 = arith.muli %add3A_1139, %mul3A_1140 : i32
      %add3A_1142 = arith.constant 0 : i32
      %add3A_1143 = arith.addi %mul3A_1141, %add3A_1142 : i32
      %get3A = arith.index_cast %add3A_1143 : i32 to index
      %get3A_1144 = arith.constant 0 : index
      %get3A_1145 = tpu.vector_load %arg17[%get3A, %get3A_1144] {strides = array<i32>} : memref<80x64xi32, #tpu.memory_space<vmem>>, vector<16xi32>,
      %get3A_1146 = arith.index_cast %add3A_1143 : i32 to index
      %get3A_1147 = arith.constant 0 : index
      %get3A_1148 = tpu.vector_load %arg15[%get3A_1146, %get3A_1147] {strides = array<i32>} : memref<80x128xf32, #tpu.memory_space<vmem>>, vector<16xf32>,
      %get3A_1149 = arith.index_cast %add3A_1143 : i32 to index
      %get3A_1150 = arith.constant 64 : index
      %get3A_1151 = tpu.vector_load %arg15[%get3A_1149, %get3A_1150] {strides = array<i32>} : memref<80x128xf32, #tpu.memory_space<vmem>>, vector<16xf32>,
      %shift_left3A = arith.constant 16 : i32
      %shift_left3A_1152 = vector.broadcast %shift_left3A : i32 to vector<16xi32>
      %shift_left3A_1153 = arith.shli %get3A_1145, %shift_left3A_1152 : vector<16xi32>
      %bitcast3A = vector.bitcast %shift_left3A_1153 : vector<16xi32> to vector<16xf32>
      %add3A_1154 = arith.addf %bitcast3A, %get3A_1148 : vector<16xf32>
      %max3A = arith.constant 0.000000e+00 : f32
      %max3A_1155 = vector.broadcast %max3A : f32 to vector<16xf32>
      %max3A_1156 = arith.maximumf %add3A_1154, %max3A_1155 : vector<16xf32>
      %swap3A_1157 = arith.index_cast %add3A_1143 : i32 to index
      %swap3A_1158 = arith.constant 0 : index
      %swap3A_1159 = tpu.vector_load %arg15[%swap3A_1157, %swap3A_1158] {strides = array<i32>} : memref<80x128xf32, #tpu.memory_space<vmem>>, vector<16xf32>,
      tpu.vector_store %arg15[%swap3A_1157, %swap3A_1158], %max3A_1156 {strides = array<i32>} : memref<80x128xf32, #tpu.memory_space<vmem>>, vector<16xf32>,
      %and3A_1160 = arith.constant -65536 : i32
      %and3A_1161 = vector.broadcast %and3A_1160 : i32 to vector<16xi32>
      %and3A_1162 = arith.andi %get3A_1145, %and3A_1161 : vector<16xi32>
      %bitcast3A_1163 = vector.bitcast %and3A_1162 : vector<16xi32> to vector<16xf32>
      %add3A_1164 = arith.addf %bitcast3A_1163, %get3A_1151 : vector<16xf32>
      %max3A_1165 = arith.constant 0.000000e+00 : f32
      %max3A_1166 = vector.broadcast %max3A_1165 : f32 to vector<16xf32>
      %max3A_1167 = arith.maximumf %add3A_1164, %max3A_1166 : vector<16xf32>
      %swap3A_1168 = arith.index_cast %add3A_1143 : i32 to index
      %swap3A_1169 = arith.constant 64 : index
      %swap3A_1170 = tpu.vector_load %arg15[%swap3A_1168, %swap3A_1169] {strides = array<i32>} : memref<80x128xf32, #tpu.memory_space<vmem>>, vector<16xf32>,
      tpu.vector_store %arg15[%swap3A_1168, %swap3A_1169], %max3A_1167 {strides = array<i32>} : memref<80x128xf32, #tpu.memory_space<vmem>>, vector<16xf32>,
      %get3A_1171 = arith.index_cast %add3A_1143 : i32 to index
      %get3A_1172 = arith.constant 16 : index
      %get3A_1173 = tpu.vector_load %arg17[%get3A_1171, %get3A_1172] {strides = array<i32>} : memref<80x64xi32, #tpu.memory_space<vmem>>, vector<16xi32>,
      %get3A_1174 = arith.index_cast %add3A_1143 : i32 to index
      %get3A_1175 = arith.constant 16 : index
      %get3A_1176 = tpu.vector_load %arg15[%get3A_1174, %get3A_1175] {strides = array<i32>} : memref<80x128xf32, #tpu.memory_space<vmem>>, vector<16xf32>,
      %get3A_1177 = arith.index_cast %add3A_1143 : i32 to index
      %get3A_1178 = arith.constant 80 : index
      %get3A_1179 = tpu.vector_load %arg15[%get3A_1177, %get3A_1178] {strides = array<i32>} : memref<80x128xf32, #tpu.memory_space<vmem>>, vector<16xf32>,
      %shift_left3A_1180 = arith.constant 16 : i32
      %shift_left3A_1181 = vector.broadcast %shift_left3A_1180 : i32 to vector<16xi32>
      %shift_left3A_1182 = arith.shli %get3A_1173, %shift_left3A_1181 : vector<16xi32>
      %bitcast3A_1183 = vector.bitcast %shift_left3A_1182 : vector<16xi32> to vector<16xf32>
      %add3A_1184 = arith.addf %bitcast3A_1183, %get3A_1176 : vector<16xf32>
      %max3A_1185 = arith.constant 0.000000e+00 : f32
      %max3A_1186 = vector.broadcast %max3A_1185 : f32 to vector<16xf32>
      %max3A_1187 = arith.maximumf %add3A_1184, %max3A_1186 : vector<16xf32>
      %swap3A_1188 = arith.index_cast %add3A_1143 : i32 to index
      %swap3A_1189 = arith.constant 16 : index
      %swap3A_1190 = tpu.vector_load %arg15[%swap3A_1188, %swap3A_1189] {strides = array<i32>} : memref<80x128xf32, #tpu.memory_space<vmem>>, vector<16xf32>,
      tpu.vector_store %arg15[%swap3A_1188, %swap3A_1189], %max3A_1187 {strides = array<i32>} : memref<80x128xf32, #tpu.memory_space<vmem>>, vector<16xf32>,
      %and3A_1191 = arith.constant -65536 : i32
      %and3A_1192 = vector.broadcast %and3A_1191 : i32 to vector<16xi32>
      %and3A_1193 = arith.andi %get3A_1173, %and3A_1192 : vector<16xi32>
      %bitcast3A_1194 = vector.bitcast %and3A_1193 : vector<16xi32> to vector<16xf32>
      %add3A_1195 = arith.addf %bitcast3A_1194, %get3A_1179 : vector<16xf32>
      %max3A_1196 = arith.constant 0.000000e+00 : f32
      %max3A_1197 = vector.broadcast %max3A_1196 : f32 to vector<16xf32>
      %max3A_1198 = arith.maximumf %add3A_1195, %max3A_1197 : vector<16xf32>
      %swap3A_1199 = arith.index_cast %add3A_1143 : i32 to index
      %swap3A_1200 = arith.constant 80 : index
      %swap3A_1201 = tpu.vector_load %arg15[%swap3A_1199, %swap3A_1200] {strides = array<i32>} : memref<80x128xf32, #tpu.memory_space<vmem>>, vector<16xf32>,
      tpu.vector_store %arg15[%swap3A_1199, %swap3A_1200], %max3A_1198 {strides = array<i32>} : memref<80x128xf32, #tpu.memory_space<vmem>>, vector<16xf32>,
      %get3A_1202 = arith.index_cast %add3A_1143 : i32 to index
      %get3A_1203 = arith.constant 32 : index
      %get3A_1204 = tpu.vector_load %arg17[%get3A_1202, %get3A_1203] {strides = array<i32>} : memref<80x64xi32, #tpu.memory_space<vmem>>, vector<16xi32>,
      %get3A_1205 = arith.index_cast %add3A_1143 : i32 to index
      %get3A_1206 = arith.constant 32 : index
      %get3A_1207 = tpu.vector_load %arg15[%get3A_1205, %get3A_1206] {strides = array<i32>} : memref<80x128xf32, #tpu.memory_space<vmem>>, vector<16xf32>,
      %get3A_1208 = arith.index_cast %add3A_1143 : i32 to index
      %get3A_1209 = arith.constant 96 : index
      %get3A_1210 = tpu.vector_load %arg15[%get3A_1208, %get3A_1209] {strides = array<i32>} : memref<80x128xf32, #tpu.memory_space<vmem>>, vector<16xf32>,
      %shift_left3A_1211 = arith.constant 16 : i32
      %shift_left3A_1212 = vector.broadcast %shift_left3A_1211 : i32 to vector<16xi32>
      %shift_left3A_1213 = arith.shli %get3A_1204, %shift_left3A_1212 : vector<16xi32>
      %bitcast3A_1214 = vector.bitcast %shift_left3A_1213 : vector<16xi32> to vector<16xf32>
      %add3A_1215 = arith.addf %bitcast3A_1214, %get3A_1207 : vector<16xf32>
      %max3A_1216 = arith.constant 0.000000e+00 : f32
      %max3A_1217 = vector.broadcast %max3A_1216 : f32 to vector<16xf32>
      %max3A_1218 = arith.maximumf %add3A_1215, %max3A_1217 : vector<16xf32>
      %swap3A_1219 = arith.index_cast %add3A_1143 : i32 to index
      %swap3A_1220 = arith.constant 32 : index
      %swap3A_1221 = tpu.vector_load %arg15[%swap3A_1219, %swap3A_1220] {strides = array<i32>} : memref<80x128xf32, #tpu.memory_space<vmem>>, vector<16xf32>,
      tpu.vector_store %arg15[%swap3A_1219, %swap3A_1220], %max3A_1218 {strides = array<i32>} : memref<80x128xf32, #tpu.memory_space<vmem>>, vector<16xf32>,
      %and3A_1222 = arith.constant -65536 : i32
      %and3A_1223 = vector.broadcast %and3A_1222 : i32 to vector<16xi32>
      %and3A_1224 = arith.andi %get3A_1204, %and3A_1223 : vector<16xi32>
      %bitcast3A_1225 = vector.bitcast %and3A_1224 : vector<16xi32> to vector<16xf32>
      %add3A_1226 = arith.addf %bitcast3A_1225, %get3A_1210 : vector<16xf32>
      %max3A_1227 = arith.constant 0.000000e+00 : f32
      %max3A_1228 = vector.broadcast %max3A_1227 : f32 to vector<16xf32>
      %max3A_1229 = arith.maximumf %add3A_1226, %max3A_1228 : vector<16xf32>
      %swap3A_1230 = arith.index_cast %add3A_1143 : i32 to index
      %swap3A_1231 = arith.constant 96 : index
      %swap3A_1232 = tpu.vector_load %arg15[%swap3A_1230, %swap3A_1231] {strides = array<i32>} : memref<80x128xf32, #tpu.memory_space<vmem>>, vector<16xf32>,
      tpu.vector_store %arg15[%swap3A_1230, %swap3A_1231], %max3A_1229 {strides = array<i32>} : memref<80x128xf32, #tpu.memory_space<vmem>>, vector<16xf32>,
      %get3A_1233 = arith.index_cast %add3A_1143 : i32 to index
      %get3A_1234 = arith.constant 48 : index
      %get3A_1235 = tpu.vector_load %arg17[%get3A_1233, %get3A_1234] {strides = array<i32>} : memref<80x64xi32, #tpu.memory_space<vmem>>, vector<16xi32>,
      %get3A_1236 = arith.index_cast %add3A_1143 : i32 to index
      %get3A_1237 = arith.constant 48 : index
      %get3A_1238 = tpu.vector_load %arg15[%get3A_1236, %get3A_1237] {strides = array<i32>} : memref<80x128xf32, #tpu.memory_space<vmem>>, vector<16xf32>,
      %get3A_1239 = arith.index_cast %add3A_1143 : i32 to index
      %get3A_1240 = arith.constant 112 : index
      %get3A_1241 = tpu.vector_load %arg15[%get3A_1239, %get3A_1240] {strides = array<i32>} : memref<80x128xf32, #tpu.memory_space<vmem>>, vector<16xf32>,
      %shift_left3A_1242 = arith.constant 16 : i32
      %shift_left3A_1243 = vector.broadcast %shift_left3A_1242 : i32 to vector<16xi32>
      %shift_left3A_1244 = arith.shli %get3A_1235, %shift_left3A_1243 : vector<16xi32>
      %bitcast3A_1245 = vector.bitcast %shift_left3A_1244 : vector<16xi32> to vector<16xf32>
      %add3A_1246 = arith.addf %bitcast3A_1245, %get3A_1238 : vector<16xf32>
      %max3A_1247 = arith.constant 0.000000e+00 : f32
      %max3A_1248 = vector.broadcast %max3A_1247 : f32 to vector<16xf32>
      %max3A_1249 = arith.maximumf %add3A_1246, %max3A_1248 : vector<16xf32>
      %swap3A_1250 = arith.index_cast %add3A_1143 : i32 to index
      %swap3A_1251 = arith.constant 48 : index
      %swap3A_1252 = tpu.vector_load %arg15[%swap3A_1250, %swap3A_1251] {strides = array<i32>} : memref<80x128xf32, #tpu.memory_space<vmem>>, vector<16xf32>,
      tpu.vector_store %arg15[%swap3A_1250, %swap3A_1251], %max3A_1249 {strides = array<i32>} : memref<80x128xf32, #tpu.memory_space<vmem>>, vector<16xf32>,
      %and3A_1253 = arith.constant -65536 : i32
      %and3A_1254 = vector.broadcast %and3A_1253 : i32 to vector<16xi32>
      %and3A_1255 = arith.andi %get3A_1235, %and3A_1254 : vector<16xi32>
      %bitcast3A_1256 = vector.bitcast %and3A_1255 : vector<16xi32> to vector<16xf32>
      %add3A_1257 = arith.addf %bitcast3A_1256, %get3A_1241 : vector<16xf32>
      %max3A_1258 = arith.constant 0.000000e+00 : f32
      %max3A_1259 = vector.broadcast %max3A_1258 : f32 to vector<16xf32>
      %max3A_1260 = arith.maximumf %add3A_1257, %max3A_1259 : vector<16xf32>
      %swap3A_1261 = arith.index_cast %add3A_1143 : i32 to index
      %swap3A_1262 = arith.constant 112 : index
      %swap3A_1263 = tpu.vector_load %arg15[%swap3A_1261, %swap3A_1262] {strides = array<i32>} : memref<80x128xf32, #tpu.memory_space<vmem>>, vector<16xf32>,
      tpu.vector_store %arg15[%swap3A_1261, %swap3A_1262], %max3A_1260 {strides = array<i32>} : memref<80x128xf32, #tpu.memory_space<vmem>>, vector<16xf32>,
      %mul3A_1264 = arith.constant 2 : i32
      %mul3A_1265 = arith.muli %add3A_1139, %mul3A_1264 : i32
      %add3A_1266 = arith.constant 1 : i32
      %add3A_1267 = arith.addi %mul3A_1265, %add3A_1266 : i32
      %get3A_1268 = arith.index_cast %add3A_1267 : i32 to index
      %get3A_1269 = arith.constant 0 : index
      %get3A_1270 = tpu.vector_load %arg17[%get3A_1268, %get3A_1269] {strides = array<i32>} : memref<80x64xi32, #tpu.memory_space<vmem>>, vector<16xi32>,
      %get3A_1271 = arith.index_cast %add3A_1267 : i32 to index
      %get3A_1272 = arith.constant 0 : index
      %get3A_1273 = tpu.vector_load %arg15[%get3A_1271, %get3A_1272] {strides = array<i32>} : memref<80x128xf32, #tpu.memory_space<vmem>>, vector<16xf32>,
      %get3A_1274 = arith.index_cast %add3A_1267 : i32 to index
      %get3A_1275 = arith.constant 64 : index
      %get3A_1276 = tpu.vector_load %arg15[%get3A_1274, %get3A_1275] {strides = array<i32>} : memref<80x128xf32, #tpu.memory_space<vmem>>, vector<16xf32>,
      %shift_left3A_1277 = arith.constant 16 : i32
      %shift_left3A_1278 = vector.broadcast %shift_left3A_1277 : i32 to vector<16xi32>
      %shift_left3A_1279 = arith.shli %get3A_1270, %shift_left3A_1278 : vector<16xi32>
      %bitcast3A_1280 = vector.bitcast %shift_left3A_1279 : vector<16xi32> to vector<16xf32>
      %add3A_1281 = arith.addf %bitcast3A_1280, %get3A_1273 : vector<16xf32>
      %max3A_1282 = arith.constant 0.000000e+00 : f32
      %max3A_1283 = vector.broadcast %max3A_1282 : f32 to vector<16xf32>
      %max3A_1284 = arith.maximumf %add3A_1281, %max3A_1283 : vector<16xf32>
      %swap3A_1285 = arith.index_cast %add3A_1267 : i32 to index
      %swap3A_1286 = arith.constant 0 : index
      %swap3A_1287 = tpu.vector_load %arg15[%swap3A_1285, %swap3A_1286] {strides = array<i32>} : memref<80x128xf32, #tpu.memory_space<vmem>>, vector<16xf32>,
      tpu.vector_store %arg15[%swap3A_1285, %swap3A_1286], %max3A_1284 {strides = array<i32>} : memref<80x128xf32, #tpu.memory_space<vmem>>, vector<16xf32>,
      %and3A_1288 = arith.constant -65536 : i32
      %and3A_1289 = vector.broadcast %and3A_1288 : i32 to vector<16xi32>
      %and3A_1290 = arith.andi %get3A_1270, %and3A_1289 : vector<16xi32>
      %bitcast3A_1291 = vector.bitcast %and3A_1290 : vector<16xi32> to vector<16xf32>
      %add3A_1292 = arith.addf %bitcast3A_1291, %get3A_1276 : vector<16xf32>
      %max3A_1293 = arith.constant 0.000000e+00 : f32
      %max3A_1294 = vector.broadcast %max3A_1293 : f32 to vector<16xf32>
      %max3A_1295 = arith.maximumf %add3A_1292, %max3A_1294 : vector<16xf32>
      %swap3A_1296 = arith.index_cast %add3A_1267 : i32 to index
      %swap3A_1297 = arith.constant 64 : index
      %swap3A_1298 = tpu.vector_load %arg15[%swap3A_1296, %swap3A_1297] {strides = array<i32>} : memref<80x128xf32, #tpu.memory_space<vmem>>, vector<16xf32>,
      tpu.vector_store %arg15[%swap3A_1296, %swap3A_1297], %max3A_1295 {strides = array<i32>} : memref<80x128xf32, #tpu.memory_space<vmem>>, vector<16xf32>,
      %get3A_1299 = arith.index_cast %add3A_1267 : i32 to index
      %get3A_1300 = arith.constant 16 : index
      %get3A_1301 = tpu.vector_load %arg17[%get3A_1299, %get3A_1300] {strides = array<i32>} : memref<80x64xi32, #tpu.memory_space<vmem>>, vector<16xi32>,
      %get3A_1302 = arith.index_cast %add3A_1267 : i32 to index
      %get3A_1303 = arith.constant 16 : index
      %get3A_1304 = tpu.vector_load %arg15[%get3A_1302, %get3A_1303] {strides = array<i32>} : memref<80x128xf32, #tpu.memory_space<vmem>>, vector<16xf32>,
      %get3A_1305 = arith.index_cast %add3A_1267 : i32 to index
      %get3A_1306 = arith.constant 80 : index
      %get3A_1307 = tpu.vector_load %arg15[%get3A_1305, %get3A_1306] {strides = array<i32>} : memref<80x128xf32, #tpu.memory_space<vmem>>, vector<16xf32>,
      %shift_left3A_1308 = arith.constant 16 : i32
      %shift_left3A_1309 = vector.broadcast %shift_left3A_1308 : i32 to vector<16xi32>
      %shift_left3A_1310 = arith.shli %get3A_1301, %shift_left3A_1309 : vector<16xi32>
      %bitcast3A_1311 = vector.bitcast %shift_left3A_1310 : vector<16xi32> to vector<16xf32>
      %add3A_1312 = arith.addf %bitcast3A_1311, %get3A_1304 : vector<16xf32>
      %max3A_1313 = arith.constant 0.000000e+00 : f32
      %max3A_1314 = vector.broadcast %max3A_1313 : f32 to vector<16xf32>
      %max3A_1315 = arith.maximumf %add3A_1312, %max3A_1314 : vector<16xf32>
      %swap3A_1316 = arith.index_cast %add3A_1267 : i32 to index
      %swap3A_1317 = arith.constant 16 : index
      %swap3A_1318 = tpu.vector_load %arg15[%swap3A_1316, %swap3A_1317] {strides = array<i32>} : memref<80x128xf32, #tpu.memory_space<vmem>>, vector<16xf32>,
      tpu.vector_store %arg15[%swap3A_1316, %swap3A_1317], %max3A_1315 {strides = array<i32>} : memref<80x128xf32, #tpu.memory_space<vmem>>, vector<16xf32>,
      %and3A_1319 = arith.constant -65536 : i32
      %and3A_1320 = vector.broadcast %and3A_1319 : i32 to vector<16xi32>
      %and3A_1321 = arith.andi %get3A_1301, %and3A_1320 : vector<16xi32>
      %bitcast3A_1322 = vector.bitcast %and3A_1321 : vector<16xi32> to vector<16xf32>
      %add3A_1323 = arith.addf %bitcast3A_1322, %get3A_1307 : vector<16xf32>
      %max3A_1324 = arith.constant 0.000000e+00 : f32
      %max3A_1325 = vector.broadcast %max3A_1324 : f32 to vector<16xf32>
      %max3A_1326 = arith.maximumf %add3A_1323, %max3A_1325 : vector<16xf32>
      %swap3A_1327 = arith.index_cast %add3A_1267 : i32 to index
      %swap3A_1328 = arith.constant 80 : index
      %swap3A_1329 = tpu.vector_load %arg15[%swap3A_1327, %swap3A_1328] {strides = array<i32>} : memref<80x128xf32, #tpu.memory_space<vmem>>, vector<16xf32>,
      tpu.vector_store %arg15[%swap3A_1327, %swap3A_1328], %max3A_1326 {strides = array<i32>} : memref<80x128xf32, #tpu.memory_space<vmem>>, vector<16xf32>,
      %get3A_1330 = arith.index_cast %add3A_1267 : i32 to index
      %get3A_1331 = arith.constant 32 : index
      %get3A_1332 = tpu.vector_load %arg17[%get3A_1330, %get3A_1331] {strides = array<i32>} : memref<80x64xi32, #tpu.memory_space<vmem>>, vector<16xi32>,
      %get3A_1333 = arith.index_cast %add3A_1267 : i32 to index
      %get3A_1334 = arith.constant 32 : index
      %get3A_1335 = tpu.vector_load %arg15[%get3A_1333, %get3A_1334] {strides = array<i32>} : memref<80x128xf32, #tpu.memory_space<vmem>>, vector<16xf32>,
      %get3A_1336 = arith.index_cast %add3A_1267 : i32 to index
      %get3A_1337 = arith.constant 96 : index
      %get3A_1338 = tpu.vector_load %arg15[%get3A_1336, %get3A_1337] {strides = array<i32>} : memref<80x128xf32, #tpu.memory_space<vmem>>, vector<16xf32>,
      %shift_left3A_1339 = arith.constant 16 : i32
      %shift_left3A_1340 = vector.broadcast %shift_left3A_1339 : i32 to vector<16xi32>
      %shift_left3A_1341 = arith.shli %get3A_1332, %shift_left3A_1340 : vector<16xi32>
      %bitcast3A_1342 = vector.bitcast %shift_left3A_1341 : vector<16xi32> to vector<16xf32>
      %add3A_1343 = arith.addf %bitcast3A_1342, %get3A_1335 : vector<16xf32>
      %max3A_1344 = arith.constant 0.000000e+00 : f32
      %max3A_1345 = vector.broadcast %max3A_1344 : f32 to vector<16xf32>
      %max3A_1346 = arith.maximumf %add3A_1343, %max3A_1345 : vector<16xf32>
      %swap3A_1347 = arith.index_cast %add3A_1267 : i32 to index
      %swap3A_1348 = arith.constant 32 : index
      %swap3A_1349 = tpu.vector_load %arg15[%swap3A_1347, %swap3A_1348] {strides = array<i32>} : memref<80x128xf32, #tpu.memory_space<vmem>>, vector<16xf32>,
      tpu.vector_store %arg15[%swap3A_1347, %swap3A_1348], %max3A_1346 {strides = array<i32>} : memref<80x128xf32, #tpu.memory_space<vmem>>, vector<16xf32>,
      %and3A_1350 = arith.constant -65536 : i32
      %and3A_1351 = vector.broadcast %and3A_1350 : i32 to vector<16xi32>
      %and3A_1352 = arith.andi %get3A_1332, %and3A_1351 : vector<16xi32>
      %bitcast3A_1353 = vector.bitcast %and3A_1352 : vector<16xi32> to vector<16xf32>
      %add3A_1354 = arith.addf %bitcast3A_1353, %get3A_1338 : vector<16xf32>
      %max3A_1355 = arith.constant 0.000000e+00 : f32
      %max3A_1356 = vector.broadcast %max3A_1355 : f32 to vector<16xf32>
      %max3A_1357 = arith.maximumf %add3A_1354, %max3A_1356 : vector<16xf32>
      %swap3A_1358 = arith.index_cast %add3A_1267 : i32 to index
      %swap3A_1359 = arith.constant 96 : index
      %swap3A_1360 = tpu.vector_load %arg15[%swap3A_1358, %swap3A_1359] {strides = array<i32>} : memref<80x128xf32, #tpu.memory_space<vmem>>, vector<16xf32>,
      tpu.vector_store %arg15[%swap3A_1358, %swap3A_1359], %max3A_1357 {strides = array<i32>} : memref<80x128xf32, #tpu.memory_space<vmem>>, vector<16xf32>,
      %get3A_1361 = arith.index_cast %add3A_1267 : i32 to index
      %get3A_1362 = arith.constant 48 : index
      %get3A_1363 = tpu.vector_load %arg17[%get3A_1361, %get3A_1362] {strides = array<i32>} : memref<80x64xi32, #tpu.memory_space<vmem>>, vector<16xi32>,
      %get3A_1364 = arith.index_cast %add3A_1267 : i32 to index
      %get3A_1365 = arith.constant 48 : index
      %get3A_1366 = tpu.vector_load %arg15[%get3A_1364, %get3A_1365] {strides = array<i32>} : memref<80x128xf32, #tpu.memory_space<vmem>>, vector<16xf32>,
      %get3A_1367 = arith.index_cast %add3A_1267 : i32 to index
      %get3A_1368 = arith.constant 112 : index
      %get3A_1369 = tpu.vector_load %arg15[%get3A_1367, %get3A_1368] {strides = array<i32>} : memref<80x128xf32, #tpu.memory_space<vmem>>, vector<16xf32>,
      %shift_left3A_1370 = arith.constant 16 : i32
      %shift_left3A_1371 = vector.broadcast %shift_left3A_1370 : i32 to vector<16xi32>
      %shift_left3A_1372 = arith.shli %get3A_1363, %shift_left3A_1371 : vector<16xi32>
      %bitcast3A_1373 = vector.bitcast %shift_left3A_1372 : vector<16xi32> to vector<16xf32>
      %add3A_1374 = arith.addf %bitcast3A_1373, %get3A_1366 : vector<16xf32>
      %max3A_1375 = arith.constant 0.000000e+00 : f32
      %max3A_1376 = vector.broadcast %max3A_1375 : f32 to vector<16xf32>
      %max3A_1377 = arith.maximumf %add3A_1374, %max3A_1376 : vector<16xf32>
      %swap3A_1378 = arith.index_cast %add3A_1267 : i32 to index
      %swap3A_1379 = arith.constant 48 : index
      %swap3A_1380 = tpu.vector_load %arg15[%swap3A_1378, %swap3A_1379] {strides = array<i32>} : memref<80x128xf32, #tpu.memory_space<vmem>>, vector<16xf32>,
      tpu.vector_store %arg15[%swap3A_1378, %swap3A_1379], %max3A_1377 {strides = array<i32>} : memref<80x128xf32, #tpu.memory_space<vmem>>, vector<16xf32>,
      %and3A_1381 = arith.constant -65536 : i32
      %and3A_1382 = vector.broadcast %and3A_1381 : i32 to vector<16xi32>
      %and3A_1383 = arith.andi %get3A_1363, %and3A_1382 : vector<16xi32>
      %bitcast3A_1384 = vector.bitcast %and3A_1383 : vector<16xi32> to vector<16xf32>
      %add3A_1385 = arith.addf %bitcast3A_1384, %get3A_1369 : vector<16xf32>
      %max3A_1386 = arith.constant 0.000000e+00 : f32
      %max3A_1387 = vector.broadcast %max3A_1386 : f32 to vector<16xf32>
      %max3A_1388 = arith.maximumf %add3A_1385, %max3A_1387 : vector<16xf32>
      %swap3A_1389 = arith.index_cast %add3A_1267 : i32 to index
      %swap3A_1390 = arith.constant 112 : index
      %swap3A_1391 = tpu.vector_load %arg15[%swap3A_1389, %swap3A_1390] {strides = array<i32>} : memref<80x128xf32, #tpu.memory_space<vmem>>, vector<16xf32>,
      tpu.vector_store %arg15[%swap3A_1389, %swap3A_1390], %max3A_1388 {strides = array<i32>} : memref<80x128xf32, #tpu.memory_space<vmem>>, vector<16xf32>,
    }
    %scan3A_1003 = arith.constant 40 : i32
    %dma_start3A_1004 = arith.constant 0 : i32
    %dma_start3A_1005 = arith.constant 0 : i32
    %dma_start3A_1006 = tpu.memref_slice %arg13[%dma_start3A_1004, %dma_start3A_1005] : memref<1x80xi32, #tpu.memory_space<vmem>> -> memref<1x80xi32, #tpu.memory_space<vmem>>
    %dma_start3A_1007 = tpu.memref_squeeze %dma_start3A_1006 : memref<1x80xi32, #tpu.memory_space<vmem>> -> memref<80xi32, #tpu.memory_space<vmem>>
    %dma_start3A_1008 = arith.constant 0 : i32
    %dma_start3A_1009 = arith.constant 0 : i32
    %dma_start3A_1010 = tpu.memref_slice %arg30[%dma_start3A_1008, %dma_start3A_1009] : memref<10000x128xf32, #tpu.memory_space<vmem_shared>> -> memref<10000x128xf32, #tpu.memory_space<vmem_shared>>
    tpu.enqueue_indirect_dma source(%arg15 : memref<80x128xf32, #tpu.memory_space<vmem>>) target(%dma_start3A_1010 : memref<10000x128xf32, #tpu.memory_space<vmem_shared>>) offsets(%dma_start3A_1007 : memref<80xi32, #tpu.memory_space<vmem>>) semaphore(%arg27 : memref<!tpu.dma_semaphore, #tpu.memory_space<semaphore_mem>>) {add = true}
    %add3A_1011 = arith.constant 160 : i32
    %add3A_1012 = arith.addi %add3A, %add3A_1011 : i32
    %dma_start3A_1013 = arith.constant 0 : i32
    %dma_start3A_1014 = tpu.memref_slice %arg4[%add3A_1012, %dma_start3A_1013] : memref<4000x80xi32, #tpu.memory_space<hbm>> -> memref<1x80xi32, #tpu.memory_space<hbm>>
    %dma_start3A_1015 = arith.constant 0 : i32
    %dma_start3A_1016 = tpu.memref_slice %arg4[%add3A_1012, %dma_start3A_1015] : memref<4000x80xi32, #tpu.memory_space<hbm>> -> memref<1x80xi32, #tpu.memory_space<hbm>>
    tpu.enqueue_dma source(%dma_start3A_1016 : memref<1x80xi32, #tpu.memory_space<hbm>>) target(%arg8 : memref<1x80xi32, #tpu.memory_space<vmem>>) target_semaphore(%arg20 : memref<!tpu.dma_semaphore, #tpu.memory_space<semaphore_mem>>)
    %dma_start3A_1017 = arith.constant 0 : i32
    %dma_start3A_1018 = tpu.memref_slice %arg5[%add3A_1012, %dma_start3A_1017] : memref<4000x80xi32, #tpu.memory_space<hbm>> -> memref<1x80xi32, #tpu.memory_space<hbm>>
    %dma_start3A_1019 = arith.constant 0 : i32
    %dma_start3A_1020 = tpu.memref_slice %arg5[%add3A_1012, %dma_start3A_1019] : memref<4000x80xi32, #tpu.memory_space<hbm>> -> memref<1x80xi32, #tpu.memory_space<hbm>>
    tpu.enqueue_dma source(%dma_start3A_1020 : memref<1x80xi32, #tpu.memory_space<hbm>>) target(%arg12 : memref<1x80xi32, #tpu.memory_space<vmem>>) target_semaphore(%arg20 : memref<!tpu.dma_semaphore, #tpu.memory_space<semaphore_mem>>)
    %add3A_1021 = arith.constant 128 : i32
    %add3A_1022 = arith.addi %add3A, %add3A_1021 : i32
    %dma_wait3A_1023 = arith.constant 0 : i32
    %dma_wait3A_1024 = tpu.memref_slice %arg4[%add3A_1022, %dma_wait3A_1023] : memref<4000x80xi32, #tpu.memory_space<hbm>> -> memref<1x80xi32, #tpu.memory_space<hbm>>
    %dma_wait3A_1025 = arith.constant 0 : i32
    %dma_wait3A_1026 = tpu.memref_slice %arg4[%add3A_1022, %dma_wait3A_1025] : memref<4000x80xi32, #tpu.memory_space<hbm>> -> memref<1x80xi32, #tpu.memory_space<hbm>>
    tpu.wait_dma2 semaphore(%arg19 : memref<!tpu.dma_semaphore, #tpu.memory_space<semaphore_mem>>) src(%dma_wait3A_1026 : memref<1x80xi32, #tpu.memory_space<hbm>>) dst(%arg7 : memref<1x80xi32, #tpu.memory_space<vmem>>)
    %dma_wait3A_1027 = arith.constant 0 : i32
    %dma_wait3A_1028 = tpu.memref_slice %arg5[%add3A_1022, %dma_wait3A_1027] : memref<4000x80xi32, #tpu.memory_space<hbm>> -> memref<1x80xi32, #tpu.memory_space<hbm>>
    %dma_wait3A_1029 = arith.constant 0 : i32
    %dma_wait3A_1030 = tpu.memref_slice %arg5[%add3A_1022, %dma_wait3A_1029] : memref<4000x80xi32, #tpu.memory_space<hbm>> -> memref<1x80xi32, #tpu.memory_space<hbm>>
    tpu.wait_dma2 semaphore(%arg19 : memref<!tpu.dma_semaphore, #tpu.memory_space<semaphore_mem>>) src(%dma_wait3A_1030 : memref<1x80xi32, #tpu.memory_space<hbm>>) dst(%arg11 : memref<1x80xi32, #tpu.memory_space<vmem>>)
    %dma_wait3A_1031 = arith.constant 0 : i32
    %dma_wait3A_1032 = arith.constant 0 : i32
    %dma_wait3A_1033 = tpu.memref_slice %arg13[%dma_wait3A_1031, %dma_wait3A_1032] : memref<1x80xi32, #tpu.memory_space<vmem>> -> memref<1x80xi32, #tpu.memory_space<vmem>>
    %dma_wait3A_1034 = tpu.memref_squeeze %dma_wait3A_1033 : memref<1x80xi32, #tpu.memory_space<vmem>> -> memref<80xi32, #tpu.memory_space<vmem>>
    %dma_wait3A_1035 = arith.constant 0 : i32
    %dma_wait3A_1036 = arith.constant 0 : i32
    %dma_wait3A_1037 = tpu.memref_slice %arg30[%dma_wait3A_1035, %dma_wait3A_1036] : memref<10000x128xf32, #tpu.memory_space<vmem_shared>> -> memref<10000x128xf32, #tpu.memory_space<vmem_shared>>
    tpu.wait_indirect_dma semaphore(%arg27 : memref<!tpu.dma_semaphore, #tpu.memory_space<semaphore_mem>>) src(%arg15 : memref<80x128xf32, #tpu.memory_space<vmem>>) dst(%dma_wait3A_1037 : memref<10000x128xf32, #tpu.memory_space<vmem_shared>>)
    %mul3A_1038 = arith.constant 80 : i32
    %mul3A_1039 = arith.muli %add3A_1022, %mul3A_1038 : i32
    %dma_start3A_1040 = arith.constant 0 : i32
    %dma_start3A_1041 = tpu.memref_slice %arg3[%mul3A_1039, %dma_start3A_1040] : memref<320000x64xi32, #tpu.memory_space<hbm>> -> memref<80x64xi32, #tpu.memory_space<hbm>>
    %dma_start3A_1042 = arith.constant 0 : i32
    %dma_start3A_1043 = tpu.memref_slice %arg3[%mul3A_1039, %dma_start3A_1042] : memref<320000x64xi32, #tpu.memory_space<hbm>> -> memref<80x64xi32, #tpu.memory_space<hbm>>
    tpu.enqueue_dma source(%dma_start3A_1043 : memref<80x64xi32, #tpu.memory_space<hbm>>) target(%arg17 : memref<80x64xi32, #tpu.memory_space<vmem>>) target_semaphore(%arg23 : memref<!tpu.dma_semaphore, #tpu.memory_space<semaphore_mem>>)
    %dma_start3A_1044 = arith.constant 0 : i32
    %dma_start3A_1045 = arith.constant 0 : i32
    %dma_start3A_1046 = tpu.memref_slice %arg7[%dma_start3A_1044, %dma_start3A_1045] : memref<1x80xi32, #tpu.memory_space<vmem>> -> memref<1x80xi32, #tpu.memory_space<vmem>>
    %dma_start3A_1047 = tpu.memref_squeeze %dma_start3A_1046 : memref<1x80xi32, #tpu.memory_space<vmem>> -> memref<80xi32, #tpu.memory_space<vmem>>
    %dma_start3A_1048 = arith.constant 0 : i32
    %dma_start3A_1049 = arith.constant 0 : i32
    %dma_start3A_1050 = tpu.memref_slice %arg2[%dma_start3A_1048, %dma_start3A_1049] : memref<10000x128xf32, #tpu.memory_space<hbm>> -> memref<10000x128xf32, #tpu.memory_space<hbm>>
    tpu.enqueue_indirect_dma source(%dma_start3A_1050 : memref<10000x128xf32, #tpu.memory_space<hbm>>) target(%arg15 : memref<80x128xf32, #tpu.memory_space<vmem>>) offsets(%dma_start3A_1047 : memref<80xi32, #tpu.memory_space<vmem>>) semaphore(%arg25 : memref<!tpu.dma_semaphore, #tpu.memory_space<semaphore_mem>>)
    %add3A_1051 = arith.constant 96 : i32
    %add3A_1052 = arith.addi %add3A, %add3A_1051 : i32
    %mul3A_1053 = arith.constant 80 : i32
    %mul3A_1054 = arith.muli %add3A_1052, %mul3A_1053 : i32
    %dma_wait3A_1055 = arith.constant 0 : i32
    %dma_wait3A_1056 = tpu.memref_slice %arg3[%mul3A_1054, %dma_wait3A_1055] : memref<320000x64xi32, #tpu.memory_space<hbm>> -> memref<80x64xi32, #tpu.memory_space<hbm>>
    %dma_wait3A_1057 = arith.constant 0 : i32
    %dma_wait3A_1058 = tpu.memref_slice %arg3[%mul3A_1054, %dma_wait3A_1057] : memref<320000x64xi32, #tpu.memory_space<hbm>> -> memref<80x64xi32, #tpu.memory_space<hbm>>
    tpu.wait_dma2 semaphore(%arg24 : memref<!tpu.dma_semaphore, #tpu.memory_space<semaphore_mem>>) src(%dma_wait3A_1058 : memref<80x64xi32, #tpu.memory_space<hbm>>) dst(%arg18 : memref<80x64xi32, #tpu.memory_space<vmem>>)
    %dma_wait3A_1059 = arith.constant 0 : i32
    %dma_wait3A_1060 = arith.constant 0 : i32
    %dma_wait3A_1061 = tpu.memref_slice %arg10[%dma_wait3A_1059, %dma_wait3A_1060] : memref<1x80xi32, #tpu.memory_space<vmem>> -> memref<1x80xi32, #tpu.memory_space<vmem>>
    %dma_wait3A_1062 = tpu.memref_squeeze %dma_wait3A_1061 : memref<1x80xi32, #tpu.memory_space<vmem>> -> memref<80xi32, #tpu.memory_space<vmem>>
    %dma_wait3A_1063 = arith.constant 0 : i32
    %dma_wait3A_1064 = arith.constant 0 : i32
    %dma_wait3A_1065 = tpu.memref_slice %arg2[%dma_wait3A_1063, %dma_wait3A_1064] : memref<10000x128xf32, #tpu.memory_space<hbm>> -> memref<10000x128xf32, #tpu.memory_space<hbm>>
    tpu.wait_indirect_dma semaphore(%arg26 : memref<!tpu.dma_semaphore, #tpu.memory_space<semaphore_mem>>) src(%dma_wait3A_1065 : memref<10000x128xf32, #tpu.memory_space<hbm>>) dst(%arg16 : memref<80x128xf32, #tpu.memory_space<vmem>>)
    %scan3A_1066 = arith.constant 0 : i32
    %scan3A_1067 = arith.constant 40 : i32
    %scan3A_1068 = arith.addi %scan3A_1066, %scan3A_1067 : i32
    %scan3A_1069 = arith.constant 1 : i32
    scf.for %scan3A_1135 = %scan3A_1066 to %scan3A_1068 step %scan3A_1069  : i32 {
      %mul3A_1136 = arith.constant 1 : i32
      %mul3A_1137 = arith.muli %scan3A_1135, %mul3A_1136 : i32
      %add3A_1138 = arith.constant 0 : i32
      %add3A_1139 = arith.addi %add3A_1138, %mul3A_1137 : i32
      %mul3A_1140 = arith.constant 2 : i32
      %mul3A_1141 = arith.muli %add3A_1139, %mul3A_1140 : i32
      %add3A_1142 = arith.constant 0 : i32
      %add3A_1143 = arith.addi %mul3A_1141, %add3A_1142 : i32
      %get3A = arith.index_cast %add3A_1143 : i32 to index
      %get3A_1144 = arith.constant 0 : index
      %get3A_1145 = tpu.vector_load %arg18[%get3A, %get3A_1144] {strides = array<i32>} : memref<80x64xi32, #tpu.memory_space<vmem>>, vector<16xi32>,
      %get3A_1146 = arith.index_cast %add3A_1143 : i32 to index
      %get3A_1147 = arith.constant 0 : index
      %get3A_1148 = tpu.vector_load %arg16[%get3A_1146, %get3A_1147] {strides = array<i32>} : memref<80x128xf32, #tpu.memory_space<vmem>>, vector<16xf32>,
      %get3A_1149 = arith.index_cast %add3A_1143 : i32 to index
      %get3A_1150 = arith.constant 64 : index
      %get3A_1151 = tpu.vector_load %arg16[%get3A_1149, %get3A_1150] {strides = array<i32>} : memref<80x128xf32, #tpu.memory_space<vmem>>, vector<16xf32>,
      %shift_left3A = arith.constant 16 : i32
      %shift_left3A_1152 = vector.broadcast %shift_left3A : i32 to vector<16xi32>
      %shift_left3A_1153 = arith.shli %get3A_1145, %shift_left3A_1152 : vector<16xi32>
      %bitcast3A = vector.bitcast %shift_left3A_1153 : vector<16xi32> to vector<16xf32>
      %add3A_1154 = arith.addf %bitcast3A, %get3A_1148 : vector<16xf32>
      %max3A = arith.constant 0.000000e+00 : f32
      %max3A_1155 = vector.broadcast %max3A : f32 to vector<16xf32>
      %max3A_1156 = arith.maximumf %add3A_1154, %max3A_1155 : vector<16xf32>
      %swap3A_1157 = arith.index_cast %add3A_1143 : i32 to index
      %swap3A_1158 = arith.constant 0 : index
      %swap3A_1159 = tpu.vector_load %arg16[%swap3A_1157, %swap3A_1158] {strides = array<i32>} : memref<80x128xf32, #tpu.memory_space<vmem>>, vector<16xf32>,
      tpu.vector_store %arg16[%swap3A_1157, %swap3A_1158], %max3A_1156 {strides = array<i32>} : memref<80x128xf32, #tpu.memory_space<vmem>>, vector<16xf32>,
      %and3A_1160 = arith.constant -65536 : i32
      %and3A_1161 = vector.broadcast %and3A_1160 : i32 to vector<16xi32>
      %and3A_1162 = arith.andi %get3A_1145, %and3A_1161 : vector<16xi32>
      %bitcast3A_1163 = vector.bitcast %and3A_1162 : vector<16xi32> to vector<16xf32>
      %add3A_1164 = arith.addf %bitcast3A_1163, %get3A_1151 : vector<16xf32>
      %max3A_1165 = arith.constant 0.000000e+00 : f32
      %max3A_1166 = vector.broadcast %max3A_1165 : f32 to vector<16xf32>
      %max3A_1167 = arith.maximumf %add3A_1164, %max3A_1166 : vector<16xf32>
      %swap3A_1168 = arith.index_cast %add3A_1143 : i32 to index
      %swap3A_1169 = arith.constant 64 : index
      %swap3A_1170 = tpu.vector_load %arg16[%swap3A_1168, %swap3A_1169] {strides = array<i32>} : memref<80x128xf32, #tpu.memory_space<vmem>>, vector<16xf32>,
      tpu.vector_store %arg16[%swap3A_1168, %swap3A_1169], %max3A_1167 {strides = array<i32>} : memref<80x128xf32, #tpu.memory_space<vmem>>, vector<16xf32>,
      %get3A_1171 = arith.index_cast %add3A_1143 : i32 to index
      %get3A_1172 = arith.constant 16 : index
      %get3A_1173 = tpu.vector_load %arg18[%get3A_1171, %get3A_1172] {strides = array<i32>} : memref<80x64xi32, #tpu.memory_space<vmem>>, vector<16xi32>,
      %get3A_1174 = arith.index_cast %add3A_1143 : i32 to index
      %get3A_1175 = arith.constant 16 : index
      %get3A_1176 = tpu.vector_load %arg16[%get3A_1174, %get3A_1175] {strides = array<i32>} : memref<80x128xf32, #tpu.memory_space<vmem>>, vector<16xf32>,
      %get3A_1177 = arith.index_cast %add3A_1143 : i32 to index
      %get3A_1178 = arith.constant 80 : index
      %get3A_1179 = tpu.vector_load %arg16[%get3A_1177, %get3A_1178] {strides = array<i32>} : memref<80x128xf32, #tpu.memory_space<vmem>>, vector<16xf32>,
      %shift_left3A_1180 = arith.constant 16 : i32
      %shift_left3A_1181 = vector.broadcast %shift_left3A_1180 : i32 to vector<16xi32>
      %shift_left3A_1182 = arith.shli %get3A_1173, %shift_left3A_1181 : vector<16xi32>
      %bitcast3A_1183 = vector.bitcast %shift_left3A_1182 : vector<16xi32> to vector<16xf32>
      %add3A_1184 = arith.addf %bitcast3A_1183, %get3A_1176 : vector<16xf32>
      %max3A_1185 = arith.constant 0.000000e+00 : f32
      %max3A_1186 = vector.broadcast %max3A_1185 : f32 to vector<16xf32>
      %max3A_1187 = arith.maximumf %add3A_1184, %max3A_1186 : vector<16xf32>
      %swap3A_1188 = arith.index_cast %add3A_1143 : i32 to index
      %swap3A_1189 = arith.constant 16 : index
      %swap3A_1190 = tpu.vector_load %arg16[%swap3A_1188, %swap3A_1189] {strides = array<i32>} : memref<80x128xf32, #tpu.memory_space<vmem>>, vector<16xf32>,
      tpu.vector_store %arg16[%swap3A_1188, %swap3A_1189], %max3A_1187 {strides = array<i32>} : memref<80x128xf32, #tpu.memory_space<vmem>>, vector<16xf32>,
      %and3A_1191 = arith.constant -65536 : i32
      %and3A_1192 = vector.broadcast %and3A_1191 : i32 to vector<16xi32>
      %and3A_1193 = arith.andi %get3A_1173, %and3A_1192 : vector<16xi32>
      %bitcast3A_1194 = vector.bitcast %and3A_1193 : vector<16xi32> to vector<16xf32>
      %add3A_1195 = arith.addf %bitcast3A_1194, %get3A_1179 : vector<16xf32>
      %max3A_1196 = arith.constant 0.000000e+00 : f32
      %max3A_1197 = vector.broadcast %max3A_1196 : f32 to vector<16xf32>
      %max3A_1198 = arith.maximumf %add3A_1195, %max3A_1197 : vector<16xf32>
      %swap3A_1199 = arith.index_cast %add3A_1143 : i32 to index
      %swap3A_1200 = arith.constant 80 : index
      %swap3A_1201 = tpu.vector_load %arg16[%swap3A_1199, %swap3A_1200] {strides = array<i32>} : memref<80x128xf32, #tpu.memory_space<vmem>>, vector<16xf32>,
      tpu.vector_store %arg16[%swap3A_1199, %swap3A_1200], %max3A_1198 {strides = array<i32>} : memref<80x128xf32, #tpu.memory_space<vmem>>, vector<16xf32>,
      %get3A_1202 = arith.index_cast %add3A_1143 : i32 to index
      %get3A_1203 = arith.constant 32 : index
      %get3A_1204 = tpu.vector_load %arg18[%get3A_1202, %get3A_1203] {strides = array<i32>} : memref<80x64xi32, #tpu.memory_space<vmem>>, vector<16xi32>,
      %get3A_1205 = arith.index_cast %add3A_1143 : i32 to index
      %get3A_1206 = arith.constant 32 : index
      %get3A_1207 = tpu.vector_load %arg16[%get3A_1205, %get3A_1206] {strides = array<i32>} : memref<80x128xf32, #tpu.memory_space<vmem>>, vector<16xf32>,
      %get3A_1208 = arith.index_cast %add3A_1143 : i32 to index
      %get3A_1209 = arith.constant 96 : index
      %get3A_1210 = tpu.vector_load %arg16[%get3A_1208, %get3A_1209] {strides = array<i32>} : memref<80x128xf32, #tpu.memory_space<vmem>>, vector<16xf32>,
      %shift_left3A_1211 = arith.constant 16 : i32
      %shift_left3A_1212 = vector.broadcast %shift_left3A_1211 : i32 to vector<16xi32>
      %shift_left3A_1213 = arith.shli %get3A_1204, %shift_left3A_1212 : vector<16xi32>
      %bitcast3A_1214 = vector.bitcast %shift_left3A_1213 : vector<16xi32> to vector<16xf32>
      %add3A_1215 = arith.addf %bitcast3A_1214, %get3A_1207 : vector<16xf32>
      %max3A_1216 = arith.constant 0.000000e+00 : f32
      %max3A_1217 = vector.broadcast %max3A_1216 : f32 to vector<16xf32>
      %max3A_1218 = arith.maximumf %add3A_1215, %max3A_1217 : vector<16xf32>
      %swap3A_1219 = arith.index_cast %add3A_1143 : i32 to index
      %swap3A_1220 = arith.constant 32 : index
      %swap3A_1221 = tpu.vector_load %arg16[%swap3A_1219, %swap3A_1220] {strides = array<i32>} : memref<80x128xf32, #tpu.memory_space<vmem>>, vector<16xf32>,
      tpu.vector_store %arg16[%swap3A_1219, %swap3A_1220], %max3A_1218 {strides = array<i32>} : memref<80x128xf32, #tpu.memory_space<vmem>>, vector<16xf32>,
      %and3A_1222 = arith.constant -65536 : i32
      %and3A_1223 = vector.broadcast %and3A_1222 : i32 to vector<16xi32>
      %and3A_1224 = arith.andi %get3A_1204, %and3A_1223 : vector<16xi32>
      %bitcast3A_1225 = vector.bitcast %and3A_1224 : vector<16xi32> to vector<16xf32>
      %add3A_1226 = arith.addf %bitcast3A_1225, %get3A_1210 : vector<16xf32>
      %max3A_1227 = arith.constant 0.000000e+00 : f32
      %max3A_1228 = vector.broadcast %max3A_1227 : f32 to vector<16xf32>
      %max3A_1229 = arith.maximumf %add3A_1226, %max3A_1228 : vector<16xf32>
      %swap3A_1230 = arith.index_cast %add3A_1143 : i32 to index
      %swap3A_1231 = arith.constant 96 : index
      %swap3A_1232 = tpu.vector_load %arg16[%swap3A_1230, %swap3A_1231] {strides = array<i32>} : memref<80x128xf32, #tpu.memory_space<vmem>>, vector<16xf32>,
      tpu.vector_store %arg16[%swap3A_1230, %swap3A_1231], %max3A_1229 {strides = array<i32>} : memref<80x128xf32, #tpu.memory_space<vmem>>, vector<16xf32>,
      %get3A_1233 = arith.index_cast %add3A_1143 : i32 to index
      %get3A_1234 = arith.constant 48 : index
      %get3A_1235 = tpu.vector_load %arg18[%get3A_1233, %get3A_1234] {strides = array<i32>} : memref<80x64xi32, #tpu.memory_space<vmem>>, vector<16xi32>,
      %get3A_1236 = arith.index_cast %add3A_1143 : i32 to index
      %get3A_1237 = arith.constant 48 : index
      %get3A_1238 = tpu.vector_load %arg16[%get3A_1236, %get3A_1237] {strides = array<i32>} : memref<80x128xf32, #tpu.memory_space<vmem>>, vector<16xf32>,
      %get3A_1239 = arith.index_cast %add3A_1143 : i32 to index
      %get3A_1240 = arith.constant 112 : index
      %get3A_1241 = tpu.vector_load %arg16[%get3A_1239, %get3A_1240] {strides = array<i32>} : memref<80x128xf32, #tpu.memory_space<vmem>>, vector<16xf32>,
      %shift_left3A_1242 = arith.constant 16 : i32
      %shift_left3A_1243 = vector.broadcast %shift_left3A_1242 : i32 to vector<16xi32>
      %shift_left3A_1244 = arith.shli %get3A_1235, %shift_left3A_1243 : vector<16xi32>
      %bitcast3A_1245 = vector.bitcast %shift_left3A_1244 : vector<16xi32> to vector<16xf32>
      %add3A_1246 = arith.addf %bitcast3A_1245, %get3A_1238 : vector<16xf32>
      %max3A_1247 = arith.constant 0.000000e+00 : f32
      %max3A_1248 = vector.broadcast %max3A_1247 : f32 to vector<16xf32>
      %max3A_1249 = arith.maximumf %add3A_1246, %max3A_1248 : vector<16xf32>
      %swap3A_1250 = arith.index_cast %add3A_1143 : i32 to index
      %swap3A_1251 = arith.constant 48 : index
      %swap3A_1252 = tpu.vector_load %arg16[%swap3A_1250, %swap3A_1251] {strides = array<i32>} : memref<80x128xf32, #tpu.memory_space<vmem>>, vector<16xf32>,
      tpu.vector_store %arg16[%swap3A_1250, %swap3A_1251], %max3A_1249 {strides = array<i32>} : memref<80x128xf32, #tpu.memory_space<vmem>>, vector<16xf32>,
      %and3A_1253 = arith.constant -65536 : i32
      %and3A_1254 = vector.broadcast %and3A_1253 : i32 to vector<16xi32>
      %and3A_1255 = arith.andi %get3A_1235, %and3A_1254 : vector<16xi32>
      %bitcast3A_1256 = vector.bitcast %and3A_1255 : vector<16xi32> to vector<16xf32>
      %add3A_1257 = arith.addf %bitcast3A_1256, %get3A_1241 : vector<16xf32>
      %max3A_1258 = arith.constant 0.000000e+00 : f32
      %max3A_1259 = vector.broadcast %max3A_1258 : f32 to vector<16xf32>
      %max3A_1260 = arith.maximumf %add3A_1257, %max3A_1259 : vector<16xf32>
      %swap3A_1261 = arith.index_cast %add3A_1143 : i32 to index
      %swap3A_1262 = arith.constant 112 : index
      %swap3A_1263 = tpu.vector_load %arg16[%swap3A_1261, %swap3A_1262] {strides = array<i32>} : memref<80x128xf32, #tpu.memory_space<vmem>>, vector<16xf32>,
      tpu.vector_store %arg16[%swap3A_1261, %swap3A_1262], %max3A_1260 {strides = array<i32>} : memref<80x128xf32, #tpu.memory_space<vmem>>, vector<16xf32>,
      %mul3A_1264 = arith.constant 2 : i32
      %mul3A_1265 = arith.muli %add3A_1139, %mul3A_1264 : i32
      %add3A_1266 = arith.constant 1 : i32
      %add3A_1267 = arith.addi %mul3A_1265, %add3A_1266 : i32
      %get3A_1268 = arith.index_cast %add3A_1267 : i32 to index
      %get3A_1269 = arith.constant 0 : index
      %get3A_1270 = tpu.vector_load %arg18[%get3A_1268, %get3A_1269] {strides = array<i32>} : memref<80x64xi32, #tpu.memory_space<vmem>>, vector<16xi32>,
      %get3A_1271 = arith.index_cast %add3A_1267 : i32 to index
      %get3A_1272 = arith.constant 0 : index
      %get3A_1273 = tpu.vector_load %arg16[%get3A_1271, %get3A_1272] {strides = array<i32>} : memref<80x128xf32, #tpu.memory_space<vmem>>, vector<16xf32>,
      %get3A_1274 = arith.index_cast %add3A_1267 : i32 to index
      %get3A_1275 = arith.constant 64 : index
      %get3A_1276 = tpu.vector_load %arg16[%get3A_1274, %get3A_1275] {strides = array<i32>} : memref<80x128xf32, #tpu.memory_space<vmem>>, vector<16xf32>,
      %shift_left3A_1277 = arith.constant 16 : i32
      %shift_left3A_1278 = vector.broadcast %shift_left3A_1277 : i32 to vector<16xi32>
      %shift_left3A_1279 = arith.shli %get3A_1270, %shift_left3A_1278 : vector<16xi32>
      %bitcast3A_1280 = vector.bitcast %shift_left3A_1279 : vector<16xi32> to vector<16xf32>
      %add3A_1281 = arith.addf %bitcast3A_1280, %get3A_1273 : vector<16xf32>
      %max3A_1282 = arith.constant 0.000000e+00 : f32
      %max3A_1283 = vector.broadcast %max3A_1282 : f32 to vector<16xf32>
      %max3A_1284 = arith.maximumf %add3A_1281, %max3A_1283 : vector<16xf32>
      %swap3A_1285 = arith.index_cast %add3A_1267 : i32 to index
      %swap3A_1286 = arith.constant 0 : index
      %swap3A_1287 = tpu.vector_load %arg16[%swap3A_1285, %swap3A_1286] {strides = array<i32>} : memref<80x128xf32, #tpu.memory_space<vmem>>, vector<16xf32>,
      tpu.vector_store %arg16[%swap3A_1285, %swap3A_1286], %max3A_1284 {strides = array<i32>} : memref<80x128xf32, #tpu.memory_space<vmem>>, vector<16xf32>,
      %and3A_1288 = arith.constant -65536 : i32
      %and3A_1289 = vector.broadcast %and3A_1288 : i32 to vector<16xi32>
      %and3A_1290 = arith.andi %get3A_1270, %and3A_1289 : vector<16xi32>
      %bitcast3A_1291 = vector.bitcast %and3A_1290 : vector<16xi32> to vector<16xf32>
      %add3A_1292 = arith.addf %bitcast3A_1291, %get3A_1276 : vector<16xf32>
      %max3A_1293 = arith.constant 0.000000e+00 : f32
      %max3A_1294 = vector.broadcast %max3A_1293 : f32 to vector<16xf32>
      %max3A_1295 = arith.maximumf %add3A_1292, %max3A_1294 : vector<16xf32>
      %swap3A_1296 = arith.index_cast %add3A_1267 : i32 to index
      %swap3A_1297 = arith.constant 64 : index
      %swap3A_1298 = tpu.vector_load %arg16[%swap3A_1296, %swap3A_1297] {strides = array<i32>} : memref<80x128xf32, #tpu.memory_space<vmem>>, vector<16xf32>,
      tpu.vector_store %arg16[%swap3A_1296, %swap3A_1297], %max3A_1295 {strides = array<i32>} : memref<80x128xf32, #tpu.memory_space<vmem>>, vector<16xf32>,
      %get3A_1299 = arith.index_cast %add3A_1267 : i32 to index
      %get3A_1300 = arith.constant 16 : index
      %get3A_1301 = tpu.vector_load %arg18[%get3A_1299, %get3A_1300] {strides = array<i32>} : memref<80x64xi32, #tpu.memory_space<vmem>>, vector<16xi32>,
      %get3A_1302 = arith.index_cast %add3A_1267 : i32 to index
      %get3A_1303 = arith.constant 16 : index
      %get3A_1304 = tpu.vector_load %arg16[%get3A_1302, %get3A_1303] {strides = array<i32>} : memref<80x128xf32, #tpu.memory_space<vmem>>, vector<16xf32>,
      %get3A_1305 = arith.index_cast %add3A_1267 : i32 to index
      %get3A_1306 = arith.constant 80 : index
      %get3A_1307 = tpu.vector_load %arg16[%get3A_1305, %get3A_1306] {strides = array<i32>} : memref<80x128xf32, #tpu.memory_space<vmem>>, vector<16xf32>,
      %shift_left3A_1308 = arith.constant 16 : i32
      %shift_left3A_1309 = vector.broadcast %shift_left3A_1308 : i32 to vector<16xi32>
      %shift_left3A_1310 = arith.shli %get3A_1301, %shift_left3A_1309 : vector<16xi32>
      %bitcast3A_1311 = vector.bitcast %shift_left3A_1310 : vector<16xi32> to vector<16xf32>
      %add3A_1312 = arith.addf %bitcast3A_1311, %get3A_1304 : vector<16xf32>
      %max3A_1313 = arith.constant 0.000000e+00 : f32
      %max3A_1314 = vector.broadcast %max3A_1313 : f32 to vector<16xf32>
      %max3A_1315 = arith.maximumf %add3A_1312, %max3A_1314 : vector<16xf32>
      %swap3A_1316 = arith.index_cast %add3A_1267 : i32 to index
      %swap3A_1317 = arith.constant 16 : index
      %swap3A_1318 = tpu.vector_load %arg16[%swap3A_1316, %swap3A_1317] {strides = array<i32>} : memref<80x128xf32, #tpu.memory_space<vmem>>, vector<16xf32>,
      tpu.vector_store %arg16[%swap3A_1316, %swap3A_1317], %max3A_1315 {strides = array<i32>} : memref<80x128xf32, #tpu.memory_space<vmem>>, vector<16xf32>,
      %and3A_1319 = arith.constant -65536 : i32
      %and3A_1320 = vector.broadcast %and3A_1319 : i32 to vector<16xi32>
      %and3A_1321 = arith.andi %get3A_1301, %and3A_1320 : vector<16xi32>
      %bitcast3A_1322 = vector.bitcast %and3A_1321 : vector<16xi32> to vector<16xf32>
      %add3A_1323 = arith.addf %bitcast3A_1322, %get3A_1307 : vector<16xf32>
      %max3A_1324 = arith.constant 0.000000e+00 : f32
      %max3A_1325 = vector.broadcast %max3A_1324 : f32 to vector<16xf32>
      %max3A_1326 = arith.maximumf %add3A_1323, %max3A_1325 : vector<16xf32>
      %swap3A_1327 = arith.index_cast %add3A_1267 : i32 to index
      %swap3A_1328 = arith.constant 80 : index
      %swap3A_1329 = tpu.vector_load %arg16[%swap3A_1327, %swap3A_1328] {strides = array<i32>} : memref<80x128xf32, #tpu.memory_space<vmem>>, vector<16xf32>,
      tpu.vector_store %arg16[%swap3A_1327, %swap3A_1328], %max3A_1326 {strides = array<i32>} : memref<80x128xf32, #tpu.memory_space<vmem>>, vector<16xf32>,
      %get3A_1330 = arith.index_cast %add3A_1267 : i32 to index
      %get3A_1331 = arith.constant 32 : index
      %get3A_1332 = tpu.vector_load %arg18[%get3A_1330, %get3A_1331] {strides = array<i32>} : memref<80x64xi32, #tpu.memory_space<vmem>>, vector<16xi32>,
      %get3A_1333 = arith.index_cast %add3A_1267 : i32 to index
      %get3A_1334 = arith.constant 32 : index
      %get3A_1335 = tpu.vector_load %arg16[%get3A_1333, %get3A_1334] {strides = array<i32>} : memref<80x128xf32, #tpu.memory_space<vmem>>, vector<16xf32>,
      %get3A_1336 = arith.index_cast %add3A_1267 : i32 to index
      %get3A_1337 = arith.constant 96 : index
      %get3A_1338 = tpu.vector_load %arg16[%get3A_1336, %get3A_1337] {strides = array<i32>} : memref<80x128xf32, #tpu.memory_space<vmem>>, vector<16xf32>,
      %shift_left3A_1339 = arith.constant 16 : i32
      %shift_left3A_1340 = vector.broadcast %shift_left3A_1339 : i32 to vector<16xi32>
      %shift_left3A_1341 = arith.shli %get3A_1332, %shift_left3A_1340 : vector<16xi32>
      %bitcast3A_1342 = vector.bitcast %shift_left3A_1341 : vector<16xi32> to vector<16xf32>
      %add3A_1343 = arith.addf %bitcast3A_1342, %get3A_1335 : vector<16xf32>
      %max3A_1344 = arith.constant 0.000000e+00 : f32
      %max3A_1345 = vector.broadcast %max3A_1344 : f32 to vector<16xf32>
      %max3A_1346 = arith.maximumf %add3A_1343, %max3A_1345 : vector<16xf32>
      %swap3A_1347 = arith.index_cast %add3A_1267 : i32 to index
      %swap3A_1348 = arith.constant 32 : index
      %swap3A_1349 = tpu.vector_load %arg16[%swap3A_1347, %swap3A_1348] {strides = array<i32>} : memref<80x128xf32, #tpu.memory_space<vmem>>, vector<16xf32>,
      tpu.vector_store %arg16[%swap3A_1347, %swap3A_1348], %max3A_1346 {strides = array<i32>} : memref<80x128xf32, #tpu.memory_space<vmem>>, vector<16xf32>,
      %and3A_1350 = arith.constant -65536 : i32
      %and3A_1351 = vector.broadcast %and3A_1350 : i32 to vector<16xi32>
      %and3A_1352 = arith.andi %get3A_1332, %and3A_1351 : vector<16xi32>
      %bitcast3A_1353 = vector.bitcast %and3A_1352 : vector<16xi32> to vector<16xf32>
      %add3A_1354 = arith.addf %bitcast3A_1353, %get3A_1338 : vector<16xf32>
      %max3A_1355 = arith.constant 0.000000e+00 : f32
      %max3A_1356 = vector.broadcast %max3A_1355 : f32 to vector<16xf32>
      %max3A_1357 = arith.maximumf %add3A_1354, %max3A_1356 : vector<16xf32>
      %swap3A_1358 = arith.index_cast %add3A_1267 : i32 to index
      %swap3A_1359 = arith.constant 96 : index
      %swap3A_1360 = tpu.vector_load %arg16[%swap3A_1358, %swap3A_1359] {strides = array<i32>} : memref<80x128xf32, #tpu.memory_space<vmem>>, vector<16xf32>,
      tpu.vector_store %arg16[%swap3A_1358, %swap3A_1359], %max3A_1357 {strides = array<i32>} : memref<80x128xf32, #tpu.memory_space<vmem>>, vector<16xf32>,
      %get3A_1361 = arith.index_cast %add3A_1267 : i32 to index
      %get3A_1362 = arith.constant 48 : index
      %get3A_1363 = tpu.vector_load %arg18[%get3A_1361, %get3A_1362] {strides = array<i32>} : memref<80x64xi32, #tpu.memory_space<vmem>>, vector<16xi32>,
      %get3A_1364 = arith.index_cast %add3A_1267 : i32 to index
      %get3A_1365 = arith.constant 48 : index
      %get3A_1366 = tpu.vector_load %arg16[%get3A_1364, %get3A_1365] {strides = array<i32>} : memref<80x128xf32, #tpu.memory_space<vmem>>, vector<16xf32>,
      %get3A_1367 = arith.index_cast %add3A_1267 : i32 to index
      %get3A_1368 = arith.constant 112 : index
      %get3A_1369 = tpu.vector_load %arg16[%get3A_1367, %get3A_1368] {strides = array<i32>} : memref<80x128xf32, #tpu.memory_space<vmem>>, vector<16xf32>,
      %shift_left3A_1370 = arith.constant 16 : i32
      %shift_left3A_1371 = vector.broadcast %shift_left3A_1370 : i32 to vector<16xi32>
      %shift_left3A_1372 = arith.shli %get3A_1363, %shift_left3A_1371 : vector<16xi32>
      %bitcast3A_1373 = vector.bitcast %shift_left3A_1372 : vector<16xi32> to vector<16xf32>
      %add3A_1374 = arith.addf %bitcast3A_1373, %get3A_1366 : vector<16xf32>
      %max3A_1375 = arith.constant 0.000000e+00 : f32
      %max3A_1376 = vector.broadcast %max3A_1375 : f32 to vector<16xf32>
      %max3A_1377 = arith.maximumf %add3A_1374, %max3A_1376 : vector<16xf32>
      %swap3A_1378 = arith.index_cast %add3A_1267 : i32 to index
      %swap3A_1379 = arith.constant 48 : index
      %swap3A_1380 = tpu.vector_load %arg16[%swap3A_1378, %swap3A_1379] {strides = array<i32>} : memref<80x128xf32, #tpu.memory_space<vmem>>, vector<16xf32>,
      tpu.vector_store %arg16[%swap3A_1378, %swap3A_1379], %max3A_1377 {strides = array<i32>} : memref<80x128xf32, #tpu.memory_space<vmem>>, vector<16xf32>,
      %and3A_1381 = arith.constant -65536 : i32
      %and3A_1382 = vector.broadcast %and3A_1381 : i32 to vector<16xi32>
      %and3A_1383 = arith.andi %get3A_1363, %and3A_1382 : vector<16xi32>
      %bitcast3A_1384 = vector.bitcast %and3A_1383 : vector<16xi32> to vector<16xf32>
      %add3A_1385 = arith.addf %bitcast3A_1384, %get3A_1369 : vector<16xf32>
      %max3A_1386 = arith.constant 0.000000e+00 : f32
      %max3A_1387 = vector.broadcast %max3A_1386 : f32 to vector<16xf32>
      %max3A_1388 = arith.maximumf %add3A_1385, %max3A_1387 : vector<16xf32>
      %swap3A_1389 = arith.index_cast %add3A_1267 : i32 to index
      %swap3A_1390 = arith.constant 112 : index
      %swap3A_1391 = tpu.vector_load %arg16[%swap3A_1389, %swap3A_1390] {strides = array<i32>} : memref<80x128xf32, #tpu.memory_space<vmem>>, vector<16xf32>,
      tpu.vector_store %arg16[%swap3A_1389, %swap3A_1390], %max3A_1388 {strides = array<i32>} : memref<80x128xf32, #tpu.memory_space<vmem>>, vector<16xf32>,
    }
    %scan3A_1070 = arith.constant 40 : i32
    %dma_start3A_1071 = arith.constant 0 : i32
    %dma_start3A_1072 = arith.constant 0 : i32
    %dma_start3A_1073 = tpu.memref_slice %arg14[%dma_start3A_1071, %dma_start3A_1072] : memref<1x80xi32, #tpu.memory_space<vmem>> -> memref<1x80xi32, #tpu.memory_space<vmem>>
    %dma_start3A_1074 = tpu.memref_squeeze %dma_start3A_1073 : memref<1x80xi32, #tpu.memory_space<vmem>> -> memref<80xi32, #tpu.memory_space<vmem>>
    %dma_start3A_1075 = arith.constant 0 : i32
    %dma_start3A_1076 = arith.constant 0 : i32
    %dma_start3A_1077 = tpu.memref_slice %arg30[%dma_start3A_1075, %dma_start3A_1076] : memref<10000x128xf32, #tpu.memory_space<vmem_shared>> -> memref<10000x128xf32, #tpu.memory_space<vmem_shared>>
    tpu.enqueue_indirect_dma source(%arg16 : memref<80x128xf32, #tpu.memory_space<vmem>>) target(%dma_start3A_1077 : memref<10000x128xf32, #tpu.memory_space<vmem_shared>>) offsets(%dma_start3A_1074 : memref<80xi32, #tpu.memory_space<vmem>>) semaphore(%arg28 : memref<!tpu.dma_semaphore, #tpu.memory_space<semaphore_mem>>) {add = true}
    %add3A_1078 = arith.constant 192 : i32
    %add3A_1079 = arith.addi %add3A, %add3A_1078 : i32
    %dma_start3A_1080 = arith.constant 0 : i32
    %dma_start3A_1081 = tpu.memref_slice %arg4[%add3A_1079, %dma_start3A_1080] : memref<4000x80xi32, #tpu.memory_space<hbm>> -> memref<1x80xi32, #tpu.memory_space<hbm>>
    %dma_start3A_1082 = arith.constant 0 : i32
    %dma_start3A_1083 = tpu.memref_slice %arg4[%add3A_1079, %dma_start3A_1082] : memref<4000x80xi32, #tpu.memory_space<hbm>> -> memref<1x80xi32, #tpu.memory_space<hbm>>
    tpu.enqueue_dma source(%dma_start3A_1083 : memref<1x80xi32, #tpu.memory_space<hbm>>) target(%arg9 : memref<1x80xi32, #tpu.memory_space<vmem>>) target_semaphore(%arg21 : memref<!tpu.dma_semaphore, #tpu.memory_space<semaphore_mem>>)
    %dma_start3A_1084 = arith.constant 0 : i32
    %dma_start3A_1085 = tpu.memref_slice %arg5[%add3A_1079, %dma_start3A_1084] : memref<4000x80xi32, #tpu.memory_space<hbm>> -> memref<1x80xi32, #tpu.memory_space<hbm>>
    %dma_start3A_1086 = arith.constant 0 : i32
    %dma_start3A_1087 = tpu.memref_slice %arg5[%add3A_1079, %dma_start3A_1086] : memref<4000x80xi32, #tpu.memory_space<hbm>> -> memref<1x80xi32, #tpu.memory_space<hbm>>
    tpu.enqueue_dma source(%dma_start3A_1087 : memref<1x80xi32, #tpu.memory_space<hbm>>) target(%arg13 : memref<1x80xi32, #tpu.memory_space<vmem>>) target_semaphore(%arg21 : memref<!tpu.dma_semaphore, #tpu.memory_space<semaphore_mem>>)
    %scan3A_1088 = arith.constant 0 : i32
    %scan3A_1089 = arith.constant 31 : i32
    %scan3A_1090 = arith.addi %scan3A_1088, %scan3A_1089 : i32
    %scan3A_1091 = arith.constant 1 : i32
    scf.for %scan3A_1135 = %scan3A_1088 to %scan3A_1090 step %scan3A_1091  : i32 {
      %mul3A_1136 = arith.constant 4 : i32
      %mul3A_1137 = arith.muli %scan3A_1135, %mul3A_1136 : i32
      %add3A_1138 = arith.constant 4 : i32
      %add3A_1139 = arith.addi %add3A_1138, %mul3A_1137 : i32
      %add3A_1140 = arith.constant 0 : i32
      %add3A_1141 = arith.addi %add3A_1139, %add3A_1140 : i32
      %add3A_1142 = arith.constant 1 : i32
      %add3A_1143 = arith.addi %add3A_1141, %add3A_1142 : i32
      %mul3A_1144 = arith.constant 32 : i32
      %mul3A_1145 = arith.muli %mul3A_1144, %add3A_1143 : i32
      %add3A_1146 = arith.addi %add3A, %mul3A_1145 : i32
      %lt3A_1147 = arith.constant 4000 : i32
      %lt3A_1148 = arith.cmpi slt, %add3A_1146, %lt3A_1147 : i32
      %convert_element_type3A_1149 = arith.extui %lt3A_1148 : i1 to i32
      %cond3A_1150 = arith.constant 0 : i32
      %cond3A_1151 = arith.cmpi ne, %convert_element_type3A_1149, %cond3A_1150 : i32
      scf.if %cond3A_1151 {
        %dma_wait3A_1260 = arith.constant 0 : i32
        %dma_wait3A_1261 = tpu.memref_slice %arg4[%add3A_1146, %dma_wait3A_1260] : memref<4000x80xi32, #tpu.memory_space<hbm>> -> memref<1x80xi32, #tpu.memory_space<hbm>>
        %dma_wait3A_1262 = arith.constant 0 : i32
        %dma_wait3A_1263 = tpu.memref_slice %arg4[%add3A_1146, %dma_wait3A_1262] : memref<4000x80xi32, #tpu.memory_space<hbm>> -> memref<1x80xi32, #tpu.memory_space<hbm>>
        tpu.wait_dma2 semaphore(%arg20 : memref<!tpu.dma_semaphore, #tpu.memory_space<semaphore_mem>>) src(%dma_wait3A_1263 : memref<1x80xi32, #tpu.memory_space<hbm>>) dst(%arg8 : memref<1x80xi32, #tpu.memory_space<vmem>>)
        %dma_wait3A_1264 = arith.constant 0 : i32
        %dma_wait3A_1265 = tpu.memref_slice %arg5[%add3A_1146, %dma_wait3A_1264] : memref<4000x80xi32, #tpu.memory_space<hbm>> -> memref<1x80xi32, #tpu.memory_space<hbm>>
        %dma_wait3A_1266 = arith.constant 0 : i32
        %dma_wait3A_1267 = tpu.memref_slice %arg5[%add3A_1146, %dma_wait3A_1266] : memref<4000x80xi32, #tpu.memory_space<hbm>> -> memref<1x80xi32, #tpu.memory_space<hbm>>
        tpu.wait_dma2 semaphore(%arg20 : memref<!tpu.dma_semaphore, #tpu.memory_space<semaphore_mem>>) src(%dma_wait3A_1267 : memref<1x80xi32, #tpu.memory_space<hbm>>) dst(%arg12 : memref<1x80xi32, #tpu.memory_space<vmem>>)
        %dma_wait3A_1268 = arith.constant 0 : i32
        %dma_wait3A_1269 = arith.constant 0 : i32
        %dma_wait3A_1270 = tpu.memref_slice %arg14[%dma_wait3A_1268, %dma_wait3A_1269] : memref<1x80xi32, #tpu.memory_space<vmem>> -> memref<1x80xi32, #tpu.memory_space<vmem>>
        %dma_wait3A_1271 = tpu.memref_squeeze %dma_wait3A_1270 : memref<1x80xi32, #tpu.memory_space<vmem>> -> memref<80xi32, #tpu.memory_space<vmem>>
        %dma_wait3A_1272 = arith.constant 0 : i32
        %dma_wait3A_1273 = arith.constant 0 : i32
        %dma_wait3A_1274 = tpu.memref_slice %arg30[%dma_wait3A_1272, %dma_wait3A_1273] : memref<10000x128xf32, #tpu.memory_space<vmem_shared>> -> memref<10000x128xf32, #tpu.memory_space<vmem_shared>>
        tpu.wait_indirect_dma semaphore(%arg28 : memref<!tpu.dma_semaphore, #tpu.memory_space<semaphore_mem>>) src(%arg16 : memref<80x128xf32, #tpu.memory_space<vmem>>) dst(%dma_wait3A_1274 : memref<10000x128xf32, #tpu.memory_space<vmem_shared>>)
        %mul3A_1275 = arith.constant 80 : i32
        %mul3A_1276 = arith.muli %add3A_1146, %mul3A_1275 : i32
        %dma_start3A_1277 = arith.constant 0 : i32
        %dma_start3A_1278 = tpu.memref_slice %arg3[%mul3A_1276, %dma_start3A_1277] : memref<320000x64xi32, #tpu.memory_space<hbm>> -> memref<80x64xi32, #tpu.memory_space<hbm>>
        %dma_start3A_1279 = arith.constant 0 : i32
        %dma_start3A_1280 = tpu.memref_slice %arg3[%mul3A_1276, %dma_start3A_1279] : memref<320000x64xi32, #tpu.memory_space<hbm>> -> memref<80x64xi32, #tpu.memory_space<hbm>>
        tpu.enqueue_dma source(%dma_start3A_1280 : memref<80x64xi32, #tpu.memory_space<hbm>>) target(%arg18 : memref<80x64xi32, #tpu.memory_space<vmem>>) target_semaphore(%arg24 : memref<!tpu.dma_semaphore, #tpu.memory_space<semaphore_mem>>)
        %dma_start3A_1281 = arith.constant 0 : i32
        %dma_start3A_1282 = arith.constant 0 : i32
        %dma_start3A_1283 = tpu.memref_slice %arg8[%dma_start3A_1281, %dma_start3A_1282] : memref<1x80xi32, #tpu.memory_space<vmem>> -> memref<1x80xi32, #tpu.memory_space<vmem>>
        %dma_start3A_1284 = tpu.memref_squeeze %dma_start3A_1283 : memref<1x80xi32, #tpu.memory_space<vmem>> -> memref<80xi32, #tpu.memory_space<vmem>>
        %dma_start3A_1285 = arith.constant 0 : i32
        %dma_start3A_1286 = arith.constant 0 : i32
        %dma_start3A_1287 = tpu.memref_slice %arg2[%dma_start3A_1285, %dma_start3A_1286] : memref<10000x128xf32, #tpu.memory_space<hbm>> -> memref<10000x128xf32, #tpu.memory_space<hbm>>
        tpu.enqueue_indirect_dma source(%dma_start3A_1287 : memref<10000x128xf32, #tpu.memory_space<hbm>>) target(%arg16 : memref<80x128xf32, #tpu.memory_space<vmem>>) offsets(%dma_start3A_1284 : memref<80xi32, #tpu.memory_space<vmem>>) semaphore(%arg26 : memref<!tpu.dma_semaphore, #tpu.memory_space<semaphore_mem>>)
      } else {
      }
      %mul3A_1152 = arith.constant 32 : i32
      %mul3A_1153 = arith.muli %mul3A_1152, %add3A_1141 : i32
      %add3A_1154 = arith.addi %add3A, %mul3A_1153 : i32
      %lt3A_1155 = arith.constant 4000 : i32
      %lt3A_1156 = arith.cmpi slt, %add3A_1154, %lt3A_1155 : i32
      %convert_element_type3A_1157 = arith.extui %lt3A_1156 : i1 to i32
      %cond3A_1158 = arith.constant 0 : i32
      %cond3A_1159 = arith.cmpi ne, %convert_element_type3A_1157, %cond3A_1158 : i32
      scf.if %cond3A_1159 {
        %mul3A_1260 = arith.constant 80 : i32
        %mul3A_1261 = arith.muli %add3A_1154, %mul3A_1260 : i32
        %dma_wait3A_1262 = arith.constant 0 : i32
        %dma_wait3A_1263 = tpu.memref_slice %arg3[%mul3A_1261, %dma_wait3A_1262] : memref<320000x64xi32, #tpu.memory_space<hbm>> -> memref<80x64xi32, #tpu.memory_space<hbm>>
        %dma_wait3A_1264 = arith.constant 0 : i32
        %dma_wait3A_1265 = tpu.memref_slice %arg3[%mul3A_1261, %dma_wait3A_1264] : memref<320000x64xi32, #tpu.memory_space<hbm>> -> memref<80x64xi32, #tpu.memory_space<hbm>>
        tpu.wait_dma2 semaphore(%arg23 : memref<!tpu.dma_semaphore, #tpu.memory_space<semaphore_mem>>) src(%dma_wait3A_1265 : memref<80x64xi32, #tpu.memory_space<hbm>>) dst(%arg17 : memref<80x64xi32, #tpu.memory_space<vmem>>)
        %dma_wait3A_1266 = arith.constant 0 : i32
        %dma_wait3A_1267 = arith.constant 0 : i32
        %dma_wait3A_1268 = tpu.memref_slice %arg7[%dma_wait3A_1266, %dma_wait3A_1267] : memref<1x80xi32, #tpu.memory_space<vmem>> -> memref<1x80xi32, #tpu.memory_space<vmem>>
        %dma_wait3A_1269 = tpu.memref_squeeze %dma_wait3A_1268 : memref<1x80xi32, #tpu.memory_space<vmem>> -> memref<80xi32, #tpu.memory_space<vmem>>
        %dma_wait3A_1270 = arith.constant 0 : i32
        %dma_wait3A_1271 = arith.constant 0 : i32
        %dma_wait3A_1272 = tpu.memref_slice %arg2[%dma_wait3A_1270, %dma_wait3A_1271] : memref<10000x128xf32, #tpu.memory_space<hbm>> -> memref<10000x128xf32, #tpu.memory_space<hbm>>
        tpu.wait_indirect_dma semaphore(%arg25 : memref<!tpu.dma_semaphore, #tpu.memory_space<semaphore_mem>>) src(%dma_wait3A_1272 : memref<10000x128xf32, #tpu.memory_space<hbm>>) dst(%arg15 : memref<80x128xf32, #tpu.memory_space<vmem>>)
        %scan3A_1273 = arith.constant 0 : i32
        %scan3A_1274 = arith.constant 40 : i32
        %scan3A_1275 = arith.addi %scan3A_1273, %scan3A_1274 : i32
        %scan3A_1276 = arith.constant 1 : i32
        scf.for %scan3A_1285 = %scan3A_1273 to %scan3A_1275 step %scan3A_1276  : i32 {
          %mul3A_1286 = arith.constant 1 : i32
          %mul3A_1287 = arith.muli %scan3A_1285, %mul3A_1286 : i32
          %add3A_1288 = arith.constant 0 : i32
          %add3A_1289 = arith.addi %add3A_1288, %mul3A_1287 : i32
          %mul3A_1290 = arith.constant 2 : i32
          %mul3A_1291 = arith.muli %add3A_1289, %mul3A_1290 : i32
          %add3A_1292 = arith.constant 0 : i32
          %add3A_1293 = arith.addi %mul3A_1291, %add3A_1292 : i32
          %get3A = arith.index_cast %add3A_1293 : i32 to index
          %get3A_1294 = arith.constant 0 : index
          %get3A_1295 = tpu.vector_load %arg17[%get3A, %get3A_1294] {strides = array<i32>} : memref<80x64xi32, #tpu.memory_space<vmem>>, vector<16xi32>,
          %get3A_1296 = arith.index_cast %add3A_1293 : i32 to index
          %get3A_1297 = arith.constant 0 : index
          %get3A_1298 = tpu.vector_load %arg15[%get3A_1296, %get3A_1297] {strides = array<i32>} : memref<80x128xf32, #tpu.memory_space<vmem>>, vector<16xf32>,
          %get3A_1299 = arith.index_cast %add3A_1293 : i32 to index
          %get3A_1300 = arith.constant 64 : index
          %get3A_1301 = tpu.vector_load %arg15[%get3A_1299, %get3A_1300] {strides = array<i32>} : memref<80x128xf32, #tpu.memory_space<vmem>>, vector<16xf32>,
          %shift_left3A = arith.constant 16 : i32
          %shift_left3A_1302 = vector.broadcast %shift_left3A : i32 to vector<16xi32>
          %shift_left3A_1303 = arith.shli %get3A_1295, %shift_left3A_1302 : vector<16xi32>
          %bitcast3A = vector.bitcast %shift_left3A_1303 : vector<16xi32> to vector<16xf32>
          %add3A_1304 = arith.addf %bitcast3A, %get3A_1298 : vector<16xf32>
          %max3A = arith.constant 0.000000e+00 : f32
          %max3A_1305 = vector.broadcast %max3A : f32 to vector<16xf32>
          %max3A_1306 = arith.maximumf %add3A_1304, %max3A_1305 : vector<16xf32>
          %swap3A_1307 = arith.index_cast %add3A_1293 : i32 to index
          %swap3A_1308 = arith.constant 0 : index
          %swap3A_1309 = tpu.vector_load %arg15[%swap3A_1307, %swap3A_1308] {strides = array<i32>} : memref<80x128xf32, #tpu.memory_space<vmem>>, vector<16xf32>,
          tpu.vector_store %arg15[%swap3A_1307, %swap3A_1308], %max3A_1306 {strides = array<i32>} : memref<80x128xf32, #tpu.memory_space<vmem>>, vector<16xf32>,
          %and3A_1310 = arith.constant -65536 : i32
          %and3A_1311 = vector.broadcast %and3A_1310 : i32 to vector<16xi32>
          %and3A_1312 = arith.andi %get3A_1295, %and3A_1311 : vector<16xi32>
          %bitcast3A_1313 = vector.bitcast %and3A_1312 : vector<16xi32> to vector<16xf32>
          %add3A_1314 = arith.addf %bitcast3A_1313, %get3A_1301 : vector<16xf32>
          %max3A_1315 = arith.constant 0.000000e+00 : f32
          %max3A_1316 = vector.broadcast %max3A_1315 : f32 to vector<16xf32>
          %max3A_1317 = arith.maximumf %add3A_1314, %max3A_1316 : vector<16xf32>
          %swap3A_1318 = arith.index_cast %add3A_1293 : i32 to index
          %swap3A_1319 = arith.constant 64 : index
          %swap3A_1320 = tpu.vector_load %arg15[%swap3A_1318, %swap3A_1319] {strides = array<i32>} : memref<80x128xf32, #tpu.memory_space<vmem>>, vector<16xf32>,
          tpu.vector_store %arg15[%swap3A_1318, %swap3A_1319], %max3A_1317 {strides = array<i32>} : memref<80x128xf32, #tpu.memory_space<vmem>>, vector<16xf32>,
          %get3A_1321 = arith.index_cast %add3A_1293 : i32 to index
          %get3A_1322 = arith.constant 16 : index
          %get3A_1323 = tpu.vector_load %arg17[%get3A_1321, %get3A_1322] {strides = array<i32>} : memref<80x64xi32, #tpu.memory_space<vmem>>, vector<16xi32>,
          %get3A_1324 = arith.index_cast %add3A_1293 : i32 to index
          %get3A_1325 = arith.constant 16 : index
          %get3A_1326 = tpu.vector_load %arg15[%get3A_1324, %get3A_1325] {strides = array<i32>} : memref<80x128xf32, #tpu.memory_space<vmem>>, vector<16xf32>,
          %get3A_1327 = arith.index_cast %add3A_1293 : i32 to index
          %get3A_1328 = arith.constant 80 : index
          %get3A_1329 = tpu.vector_load %arg15[%get3A_1327, %get3A_1328] {strides = array<i32>} : memref<80x128xf32, #tpu.memory_space<vmem>>, vector<16xf32>,
          %shift_left3A_1330 = arith.constant 16 : i32
          %shift_left3A_1331 = vector.broadcast %shift_left3A_1330 : i32 to vector<16xi32>
          %shift_left3A_1332 = arith.shli %get3A_1323, %shift_left3A_1331 : vector<16xi32>
          %bitcast3A_1333 = vector.bitcast %shift_left3A_1332 : vector<16xi32> to vector<16xf32>
          %add3A_1334 = arith.addf %bitcast3A_1333, %get3A_1326 : vector<16xf32>
          %max3A_1335 = arith.constant 0.000000e+00 : f32
          %max3A_1336 = vector.broadcast %max3A_1335 : f32 to vector<16xf32>
          %max3A_1337 = arith.maximumf %add3A_1334, %max3A_1336 : vector<16xf32>
          %swap3A_1338 = arith.index_cast %add3A_1293 : i32 to index
          %swap3A_1339 = arith.constant 16 : index
          %swap3A_1340 = tpu.vector_load %arg15[%swap3A_1338, %swap3A_1339] {strides = array<i32>} : memref<80x128xf32, #tpu.memory_space<vmem>>, vector<16xf32>,
          tpu.vector_store %arg15[%swap3A_1338, %swap3A_1339], %max3A_1337 {strides = array<i32>} : memref<80x128xf32, #tpu.memory_space<vmem>>, vector<16xf32>,
          %and3A_1341 = arith.constant -65536 : i32
          %and3A_1342 = vector.broadcast %and3A_1341 : i32 to vector<16xi32>
          %and3A_1343 = arith.andi %get3A_1323, %and3A_1342 : vector<16xi32>
          %bitcast3A_1344 = vector.bitcast %and3A_1343 : vector<16xi32> to vector<16xf32>
          %add3A_1345 = arith.addf %bitcast3A_1344, %get3A_1329 : vector<16xf32>
          %max3A_1346 = arith.constant 0.000000e+00 : f32
          %max3A_1347 = vector.broadcast %max3A_1346 : f32 to vector<16xf32>
          %max3A_1348 = arith.maximumf %add3A_1345, %max3A_1347 : vector<16xf32>
          %swap3A_1349 = arith.index_cast %add3A_1293 : i32 to index
          %swap3A_1350 = arith.constant 80 : index
          %swap3A_1351 = tpu.vector_load %arg15[%swap3A_1349, %swap3A_1350] {strides = array<i32>} : memref<80x128xf32, #tpu.memory_space<vmem>>, vector<16xf32>,
          tpu.vector_store %arg15[%swap3A_1349, %swap3A_1350], %max3A_1348 {strides = array<i32>} : memref<80x128xf32, #tpu.memory_space<vmem>>, vector<16xf32>,
          %get3A_1352 = arith.index_cast %add3A_1293 : i32 to index
          %get3A_1353 = arith.constant 32 : index
          %get3A_1354 = tpu.vector_load %arg17[%get3A_1352, %get3A_1353] {strides = array<i32>} : memref<80x64xi32, #tpu.memory_space<vmem>>, vector<16xi32>,
          %get3A_1355 = arith.index_cast %add3A_1293 : i32 to index
          %get3A_1356 = arith.constant 32 : index
          %get3A_1357 = tpu.vector_load %arg15[%get3A_1355, %get3A_1356] {strides = array<i32>} : memref<80x128xf32, #tpu.memory_space<vmem>>, vector<16xf32>,
          %get3A_1358 = arith.index_cast %add3A_1293 : i32 to index
          %get3A_1359 = arith.constant 96 : index
          %get3A_1360 = tpu.vector_load %arg15[%get3A_1358, %get3A_1359] {strides = array<i32>} : memref<80x128xf32, #tpu.memory_space<vmem>>, vector<16xf32>,
          %shift_left3A_1361 = arith.constant 16 : i32
          %shift_left3A_1362 = vector.broadcast %shift_left3A_1361 : i32 to vector<16xi32>
          %shift_left3A_1363 = arith.shli %get3A_1354, %shift_left3A_1362 : vector<16xi32>
          %bitcast3A_1364 = vector.bitcast %shift_left3A_1363 : vector<16xi32> to vector<16xf32>
          %add3A_1365 = arith.addf %bitcast3A_1364, %get3A_1357 : vector<16xf32>
          %max3A_1366 = arith.constant 0.000000e+00 : f32
          %max3A_1367 = vector.broadcast %max3A_1366 : f32 to vector<16xf32>
          %max3A_1368 = arith.maximumf %add3A_1365, %max3A_1367 : vector<16xf32>
          %swap3A_1369 = arith.index_cast %add3A_1293 : i32 to index
          %swap3A_1370 = arith.constant 32 : index
          %swap3A_1371 = tpu.vector_load %arg15[%swap3A_1369, %swap3A_1370] {strides = array<i32>} : memref<80x128xf32, #tpu.memory_space<vmem>>, vector<16xf32>,
          tpu.vector_store %arg15[%swap3A_1369, %swap3A_1370], %max3A_1368 {strides = array<i32>} : memref<80x128xf32, #tpu.memory_space<vmem>>, vector<16xf32>,
          %and3A_1372 = arith.constant -65536 : i32
          %and3A_1373 = vector.broadcast %and3A_1372 : i32 to vector<16xi32>
          %and3A_1374 = arith.andi %get3A_1354, %and3A_1373 : vector<16xi32>
          %bitcast3A_1375 = vector.bitcast %and3A_1374 : vector<16xi32> to vector<16xf32>
          %add3A_1376 = arith.addf %bitcast3A_1375, %get3A_1360 : vector<16xf32>
          %max3A_1377 = arith.constant 0.000000e+00 : f32
          %max3A_1378 = vector.broadcast %max3A_1377 : f32 to vector<16xf32>
          %max3A_1379 = arith.maximumf %add3A_1376, %max3A_1378 : vector<16xf32>
          %swap3A_1380 = arith.index_cast %add3A_1293 : i32 to index
          %swap3A_1381 = arith.constant 96 : index
          %swap3A_1382 = tpu.vector_load %arg15[%swap3A_1380, %swap3A_1381] {strides = array<i32>} : memref<80x128xf32, #tpu.memory_space<vmem>>, vector<16xf32>,
          tpu.vector_store %arg15[%swap3A_1380, %swap3A_1381], %max3A_1379 {strides = array<i32>} : memref<80x128xf32, #tpu.memory_space<vmem>>, vector<16xf32>,
          %get3A_1383 = arith.index_cast %add3A_1293 : i32 to index
          %get3A_1384 = arith.constant 48 : index
          %get3A_1385 = tpu.vector_load %arg17[%get3A_1383, %get3A_1384] {strides = array<i32>} : memref<80x64xi32, #tpu.memory_space<vmem>>, vector<16xi32>,
          %get3A_1386 = arith.index_cast %add3A_1293 : i32 to index
          %get3A_1387 = arith.constant 48 : index
          %get3A_1388 = tpu.vector_load %arg15[%get3A_1386, %get3A_1387] {strides = array<i32>} : memref<80x128xf32, #tpu.memory_space<vmem>>, vector<16xf32>,
          %get3A_1389 = arith.index_cast %add3A_1293 : i32 to index
          %get3A_1390 = arith.constant 112 : index
          %get3A_1391 = tpu.vector_load %arg15[%get3A_1389, %get3A_1390] {strides = array<i32>} : memref<80x128xf32, #tpu.memory_space<vmem>>, vector<16xf32>,
          %shift_left3A_1392 = arith.constant 16 : i32
          %shift_left3A_1393 = vector.broadcast %shift_left3A_1392 : i32 to vector<16xi32>
          %shift_left3A_1394 = arith.shli %get3A_1385, %shift_left3A_1393 : vector<16xi32>
          %bitcast3A_1395 = vector.bitcast %shift_left3A_1394 : vector<16xi32> to vector<16xf32>
          %add3A_1396 = arith.addf %bitcast3A_1395, %get3A_1388 : vector<16xf32>
          %max3A_1397 = arith.constant 0.000000e+00 : f32
          %max3A_1398 = vector.broadcast %max3A_1397 : f32 to vector<16xf32>
          %max3A_1399 = arith.maximumf %add3A_1396, %max3A_1398 : vector<16xf32>
          %swap3A_1400 = arith.index_cast %add3A_1293 : i32 to index
          %swap3A_1401 = arith.constant 48 : index
          %swap3A_1402 = tpu.vector_load %arg15[%swap3A_1400, %swap3A_1401] {strides = array<i32>} : memref<80x128xf32, #tpu.memory_space<vmem>>, vector<16xf32>,
          tpu.vector_store %arg15[%swap3A_1400, %swap3A_1401], %max3A_1399 {strides = array<i32>} : memref<80x128xf32, #tpu.memory_space<vmem>>, vector<16xf32>,
          %and3A_1403 = arith.constant -65536 : i32
          %and3A_1404 = vector.broadcast %and3A_1403 : i32 to vector<16xi32>
          %and3A_1405 = arith.andi %get3A_1385, %and3A_1404 : vector<16xi32>
          %bitcast3A_1406 = vector.bitcast %and3A_1405 : vector<16xi32> to vector<16xf32>
          %add3A_1407 = arith.addf %bitcast3A_1406, %get3A_1391 : vector<16xf32>
          %max3A_1408 = arith.constant 0.000000e+00 : f32
          %max3A_1409 = vector.broadcast %max3A_1408 : f32 to vector<16xf32>
          %max3A_1410 = arith.maximumf %add3A_1407, %max3A_1409 : vector<16xf32>
          %swap3A_1411 = arith.index_cast %add3A_1293 : i32 to index
          %swap3A_1412 = arith.constant 112 : index
          %swap3A_1413 = tpu.vector_load %arg15[%swap3A_1411, %swap3A_1412] {strides = array<i32>} : memref<80x128xf32, #tpu.memory_space<vmem>>, vector<16xf32>,
          tpu.vector_store %arg15[%swap3A_1411, %swap3A_1412], %max3A_1410 {strides = array<i32>} : memref<80x128xf32, #tpu.memory_space<vmem>>, vector<16xf32>,
          %mul3A_1414 = arith.constant 2 : i32
          %mul3A_1415 = arith.muli %add3A_1289, %mul3A_1414 : i32
          %add3A_1416 = arith.constant 1 : i32
          %add3A_1417 = arith.addi %mul3A_1415, %add3A_1416 : i32
          %get3A_1418 = arith.index_cast %add3A_1417 : i32 to index
          %get3A_1419 = arith.constant 0 : index
          %get3A_1420 = tpu.vector_load %arg17[%get3A_1418, %get3A_1419] {strides = array<i32>} : memref<80x64xi32, #tpu.memory_space<vmem>>, vector<16xi32>,
          %get3A_1421 = arith.index_cast %add3A_1417 : i32 to index
          %get3A_1422 = arith.constant 0 : index
          %get3A_1423 = tpu.vector_load %arg15[%get3A_1421, %get3A_1422] {strides = array<i32>} : memref<80x128xf32, #tpu.memory_space<vmem>>, vector<16xf32>,
          %get3A_1424 = arith.index_cast %add3A_1417 : i32 to index
          %get3A_1425 = arith.constant 64 : index
          %get3A_1426 = tpu.vector_load %arg15[%get3A_1424, %get3A_1425] {strides = array<i32>} : memref<80x128xf32, #tpu.memory_space<vmem>>, vector<16xf32>,
          %shift_left3A_1427 = arith.constant 16 : i32
          %shift_left3A_1428 = vector.broadcast %shift_left3A_1427 : i32 to vector<16xi32>
          %shift_left3A_1429 = arith.shli %get3A_1420, %shift_left3A_1428 : vector<16xi32>
          %bitcast3A_1430 = vector.bitcast %shift_left3A_1429 : vector<16xi32> to vector<16xf32>
          %add3A_1431 = arith.addf %bitcast3A_1430, %get3A_1423 : vector<16xf32>
          %max3A_1432 = arith.constant 0.000000e+00 : f32
          %max3A_1433 = vector.broadcast %max3A_1432 : f32 to vector<16xf32>
          %max3A_1434 = arith.maximumf %add3A_1431, %max3A_1433 : vector<16xf32>
          %swap3A_1435 = arith.index_cast %add3A_1417 : i32 to index
          %swap3A_1436 = arith.constant 0 : index
          %swap3A_1437 = tpu.vector_load %arg15[%swap3A_1435, %swap3A_1436] {strides = array<i32>} : memref<80x128xf32, #tpu.memory_space<vmem>>, vector<16xf32>,
          tpu.vector_store %arg15[%swap3A_1435, %swap3A_1436], %max3A_1434 {strides = array<i32>} : memref<80x128xf32, #tpu.memory_space<vmem>>, vector<16xf32>,
          %and3A_1438 = arith.constant -65536 : i32
          %and3A_1439 = vector.broadcast %and3A_1438 : i32 to vector<16xi32>
          %and3A_1440 = arith.andi %get3A_1420, %and3A_1439 : vector<16xi32>
          %bitcast3A_1441 = vector.bitcast %and3A_1440 : vector<16xi32> to vector<16xf32>
          %add3A_1442 = arith.addf %bitcast3A_1441, %get3A_1426 : vector<16xf32>
          %max3A_1443 = arith.constant 0.000000e+00 : f32
          %max3A_1444 = vector.broadcast %max3A_1443 : f32 to vector<16xf32>
          %max3A_1445 = arith.maximumf %add3A_1442, %max3A_1444 : vector<16xf32>
          %swap3A_1446 = arith.index_cast %add3A_1417 : i32 to index
          %swap3A_1447 = arith.constant 64 : index
          %swap3A_1448 = tpu.vector_load %arg15[%swap3A_1446, %swap3A_1447] {strides = array<i32>} : memref<80x128xf32, #tpu.memory_space<vmem>>, vector<16xf32>,
          tpu.vector_store %arg15[%swap3A_1446, %swap3A_1447], %max3A_1445 {strides = array<i32>} : memref<80x128xf32, #tpu.memory_space<vmem>>, vector<16xf32>,
          %get3A_1449 = arith.index_cast %add3A_1417 : i32 to index
          %get3A_1450 = arith.constant 16 : index
          %get3A_1451 = tpu.vector_load %arg17[%get3A_1449, %get3A_1450] {strides = array<i32>} : memref<80x64xi32, #tpu.memory_space<vmem>>, vector<16xi32>,
          %get3A_1452 = arith.index_cast %add3A_1417 : i32 to index
          %get3A_1453 = arith.constant 16 : index
          %get3A_1454 = tpu.vector_load %arg15[%get3A_1452, %get3A_1453] {strides = array<i32>} : memref<80x128xf32, #tpu.memory_space<vmem>>, vector<16xf32>,
          %get3A_1455 = arith.index_cast %add3A_1417 : i32 to index
          %get3A_1456 = arith.constant 80 : index
          %get3A_1457 = tpu.vector_load %arg15[%get3A_1455, %get3A_1456] {strides = array<i32>} : memref<80x128xf32, #tpu.memory_space<vmem>>, vector<16xf32>,
          %shift_left3A_1458 = arith.constant 16 : i32
          %shift_left3A_1459 = vector.broadcast %shift_left3A_1458 : i32 to vector<16xi32>
          %shift_left3A_1460 = arith.shli %get3A_1451, %shift_left3A_1459 : vector<16xi32>
          %bitcast3A_1461 = vector.bitcast %shift_left3A_1460 : vector<16xi32> to vector<16xf32>
          %add3A_1462 = arith.addf %bitcast3A_1461, %get3A_1454 : vector<16xf32>
          %max3A_1463 = arith.constant 0.000000e+00 : f32
          %max3A_1464 = vector.broadcast %max3A_1463 : f32 to vector<16xf32>
          %max3A_1465 = arith.maximumf %add3A_1462, %max3A_1464 : vector<16xf32>
          %swap3A_1466 = arith.index_cast %add3A_1417 : i32 to index
          %swap3A_1467 = arith.constant 16 : index
          %swap3A_1468 = tpu.vector_load %arg15[%swap3A_1466, %swap3A_1467] {strides = array<i32>} : memref<80x128xf32, #tpu.memory_space<vmem>>, vector<16xf32>,
          tpu.vector_store %arg15[%swap3A_1466, %swap3A_1467], %max3A_1465 {strides = array<i32>} : memref<80x128xf32, #tpu.memory_space<vmem>>, vector<16xf32>,
          %and3A_1469 = arith.constant -65536 : i32
          %and3A_1470 = vector.broadcast %and3A_1469 : i32 to vector<16xi32>
          %and3A_1471 = arith.andi %get3A_1451, %and3A_1470 : vector<16xi32>
          %bitcast3A_1472 = vector.bitcast %and3A_1471 : vector<16xi32> to vector<16xf32>
          %add3A_1473 = arith.addf %bitcast3A_1472, %get3A_1457 : vector<16xf32>
          %max3A_1474 = arith.constant 0.000000e+00 : f32
          %max3A_1475 = vector.broadcast %max3A_1474 : f32 to vector<16xf32>
          %max3A_1476 = arith.maximumf %add3A_1473, %max3A_1475 : vector<16xf32>
          %swap3A_1477 = arith.index_cast %add3A_1417 : i32 to index
          %swap3A_1478 = arith.constant 80 : index
          %swap3A_1479 = tpu.vector_load %arg15[%swap3A_1477, %swap3A_1478] {strides = array<i32>} : memref<80x128xf32, #tpu.memory_space<vmem>>, vector<16xf32>,
          tpu.vector_store %arg15[%swap3A_1477, %swap3A_1478], %max3A_1476 {strides = array<i32>} : memref<80x128xf32, #tpu.memory_space<vmem>>, vector<16xf32>,
          %get3A_1480 = arith.index_cast %add3A_1417 : i32 to index
          %get3A_1481 = arith.constant 32 : index
          %get3A_1482 = tpu.vector_load %arg17[%get3A_1480, %get3A_1481] {strides = array<i32>} : memref<80x64xi32, #tpu.memory_space<vmem>>, vector<16xi32>,
          %get3A_1483 = arith.index_cast %add3A_1417 : i32 to index
          %get3A_1484 = arith.constant 32 : index
          %get3A_1485 = tpu.vector_load %arg15[%get3A_1483, %get3A_1484] {strides = array<i32>} : memref<80x128xf32, #tpu.memory_space<vmem>>, vector<16xf32>,
          %get3A_1486 = arith.index_cast %add3A_1417 : i32 to index
          %get3A_1487 = arith.constant 96 : index
          %get3A_1488 = tpu.vector_load %arg15[%get3A_1486, %get3A_1487] {strides = array<i32>} : memref<80x128xf32, #tpu.memory_space<vmem>>, vector<16xf32>,
          %shift_left3A_1489 = arith.constant 16 : i32
          %shift_left3A_1490 = vector.broadcast %shift_left3A_1489 : i32 to vector<16xi32>
          %shift_left3A_1491 = arith.shli %get3A_1482, %shift_left3A_1490 : vector<16xi32>
          %bitcast3A_1492 = vector.bitcast %shift_left3A_1491 : vector<16xi32> to vector<16xf32>
          %add3A_1493 = arith.addf %bitcast3A_1492, %get3A_1485 : vector<16xf32>
          %max3A_1494 = arith.constant 0.000000e+00 : f32
          %max3A_1495 = vector.broadcast %max3A_1494 : f32 to vector<16xf32>
          %max3A_1496 = arith.maximumf %add3A_1493, %max3A_1495 : vector<16xf32>
          %swap3A_1497 = arith.index_cast %add3A_1417 : i32 to index
          %swap3A_1498 = arith.constant 32 : index
          %swap3A_1499 = tpu.vector_load %arg15[%swap3A_1497, %swap3A_1498] {strides = array<i32>} : memref<80x128xf32, #tpu.memory_space<vmem>>, vector<16xf32>,
          tpu.vector_store %arg15[%swap3A_1497, %swap3A_1498], %max3A_1496 {strides = array<i32>} : memref<80x128xf32, #tpu.memory_space<vmem>>, vector<16xf32>,
          %and3A_1500 = arith.constant -65536 : i32
          %and3A_1501 = vector.broadcast %and3A_1500 : i32 to vector<16xi32>
          %and3A_1502 = arith.andi %get3A_1482, %and3A_1501 : vector<16xi32>
          %bitcast3A_1503 = vector.bitcast %and3A_1502 : vector<16xi32> to vector<16xf32>
          %add3A_1504 = arith.addf %bitcast3A_1503, %get3A_1488 : vector<16xf32>
          %max3A_1505 = arith.constant 0.000000e+00 : f32
          %max3A_1506 = vector.broadcast %max3A_1505 : f32 to vector<16xf32>
          %max3A_1507 = arith.maximumf %add3A_1504, %max3A_1506 : vector<16xf32>
          %swap3A_1508 = arith.index_cast %add3A_1417 : i32 to index
          %swap3A_1509 = arith.constant 96 : index
          %swap3A_1510 = tpu.vector_load %arg15[%swap3A_1508, %swap3A_1509] {strides = array<i32>} : memref<80x128xf32, #tpu.memory_space<vmem>>, vector<16xf32>,
          tpu.vector_store %arg15[%swap3A_1508, %swap3A_1509], %max3A_1507 {strides = array<i32>} : memref<80x128xf32, #tpu.memory_space<vmem>>, vector<16xf32>,
          %get3A_1511 = arith.index_cast %add3A_1417 : i32 to index
          %get3A_1512 = arith.constant 48 : index
          %get3A_1513 = tpu.vector_load %arg17[%get3A_1511, %get3A_1512] {strides = array<i32>} : memref<80x64xi32, #tpu.memory_space<vmem>>, vector<16xi32>,
          %get3A_1514 = arith.index_cast %add3A_1417 : i32 to index
          %get3A_1515 = arith.constant 48 : index
          %get3A_1516 = tpu.vector_load %arg15[%get3A_1514, %get3A_1515] {strides = array<i32>} : memref<80x128xf32, #tpu.memory_space<vmem>>, vector<16xf32>,
          %get3A_1517 = arith.index_cast %add3A_1417 : i32 to index
          %get3A_1518 = arith.constant 112 : index
          %get3A_1519 = tpu.vector_load %arg15[%get3A_1517, %get3A_1518] {strides = array<i32>} : memref<80x128xf32, #tpu.memory_space<vmem>>, vector<16xf32>,
          %shift_left3A_1520 = arith.constant 16 : i32
          %shift_left3A_1521 = vector.broadcast %shift_left3A_1520 : i32 to vector<16xi32>
          %shift_left3A_1522 = arith.shli %get3A_1513, %shift_left3A_1521 : vector<16xi32>
          %bitcast3A_1523 = vector.bitcast %shift_left3A_1522 : vector<16xi32> to vector<16xf32>
          %add3A_1524 = arith.addf %bitcast3A_1523, %get3A_1516 : vector<16xf32>
          %max3A_1525 = arith.constant 0.000000e+00 : f32
          %max3A_1526 = vector.broadcast %max3A_1525 : f32 to vector<16xf32>
          %max3A_1527 = arith.maximumf %add3A_1524, %max3A_1526 : vector<16xf32>
          %swap3A_1528 = arith.index_cast %add3A_1417 : i32 to index
          %swap3A_1529 = arith.constant 48 : index
          %swap3A_1530 = tpu.vector_load %arg15[%swap3A_1528, %swap3A_1529] {strides = array<i32>} : memref<80x128xf32, #tpu.memory_space<vmem>>, vector<16xf32>,
          tpu.vector_store %arg15[%swap3A_1528, %swap3A_1529], %max3A_1527 {strides = array<i32>} : memref<80x128xf32, #tpu.memory_space<vmem>>, vector<16xf32>,
          %and3A_1531 = arith.constant -65536 : i32
          %and3A_1532 = vector.broadcast %and3A_1531 : i32 to vector<16xi32>
          %and3A_1533 = arith.andi %get3A_1513, %and3A_1532 : vector<16xi32>
          %bitcast3A_1534 = vector.bitcast %and3A_1533 : vector<16xi32> to vector<16xf32>
          %add3A_1535 = arith.addf %bitcast3A_1534, %get3A_1519 : vector<16xf32>
          %max3A_1536 = arith.constant 0.000000e+00 : f32
          %max3A_1537 = vector.broadcast %max3A_1536 : f32 to vector<16xf32>
          %max3A_1538 = arith.maximumf %add3A_1535, %max3A_1537 : vector<16xf32>
          %swap3A_1539 = arith.index_cast %add3A_1417 : i32 to index
          %swap3A_1540 = arith.constant 112 : index
          %swap3A_1541 = tpu.vector_load %arg15[%swap3A_1539, %swap3A_1540] {strides = array<i32>} : memref<80x128xf32, #tpu.memory_space<vmem>>, vector<16xf32>,
          tpu.vector_store %arg15[%swap3A_1539, %swap3A_1540], %max3A_1538 {strides = array<i32>} : memref<80x128xf32, #tpu.memory_space<vmem>>, vector<16xf32>,
        }
        %scan3A_1277 = arith.constant 40 : i32
        %dma_start3A_1278 = arith.constant 0 : i32
        %dma_start3A_1279 = arith.constant 0 : i32
        %dma_start3A_1280 = tpu.memref_slice %arg11[%dma_start3A_1278, %dma_start3A_1279] : memref<1x80xi32, #tpu.memory_space<vmem>> -> memref<1x80xi32, #tpu.memory_space<vmem>>
        %dma_start3A_1281 = tpu.memref_squeeze %dma_start3A_1280 : memref<1x80xi32, #tpu.memory_space<vmem>> -> memref<80xi32, #tpu.memory_space<vmem>>
        %dma_start3A_1282 = arith.constant 0 : i32
        %dma_start3A_1283 = arith.constant 0 : i32
        %dma_start3A_1284 = tpu.memref_slice %arg30[%dma_start3A_1282, %dma_start3A_1283] : memref<10000x128xf32, #tpu.memory_space<vmem_shared>> -> memref<10000x128xf32, #tpu.memory_space<vmem_shared>>
        tpu.enqueue_indirect_dma source(%arg15 : memref<80x128xf32, #tpu.memory_space<vmem>>) target(%dma_start3A_1284 : memref<10000x128xf32, #tpu.memory_space<vmem_shared>>) offsets(%dma_start3A_1281 : memref<80xi32, #tpu.memory_space<vmem>>) semaphore(%arg27 : memref<!tpu.dma_semaphore, #tpu.memory_space<semaphore_mem>>) {add = true}
      } else {
      }
      %add3A_1160 = arith.constant 3 : i32
      %add3A_1161 = arith.addi %add3A_1141, %add3A_1160 : i32
      %mul3A_1162 = arith.constant 32 : i32
      %mul3A_1163 = arith.muli %mul3A_1162, %add3A_1161 : i32
      %add3A_1164 = arith.addi %add3A, %mul3A_1163 : i32
      %lt3A_1165 = arith.constant 4000 : i32
      %lt3A_1166 = arith.cmpi slt, %add3A_1164, %lt3A_1165 : i32
      %convert_element_type3A_1167 = arith.extui %lt3A_1166 : i1 to i32
      %cond3A_1168 = arith.constant 0 : i32
      %cond3A_1169 = arith.cmpi ne, %convert_element_type3A_1167, %cond3A_1168 : i32
      scf.if %cond3A_1169 {
        %dma_start3A_1260 = arith.constant 0 : i32
        %dma_start3A_1261 = tpu.memref_slice %arg4[%add3A_1164, %dma_start3A_1260] : memref<4000x80xi32, #tpu.memory_space<hbm>> -> memref<1x80xi32, #tpu.memory_space<hbm>>
        %dma_start3A_1262 = arith.constant 0 : i32
        %dma_start3A_1263 = tpu.memref_slice %arg4[%add3A_1164, %dma_start3A_1262] : memref<4000x80xi32, #tpu.memory_space<hbm>> -> memref<1x80xi32, #tpu.memory_space<hbm>>
        tpu.enqueue_dma source(%dma_start3A_1263 : memref<1x80xi32, #tpu.memory_space<hbm>>) target(%arg10 : memref<1x80xi32, #tpu.memory_space<vmem>>) target_semaphore(%arg22 : memref<!tpu.dma_semaphore, #tpu.memory_space<semaphore_mem>>)
        %dma_start3A_1264 = arith.constant 0 : i32
        %dma_start3A_1265 = tpu.memref_slice %arg5[%add3A_1164, %dma_start3A_1264] : memref<4000x80xi32, #tpu.memory_space<hbm>> -> memref<1x80xi32, #tpu.memory_space<hbm>>
        %dma_start3A_1266 = arith.constant 0 : i32
        %dma_start3A_1267 = tpu.memref_slice %arg5[%add3A_1164, %dma_start3A_1266] : memref<4000x80xi32, #tpu.memory_space<hbm>> -> memref<1x80xi32, #tpu.memory_space<hbm>>
        tpu.enqueue_dma source(%dma_start3A_1267 : memref<1x80xi32, #tpu.memory_space<hbm>>) target(%arg14 : memref<1x80xi32, #tpu.memory_space<vmem>>) target_semaphore(%arg22 : memref<!tpu.dma_semaphore, #tpu.memory_space<semaphore_mem>>)
      } else {
      }
      %add3A_1170 = arith.constant 1 : i32
      %add3A_1171 = arith.addi %add3A_1139, %add3A_1170 : i32
      %add3A_1172 = arith.constant 1 : i32
      %add3A_1173 = arith.addi %add3A_1171, %add3A_1172 : i32
      %mul3A_1174 = arith.constant 32 : i32
      %mul3A_1175 = arith.muli %mul3A_1174, %add3A_1173 : i32
      %add3A_1176 = arith.addi %add3A, %mul3A_1175 : i32
      %lt3A_1177 = arith.constant 4000 : i32
      %lt3A_1178 = arith.cmpi slt, %add3A_1176, %lt3A_1177 : i32
      %convert_element_type3A_1179 = arith.extui %lt3A_1178 : i1 to i32
      %cond3A_1180 = arith.constant 0 : i32
      %cond3A_1181 = arith.cmpi ne, %convert_element_type3A_1179, %cond3A_1180 : i32
      scf.if %cond3A_1181 {
        %dma_wait3A_1260 = arith.constant 0 : i32
        %dma_wait3A_1261 = tpu.memref_slice %arg4[%add3A_1176, %dma_wait3A_1260] : memref<4000x80xi32, #tpu.memory_space<hbm>> -> memref<1x80xi32, #tpu.memory_space<hbm>>
        %dma_wait3A_1262 = arith.constant 0 : i32
        %dma_wait3A_1263 = tpu.memref_slice %arg4[%add3A_1176, %dma_wait3A_1262] : memref<4000x80xi32, #tpu.memory_space<hbm>> -> memref<1x80xi32, #tpu.memory_space<hbm>>
        tpu.wait_dma2 semaphore(%arg21 : memref<!tpu.dma_semaphore, #tpu.memory_space<semaphore_mem>>) src(%dma_wait3A_1263 : memref<1x80xi32, #tpu.memory_space<hbm>>) dst(%arg9 : memref<1x80xi32, #tpu.memory_space<vmem>>)
        %dma_wait3A_1264 = arith.constant 0 : i32
        %dma_wait3A_1265 = tpu.memref_slice %arg5[%add3A_1176, %dma_wait3A_1264] : memref<4000x80xi32, #tpu.memory_space<hbm>> -> memref<1x80xi32, #tpu.memory_space<hbm>>
        %dma_wait3A_1266 = arith.constant 0 : i32
        %dma_wait3A_1267 = tpu.memref_slice %arg5[%add3A_1176, %dma_wait3A_1266] : memref<4000x80xi32, #tpu.memory_space<hbm>> -> memref<1x80xi32, #tpu.memory_space<hbm>>
        tpu.wait_dma2 semaphore(%arg21 : memref<!tpu.dma_semaphore, #tpu.memory_space<semaphore_mem>>) src(%dma_wait3A_1267 : memref<1x80xi32, #tpu.memory_space<hbm>>) dst(%arg13 : memref<1x80xi32, #tpu.memory_space<vmem>>)
        %dma_wait3A_1268 = arith.constant 0 : i32
        %dma_wait3A_1269 = arith.constant 0 : i32
        %dma_wait3A_1270 = tpu.memref_slice %arg11[%dma_wait3A_1268, %dma_wait3A_1269] : memref<1x80xi32, #tpu.memory_space<vmem>> -> memref<1x80xi32, #tpu.memory_space<vmem>>
        %dma_wait3A_1271 = tpu.memref_squeeze %dma_wait3A_1270 : memref<1x80xi32, #tpu.memory_space<vmem>> -> memref<80xi32, #tpu.memory_space<vmem>>
        %dma_wait3A_1272 = arith.constant 0 : i32
        %dma_wait3A_1273 = arith.constant 0 : i32
        %dma_wait3A_1274 = tpu.memref_slice %arg30[%dma_wait3A_1272, %dma_wait3A_1273] : memref<10000x128xf32, #tpu.memory_space<vmem_shared>> -> memref<10000x128xf32, #tpu.memory_space<vmem_shared>>
        tpu.wait_indirect_dma semaphore(%arg27 : memref<!tpu.dma_semaphore, #tpu.memory_space<semaphore_mem>>) src(%arg15 : memref<80x128xf32, #tpu.memory_space<vmem>>) dst(%dma_wait3A_1274 : memref<10000x128xf32, #tpu.memory_space<vmem_shared>>)
        %mul3A_1275 = arith.constant 80 : i32
        %mul3A_1276 = arith.muli %add3A_1176, %mul3A_1275 : i32
        %dma_start3A_1277 = arith.constant 0 : i32
        %dma_start3A_1278 = tpu.memref_slice %arg3[%mul3A_1276, %dma_start3A_1277] : memref<320000x64xi32, #tpu.memory_space<hbm>> -> memref<80x64xi32, #tpu.memory_space<hbm>>
        %dma_start3A_1279 = arith.constant 0 : i32
        %dma_start3A_1280 = tpu.memref_slice %arg3[%mul3A_1276, %dma_start3A_1279] : memref<320000x64xi32, #tpu.memory_space<hbm>> -> memref<80x64xi32, #tpu.memory_space<hbm>>
        tpu.enqueue_dma source(%dma_start3A_1280 : memref<80x64xi32, #tpu.memory_space<hbm>>) target(%arg17 : memref<80x64xi32, #tpu.memory_space<vmem>>) target_semaphore(%arg23 : memref<!tpu.dma_semaphore, #tpu.memory_space<semaphore_mem>>)
        %dma_start3A_1281 = arith.constant 0 : i32
        %dma_start3A_1282 = arith.constant 0 : i32
        %dma_start3A_1283 = tpu.memref_slice %arg9[%dma_start3A_1281, %dma_start3A_1282] : memref<1x80xi32, #tpu.memory_space<vmem>> -> memref<1x80xi32, #tpu.memory_space<vmem>>
        %dma_start3A_1284 = tpu.memref_squeeze %dma_start3A_1283 : memref<1x80xi32, #tpu.memory_space<vmem>> -> memref<80xi32, #tpu.memory_space<vmem>>
        %dma_start3A_1285 = arith.constant 0 : i32
        %dma_start3A_1286 = arith.constant 0 : i32
        %dma_start3A_1287 = tpu.memref_slice %arg2[%dma_start3A_1285, %dma_start3A_1286] : memref<10000x128xf32, #tpu.memory_space<hbm>> -> memref<10000x128xf32, #tpu.memory_space<hbm>>
        tpu.enqueue_indirect_dma source(%dma_start3A_1287 : memref<10000x128xf32, #tpu.memory_space<hbm>>) target(%arg15 : memref<80x128xf32, #tpu.memory_space<vmem>>) offsets(%dma_start3A_1284 : memref<80xi32, #tpu.memory_space<vmem>>) semaphore(%arg25 : memref<!tpu.dma_semaphore, #tpu.memory_space<semaphore_mem>>)
      } else {
      }
      %mul3A_1182 = arith.constant 32 : i32
      %mul3A_1183 = arith.muli %mul3A_1182, %add3A_1171 : i32
      %add3A_1184 = arith.addi %add3A, %mul3A_1183 : i32
      %lt3A_1185 = arith.constant 4000 : i32
      %lt3A_1186 = arith.cmpi slt, %add3A_1184, %lt3A_1185 : i32
      %convert_element_type3A_1187 = arith.extui %lt3A_1186 : i1 to i32
      %cond3A_1188 = arith.constant 0 : i32
      %cond3A_1189 = arith.cmpi ne, %convert_element_type3A_1187, %cond3A_1188 : i32
      scf.if %cond3A_1189 {
        %mul3A_1260 = arith.constant 80 : i32
        %mul3A_1261 = arith.muli %add3A_1184, %mul3A_1260 : i32
        %dma_wait3A_1262 = arith.constant 0 : i32
        %dma_wait3A_1263 = tpu.memref_slice %arg3[%mul3A_1261, %dma_wait3A_1262] : memref<320000x64xi32, #tpu.memory_space<hbm>> -> memref<80x64xi32, #tpu.memory_space<hbm>>
        %dma_wait3A_1264 = arith.constant 0 : i32
        %dma_wait3A_1265 = tpu.memref_slice %arg3[%mul3A_1261, %dma_wait3A_1264] : memref<320000x64xi32, #tpu.memory_space<hbm>> -> memref<80x64xi32, #tpu.memory_space<hbm>>
        tpu.wait_dma2 semaphore(%arg24 : memref<!tpu.dma_semaphore, #tpu.memory_space<semaphore_mem>>) src(%dma_wait3A_1265 : memref<80x64xi32, #tpu.memory_space<hbm>>) dst(%arg18 : memref<80x64xi32, #tpu.memory_space<vmem>>)
        %dma_wait3A_1266 = arith.constant 0 : i32
        %dma_wait3A_1267 = arith.constant 0 : i32
        %dma_wait3A_1268 = tpu.memref_slice %arg8[%dma_wait3A_1266, %dma_wait3A_1267] : memref<1x80xi32, #tpu.memory_space<vmem>> -> memref<1x80xi32, #tpu.memory_space<vmem>>
        %dma_wait3A_1269 = tpu.memref_squeeze %dma_wait3A_1268 : memref<1x80xi32, #tpu.memory_space<vmem>> -> memref<80xi32, #tpu.memory_space<vmem>>
        %dma_wait3A_1270 = arith.constant 0 : i32
        %dma_wait3A_1271 = arith.constant 0 : i32
        %dma_wait3A_1272 = tpu.memref_slice %arg2[%dma_wait3A_1270, %dma_wait3A_1271] : memref<10000x128xf32, #tpu.memory_space<hbm>> -> memref<10000x128xf32, #tpu.memory_space<hbm>>
        tpu.wait_indirect_dma semaphore(%arg26 : memref<!tpu.dma_semaphore, #tpu.memory_space<semaphore_mem>>) src(%dma_wait3A_1272 : memref<10000x128xf32, #tpu.memory_space<hbm>>) dst(%arg16 : memref<80x128xf32, #tpu.memory_space<vmem>>)
        %scan3A_1273 = arith.constant 0 : i32
        %scan3A_1274 = arith.constant 40 : i32
        %scan3A_1275 = arith.addi %scan3A_1273, %scan3A_1274 : i32
        %scan3A_1276 = arith.constant 1 : i32
        scf.for %scan3A_1285 = %scan3A_1273 to %scan3A_1275 step %scan3A_1276  : i32 {
          %mul3A_1286 = arith.constant 1 : i32
          %mul3A_1287 = arith.muli %scan3A_1285, %mul3A_1286 : i32
          %add3A_1288 = arith.constant 0 : i32
          %add3A_1289 = arith.addi %add3A_1288, %mul3A_1287 : i32
          %mul3A_1290 = arith.constant 2 : i32
          %mul3A_1291 = arith.muli %add3A_1289, %mul3A_1290 : i32
          %add3A_1292 = arith.constant 0 : i32
          %add3A_1293 = arith.addi %mul3A_1291, %add3A_1292 : i32
          %get3A = arith.index_cast %add3A_1293 : i32 to index
          %get3A_1294 = arith.constant 0 : index
          %get3A_1295 = tpu.vector_load %arg18[%get3A, %get3A_1294] {strides = array<i32>} : memref<80x64xi32, #tpu.memory_space<vmem>>, vector<16xi32>,
          %get3A_1296 = arith.index_cast %add3A_1293 : i32 to index
          %get3A_1297 = arith.constant 0 : index
          %get3A_1298 = tpu.vector_load %arg16[%get3A_1296, %get3A_1297] {strides = array<i32>} : memref<80x128xf32, #tpu.memory_space<vmem>>, vector<16xf32>,
          %get3A_1299 = arith.index_cast %add3A_1293 : i32 to index
          %get3A_1300 = arith.constant 64 : index
          %get3A_1301 = tpu.vector_load %arg16[%get3A_1299, %get3A_1300] {strides = array<i32>} : memref<80x128xf32, #tpu.memory_space<vmem>>, vector<16xf32>,
          %shift_left3A = arith.constant 16 : i32
          %shift_left3A_1302 = vector.broadcast %shift_left3A : i32 to vector<16xi32>
          %shift_left3A_1303 = arith.shli %get3A_1295, %shift_left3A_1302 : vector<16xi32>
          %bitcast3A = vector.bitcast %shift_left3A_1303 : vector<16xi32> to vector<16xf32>
          %add3A_1304 = arith.addf %bitcast3A, %get3A_1298 : vector<16xf32>
          %max3A = arith.constant 0.000000e+00 : f32
          %max3A_1305 = vector.broadcast %max3A : f32 to vector<16xf32>
          %max3A_1306 = arith.maximumf %add3A_1304, %max3A_1305 : vector<16xf32>
          %swap3A_1307 = arith.index_cast %add3A_1293 : i32 to index
          %swap3A_1308 = arith.constant 0 : index
          %swap3A_1309 = tpu.vector_load %arg16[%swap3A_1307, %swap3A_1308] {strides = array<i32>} : memref<80x128xf32, #tpu.memory_space<vmem>>, vector<16xf32>,
          tpu.vector_store %arg16[%swap3A_1307, %swap3A_1308], %max3A_1306 {strides = array<i32>} : memref<80x128xf32, #tpu.memory_space<vmem>>, vector<16xf32>,
          %and3A_1310 = arith.constant -65536 : i32
          %and3A_1311 = vector.broadcast %and3A_1310 : i32 to vector<16xi32>
          %and3A_1312 = arith.andi %get3A_1295, %and3A_1311 : vector<16xi32>
          %bitcast3A_1313 = vector.bitcast %and3A_1312 : vector<16xi32> to vector<16xf32>
          %add3A_1314 = arith.addf %bitcast3A_1313, %get3A_1301 : vector<16xf32>
          %max3A_1315 = arith.constant 0.000000e+00 : f32
          %max3A_1316 = vector.broadcast %max3A_1315 : f32 to vector<16xf32>
          %max3A_1317 = arith.maximumf %add3A_1314, %max3A_1316 : vector<16xf32>
          %swap3A_1318 = arith.index_cast %add3A_1293 : i32 to index
          %swap3A_1319 = arith.constant 64 : index
          %swap3A_1320 = tpu.vector_load %arg16[%swap3A_1318, %swap3A_1319] {strides = array<i32>} : memref<80x128xf32, #tpu.memory_space<vmem>>, vector<16xf32>,
          tpu.vector_store %arg16[%swap3A_1318, %swap3A_1319], %max3A_1317 {strides = array<i32>} : memref<80x128xf32, #tpu.memory_space<vmem>>, vector<16xf32>,
          %get3A_1321 = arith.index_cast %add3A_1293 : i32 to index
          %get3A_1322 = arith.constant 16 : index
          %get3A_1323 = tpu.vector_load %arg18[%get3A_1321, %get3A_1322] {strides = array<i32>} : memref<80x64xi32, #tpu.memory_space<vmem>>, vector<16xi32>,
          %get3A_1324 = arith.index_cast %add3A_1293 : i32 to index
          %get3A_1325 = arith.constant 16 : index
          %get3A_1326 = tpu.vector_load %arg16[%get3A_1324, %get3A_1325] {strides = array<i32>} : memref<80x128xf32, #tpu.memory_space<vmem>>, vector<16xf32>,
          %get3A_1327 = arith.index_cast %add3A_1293 : i32 to index
          %get3A_1328 = arith.constant 80 : index
          %get3A_1329 = tpu.vector_load %arg16[%get3A_1327, %get3A_1328] {strides = array<i32>} : memref<80x128xf32, #tpu.memory_space<vmem>>, vector<16xf32>,
          %shift_left3A_1330 = arith.constant 16 : i32
          %shift_left3A_1331 = vector.broadcast %shift_left3A_1330 : i32 to vector<16xi32>
          %shift_left3A_1332 = arith.shli %get3A_1323, %shift_left3A_1331 : vector<16xi32>
          %bitcast3A_1333 = vector.bitcast %shift_left3A_1332 : vector<16xi32> to vector<16xf32>
          %add3A_1334 = arith.addf %bitcast3A_1333, %get3A_1326 : vector<16xf32>
          %max3A_1335 = arith.constant 0.000000e+00 : f32
          %max3A_1336 = vector.broadcast %max3A_1335 : f32 to vector<16xf32>
          %max3A_1337 = arith.maximumf %add3A_1334, %max3A_1336 : vector<16xf32>
          %swap3A_1338 = arith.index_cast %add3A_1293 : i32 to index
          %swap3A_1339 = arith.constant 16 : index
          %swap3A_1340 = tpu.vector_load %arg16[%swap3A_1338, %swap3A_1339] {strides = array<i32>} : memref<80x128xf32, #tpu.memory_space<vmem>>, vector<16xf32>,
          tpu.vector_store %arg16[%swap3A_1338, %swap3A_1339], %max3A_1337 {strides = array<i32>} : memref<80x128xf32, #tpu.memory_space<vmem>>, vector<16xf32>,
          %and3A_1341 = arith.constant -65536 : i32
          %and3A_1342 = vector.broadcast %and3A_1341 : i32 to vector<16xi32>
          %and3A_1343 = arith.andi %get3A_1323, %and3A_1342 : vector<16xi32>
          %bitcast3A_1344 = vector.bitcast %and3A_1343 : vector<16xi32> to vector<16xf32>
          %add3A_1345 = arith.addf %bitcast3A_1344, %get3A_1329 : vector<16xf32>
          %max3A_1346 = arith.constant 0.000000e+00 : f32
          %max3A_1347 = vector.broadcast %max3A_1346 : f32 to vector<16xf32>
          %max3A_1348 = arith.maximumf %add3A_1345, %max3A_1347 : vector<16xf32>
          %swap3A_1349 = arith.index_cast %add3A_1293 : i32 to index
          %swap3A_1350 = arith.constant 80 : index
          %swap3A_1351 = tpu.vector_load %arg16[%swap3A_1349, %swap3A_1350] {strides = array<i32>} : memref<80x128xf32, #tpu.memory_space<vmem>>, vector<16xf32>,
          tpu.vector_store %arg16[%swap3A_1349, %swap3A_1350], %max3A_1348 {strides = array<i32>} : memref<80x128xf32, #tpu.memory_space<vmem>>, vector<16xf32>,
          %get3A_1352 = arith.index_cast %add3A_1293 : i32 to index
          %get3A_1353 = arith.constant 32 : index
          %get3A_1354 = tpu.vector_load %arg18[%get3A_1352, %get3A_1353] {strides = array<i32>} : memref<80x64xi32, #tpu.memory_space<vmem>>, vector<16xi32>,
          %get3A_1355 = arith.index_cast %add3A_1293 : i32 to index
          %get3A_1356 = arith.constant 32 : index
          %get3A_1357 = tpu.vector_load %arg16[%get3A_1355, %get3A_1356] {strides = array<i32>} : memref<80x128xf32, #tpu.memory_space<vmem>>, vector<16xf32>,
          %get3A_1358 = arith.index_cast %add3A_1293 : i32 to index
          %get3A_1359 = arith.constant 96 : index
          %get3A_1360 = tpu.vector_load %arg16[%get3A_1358, %get3A_1359] {strides = array<i32>} : memref<80x128xf32, #tpu.memory_space<vmem>>, vector<16xf32>,
          %shift_left3A_1361 = arith.constant 16 : i32
          %shift_left3A_1362 = vector.broadcast %shift_left3A_1361 : i32 to vector<16xi32>
          %shift_left3A_1363 = arith.shli %get3A_1354, %shift_left3A_1362 : vector<16xi32>
          %bitcast3A_1364 = vector.bitcast %shift_left3A_1363 : vector<16xi32> to vector<16xf32>
          %add3A_1365 = arith.addf %bitcast3A_1364, %get3A_1357 : vector<16xf32>
          %max3A_1366 = arith.constant 0.000000e+00 : f32
          %max3A_1367 = vector.broadcast %max3A_1366 : f32 to vector<16xf32>
          %max3A_1368 = arith.maximumf %add3A_1365, %max3A_1367 : vector<16xf32>
          %swap3A_1369 = arith.index_cast %add3A_1293 : i32 to index
          %swap3A_1370 = arith.constant 32 : index
          %swap3A_1371 = tpu.vector_load %arg16[%swap3A_1369, %swap3A_1370] {strides = array<i32>} : memref<80x128xf32, #tpu.memory_space<vmem>>, vector<16xf32>,
          tpu.vector_store %arg16[%swap3A_1369, %swap3A_1370], %max3A_1368 {strides = array<i32>} : memref<80x128xf32, #tpu.memory_space<vmem>>, vector<16xf32>,
          %and3A_1372 = arith.constant -65536 : i32
          %and3A_1373 = vector.broadcast %and3A_1372 : i32 to vector<16xi32>
          %and3A_1374 = arith.andi %get3A_1354, %and3A_1373 : vector<16xi32>
          %bitcast3A_1375 = vector.bitcast %and3A_1374 : vector<16xi32> to vector<16xf32>
          %add3A_1376 = arith.addf %bitcast3A_1375, %get3A_1360 : vector<16xf32>
          %max3A_1377 = arith.constant 0.000000e+00 : f32
          %max3A_1378 = vector.broadcast %max3A_1377 : f32 to vector<16xf32>
          %max3A_1379 = arith.maximumf %add3A_1376, %max3A_1378 : vector<16xf32>
          %swap3A_1380 = arith.index_cast %add3A_1293 : i32 to index
          %swap3A_1381 = arith.constant 96 : index
          %swap3A_1382 = tpu.vector_load %arg16[%swap3A_1380, %swap3A_1381] {strides = array<i32>} : memref<80x128xf32, #tpu.memory_space<vmem>>, vector<16xf32>,
          tpu.vector_store %arg16[%swap3A_1380, %swap3A_1381], %max3A_1379 {strides = array<i32>} : memref<80x128xf32, #tpu.memory_space<vmem>>, vector<16xf32>,
          %get3A_1383 = arith.index_cast %add3A_1293 : i32 to index
          %get3A_1384 = arith.constant 48 : index
          %get3A_1385 = tpu.vector_load %arg18[%get3A_1383, %get3A_1384] {strides = array<i32>} : memref<80x64xi32, #tpu.memory_space<vmem>>, vector<16xi32>,
          %get3A_1386 = arith.index_cast %add3A_1293 : i32 to index
          %get3A_1387 = arith.constant 48 : index
          %get3A_1388 = tpu.vector_load %arg16[%get3A_1386, %get3A_1387] {strides = array<i32>} : memref<80x128xf32, #tpu.memory_space<vmem>>, vector<16xf32>,
          %get3A_1389 = arith.index_cast %add3A_1293 : i32 to index
          %get3A_1390 = arith.constant 112 : index
          %get3A_1391 = tpu.vector_load %arg16[%get3A_1389, %get3A_1390] {strides = array<i32>} : memref<80x128xf32, #tpu.memory_space<vmem>>, vector<16xf32>,
          %shift_left3A_1392 = arith.constant 16 : i32
          %shift_left3A_1393 = vector.broadcast %shift_left3A_1392 : i32 to vector<16xi32>
          %shift_left3A_1394 = arith.shli %get3A_1385, %shift_left3A_1393 : vector<16xi32>
          %bitcast3A_1395 = vector.bitcast %shift_left3A_1394 : vector<16xi32> to vector<16xf32>
          %add3A_1396 = arith.addf %bitcast3A_1395, %get3A_1388 : vector<16xf32>
          %max3A_1397 = arith.constant 0.000000e+00 : f32
          %max3A_1398 = vector.broadcast %max3A_1397 : f32 to vector<16xf32>
          %max3A_1399 = arith.maximumf %add3A_1396, %max3A_1398 : vector<16xf32>
          %swap3A_1400 = arith.index_cast %add3A_1293 : i32 to index
          %swap3A_1401 = arith.constant 48 : index
          %swap3A_1402 = tpu.vector_load %arg16[%swap3A_1400, %swap3A_1401] {strides = array<i32>} : memref<80x128xf32, #tpu.memory_space<vmem>>, vector<16xf32>,
          tpu.vector_store %arg16[%swap3A_1400, %swap3A_1401], %max3A_1399 {strides = array<i32>} : memref<80x128xf32, #tpu.memory_space<vmem>>, vector<16xf32>,
          %and3A_1403 = arith.constant -65536 : i32
          %and3A_1404 = vector.broadcast %and3A_1403 : i32 to vector<16xi32>
          %and3A_1405 = arith.andi %get3A_1385, %and3A_1404 : vector<16xi32>
          %bitcast3A_1406 = vector.bitcast %and3A_1405 : vector<16xi32> to vector<16xf32>
          %add3A_1407 = arith.addf %bitcast3A_1406, %get3A_1391 : vector<16xf32>
          %max3A_1408 = arith.constant 0.000000e+00 : f32
          %max3A_1409 = vector.broadcast %max3A_1408 : f32 to vector<16xf32>
          %max3A_1410 = arith.maximumf %add3A_1407, %max3A_1409 : vector<16xf32>
          %swap3A_1411 = arith.index_cast %add3A_1293 : i32 to index
          %swap3A_1412 = arith.constant 112 : index
          %swap3A_1413 = tpu.vector_load %arg16[%swap3A_1411, %swap3A_1412] {strides = array<i32>} : memref<80x128xf32, #tpu.memory_space<vmem>>, vector<16xf32>,
          tpu.vector_store %arg16[%swap3A_1411, %swap3A_1412], %max3A_1410 {strides = array<i32>} : memref<80x128xf32, #tpu.memory_space<vmem>>, vector<16xf32>,
          %mul3A_1414 = arith.constant 2 : i32
          %mul3A_1415 = arith.muli %add3A_1289, %mul3A_1414 : i32
          %add3A_1416 = arith.constant 1 : i32
          %add3A_1417 = arith.addi %mul3A_1415, %add3A_1416 : i32
          %get3A_1418 = arith.index_cast %add3A_1417 : i32 to index
          %get3A_1419 = arith.constant 0 : index
          %get3A_1420 = tpu.vector_load %arg18[%get3A_1418, %get3A_1419] {strides = array<i32>} : memref<80x64xi32, #tpu.memory_space<vmem>>, vector<16xi32>,
          %get3A_1421 = arith.index_cast %add3A_1417 : i32 to index
          %get3A_1422 = arith.constant 0 : index
          %get3A_1423 = tpu.vector_load %arg16[%get3A_1421, %get3A_1422] {strides = array<i32>} : memref<80x128xf32, #tpu.memory_space<vmem>>, vector<16xf32>,
          %get3A_1424 = arith.index_cast %add3A_1417 : i32 to index
          %get3A_1425 = arith.constant 64 : index
          %get3A_1426 = tpu.vector_load %arg16[%get3A_1424, %get3A_1425] {strides = array<i32>} : memref<80x128xf32, #tpu.memory_space<vmem>>, vector<16xf32>,
          %shift_left3A_1427 = arith.constant 16 : i32
          %shift_left3A_1428 = vector.broadcast %shift_left3A_1427 : i32 to vector<16xi32>
          %shift_left3A_1429 = arith.shli %get3A_1420, %shift_left3A_1428 : vector<16xi32>
          %bitcast3A_1430 = vector.bitcast %shift_left3A_1429 : vector<16xi32> to vector<16xf32>
          %add3A_1431 = arith.addf %bitcast3A_1430, %get3A_1423 : vector<16xf32>
          %max3A_1432 = arith.constant 0.000000e+00 : f32
          %max3A_1433 = vector.broadcast %max3A_1432 : f32 to vector<16xf32>
          %max3A_1434 = arith.maximumf %add3A_1431, %max3A_1433 : vector<16xf32>
          %swap3A_1435 = arith.index_cast %add3A_1417 : i32 to index
          %swap3A_1436 = arith.constant 0 : index
          %swap3A_1437 = tpu.vector_load %arg16[%swap3A_1435, %swap3A_1436] {strides = array<i32>} : memref<80x128xf32, #tpu.memory_space<vmem>>, vector<16xf32>,
          tpu.vector_store %arg16[%swap3A_1435, %swap3A_1436], %max3A_1434 {strides = array<i32>} : memref<80x128xf32, #tpu.memory_space<vmem>>, vector<16xf32>,
          %and3A_1438 = arith.constant -65536 : i32
          %and3A_1439 = vector.broadcast %and3A_1438 : i32 to vector<16xi32>
          %and3A_1440 = arith.andi %get3A_1420, %and3A_1439 : vector<16xi32>
          %bitcast3A_1441 = vector.bitcast %and3A_1440 : vector<16xi32> to vector<16xf32>
          %add3A_1442 = arith.addf %bitcast3A_1441, %get3A_1426 : vector<16xf32>
          %max3A_1443 = arith.constant 0.000000e+00 : f32
          %max3A_1444 = vector.broadcast %max3A_1443 : f32 to vector<16xf32>
          %max3A_1445 = arith.maximumf %add3A_1442, %max3A_1444 : vector<16xf32>
          %swap3A_1446 = arith.index_cast %add3A_1417 : i32 to index
          %swap3A_1447 = arith.constant 64 : index
          %swap3A_1448 = tpu.vector_load %arg16[%swap3A_1446, %swap3A_1447] {strides = array<i32>} : memref<80x128xf32, #tpu.memory_space<vmem>>, vector<16xf32>,
          tpu.vector_store %arg16[%swap3A_1446, %swap3A_1447], %max3A_1445 {strides = array<i32>} : memref<80x128xf32, #tpu.memory_space<vmem>>, vector<16xf32>,
          %get3A_1449 = arith.index_cast %add3A_1417 : i32 to index
          %get3A_1450 = arith.constant 16 : index
          %get3A_1451 = tpu.vector_load %arg18[%get3A_1449, %get3A_1450] {strides = array<i32>} : memref<80x64xi32, #tpu.memory_space<vmem>>, vector<16xi32>,
          %get3A_1452 = arith.index_cast %add3A_1417 : i32 to index
          %get3A_1453 = arith.constant 16 : index
          %get3A_1454 = tpu.vector_load %arg16[%get3A_1452, %get3A_1453] {strides = array<i32>} : memref<80x128xf32, #tpu.memory_space<vmem>>, vector<16xf32>,
          %get3A_1455 = arith.index_cast %add3A_1417 : i32 to index
          %get3A_1456 = arith.constant 80 : index
          %get3A_1457 = tpu.vector_load %arg16[%get3A_1455, %get3A_1456] {strides = array<i32>} : memref<80x128xf32, #tpu.memory_space<vmem>>, vector<16xf32>,
          %shift_left3A_1458 = arith.constant 16 : i32
          %shift_left3A_1459 = vector.broadcast %shift_left3A_1458 : i32 to vector<16xi32>
          %shift_left3A_1460 = arith.shli %get3A_1451, %shift_left3A_1459 : vector<16xi32>
          %bitcast3A_1461 = vector.bitcast %shift_left3A_1460 : vector<16xi32> to vector<16xf32>
          %add3A_1462 = arith.addf %bitcast3A_1461, %get3A_1454 : vector<16xf32>
          %max3A_1463 = arith.constant 0.000000e+00 : f32
          %max3A_1464 = vector.broadcast %max3A_1463 : f32 to vector<16xf32>
          %max3A_1465 = arith.maximumf %add3A_1462, %max3A_1464 : vector<16xf32>
          %swap3A_1466 = arith.index_cast %add3A_1417 : i32 to index
          %swap3A_1467 = arith.constant 16 : index
          %swap3A_1468 = tpu.vector_load %arg16[%swap3A_1466, %swap3A_1467] {strides = array<i32>} : memref<80x128xf32, #tpu.memory_space<vmem>>, vector<16xf32>,
          tpu.vector_store %arg16[%swap3A_1466, %swap3A_1467], %max3A_1465 {strides = array<i32>} : memref<80x128xf32, #tpu.memory_space<vmem>>, vector<16xf32>,
          %and3A_1469 = arith.constant -65536 : i32
          %and3A_1470 = vector.broadcast %and3A_1469 : i32 to vector<16xi32>
          %and3A_1471 = arith.andi %get3A_1451, %and3A_1470 : vector<16xi32>
          %bitcast3A_1472 = vector.bitcast %and3A_1471 : vector<16xi32> to vector<16xf32>
          %add3A_1473 = arith.addf %bitcast3A_1472, %get3A_1457 : vector<16xf32>
          %max3A_1474 = arith.constant 0.000000e+00 : f32
          %max3A_1475 = vector.broadcast %max3A_1474 : f32 to vector<16xf32>
          %max3A_1476 = arith.maximumf %add3A_1473, %max3A_1475 : vector<16xf32>
          %swap3A_1477 = arith.index_cast %add3A_1417 : i32 to index
          %swap3A_1478 = arith.constant 80 : index
          %swap3A_1479 = tpu.vector_load %arg16[%swap3A_1477, %swap3A_1478] {strides = array<i32>} : memref<80x128xf32, #tpu.memory_space<vmem>>, vector<16xf32>,
          tpu.vector_store %arg16[%swap3A_1477, %swap3A_1478], %max3A_1476 {strides = array<i32>} : memref<80x128xf32, #tpu.memory_space<vmem>>, vector<16xf32>,
          %get3A_1480 = arith.index_cast %add3A_1417 : i32 to index
          %get3A_1481 = arith.constant 32 : index
          %get3A_1482 = tpu.vector_load %arg18[%get3A_1480, %get3A_1481] {strides = array<i32>} : memref<80x64xi32, #tpu.memory_space<vmem>>, vector<16xi32>,
          %get3A_1483 = arith.index_cast %add3A_1417 : i32 to index
          %get3A_1484 = arith.constant 32 : index
          %get3A_1485 = tpu.vector_load %arg16[%get3A_1483, %get3A_1484] {strides = array<i32>} : memref<80x128xf32, #tpu.memory_space<vmem>>, vector<16xf32>,
          %get3A_1486 = arith.index_cast %add3A_1417 : i32 to index
          %get3A_1487 = arith.constant 96 : index
          %get3A_1488 = tpu.vector_load %arg16[%get3A_1486, %get3A_1487] {strides = array<i32>} : memref<80x128xf32, #tpu.memory_space<vmem>>, vector<16xf32>,
          %shift_left3A_1489 = arith.constant 16 : i32
          %shift_left3A_1490 = vector.broadcast %shift_left3A_1489 : i32 to vector<16xi32>
          %shift_left3A_1491 = arith.shli %get3A_1482, %shift_left3A_1490 : vector<16xi32>
          %bitcast3A_1492 = vector.bitcast %shift_left3A_1491 : vector<16xi32> to vector<16xf32>
          %add3A_1493 = arith.addf %bitcast3A_1492, %get3A_1485 : vector<16xf32>
          %max3A_1494 = arith.constant 0.000000e+00 : f32
          %max3A_1495 = vector.broadcast %max3A_1494 : f32 to vector<16xf32>
          %max3A_1496 = arith.maximumf %add3A_1493, %max3A_1495 : vector<16xf32>
          %swap3A_1497 = arith.index_cast %add3A_1417 : i32 to index
          %swap3A_1498 = arith.constant 32 : index
          %swap3A_1499 = tpu.vector_load %arg16[%swap3A_1497, %swap3A_1498] {strides = array<i32>} : memref<80x128xf32, #tpu.memory_space<vmem>>, vector<16xf32>,
          tpu.vector_store %arg16[%swap3A_1497, %swap3A_1498], %max3A_1496 {strides = array<i32>} : memref<80x128xf32, #tpu.memory_space<vmem>>, vector<16xf32>,
          %and3A_1500 = arith.constant -65536 : i32
          %and3A_1501 = vector.broadcast %and3A_1500 : i32 to vector<16xi32>
          %and3A_1502 = arith.andi %get3A_1482, %and3A_1501 : vector<16xi32>
          %bitcast3A_1503 = vector.bitcast %and3A_1502 : vector<16xi32> to vector<16xf32>
          %add3A_1504 = arith.addf %bitcast3A_1503, %get3A_1488 : vector<16xf32>
          %max3A_1505 = arith.constant 0.000000e+00 : f32
          %max3A_1506 = vector.broadcast %max3A_1505 : f32 to vector<16xf32>
          %max3A_1507 = arith.maximumf %add3A_1504, %max3A_1506 : vector<16xf32>
          %swap3A_1508 = arith.index_cast %add3A_1417 : i32 to index
          %swap3A_1509 = arith.constant 96 : index
          %swap3A_1510 = tpu.vector_load %arg16[%swap3A_1508, %swap3A_1509] {strides = array<i32>} : memref<80x128xf32, #tpu.memory_space<vmem>>, vector<16xf32>,
          tpu.vector_store %arg16[%swap3A_1508, %swap3A_1509], %max3A_1507 {strides = array<i32>} : memref<80x128xf32, #tpu.memory_space<vmem>>, vector<16xf32>,
          %get3A_1511 = arith.index_cast %add3A_1417 : i32 to index
          %get3A_1512 = arith.constant 48 : index
          %get3A_1513 = tpu.vector_load %arg18[%get3A_1511, %get3A_1512] {strides = array<i32>} : memref<80x64xi32, #tpu.memory_space<vmem>>, vector<16xi32>,
          %get3A_1514 = arith.index_cast %add3A_1417 : i32 to index
          %get3A_1515 = arith.constant 48 : index
          %get3A_1516 = tpu.vector_load %arg16[%get3A_1514, %get3A_1515] {strides = array<i32>} : memref<80x128xf32, #tpu.memory_space<vmem>>, vector<16xf32>,
          %get3A_1517 = arith.index_cast %add3A_1417 : i32 to index
          %get3A_1518 = arith.constant 112 : index
          %get3A_1519 = tpu.vector_load %arg16[%get3A_1517, %get3A_1518] {strides = array<i32>} : memref<80x128xf32, #tpu.memory_space<vmem>>, vector<16xf32>,
          %shift_left3A_1520 = arith.constant 16 : i32
          %shift_left3A_1521 = vector.broadcast %shift_left3A_1520 : i32 to vector<16xi32>
          %shift_left3A_1522 = arith.shli %get3A_1513, %shift_left3A_1521 : vector<16xi32>
          %bitcast3A_1523 = vector.bitcast %shift_left3A_1522 : vector<16xi32> to vector<16xf32>
          %add3A_1524 = arith.addf %bitcast3A_1523, %get3A_1516 : vector<16xf32>
          %max3A_1525 = arith.constant 0.000000e+00 : f32
          %max3A_1526 = vector.broadcast %max3A_1525 : f32 to vector<16xf32>
          %max3A_1527 = arith.maximumf %add3A_1524, %max3A_1526 : vector<16xf32>
          %swap3A_1528 = arith.index_cast %add3A_1417 : i32 to index
          %swap3A_1529 = arith.constant 48 : index
          %swap3A_1530 = tpu.vector_load %arg16[%swap3A_1528, %swap3A_1529] {strides = array<i32>} : memref<80x128xf32, #tpu.memory_space<vmem>>, vector<16xf32>,
          tpu.vector_store %arg16[%swap3A_1528, %swap3A_1529], %max3A_1527 {strides = array<i32>} : memref<80x128xf32, #tpu.memory_space<vmem>>, vector<16xf32>,
          %and3A_1531 = arith.constant -65536 : i32
          %and3A_1532 = vector.broadcast %and3A_1531 : i32 to vector<16xi32>
          %and3A_1533 = arith.andi %get3A_1513, %and3A_1532 : vector<16xi32>
          %bitcast3A_1534 = vector.bitcast %and3A_1533 : vector<16xi32> to vector<16xf32>
          %add3A_1535 = arith.addf %bitcast3A_1534, %get3A_1519 : vector<16xf32>
          %max3A_1536 = arith.constant 0.000000e+00 : f32
          %max3A_1537 = vector.broadcast %max3A_1536 : f32 to vector<16xf32>
          %max3A_1538 = arith.maximumf %add3A_1535, %max3A_1537 : vector<16xf32>
          %swap3A_1539 = arith.index_cast %add3A_1417 : i32 to index
          %swap3A_1540 = arith.constant 112 : index
          %swap3A_1541 = tpu.vector_load %arg16[%swap3A_1539, %swap3A_1540] {strides = array<i32>} : memref<80x128xf32, #tpu.memory_space<vmem>>, vector<16xf32>,
          tpu.vector_store %arg16[%swap3A_1539, %swap3A_1540], %max3A_1538 {strides = array<i32>} : memref<80x128xf32, #tpu.memory_space<vmem>>, vector<16xf32>,
        }
        %scan3A_1277 = arith.constant 40 : i32
        %dma_start3A_1278 = arith.constant 0 : i32
        %dma_start3A_1279 = arith.constant 0 : i32
        %dma_start3A_1280 = tpu.memref_slice %arg12[%dma_start3A_1278, %dma_start3A_1279] : memref<1x80xi32, #tpu.memory_space<vmem>> -> memref<1x80xi32, #tpu.memory_space<vmem>>
        %dma_start3A_1281 = tpu.memref_squeeze %dma_start3A_1280 : memref<1x80xi32, #tpu.memory_space<vmem>> -> memref<80xi32, #tpu.memory_space<vmem>>
        %dma_start3A_1282 = arith.constant 0 : i32
        %dma_start3A_1283 = arith.constant 0 : i32
        %dma_start3A_1284 = tpu.memref_slice %arg30[%dma_start3A_1282, %dma_start3A_1283] : memref<10000x128xf32, #tpu.memory_space<vmem_shared>> -> memref<10000x128xf32, #tpu.memory_space<vmem_shared>>
        tpu.enqueue_indirect_dma source(%arg16 : memref<80x128xf32, #tpu.memory_space<vmem>>) target(%dma_start3A_1284 : memref<10000x128xf32, #tpu.memory_space<vmem_shared>>) offsets(%dma_start3A_1281 : memref<80xi32, #tpu.memory_space<vmem>>) semaphore(%arg28 : memref<!tpu.dma_semaphore, #tpu.memory_space<semaphore_mem>>) {add = true}
      } else {
      }
      %add3A_1190 = arith.constant 3 : i32
      %add3A_1191 = arith.addi %add3A_1171, %add3A_1190 : i32
      %mul3A_1192 = arith.constant 32 : i32
      %mul3A_1193 = arith.muli %mul3A_1192, %add3A_1191 : i32
      %add3A_1194 = arith.addi %add3A, %mul3A_1193 : i32
      %lt3A_1195 = arith.constant 4000 : i32
      %lt3A_1196 = arith.cmpi slt, %add3A_1194, %lt3A_1195 : i32
      %convert_element_type3A_1197 = arith.extui %lt3A_1196 : i1 to i32
      %cond3A_1198 = arith.constant 0 : i32
      %cond3A_1199 = arith.cmpi ne, %convert_element_type3A_1197, %cond3A_1198 : i32
      scf.if %cond3A_1199 {
        %dma_start3A_1260 = arith.constant 0 : i32
        %dma_start3A_1261 = tpu.memref_slice %arg4[%add3A_1194, %dma_start3A_1260] : memref<4000x80xi32, #tpu.memory_space<hbm>> -> memref<1x80xi32, #tpu.memory_space<hbm>>
        %dma_start3A_1262 = arith.constant 0 : i32
        %dma_start3A_1263 = tpu.memref_slice %arg4[%add3A_1194, %dma_start3A_1262] : memref<4000x80xi32, #tpu.memory_space<hbm>> -> memref<1x80xi32, #tpu.memory_space<hbm>>
        tpu.enqueue_dma source(%dma_start3A_1263 : memref<1x80xi32, #tpu.memory_space<hbm>>) target(%arg7 : memref<1x80xi32, #tpu.memory_space<vmem>>) target_semaphore(%arg19 : memref<!tpu.dma_semaphore, #tpu.memory_space<semaphore_mem>>)
        %dma_start3A_1264 = arith.constant 0 : i32
        %dma_start3A_1265 = tpu.memref_slice %arg5[%add3A_1194, %dma_start3A_1264] : memref<4000x80xi32, #tpu.memory_space<hbm>> -> memref<1x80xi32, #tpu.memory_space<hbm>>
        %dma_start3A_1266 = arith.constant 0 : i32
        %dma_start3A_1267 = tpu.memref_slice %arg5[%add3A_1194, %dma_start3A_1266] : memref<4000x80xi32, #tpu.memory_space<hbm>> -> memref<1x80xi32, #tpu.memory_space<hbm>>
        tpu.enqueue_dma source(%dma_start3A_1267 : memref<1x80xi32, #tpu.memory_space<hbm>>) target(%arg11 : memref<1x80xi32, #tpu.memory_space<vmem>>) target_semaphore(%arg19 : memref<!tpu.dma_semaphore, #tpu.memory_space<semaphore_mem>>)
      } else {
      }
      %add3A_1200 = arith.constant 2 : i32
      %add3A_1201 = arith.addi %add3A_1139, %add3A_1200 : i32
      %add3A_1202 = arith.constant 1 : i32
      %add3A_1203 = arith.addi %add3A_1201, %add3A_1202 : i32
      %mul3A_1204 = arith.constant 32 : i32
      %mul3A_1205 = arith.muli %mul3A_1204, %add3A_1203 : i32
      %add3A_1206 = arith.addi %add3A, %mul3A_1205 : i32
      %lt3A_1207 = arith.constant 4000 : i32
      %lt3A_1208 = arith.cmpi slt, %add3A_1206, %lt3A_1207 : i32
      %convert_element_type3A_1209 = arith.extui %lt3A_1208 : i1 to i32
      %cond3A_1210 = arith.constant 0 : i32
      %cond3A_1211 = arith.cmpi ne, %convert_element_type3A_1209, %cond3A_1210 : i32
      scf.if %cond3A_1211 {
        %dma_wait3A_1260 = arith.constant 0 : i32
        %dma_wait3A_1261 = tpu.memref_slice %arg4[%add3A_1206, %dma_wait3A_1260] : memref<4000x80xi32, #tpu.memory_space<hbm>> -> memref<1x80xi32, #tpu.memory_space<hbm>>
        %dma_wait3A_1262 = arith.constant 0 : i32
        %dma_wait3A_1263 = tpu.memref_slice %arg4[%add3A_1206, %dma_wait3A_1262] : memref<4000x80xi32, #tpu.memory_space<hbm>> -> memref<1x80xi32, #tpu.memory_space<hbm>>
        tpu.wait_dma2 semaphore(%arg22 : memref<!tpu.dma_semaphore, #tpu.memory_space<semaphore_mem>>) src(%dma_wait3A_1263 : memref<1x80xi32, #tpu.memory_space<hbm>>) dst(%arg10 : memref<1x80xi32, #tpu.memory_space<vmem>>)
        %dma_wait3A_1264 = arith.constant 0 : i32
        %dma_wait3A_1265 = tpu.memref_slice %arg5[%add3A_1206, %dma_wait3A_1264] : memref<4000x80xi32, #tpu.memory_space<hbm>> -> memref<1x80xi32, #tpu.memory_space<hbm>>
        %dma_wait3A_1266 = arith.constant 0 : i32
        %dma_wait3A_1267 = tpu.memref_slice %arg5[%add3A_1206, %dma_wait3A_1266] : memref<4000x80xi32, #tpu.memory_space<hbm>> -> memref<1x80xi32, #tpu.memory_space<hbm>>
        tpu.wait_dma2 semaphore(%arg22 : memref<!tpu.dma_semaphore, #tpu.memory_space<semaphore_mem>>) src(%dma_wait3A_1267 : memref<1x80xi32, #tpu.memory_space<hbm>>) dst(%arg14 : memref<1x80xi32, #tpu.memory_space<vmem>>)
        %dma_wait3A_1268 = arith.constant 0 : i32
        %dma_wait3A_1269 = arith.constant 0 : i32
        %dma_wait3A_1270 = tpu.memref_slice %arg12[%dma_wait3A_1268, %dma_wait3A_1269] : memref<1x80xi32, #tpu.memory_space<vmem>> -> memref<1x80xi32, #tpu.memory_space<vmem>>
        %dma_wait3A_1271 = tpu.memref_squeeze %dma_wait3A_1270 : memref<1x80xi32, #tpu.memory_space<vmem>> -> memref<80xi32, #tpu.memory_space<vmem>>
        %dma_wait3A_1272 = arith.constant 0 : i32
        %dma_wait3A_1273 = arith.constant 0 : i32
        %dma_wait3A_1274 = tpu.memref_slice %arg30[%dma_wait3A_1272, %dma_wait3A_1273] : memref<10000x128xf32, #tpu.memory_space<vmem_shared>> -> memref<10000x128xf32, #tpu.memory_space<vmem_shared>>
        tpu.wait_indirect_dma semaphore(%arg28 : memref<!tpu.dma_semaphore, #tpu.memory_space<semaphore_mem>>) src(%arg16 : memref<80x128xf32, #tpu.memory_space<vmem>>) dst(%dma_wait3A_1274 : memref<10000x128xf32, #tpu.memory_space<vmem_shared>>)
        %mul3A_1275 = arith.constant 80 : i32
        %mul3A_1276 = arith.muli %add3A_1206, %mul3A_1275 : i32
        %dma_start3A_1277 = arith.constant 0 : i32
        %dma_start3A_1278 = tpu.memref_slice %arg3[%mul3A_1276, %dma_start3A_1277] : memref<320000x64xi32, #tpu.memory_space<hbm>> -> memref<80x64xi32, #tpu.memory_space<hbm>>
        %dma_start3A_1279 = arith.constant 0 : i32
        %dma_start3A_1280 = tpu.memref_slice %arg3[%mul3A_1276, %dma_start3A_1279] : memref<320000x64xi32, #tpu.memory_space<hbm>> -> memref<80x64xi32, #tpu.memory_space<hbm>>
        tpu.enqueue_dma source(%dma_start3A_1280 : memref<80x64xi32, #tpu.memory_space<hbm>>) target(%arg18 : memref<80x64xi32, #tpu.memory_space<vmem>>) target_semaphore(%arg24 : memref<!tpu.dma_semaphore, #tpu.memory_space<semaphore_mem>>)
        %dma_start3A_1281 = arith.constant 0 : i32
        %dma_start3A_1282 = arith.constant 0 : i32
        %dma_start3A_1283 = tpu.memref_slice %arg10[%dma_start3A_1281, %dma_start3A_1282] : memref<1x80xi32, #tpu.memory_space<vmem>> -> memref<1x80xi32, #tpu.memory_space<vmem>>
        %dma_start3A_1284 = tpu.memref_squeeze %dma_start3A_1283 : memref<1x80xi32, #tpu.memory_space<vmem>> -> memref<80xi32, #tpu.memory_space<vmem>>
        %dma_start3A_1285 = arith.constant 0 : i32
        %dma_start3A_1286 = arith.constant 0 : i32
        %dma_start3A_1287 = tpu.memref_slice %arg2[%dma_start3A_1285, %dma_start3A_1286] : memref<10000x128xf32, #tpu.memory_space<hbm>> -> memref<10000x128xf32, #tpu.memory_space<hbm>>
        tpu.enqueue_indirect_dma source(%dma_start3A_1287 : memref<10000x128xf32, #tpu.memory_space<hbm>>) target(%arg16 : memref<80x128xf32, #tpu.memory_space<vmem>>) offsets(%dma_start3A_1284 : memref<80xi32, #tpu.memory_space<vmem>>) semaphore(%arg26 : memref<!tpu.dma_semaphore, #tpu.memory_space<semaphore_mem>>)
      } else {
      }
      %mul3A_1212 = arith.constant 32 : i32
      %mul3A_1213 = arith.muli %mul3A_1212, %add3A_1201 : i32
      %add3A_1214 = arith.addi %add3A, %mul3A_1213 : i32
      %lt3A_1215 = arith.constant 4000 : i32
      %lt3A_1216 = arith.cmpi slt, %add3A_1214, %lt3A_1215 : i32
      %convert_element_type3A_1217 = arith.extui %lt3A_1216 : i1 to i32
      %cond3A_1218 = arith.constant 0 : i32
      %cond3A_1219 = arith.cmpi ne, %convert_element_type3A_1217, %cond3A_1218 : i32
      scf.if %cond3A_1219 {
        %mul3A_1260 = arith.constant 80 : i32
        %mul3A_1261 = arith.muli %add3A_1214, %mul3A_1260 : i32
        %dma_wait3A_1262 = arith.constant 0 : i32
        %dma_wait3A_1263 = tpu.memref_slice %arg3[%mul3A_1261, %dma_wait3A_1262] : memref<320000x64xi32, #tpu.memory_space<hbm>> -> memref<80x64xi32, #tpu.memory_space<hbm>>
        %dma_wait3A_1264 = arith.constant 0 : i32
        %dma_wait3A_1265 = tpu.memref_slice %arg3[%mul3A_1261, %dma_wait3A_1264] : memref<320000x64xi32, #tpu.memory_space<hbm>> -> memref<80x64xi32, #tpu.memory_space<hbm>>
        tpu.wait_dma2 semaphore(%arg23 : memref<!tpu.dma_semaphore, #tpu.memory_space<semaphore_mem>>) src(%dma_wait3A_1265 : memref<80x64xi32, #tpu.memory_space<hbm>>) dst(%arg17 : memref<80x64xi32, #tpu.memory_space<vmem>>)
        %dma_wait3A_1266 = arith.constant 0 : i32
        %dma_wait3A_1267 = arith.constant 0 : i32
        %dma_wait3A_1268 = tpu.memref_slice %arg9[%dma_wait3A_1266, %dma_wait3A_1267] : memref<1x80xi32, #tpu.memory_space<vmem>> -> memref<1x80xi32, #tpu.memory_space<vmem>>
        %dma_wait3A_1269 = tpu.memref_squeeze %dma_wait3A_1268 : memref<1x80xi32, #tpu.memory_space<vmem>> -> memref<80xi32, #tpu.memory_space<vmem>>
        %dma_wait3A_1270 = arith.constant 0 : i32
        %dma_wait3A_1271 = arith.constant 0 : i32
        %dma_wait3A_1272 = tpu.memref_slice %arg2[%dma_wait3A_1270, %dma_wait3A_1271] : memref<10000x128xf32, #tpu.memory_space<hbm>> -> memref<10000x128xf32, #tpu.memory_space<hbm>>
        tpu.wait_indirect_dma semaphore(%arg25 : memref<!tpu.dma_semaphore, #tpu.memory_space<semaphore_mem>>) src(%dma_wait3A_1272 : memref<10000x128xf32, #tpu.memory_space<hbm>>) dst(%arg15 : memref<80x128xf32, #tpu.memory_space<vmem>>)
        %scan3A_1273 = arith.constant 0 : i32
        %scan3A_1274 = arith.constant 40 : i32
        %scan3A_1275 = arith.addi %scan3A_1273, %scan3A_1274 : i32
        %scan3A_1276 = arith.constant 1 : i32
        scf.for %scan3A_1285 = %scan3A_1273 to %scan3A_1275 step %scan3A_1276  : i32 {
          %mul3A_1286 = arith.constant 1 : i32
          %mul3A_1287 = arith.muli %scan3A_1285, %mul3A_1286 : i32
          %add3A_1288 = arith.constant 0 : i32
          %add3A_1289 = arith.addi %add3A_1288, %mul3A_1287 : i32
          %mul3A_1290 = arith.constant 2 : i32
          %mul3A_1291 = arith.muli %add3A_1289, %mul3A_1290 : i32
          %add3A_1292 = arith.constant 0 : i32
          %add3A_1293 = arith.addi %mul3A_1291, %add3A_1292 : i32
          %get3A = arith.index_cast %add3A_1293 : i32 to index
          %get3A_1294 = arith.constant 0 : index
          %get3A_1295 = tpu.vector_load %arg17[%get3A, %get3A_1294] {strides = array<i32>} : memref<80x64xi32, #tpu.memory_space<vmem>>, vector<16xi32>,
          %get3A_1296 = arith.index_cast %add3A_1293 : i32 to index
          %get3A_1297 = arith.constant 0 : index
          %get3A_1298 = tpu.vector_load %arg15[%get3A_1296, %get3A_1297] {strides = array<i32>} : memref<80x128xf32, #tpu.memory_space<vmem>>, vector<16xf32>,
          %get3A_1299 = arith.index_cast %add3A_1293 : i32 to index
          %get3A_1300 = arith.constant 64 : index
          %get3A_1301 = tpu.vector_load %arg15[%get3A_1299, %get3A_1300] {strides = array<i32>} : memref<80x128xf32, #tpu.memory_space<vmem>>, vector<16xf32>,
          %shift_left3A = arith.constant 16 : i32
          %shift_left3A_1302 = vector.broadcast %shift_left3A : i32 to vector<16xi32>
          %shift_left3A_1303 = arith.shli %get3A_1295, %shift_left3A_1302 : vector<16xi32>
          %bitcast3A = vector.bitcast %shift_left3A_1303 : vector<16xi32> to vector<16xf32>
          %add3A_1304 = arith.addf %bitcast3A, %get3A_1298 : vector<16xf32>
          %max3A = arith.constant 0.000000e+00 : f32
          %max3A_1305 = vector.broadcast %max3A : f32 to vector<16xf32>
          %max3A_1306 = arith.maximumf %add3A_1304, %max3A_1305 : vector<16xf32>
          %swap3A_1307 = arith.index_cast %add3A_1293 : i32 to index
          %swap3A_1308 = arith.constant 0 : index
          %swap3A_1309 = tpu.vector_load %arg15[%swap3A_1307, %swap3A_1308] {strides = array<i32>} : memref<80x128xf32, #tpu.memory_space<vmem>>, vector<16xf32>,
          tpu.vector_store %arg15[%swap3A_1307, %swap3A_1308], %max3A_1306 {strides = array<i32>} : memref<80x128xf32, #tpu.memory_space<vmem>>, vector<16xf32>,
          %and3A_1310 = arith.constant -65536 : i32
          %and3A_1311 = vector.broadcast %and3A_1310 : i32 to vector<16xi32>
          %and3A_1312 = arith.andi %get3A_1295, %and3A_1311 : vector<16xi32>
          %bitcast3A_1313 = vector.bitcast %and3A_1312 : vector<16xi32> to vector<16xf32>
          %add3A_1314 = arith.addf %bitcast3A_1313, %get3A_1301 : vector<16xf32>
          %max3A_1315 = arith.constant 0.000000e+00 : f32
          %max3A_1316 = vector.broadcast %max3A_1315 : f32 to vector<16xf32>
          %max3A_1317 = arith.maximumf %add3A_1314, %max3A_1316 : vector<16xf32>
          %swap3A_1318 = arith.index_cast %add3A_1293 : i32 to index
          %swap3A_1319 = arith.constant 64 : index
          %swap3A_1320 = tpu.vector_load %arg15[%swap3A_1318, %swap3A_1319] {strides = array<i32>} : memref<80x128xf32, #tpu.memory_space<vmem>>, vector<16xf32>,
          tpu.vector_store %arg15[%swap3A_1318, %swap3A_1319], %max3A_1317 {strides = array<i32>} : memref<80x128xf32, #tpu.memory_space<vmem>>, vector<16xf32>,
          %get3A_1321 = arith.index_cast %add3A_1293 : i32 to index
          %get3A_1322 = arith.constant 16 : index
          %get3A_1323 = tpu.vector_load %arg17[%get3A_1321, %get3A_1322] {strides = array<i32>} : memref<80x64xi32, #tpu.memory_space<vmem>>, vector<16xi32>,
          %get3A_1324 = arith.index_cast %add3A_1293 : i32 to index
          %get3A_1325 = arith.constant 16 : index
          %get3A_1326 = tpu.vector_load %arg15[%get3A_1324, %get3A_1325] {strides = array<i32>} : memref<80x128xf32, #tpu.memory_space<vmem>>, vector<16xf32>,
          %get3A_1327 = arith.index_cast %add3A_1293 : i32 to index
          %get3A_1328 = arith.constant 80 : index
          %get3A_1329 = tpu.vector_load %arg15[%get3A_1327, %get3A_1328] {strides = array<i32>} : memref<80x128xf32, #tpu.memory_space<vmem>>, vector<16xf32>,
          %shift_left3A_1330 = arith.constant 16 : i32
          %shift_left3A_1331 = vector.broadcast %shift_left3A_1330 : i32 to vector<16xi32>
          %shift_left3A_1332 = arith.shli %get3A_1323, %shift_left3A_1331 : vector<16xi32>
          %bitcast3A_1333 = vector.bitcast %shift_left3A_1332 : vector<16xi32> to vector<16xf32>
          %add3A_1334 = arith.addf %bitcast3A_1333, %get3A_1326 : vector<16xf32>
          %max3A_1335 = arith.constant 0.000000e+00 : f32
          %max3A_1336 = vector.broadcast %max3A_1335 : f32 to vector<16xf32>
          %max3A_1337 = arith.maximumf %add3A_1334, %max3A_1336 : vector<16xf32>
          %swap3A_1338 = arith.index_cast %add3A_1293 : i32 to index
          %swap3A_1339 = arith.constant 16 : index
          %swap3A_1340 = tpu.vector_load %arg15[%swap3A_1338, %swap3A_1339] {strides = array<i32>} : memref<80x128xf32, #tpu.memory_space<vmem>>, vector<16xf32>,
          tpu.vector_store %arg15[%swap3A_1338, %swap3A_1339], %max3A_1337 {strides = array<i32>} : memref<80x128xf32, #tpu.memory_space<vmem>>, vector<16xf32>,
          %and3A_1341 = arith.constant -65536 : i32
          %and3A_1342 = vector.broadcast %and3A_1341 : i32 to vector<16xi32>
          %and3A_1343 = arith.andi %get3A_1323, %and3A_1342 : vector<16xi32>
          %bitcast3A_1344 = vector.bitcast %and3A_1343 : vector<16xi32> to vector<16xf32>
          %add3A_1345 = arith.addf %bitcast3A_1344, %get3A_1329 : vector<16xf32>
          %max3A_1346 = arith.constant 0.000000e+00 : f32
          %max3A_1347 = vector.broadcast %max3A_1346 : f32 to vector<16xf32>
          %max3A_1348 = arith.maximumf %add3A_1345, %max3A_1347 : vector<16xf32>
          %swap3A_1349 = arith.index_cast %add3A_1293 : i32 to index
          %swap3A_1350 = arith.constant 80 : index
          %swap3A_1351 = tpu.vector_load %arg15[%swap3A_1349, %swap3A_1350] {strides = array<i32>} : memref<80x128xf32, #tpu.memory_space<vmem>>, vector<16xf32>,
          tpu.vector_store %arg15[%swap3A_1349, %swap3A_1350], %max3A_1348 {strides = array<i32>} : memref<80x128xf32, #tpu.memory_space<vmem>>, vector<16xf32>,
          %get3A_1352 = arith.index_cast %add3A_1293 : i32 to index
          %get3A_1353 = arith.constant 32 : index
          %get3A_1354 = tpu.vector_load %arg17[%get3A_1352, %get3A_1353] {strides = array<i32>} : memref<80x64xi32, #tpu.memory_space<vmem>>, vector<16xi32>,
          %get3A_1355 = arith.index_cast %add3A_1293 : i32 to index
          %get3A_1356 = arith.constant 32 : index
          %get3A_1357 = tpu.vector_load %arg15[%get3A_1355, %get3A_1356] {strides = array<i32>} : memref<80x128xf32, #tpu.memory_space<vmem>>, vector<16xf32>,
          %get3A_1358 = arith.index_cast %add3A_1293 : i32 to index
          %get3A_1359 = arith.constant 96 : index
          %get3A_1360 = tpu.vector_load %arg15[%get3A_1358, %get3A_1359] {strides = array<i32>} : memref<80x128xf32, #tpu.memory_space<vmem>>, vector<16xf32>,
          %shift_left3A_1361 = arith.constant 16 : i32
          %shift_left3A_1362 = vector.broadcast %shift_left3A_1361 : i32 to vector<16xi32>
          %shift_left3A_1363 = arith.shli %get3A_1354, %shift_left3A_1362 : vector<16xi32>
          %bitcast3A_1364 = vector.bitcast %shift_left3A_1363 : vector<16xi32> to vector<16xf32>
          %add3A_1365 = arith.addf %bitcast3A_1364, %get3A_1357 : vector<16xf32>
          %max3A_1366 = arith.constant 0.000000e+00 : f32
          %max3A_1367 = vector.broadcast %max3A_1366 : f32 to vector<16xf32>
          %max3A_1368 = arith.maximumf %add3A_1365, %max3A_1367 : vector<16xf32>
          %swap3A_1369 = arith.index_cast %add3A_1293 : i32 to index
          %swap3A_1370 = arith.constant 32 : index
          %swap3A_1371 = tpu.vector_load %arg15[%swap3A_1369, %swap3A_1370] {strides = array<i32>} : memref<80x128xf32, #tpu.memory_space<vmem>>, vector<16xf32>,
          tpu.vector_store %arg15[%swap3A_1369, %swap3A_1370], %max3A_1368 {strides = array<i32>} : memref<80x128xf32, #tpu.memory_space<vmem>>, vector<16xf32>,
          %and3A_1372 = arith.constant -65536 : i32
          %and3A_1373 = vector.broadcast %and3A_1372 : i32 to vector<16xi32>
          %and3A_1374 = arith.andi %get3A_1354, %and3A_1373 : vector<16xi32>
          %bitcast3A_1375 = vector.bitcast %and3A_1374 : vector<16xi32> to vector<16xf32>
          %add3A_1376 = arith.addf %bitcast3A_1375, %get3A_1360 : vector<16xf32>
          %max3A_1377 = arith.constant 0.000000e+00 : f32
          %max3A_1378 = vector.broadcast %max3A_1377 : f32 to vector<16xf32>
          %max3A_1379 = arith.maximumf %add3A_1376, %max3A_1378 : vector<16xf32>
          %swap3A_1380 = arith.index_cast %add3A_1293 : i32 to index
          %swap3A_1381 = arith.constant 96 : index
          %swap3A_1382 = tpu.vector_load %arg15[%swap3A_1380, %swap3A_1381] {strides = array<i32>} : memref<80x128xf32, #tpu.memory_space<vmem>>, vector<16xf32>,
          tpu.vector_store %arg15[%swap3A_1380, %swap3A_1381], %max3A_1379 {strides = array<i32>} : memref<80x128xf32, #tpu.memory_space<vmem>>, vector<16xf32>,
          %get3A_1383 = arith.index_cast %add3A_1293 : i32 to index
          %get3A_1384 = arith.constant 48 : index
          %get3A_1385 = tpu.vector_load %arg17[%get3A_1383, %get3A_1384] {strides = array<i32>} : memref<80x64xi32, #tpu.memory_space<vmem>>, vector<16xi32>,
          %get3A_1386 = arith.index_cast %add3A_1293 : i32 to index
          %get3A_1387 = arith.constant 48 : index
          %get3A_1388 = tpu.vector_load %arg15[%get3A_1386, %get3A_1387] {strides = array<i32>} : memref<80x128xf32, #tpu.memory_space<vmem>>, vector<16xf32>,
          %get3A_1389 = arith.index_cast %add3A_1293 : i32 to index
          %get3A_1390 = arith.constant 112 : index
          %get3A_1391 = tpu.vector_load %arg15[%get3A_1389, %get3A_1390] {strides = array<i32>} : memref<80x128xf32, #tpu.memory_space<vmem>>, vector<16xf32>,
          %shift_left3A_1392 = arith.constant 16 : i32
          %shift_left3A_1393 = vector.broadcast %shift_left3A_1392 : i32 to vector<16xi32>
          %shift_left3A_1394 = arith.shli %get3A_1385, %shift_left3A_1393 : vector<16xi32>
          %bitcast3A_1395 = vector.bitcast %shift_left3A_1394 : vector<16xi32> to vector<16xf32>
          %add3A_1396 = arith.addf %bitcast3A_1395, %get3A_1388 : vector<16xf32>
          %max3A_1397 = arith.constant 0.000000e+00 : f32
          %max3A_1398 = vector.broadcast %max3A_1397 : f32 to vector<16xf32>
          %max3A_1399 = arith.maximumf %add3A_1396, %max3A_1398 : vector<16xf32>
          %swap3A_1400 = arith.index_cast %add3A_1293 : i32 to index
          %swap3A_1401 = arith.constant 48 : index
          %swap3A_1402 = tpu.vector_load %arg15[%swap3A_1400, %swap3A_1401] {strides = array<i32>} : memref<80x128xf32, #tpu.memory_space<vmem>>, vector<16xf32>,
          tpu.vector_store %arg15[%swap3A_1400, %swap3A_1401], %max3A_1399 {strides = array<i32>} : memref<80x128xf32, #tpu.memory_space<vmem>>, vector<16xf32>,
          %and3A_1403 = arith.constant -65536 : i32
          %and3A_1404 = vector.broadcast %and3A_1403 : i32 to vector<16xi32>
          %and3A_1405 = arith.andi %get3A_1385, %and3A_1404 : vector<16xi32>
          %bitcast3A_1406 = vector.bitcast %and3A_1405 : vector<16xi32> to vector<16xf32>
          %add3A_1407 = arith.addf %bitcast3A_1406, %get3A_1391 : vector<16xf32>
          %max3A_1408 = arith.constant 0.000000e+00 : f32
          %max3A_1409 = vector.broadcast %max3A_1408 : f32 to vector<16xf32>
          %max3A_1410 = arith.maximumf %add3A_1407, %max3A_1409 : vector<16xf32>
          %swap3A_1411 = arith.index_cast %add3A_1293 : i32 to index
          %swap3A_1412 = arith.constant 112 : index
          %swap3A_1413 = tpu.vector_load %arg15[%swap3A_1411, %swap3A_1412] {strides = array<i32>} : memref<80x128xf32, #tpu.memory_space<vmem>>, vector<16xf32>,
          tpu.vector_store %arg15[%swap3A_1411, %swap3A_1412], %max3A_1410 {strides = array<i32>} : memref<80x128xf32, #tpu.memory_space<vmem>>, vector<16xf32>,
          %mul3A_1414 = arith.constant 2 : i32
          %mul3A_1415 = arith.muli %add3A_1289, %mul3A_1414 : i32
          %add3A_1416 = arith.constant 1 : i32
          %add3A_1417 = arith.addi %mul3A_1415, %add3A_1416 : i32
          %get3A_1418 = arith.index_cast %add3A_1417 : i32 to index
          %get3A_1419 = arith.constant 0 : index
          %get3A_1420 = tpu.vector_load %arg17[%get3A_1418, %get3A_1419] {strides = array<i32>} : memref<80x64xi32, #tpu.memory_space<vmem>>, vector<16xi32>,
          %get3A_1421 = arith.index_cast %add3A_1417 : i32 to index
          %get3A_1422 = arith.constant 0 : index
          %get3A_1423 = tpu.vector_load %arg15[%get3A_1421, %get3A_1422] {strides = array<i32>} : memref<80x128xf32, #tpu.memory_space<vmem>>, vector<16xf32>,
          %get3A_1424 = arith.index_cast %add3A_1417 : i32 to index
          %get3A_1425 = arith.constant 64 : index
          %get3A_1426 = tpu.vector_load %arg15[%get3A_1424, %get3A_1425] {strides = array<i32>} : memref<80x128xf32, #tpu.memory_space<vmem>>, vector<16xf32>,
          %shift_left3A_1427 = arith.constant 16 : i32
          %shift_left3A_1428 = vector.broadcast %shift_left3A_1427 : i32 to vector<16xi32>
          %shift_left3A_1429 = arith.shli %get3A_1420, %shift_left3A_1428 : vector<16xi32>
          %bitcast3A_1430 = vector.bitcast %shift_left3A_1429 : vector<16xi32> to vector<16xf32>
          %add3A_1431 = arith.addf %bitcast3A_1430, %get3A_1423 : vector<16xf32>
          %max3A_1432 = arith.constant 0.000000e+00 : f32
          %max3A_1433 = vector.broadcast %max3A_1432 : f32 to vector<16xf32>
          %max3A_1434 = arith.maximumf %add3A_1431, %max3A_1433 : vector<16xf32>
          %swap3A_1435 = arith.index_cast %add3A_1417 : i32 to index
          %swap3A_1436 = arith.constant 0 : index
          %swap3A_1437 = tpu.vector_load %arg15[%swap3A_1435, %swap3A_1436] {strides = array<i32>} : memref<80x128xf32, #tpu.memory_space<vmem>>, vector<16xf32>,
          tpu.vector_store %arg15[%swap3A_1435, %swap3A_1436], %max3A_1434 {strides = array<i32>} : memref<80x128xf32, #tpu.memory_space<vmem>>, vector<16xf32>,
          %and3A_1438 = arith.constant -65536 : i32
          %and3A_1439 = vector.broadcast %and3A_1438 : i32 to vector<16xi32>
          %and3A_1440 = arith.andi %get3A_1420, %and3A_1439 : vector<16xi32>
          %bitcast3A_1441 = vector.bitcast %and3A_1440 : vector<16xi32> to vector<16xf32>
          %add3A_1442 = arith.addf %bitcast3A_1441, %get3A_1426 : vector<16xf32>
          %max3A_1443 = arith.constant 0.000000e+00 : f32
          %max3A_1444 = vector.broadcast %max3A_1443 : f32 to vector<16xf32>
          %max3A_1445 = arith.maximumf %add3A_1442, %max3A_1444 : vector<16xf32>
          %swap3A_1446 = arith.index_cast %add3A_1417 : i32 to index
          %swap3A_1447 = arith.constant 64 : index
          %swap3A_1448 = tpu.vector_load %arg15[%swap3A_1446, %swap3A_1447] {strides = array<i32>} : memref<80x128xf32, #tpu.memory_space<vmem>>, vector<16xf32>,
          tpu.vector_store %arg15[%swap3A_1446, %swap3A_1447], %max3A_1445 {strides = array<i32>} : memref<80x128xf32, #tpu.memory_space<vmem>>, vector<16xf32>,
          %get3A_1449 = arith.index_cast %add3A_1417 : i32 to index
          %get3A_1450 = arith.constant 16 : index
          %get3A_1451 = tpu.vector_load %arg17[%get3A_1449, %get3A_1450] {strides = array<i32>} : memref<80x64xi32, #tpu.memory_space<vmem>>, vector<16xi32>,
          %get3A_1452 = arith.index_cast %add3A_1417 : i32 to index
          %get3A_1453 = arith.constant 16 : index
          %get3A_1454 = tpu.vector_load %arg15[%get3A_1452, %get3A_1453] {strides = array<i32>} : memref<80x128xf32, #tpu.memory_space<vmem>>, vector<16xf32>,
          %get3A_1455 = arith.index_cast %add3A_1417 : i32 to index
          %get3A_1456 = arith.constant 80 : index
          %get3A_1457 = tpu.vector_load %arg15[%get3A_1455, %get3A_1456] {strides = array<i32>} : memref<80x128xf32, #tpu.memory_space<vmem>>, vector<16xf32>,
          %shift_left3A_1458 = arith.constant 16 : i32
          %shift_left3A_1459 = vector.broadcast %shift_left3A_1458 : i32 to vector<16xi32>
          %shift_left3A_1460 = arith.shli %get3A_1451, %shift_left3A_1459 : vector<16xi32>
          %bitcast3A_1461 = vector.bitcast %shift_left3A_1460 : vector<16xi32> to vector<16xf32>
          %add3A_1462 = arith.addf %bitcast3A_1461, %get3A_1454 : vector<16xf32>
          %max3A_1463 = arith.constant 0.000000e+00 : f32
          %max3A_1464 = vector.broadcast %max3A_1463 : f32 to vector<16xf32>
          %max3A_1465 = arith.maximumf %add3A_1462, %max3A_1464 : vector<16xf32>
          %swap3A_1466 = arith.index_cast %add3A_1417 : i32 to index
          %swap3A_1467 = arith.constant 16 : index
          %swap3A_1468 = tpu.vector_load %arg15[%swap3A_1466, %swap3A_1467] {strides = array<i32>} : memref<80x128xf32, #tpu.memory_space<vmem>>, vector<16xf32>,
          tpu.vector_store %arg15[%swap3A_1466, %swap3A_1467], %max3A_1465 {strides = array<i32>} : memref<80x128xf32, #tpu.memory_space<vmem>>, vector<16xf32>,
          %and3A_1469 = arith.constant -65536 : i32
          %and3A_1470 = vector.broadcast %and3A_1469 : i32 to vector<16xi32>
          %and3A_1471 = arith.andi %get3A_1451, %and3A_1470 : vector<16xi32>
          %bitcast3A_1472 = vector.bitcast %and3A_1471 : vector<16xi32> to vector<16xf32>
          %add3A_1473 = arith.addf %bitcast3A_1472, %get3A_1457 : vector<16xf32>
          %max3A_1474 = arith.constant 0.000000e+00 : f32
          %max3A_1475 = vector.broadcast %max3A_1474 : f32 to vector<16xf32>
          %max3A_1476 = arith.maximumf %add3A_1473, %max3A_1475 : vector<16xf32>
          %swap3A_1477 = arith.index_cast %add3A_1417 : i32 to index
          %swap3A_1478 = arith.constant 80 : index
          %swap3A_1479 = tpu.vector_load %arg15[%swap3A_1477, %swap3A_1478] {strides = array<i32>} : memref<80x128xf32, #tpu.memory_space<vmem>>, vector<16xf32>,
          tpu.vector_store %arg15[%swap3A_1477, %swap3A_1478], %max3A_1476 {strides = array<i32>} : memref<80x128xf32, #tpu.memory_space<vmem>>, vector<16xf32>,
          %get3A_1480 = arith.index_cast %add3A_1417 : i32 to index
          %get3A_1481 = arith.constant 32 : index
          %get3A_1482 = tpu.vector_load %arg17[%get3A_1480, %get3A_1481] {strides = array<i32>} : memref<80x64xi32, #tpu.memory_space<vmem>>, vector<16xi32>,
          %get3A_1483 = arith.index_cast %add3A_1417 : i32 to index
          %get3A_1484 = arith.constant 32 : index
          %get3A_1485 = tpu.vector_load %arg15[%get3A_1483, %get3A_1484] {strides = array<i32>} : memref<80x128xf32, #tpu.memory_space<vmem>>, vector<16xf32>,
          %get3A_1486 = arith.index_cast %add3A_1417 : i32 to index
          %get3A_1487 = arith.constant 96 : index
          %get3A_1488 = tpu.vector_load %arg15[%get3A_1486, %get3A_1487] {strides = array<i32>} : memref<80x128xf32, #tpu.memory_space<vmem>>, vector<16xf32>,
          %shift_left3A_1489 = arith.constant 16 : i32
          %shift_left3A_1490 = vector.broadcast %shift_left3A_1489 : i32 to vector<16xi32>
          %shift_left3A_1491 = arith.shli %get3A_1482, %shift_left3A_1490 : vector<16xi32>
          %bitcast3A_1492 = vector.bitcast %shift_left3A_1491 : vector<16xi32> to vector<16xf32>
          %add3A_1493 = arith.addf %bitcast3A_1492, %get3A_1485 : vector<16xf32>
          %max3A_1494 = arith.constant 0.000000e+00 : f32
          %max3A_1495 = vector.broadcast %max3A_1494 : f32 to vector<16xf32>
          %max3A_1496 = arith.maximumf %add3A_1493, %max3A_1495 : vector<16xf32>
          %swap3A_1497 = arith.index_cast %add3A_1417 : i32 to index
          %swap3A_1498 = arith.constant 32 : index
          %swap3A_1499 = tpu.vector_load %arg15[%swap3A_1497, %swap3A_1498] {strides = array<i32>} : memref<80x128xf32, #tpu.memory_space<vmem>>, vector<16xf32>,
          tpu.vector_store %arg15[%swap3A_1497, %swap3A_1498], %max3A_1496 {strides = array<i32>} : memref<80x128xf32, #tpu.memory_space<vmem>>, vector<16xf32>,
          %and3A_1500 = arith.constant -65536 : i32
          %and3A_1501 = vector.broadcast %and3A_1500 : i32 to vector<16xi32>
          %and3A_1502 = arith.andi %get3A_1482, %and3A_1501 : vector<16xi32>
          %bitcast3A_1503 = vector.bitcast %and3A_1502 : vector<16xi32> to vector<16xf32>
          %add3A_1504 = arith.addf %bitcast3A_1503, %get3A_1488 : vector<16xf32>
          %max3A_1505 = arith.constant 0.000000e+00 : f32
          %max3A_1506 = vector.broadcast %max3A_1505 : f32 to vector<16xf32>
          %max3A_1507 = arith.maximumf %add3A_1504, %max3A_1506 : vector<16xf32>
          %swap3A_1508 = arith.index_cast %add3A_1417 : i32 to index
          %swap3A_1509 = arith.constant 96 : index
          %swap3A_1510 = tpu.vector_load %arg15[%swap3A_1508, %swap3A_1509] {strides = array<i32>} : memref<80x128xf32, #tpu.memory_space<vmem>>, vector<16xf32>,
          tpu.vector_store %arg15[%swap3A_1508, %swap3A_1509], %max3A_1507 {strides = array<i32>} : memref<80x128xf32, #tpu.memory_space<vmem>>, vector<16xf32>,
          %get3A_1511 = arith.index_cast %add3A_1417 : i32 to index
          %get3A_1512 = arith.constant 48 : index
          %get3A_1513 = tpu.vector_load %arg17[%get3A_1511, %get3A_1512] {strides = array<i32>} : memref<80x64xi32, #tpu.memory_space<vmem>>, vector<16xi32>,
          %get3A_1514 = arith.index_cast %add3A_1417 : i32 to index
          %get3A_1515 = arith.constant 48 : index
          %get3A_1516 = tpu.vector_load %arg15[%get3A_1514, %get3A_1515] {strides = array<i32>} : memref<80x128xf32, #tpu.memory_space<vmem>>, vector<16xf32>,
          %get3A_1517 = arith.index_cast %add3A_1417 : i32 to index
          %get3A_1518 = arith.constant 112 : index
          %get3A_1519 = tpu.vector_load %arg15[%get3A_1517, %get3A_1518] {strides = array<i32>} : memref<80x128xf32, #tpu.memory_space<vmem>>, vector<16xf32>,
          %shift_left3A_1520 = arith.constant 16 : i32
          %shift_left3A_1521 = vector.broadcast %shift_left3A_1520 : i32 to vector<16xi32>
          %shift_left3A_1522 = arith.shli %get3A_1513, %shift_left3A_1521 : vector<16xi32>
          %bitcast3A_1523 = vector.bitcast %shift_left3A_1522 : vector<16xi32> to vector<16xf32>
          %add3A_1524 = arith.addf %bitcast3A_1523, %get3A_1516 : vector<16xf32>
          %max3A_1525 = arith.constant 0.000000e+00 : f32
          %max3A_1526 = vector.broadcast %max3A_1525 : f32 to vector<16xf32>
          %max3A_1527 = arith.maximumf %add3A_1524, %max3A_1526 : vector<16xf32>
          %swap3A_1528 = arith.index_cast %add3A_1417 : i32 to index
          %swap3A_1529 = arith.constant 48 : index
          %swap3A_1530 = tpu.vector_load %arg15[%swap3A_1528, %swap3A_1529] {strides = array<i32>} : memref<80x128xf32, #tpu.memory_space<vmem>>, vector<16xf32>,
          tpu.vector_store %arg15[%swap3A_1528, %swap3A_1529], %max3A_1527 {strides = array<i32>} : memref<80x128xf32, #tpu.memory_space<vmem>>, vector<16xf32>,
          %and3A_1531 = arith.constant -65536 : i32
          %and3A_1532 = vector.broadcast %and3A_1531 : i32 to vector<16xi32>
          %and3A_1533 = arith.andi %get3A_1513, %and3A_1532 : vector<16xi32>
          %bitcast3A_1534 = vector.bitcast %and3A_1533 : vector<16xi32> to vector<16xf32>
          %add3A_1535 = arith.addf %bitcast3A_1534, %get3A_1519 : vector<16xf32>
          %max3A_1536 = arith.constant 0.000000e+00 : f32
          %max3A_1537 = vector.broadcast %max3A_1536 : f32 to vector<16xf32>
          %max3A_1538 = arith.maximumf %add3A_1535, %max3A_1537 : vector<16xf32>
          %swap3A_1539 = arith.index_cast %add3A_1417 : i32 to index
          %swap3A_1540 = arith.constant 112 : index
          %swap3A_1541 = tpu.vector_load %arg15[%swap3A_1539, %swap3A_1540] {strides = array<i32>} : memref<80x128xf32, #tpu.memory_space<vmem>>, vector<16xf32>,
          tpu.vector_store %arg15[%swap3A_1539, %swap3A_1540], %max3A_1538 {strides = array<i32>} : memref<80x128xf32, #tpu.memory_space<vmem>>, vector<16xf32>,
        }
        %scan3A_1277 = arith.constant 40 : i32
        %dma_start3A_1278 = arith.constant 0 : i32
        %dma_start3A_1279 = arith.constant 0 : i32
        %dma_start3A_1280 = tpu.memref_slice %arg13[%dma_start3A_1278, %dma_start3A_1279] : memref<1x80xi32, #tpu.memory_space<vmem>> -> memref<1x80xi32, #tpu.memory_space<vmem>>
        %dma_start3A_1281 = tpu.memref_squeeze %dma_start3A_1280 : memref<1x80xi32, #tpu.memory_space<vmem>> -> memref<80xi32, #tpu.memory_space<vmem>>
        %dma_start3A_1282 = arith.constant 0 : i32
        %dma_start3A_1283 = arith.constant 0 : i32
        %dma_start3A_1284 = tpu.memref_slice %arg30[%dma_start3A_1282, %dma_start3A_1283] : memref<10000x128xf32, #tpu.memory_space<vmem_shared>> -> memref<10000x128xf32, #tpu.memory_space<vmem_shared>>
        tpu.enqueue_indirect_dma source(%arg15 : memref<80x128xf32, #tpu.memory_space<vmem>>) target(%dma_start3A_1284 : memref<10000x128xf32, #tpu.memory_space<vmem_shared>>) offsets(%dma_start3A_1281 : memref<80xi32, #tpu.memory_space<vmem>>) semaphore(%arg27 : memref<!tpu.dma_semaphore, #tpu.memory_space<semaphore_mem>>) {add = true}
      } else {
      }
      %add3A_1220 = arith.constant 3 : i32
      %add3A_1221 = arith.addi %add3A_1201, %add3A_1220 : i32
      %mul3A_1222 = arith.constant 32 : i32
      %mul3A_1223 = arith.muli %mul3A_1222, %add3A_1221 : i32
      %add3A_1224 = arith.addi %add3A, %mul3A_1223 : i32
      %lt3A_1225 = arith.constant 4000 : i32
      %lt3A_1226 = arith.cmpi slt, %add3A_1224, %lt3A_1225 : i32
      %convert_element_type3A_1227 = arith.extui %lt3A_1226 : i1 to i32
      %cond3A_1228 = arith.constant 0 : i32
      %cond3A_1229 = arith.cmpi ne, %convert_element_type3A_1227, %cond3A_1228 : i32
      scf.if %cond3A_1229 {
        %dma_start3A_1260 = arith.constant 0 : i32
        %dma_start3A_1261 = tpu.memref_slice %arg4[%add3A_1224, %dma_start3A_1260] : memref<4000x80xi32, #tpu.memory_space<hbm>> -> memref<1x80xi32, #tpu.memory_space<hbm>>
        %dma_start3A_1262 = arith.constant 0 : i32
        %dma_start3A_1263 = tpu.memref_slice %arg4[%add3A_1224, %dma_start3A_1262] : memref<4000x80xi32, #tpu.memory_space<hbm>> -> memref<1x80xi32, #tpu.memory_space<hbm>>
        tpu.enqueue_dma source(%dma_start3A_1263 : memref<1x80xi32, #tpu.memory_space<hbm>>) target(%arg8 : memref<1x80xi32, #tpu.memory_space<vmem>>) target_semaphore(%arg20 : memref<!tpu.dma_semaphore, #tpu.memory_space<semaphore_mem>>)
        %dma_start3A_1264 = arith.constant 0 : i32
        %dma_start3A_1265 = tpu.memref_slice %arg5[%add3A_1224, %dma_start3A_1264] : memref<4000x80xi32, #tpu.memory_space<hbm>> -> memref<1x80xi32, #tpu.memory_space<hbm>>
        %dma_start3A_1266 = arith.constant 0 : i32
        %dma_start3A_1267 = tpu.memref_slice %arg5[%add3A_1224, %dma_start3A_1266] : memref<4000x80xi32, #tpu.memory_space<hbm>> -> memref<1x80xi32, #tpu.memory_space<hbm>>
        tpu.enqueue_dma source(%dma_start3A_1267 : memref<1x80xi32, #tpu.memory_space<hbm>>) target(%arg12 : memref<1x80xi32, #tpu.memory_space<vmem>>) target_semaphore(%arg20 : memref<!tpu.dma_semaphore, #tpu.memory_space<semaphore_mem>>)
      } else {
      }
      %add3A_1230 = arith.constant 3 : i32
      %add3A_1231 = arith.addi %add3A_1139, %add3A_1230 : i32
      %add3A_1232 = arith.constant 1 : i32
      %add3A_1233 = arith.addi %add3A_1231, %add3A_1232 : i32
      %mul3A_1234 = arith.constant 32 : i32
      %mul3A_1235 = arith.muli %mul3A_1234, %add3A_1233 : i32
      %add3A_1236 = arith.addi %add3A, %mul3A_1235 : i32
      %lt3A_1237 = arith.constant 4000 : i32
      %lt3A_1238 = arith.cmpi slt, %add3A_1236, %lt3A_1237 : i32
      %convert_element_type3A_1239 = arith.extui %lt3A_1238 : i1 to i32
      %cond3A_1240 = arith.constant 0 : i32
      %cond3A_1241 = arith.cmpi ne, %convert_element_type3A_1239, %cond3A_1240 : i32
      scf.if %cond3A_1241 {
        %dma_wait3A_1260 = arith.constant 0 : i32
        %dma_wait3A_1261 = tpu.memref_slice %arg4[%add3A_1236, %dma_wait3A_1260] : memref<4000x80xi32, #tpu.memory_space<hbm>> -> memref<1x80xi32, #tpu.memory_space<hbm>>
        %dma_wait3A_1262 = arith.constant 0 : i32
        %dma_wait3A_1263 = tpu.memref_slice %arg4[%add3A_1236, %dma_wait3A_1262] : memref<4000x80xi32, #tpu.memory_space<hbm>> -> memref<1x80xi32, #tpu.memory_space<hbm>>
        tpu.wait_dma2 semaphore(%arg19 : memref<!tpu.dma_semaphore, #tpu.memory_space<semaphore_mem>>) src(%dma_wait3A_1263 : memref<1x80xi32, #tpu.memory_space<hbm>>) dst(%arg7 : memref<1x80xi32, #tpu.memory_space<vmem>>)
        %dma_wait3A_1264 = arith.constant 0 : i32
        %dma_wait3A_1265 = tpu.memref_slice %arg5[%add3A_1236, %dma_wait3A_1264] : memref<4000x80xi32, #tpu.memory_space<hbm>> -> memref<1x80xi32, #tpu.memory_space<hbm>>
        %dma_wait3A_1266 = arith.constant 0 : i32
        %dma_wait3A_1267 = tpu.memref_slice %arg5[%add3A_1236, %dma_wait3A_1266] : memref<4000x80xi32, #tpu.memory_space<hbm>> -> memref<1x80xi32, #tpu.memory_space<hbm>>
        tpu.wait_dma2 semaphore(%arg19 : memref<!tpu.dma_semaphore, #tpu.memory_space<semaphore_mem>>) src(%dma_wait3A_1267 : memref<1x80xi32, #tpu.memory_space<hbm>>) dst(%arg11 : memref<1x80xi32, #tpu.memory_space<vmem>>)
        %dma_wait3A_1268 = arith.constant 0 : i32
        %dma_wait3A_1269 = arith.constant 0 : i32
        %dma_wait3A_1270 = tpu.memref_slice %arg13[%dma_wait3A_1268, %dma_wait3A_1269] : memref<1x80xi32, #tpu.memory_space<vmem>> -> memref<1x80xi32, #tpu.memory_space<vmem>>
        %dma_wait3A_1271 = tpu.memref_squeeze %dma_wait3A_1270 : memref<1x80xi32, #tpu.memory_space<vmem>> -> memref<80xi32, #tpu.memory_space<vmem>>
        %dma_wait3A_1272 = arith.constant 0 : i32
        %dma_wait3A_1273 = arith.constant 0 : i32
        %dma_wait3A_1274 = tpu.memref_slice %arg30[%dma_wait3A_1272, %dma_wait3A_1273] : memref<10000x128xf32, #tpu.memory_space<vmem_shared>> -> memref<10000x128xf32, #tpu.memory_space<vmem_shared>>
        tpu.wait_indirect_dma semaphore(%arg27 : memref<!tpu.dma_semaphore, #tpu.memory_space<semaphore_mem>>) src(%arg15 : memref<80x128xf32, #tpu.memory_space<vmem>>) dst(%dma_wait3A_1274 : memref<10000x128xf32, #tpu.memory_space<vmem_shared>>)
        %mul3A_1275 = arith.constant 80 : i32
        %mul3A_1276 = arith.muli %add3A_1236, %mul3A_1275 : i32
        %dma_start3A_1277 = arith.constant 0 : i32
        %dma_start3A_1278 = tpu.memref_slice %arg3[%mul3A_1276, %dma_start3A_1277] : memref<320000x64xi32, #tpu.memory_space<hbm>> -> memref<80x64xi32, #tpu.memory_space<hbm>>
        %dma_start3A_1279 = arith.constant 0 : i32
        %dma_start3A_1280 = tpu.memref_slice %arg3[%mul3A_1276, %dma_start3A_1279] : memref<320000x64xi32, #tpu.memory_space<hbm>> -> memref<80x64xi32, #tpu.memory_space<hbm>>
        tpu.enqueue_dma source(%dma_start3A_1280 : memref<80x64xi32, #tpu.memory_space<hbm>>) target(%arg17 : memref<80x64xi32, #tpu.memory_space<vmem>>) target_semaphore(%arg23 : memref<!tpu.dma_semaphore, #tpu.memory_space<semaphore_mem>>)
        %dma_start3A_1281 = arith.constant 0 : i32
        %dma_start3A_1282 = arith.constant 0 : i32
        %dma_start3A_1283 = tpu.memref_slice %arg7[%dma_start3A_1281, %dma_start3A_1282] : memref<1x80xi32, #tpu.memory_space<vmem>> -> memref<1x80xi32, #tpu.memory_space<vmem>>
        %dma_start3A_1284 = tpu.memref_squeeze %dma_start3A_1283 : memref<1x80xi32, #tpu.memory_space<vmem>> -> memref<80xi32, #tpu.memory_space<vmem>>
        %dma_start3A_1285 = arith.constant 0 : i32
        %dma_start3A_1286 = arith.constant 0 : i32
        %dma_start3A_1287 = tpu.memref_slice %arg2[%dma_start3A_1285, %dma_start3A_1286] : memref<10000x128xf32, #tpu.memory_space<hbm>> -> memref<10000x128xf32, #tpu.memory_space<hbm>>
        tpu.enqueue_indirect_dma source(%dma_start3A_1287 : memref<10000x128xf32, #tpu.memory_space<hbm>>) target(%arg15 : memref<80x128xf32, #tpu.memory_space<vmem>>) offsets(%dma_start3A_1284 : memref<80xi32, #tpu.memory_space<vmem>>) semaphore(%arg25 : memref<!tpu.dma_semaphore, #tpu.memory_space<semaphore_mem>>)
      } else {
      }
      %mul3A_1242 = arith.constant 32 : i32
      %mul3A_1243 = arith.muli %mul3A_1242, %add3A_1231 : i32
      %add3A_1244 = arith.addi %add3A, %mul3A_1243 : i32
      %lt3A_1245 = arith.constant 4000 : i32
      %lt3A_1246 = arith.cmpi slt, %add3A_1244, %lt3A_1245 : i32
      %convert_element_type3A_1247 = arith.extui %lt3A_1246 : i1 to i32
      %cond3A_1248 = arith.constant 0 : i32
      %cond3A_1249 = arith.cmpi ne, %convert_element_type3A_1247, %cond3A_1248 : i32
      scf.if %cond3A_1249 {
        %mul3A_1260 = arith.constant 80 : i32
        %mul3A_1261 = arith.muli %add3A_1244, %mul3A_1260 : i32
        %dma_wait3A_1262 = arith.constant 0 : i32
        %dma_wait3A_1263 = tpu.memref_slice %arg3[%mul3A_1261, %dma_wait3A_1262] : memref<320000x64xi32, #tpu.memory_space<hbm>> -> memref<80x64xi32, #tpu.memory_space<hbm>>
        %dma_wait3A_1264 = arith.constant 0 : i32
        %dma_wait3A_1265 = tpu.memref_slice %arg3[%mul3A_1261, %dma_wait3A_1264] : memref<320000x64xi32, #tpu.memory_space<hbm>> -> memref<80x64xi32, #tpu.memory_space<hbm>>
        tpu.wait_dma2 semaphore(%arg24 : memref<!tpu.dma_semaphore, #tpu.memory_space<semaphore_mem>>) src(%dma_wait3A_1265 : memref<80x64xi32, #tpu.memory_space<hbm>>) dst(%arg18 : memref<80x64xi32, #tpu.memory_space<vmem>>)
        %dma_wait3A_1266 = arith.constant 0 : i32
        %dma_wait3A_1267 = arith.constant 0 : i32
        %dma_wait3A_1268 = tpu.memref_slice %arg10[%dma_wait3A_1266, %dma_wait3A_1267] : memref<1x80xi32, #tpu.memory_space<vmem>> -> memref<1x80xi32, #tpu.memory_space<vmem>>
        %dma_wait3A_1269 = tpu.memref_squeeze %dma_wait3A_1268 : memref<1x80xi32, #tpu.memory_space<vmem>> -> memref<80xi32, #tpu.memory_space<vmem>>
        %dma_wait3A_1270 = arith.constant 0 : i32
        %dma_wait3A_1271 = arith.constant 0 : i32
        %dma_wait3A_1272 = tpu.memref_slice %arg2[%dma_wait3A_1270, %dma_wait3A_1271] : memref<10000x128xf32, #tpu.memory_space<hbm>> -> memref<10000x128xf32, #tpu.memory_space<hbm>>
        tpu.wait_indirect_dma semaphore(%arg26 : memref<!tpu.dma_semaphore, #tpu.memory_space<semaphore_mem>>) src(%dma_wait3A_1272 : memref<10000x128xf32, #tpu.memory_space<hbm>>) dst(%arg16 : memref<80x128xf32, #tpu.memory_space<vmem>>)
        %scan3A_1273 = arith.constant 0 : i32
        %scan3A_1274 = arith.constant 40 : i32
        %scan3A_1275 = arith.addi %scan3A_1273, %scan3A_1274 : i32
        %scan3A_1276 = arith.constant 1 : i32
        scf.for %scan3A_1285 = %scan3A_1273 to %scan3A_1275 step %scan3A_1276  : i32 {
          %mul3A_1286 = arith.constant 1 : i32
          %mul3A_1287 = arith.muli %scan3A_1285, %mul3A_1286 : i32
          %add3A_1288 = arith.constant 0 : i32
          %add3A_1289 = arith.addi %add3A_1288, %mul3A_1287 : i32
          %mul3A_1290 = arith.constant 2 : i32
          %mul3A_1291 = arith.muli %add3A_1289, %mul3A_1290 : i32
          %add3A_1292 = arith.constant 0 : i32
          %add3A_1293 = arith.addi %mul3A_1291, %add3A_1292 : i32
          %get3A = arith.index_cast %add3A_1293 : i32 to index
          %get3A_1294 = arith.constant 0 : index
          %get3A_1295 = tpu.vector_load %arg18[%get3A, %get3A_1294] {strides = array<i32>} : memref<80x64xi32, #tpu.memory_space<vmem>>, vector<16xi32>,
          %get3A_1296 = arith.index_cast %add3A_1293 : i32 to index
          %get3A_1297 = arith.constant 0 : index
          %get3A_1298 = tpu.vector_load %arg16[%get3A_1296, %get3A_1297] {strides = array<i32>} : memref<80x128xf32, #tpu.memory_space<vmem>>, vector<16xf32>,
          %get3A_1299 = arith.index_cast %add3A_1293 : i32 to index
          %get3A_1300 = arith.constant 64 : index
          %get3A_1301 = tpu.vector_load %arg16[%get3A_1299, %get3A_1300] {strides = array<i32>} : memref<80x128xf32, #tpu.memory_space<vmem>>, vector<16xf32>,
          %shift_left3A = arith.constant 16 : i32
          %shift_left3A_1302 = vector.broadcast %shift_left3A : i32 to vector<16xi32>
          %shift_left3A_1303 = arith.shli %get3A_1295, %shift_left3A_1302 : vector<16xi32>
          %bitcast3A = vector.bitcast %shift_left3A_1303 : vector<16xi32> to vector<16xf32>
          %add3A_1304 = arith.addf %bitcast3A, %get3A_1298 : vector<16xf32>
          %max3A = arith.constant 0.000000e+00 : f32
          %max3A_1305 = vector.broadcast %max3A : f32 to vector<16xf32>
          %max3A_1306 = arith.maximumf %add3A_1304, %max3A_1305 : vector<16xf32>
          %swap3A_1307 = arith.index_cast %add3A_1293 : i32 to index
          %swap3A_1308 = arith.constant 0 : index
          %swap3A_1309 = tpu.vector_load %arg16[%swap3A_1307, %swap3A_1308] {strides = array<i32>} : memref<80x128xf32, #tpu.memory_space<vmem>>, vector<16xf32>,
          tpu.vector_store %arg16[%swap3A_1307, %swap3A_1308], %max3A_1306 {strides = array<i32>} : memref<80x128xf32, #tpu.memory_space<vmem>>, vector<16xf32>,
          %and3A_1310 = arith.constant -65536 : i32
          %and3A_1311 = vector.broadcast %and3A_1310 : i32 to vector<16xi32>
          %and3A_1312 = arith.andi %get3A_1295, %and3A_1311 : vector<16xi32>
          %bitcast3A_1313 = vector.bitcast %and3A_1312 : vector<16xi32> to vector<16xf32>
          %add3A_1314 = arith.addf %bitcast3A_1313, %get3A_1301 : vector<16xf32>
          %max3A_1315 = arith.constant 0.000000e+00 : f32
          %max3A_1316 = vector.broadcast %max3A_1315 : f32 to vector<16xf32>
          %max3A_1317 = arith.maximumf %add3A_1314, %max3A_1316 : vector<16xf32>
          %swap3A_1318 = arith.index_cast %add3A_1293 : i32 to index
          %swap3A_1319 = arith.constant 64 : index
          %swap3A_1320 = tpu.vector_load %arg16[%swap3A_1318, %swap3A_1319] {strides = array<i32>} : memref<80x128xf32, #tpu.memory_space<vmem>>, vector<16xf32>,
          tpu.vector_store %arg16[%swap3A_1318, %swap3A_1319], %max3A_1317 {strides = array<i32>} : memref<80x128xf32, #tpu.memory_space<vmem>>, vector<16xf32>,
          %get3A_1321 = arith.index_cast %add3A_1293 : i32 to index
          %get3A_1322 = arith.constant 16 : index
          %get3A_1323 = tpu.vector_load %arg18[%get3A_1321, %get3A_1322] {strides = array<i32>} : memref<80x64xi32, #tpu.memory_space<vmem>>, vector<16xi32>,
          %get3A_1324 = arith.index_cast %add3A_1293 : i32 to index
          %get3A_1325 = arith.constant 16 : index
          %get3A_1326 = tpu.vector_load %arg16[%get3A_1324, %get3A_1325] {strides = array<i32>} : memref<80x128xf32, #tpu.memory_space<vmem>>, vector<16xf32>,
          %get3A_1327 = arith.index_cast %add3A_1293 : i32 to index
          %get3A_1328 = arith.constant 80 : index
          %get3A_1329 = tpu.vector_load %arg16[%get3A_1327, %get3A_1328] {strides = array<i32>} : memref<80x128xf32, #tpu.memory_space<vmem>>, vector<16xf32>,
          %shift_left3A_1330 = arith.constant 16 : i32
          %shift_left3A_1331 = vector.broadcast %shift_left3A_1330 : i32 to vector<16xi32>
          %shift_left3A_1332 = arith.shli %get3A_1323, %shift_left3A_1331 : vector<16xi32>
          %bitcast3A_1333 = vector.bitcast %shift_left3A_1332 : vector<16xi32> to vector<16xf32>
          %add3A_1334 = arith.addf %bitcast3A_1333, %get3A_1326 : vector<16xf32>
          %max3A_1335 = arith.constant 0.000000e+00 : f32
          %max3A_1336 = vector.broadcast %max3A_1335 : f32 to vector<16xf32>
          %max3A_1337 = arith.maximumf %add3A_1334, %max3A_1336 : vector<16xf32>
          %swap3A_1338 = arith.index_cast %add3A_1293 : i32 to index
          %swap3A_1339 = arith.constant 16 : index
          %swap3A_1340 = tpu.vector_load %arg16[%swap3A_1338, %swap3A_1339] {strides = array<i32>} : memref<80x128xf32, #tpu.memory_space<vmem>>, vector<16xf32>,
          tpu.vector_store %arg16[%swap3A_1338, %swap3A_1339], %max3A_1337 {strides = array<i32>} : memref<80x128xf32, #tpu.memory_space<vmem>>, vector<16xf32>,
          %and3A_1341 = arith.constant -65536 : i32
          %and3A_1342 = vector.broadcast %and3A_1341 : i32 to vector<16xi32>
          %and3A_1343 = arith.andi %get3A_1323, %and3A_1342 : vector<16xi32>
          %bitcast3A_1344 = vector.bitcast %and3A_1343 : vector<16xi32> to vector<16xf32>
          %add3A_1345 = arith.addf %bitcast3A_1344, %get3A_1329 : vector<16xf32>
          %max3A_1346 = arith.constant 0.000000e+00 : f32
          %max3A_1347 = vector.broadcast %max3A_1346 : f32 to vector<16xf32>
          %max3A_1348 = arith.maximumf %add3A_1345, %max3A_1347 : vector<16xf32>
          %swap3A_1349 = arith.index_cast %add3A_1293 : i32 to index
          %swap3A_1350 = arith.constant 80 : index
          %swap3A_1351 = tpu.vector_load %arg16[%swap3A_1349, %swap3A_1350] {strides = array<i32>} : memref<80x128xf32, #tpu.memory_space<vmem>>, vector<16xf32>,
          tpu.vector_store %arg16[%swap3A_1349, %swap3A_1350], %max3A_1348 {strides = array<i32>} : memref<80x128xf32, #tpu.memory_space<vmem>>, vector<16xf32>,
          %get3A_1352 = arith.index_cast %add3A_1293 : i32 to index
          %get3A_1353 = arith.constant 32 : index
          %get3A_1354 = tpu.vector_load %arg18[%get3A_1352, %get3A_1353] {strides = array<i32>} : memref<80x64xi32, #tpu.memory_space<vmem>>, vector<16xi32>,
          %get3A_1355 = arith.index_cast %add3A_1293 : i32 to index
          %get3A_1356 = arith.constant 32 : index
          %get3A_1357 = tpu.vector_load %arg16[%get3A_1355, %get3A_1356] {strides = array<i32>} : memref<80x128xf32, #tpu.memory_space<vmem>>, vector<16xf32>,
          %get3A_1358 = arith.index_cast %add3A_1293 : i32 to index
          %get3A_1359 = arith.constant 96 : index
          %get3A_1360 = tpu.vector_load %arg16[%get3A_1358, %get3A_1359] {strides = array<i32>} : memref<80x128xf32, #tpu.memory_space<vmem>>, vector<16xf32>,
          %shift_left3A_1361 = arith.constant 16 : i32
          %shift_left3A_1362 = vector.broadcast %shift_left3A_1361 : i32 to vector<16xi32>
          %shift_left3A_1363 = arith.shli %get3A_1354, %shift_left3A_1362 : vector<16xi32>
          %bitcast3A_1364 = vector.bitcast %shift_left3A_1363 : vector<16xi32> to vector<16xf32>
          %add3A_1365 = arith.addf %bitcast3A_1364, %get3A_1357 : vector<16xf32>
          %max3A_1366 = arith.constant 0.000000e+00 : f32
          %max3A_1367 = vector.broadcast %max3A_1366 : f32 to vector<16xf32>
          %max3A_1368 = arith.maximumf %add3A_1365, %max3A_1367 : vector<16xf32>
          %swap3A_1369 = arith.index_cast %add3A_1293 : i32 to index
          %swap3A_1370 = arith.constant 32 : index
          %swap3A_1371 = tpu.vector_load %arg16[%swap3A_1369, %swap3A_1370] {strides = array<i32>} : memref<80x128xf32, #tpu.memory_space<vmem>>, vector<16xf32>,
          tpu.vector_store %arg16[%swap3A_1369, %swap3A_1370], %max3A_1368 {strides = array<i32>} : memref<80x128xf32, #tpu.memory_space<vmem>>, vector<16xf32>,
          %and3A_1372 = arith.constant -65536 : i32
          %and3A_1373 = vector.broadcast %and3A_1372 : i32 to vector<16xi32>
          %and3A_1374 = arith.andi %get3A_1354, %and3A_1373 : vector<16xi32>
          %bitcast3A_1375 = vector.bitcast %and3A_1374 : vector<16xi32> to vector<16xf32>
          %add3A_1376 = arith.addf %bitcast3A_1375, %get3A_1360 : vector<16xf32>
          %max3A_1377 = arith.constant 0.000000e+00 : f32
          %max3A_1378 = vector.broadcast %max3A_1377 : f32 to vector<16xf32>
          %max3A_1379 = arith.maximumf %add3A_1376, %max3A_1378 : vector<16xf32>
          %swap3A_1380 = arith.index_cast %add3A_1293 : i32 to index
          %swap3A_1381 = arith.constant 96 : index
          %swap3A_1382 = tpu.vector_load %arg16[%swap3A_1380, %swap3A_1381] {strides = array<i32>} : memref<80x128xf32, #tpu.memory_space<vmem>>, vector<16xf32>,
          tpu.vector_store %arg16[%swap3A_1380, %swap3A_1381], %max3A_1379 {strides = array<i32>} : memref<80x128xf32, #tpu.memory_space<vmem>>, vector<16xf32>,
          %get3A_1383 = arith.index_cast %add3A_1293 : i32 to index
          %get3A_1384 = arith.constant 48 : index
          %get3A_1385 = tpu.vector_load %arg18[%get3A_1383, %get3A_1384] {strides = array<i32>} : memref<80x64xi32, #tpu.memory_space<vmem>>, vector<16xi32>,
          %get3A_1386 = arith.index_cast %add3A_1293 : i32 to index
          %get3A_1387 = arith.constant 48 : index
          %get3A_1388 = tpu.vector_load %arg16[%get3A_1386, %get3A_1387] {strides = array<i32>} : memref<80x128xf32, #tpu.memory_space<vmem>>, vector<16xf32>,
          %get3A_1389 = arith.index_cast %add3A_1293 : i32 to index
          %get3A_1390 = arith.constant 112 : index
          %get3A_1391 = tpu.vector_load %arg16[%get3A_1389, %get3A_1390] {strides = array<i32>} : memref<80x128xf32, #tpu.memory_space<vmem>>, vector<16xf32>,
          %shift_left3A_1392 = arith.constant 16 : i32
          %shift_left3A_1393 = vector.broadcast %shift_left3A_1392 : i32 to vector<16xi32>
          %shift_left3A_1394 = arith.shli %get3A_1385, %shift_left3A_1393 : vector<16xi32>
          %bitcast3A_1395 = vector.bitcast %shift_left3A_1394 : vector<16xi32> to vector<16xf32>
          %add3A_1396 = arith.addf %bitcast3A_1395, %get3A_1388 : vector<16xf32>
          %max3A_1397 = arith.constant 0.000000e+00 : f32
          %max3A_1398 = vector.broadcast %max3A_1397 : f32 to vector<16xf32>
          %max3A_1399 = arith.maximumf %add3A_1396, %max3A_1398 : vector<16xf32>
          %swap3A_1400 = arith.index_cast %add3A_1293 : i32 to index
          %swap3A_1401 = arith.constant 48 : index
          %swap3A_1402 = tpu.vector_load %arg16[%swap3A_1400, %swap3A_1401] {strides = array<i32>} : memref<80x128xf32, #tpu.memory_space<vmem>>, vector<16xf32>,
          tpu.vector_store %arg16[%swap3A_1400, %swap3A_1401], %max3A_1399 {strides = array<i32>} : memref<80x128xf32, #tpu.memory_space<vmem>>, vector<16xf32>,
          %and3A_1403 = arith.constant -65536 : i32
          %and3A_1404 = vector.broadcast %and3A_1403 : i32 to vector<16xi32>
          %and3A_1405 = arith.andi %get3A_1385, %and3A_1404 : vector<16xi32>
          %bitcast3A_1406 = vector.bitcast %and3A_1405 : vector<16xi32> to vector<16xf32>
          %add3A_1407 = arith.addf %bitcast3A_1406, %get3A_1391 : vector<16xf32>
          %max3A_1408 = arith.constant 0.000000e+00 : f32
          %max3A_1409 = vector.broadcast %max3A_1408 : f32 to vector<16xf32>
          %max3A_1410 = arith.maximumf %add3A_1407, %max3A_1409 : vector<16xf32>
          %swap3A_1411 = arith.index_cast %add3A_1293 : i32 to index
          %swap3A_1412 = arith.constant 112 : index
          %swap3A_1413 = tpu.vector_load %arg16[%swap3A_1411, %swap3A_1412] {strides = array<i32>} : memref<80x128xf32, #tpu.memory_space<vmem>>, vector<16xf32>,
          tpu.vector_store %arg16[%swap3A_1411, %swap3A_1412], %max3A_1410 {strides = array<i32>} : memref<80x128xf32, #tpu.memory_space<vmem>>, vector<16xf32>,
          %mul3A_1414 = arith.constant 2 : i32
          %mul3A_1415 = arith.muli %add3A_1289, %mul3A_1414 : i32
          %add3A_1416 = arith.constant 1 : i32
          %add3A_1417 = arith.addi %mul3A_1415, %add3A_1416 : i32
          %get3A_1418 = arith.index_cast %add3A_1417 : i32 to index
          %get3A_1419 = arith.constant 0 : index
          %get3A_1420 = tpu.vector_load %arg18[%get3A_1418, %get3A_1419] {strides = array<i32>} : memref<80x64xi32, #tpu.memory_space<vmem>>, vector<16xi32>,
          %get3A_1421 = arith.index_cast %add3A_1417 : i32 to index
          %get3A_1422 = arith.constant 0 : index
          %get3A_1423 = tpu.vector_load %arg16[%get3A_1421, %get3A_1422] {strides = array<i32>} : memref<80x128xf32, #tpu.memory_space<vmem>>, vector<16xf32>,
          %get3A_1424 = arith.index_cast %add3A_1417 : i32 to index
          %get3A_1425 = arith.constant 64 : index
          %get3A_1426 = tpu.vector_load %arg16[%get3A_1424, %get3A_1425] {strides = array<i32>} : memref<80x128xf32, #tpu.memory_space<vmem>>, vector<16xf32>,
          %shift_left3A_1427 = arith.constant 16 : i32
          %shift_left3A_1428 = vector.broadcast %shift_left3A_1427 : i32 to vector<16xi32>
          %shift_left3A_1429 = arith.shli %get3A_1420, %shift_left3A_1428 : vector<16xi32>
          %bitcast3A_1430 = vector.bitcast %shift_left3A_1429 : vector<16xi32> to vector<16xf32>
          %add3A_1431 = arith.addf %bitcast3A_1430, %get3A_1423 : vector<16xf32>
          %max3A_1432 = arith.constant 0.000000e+00 : f32
          %max3A_1433 = vector.broadcast %max3A_1432 : f32 to vector<16xf32>
          %max3A_1434 = arith.maximumf %add3A_1431, %max3A_1433 : vector<16xf32>
          %swap3A_1435 = arith.index_cast %add3A_1417 : i32 to index
          %swap3A_1436 = arith.constant 0 : index
          %swap3A_1437 = tpu.vector_load %arg16[%swap3A_1435, %swap3A_1436] {strides = array<i32>} : memref<80x128xf32, #tpu.memory_space<vmem>>, vector<16xf32>,
          tpu.vector_store %arg16[%swap3A_1435, %swap3A_1436], %max3A_1434 {strides = array<i32>} : memref<80x128xf32, #tpu.memory_space<vmem>>, vector<16xf32>,
          %and3A_1438 = arith.constant -65536 : i32
          %and3A_1439 = vector.broadcast %and3A_1438 : i32 to vector<16xi32>
          %and3A_1440 = arith.andi %get3A_1420, %and3A_1439 : vector<16xi32>
          %bitcast3A_1441 = vector.bitcast %and3A_1440 : vector<16xi32> to vector<16xf32>
          %add3A_1442 = arith.addf %bitcast3A_1441, %get3A_1426 : vector<16xf32>
          %max3A_1443 = arith.constant 0.000000e+00 : f32
          %max3A_1444 = vector.broadcast %max3A_1443 : f32 to vector<16xf32>
          %max3A_1445 = arith.maximumf %add3A_1442, %max3A_1444 : vector<16xf32>
          %swap3A_1446 = arith.index_cast %add3A_1417 : i32 to index
          %swap3A_1447 = arith.constant 64 : index
          %swap3A_1448 = tpu.vector_load %arg16[%swap3A_1446, %swap3A_1447] {strides = array<i32>} : memref<80x128xf32, #tpu.memory_space<vmem>>, vector<16xf32>,
          tpu.vector_store %arg16[%swap3A_1446, %swap3A_1447], %max3A_1445 {strides = array<i32>} : memref<80x128xf32, #tpu.memory_space<vmem>>, vector<16xf32>,
          %get3A_1449 = arith.index_cast %add3A_1417 : i32 to index
          %get3A_1450 = arith.constant 16 : index
          %get3A_1451 = tpu.vector_load %arg18[%get3A_1449, %get3A_1450] {strides = array<i32>} : memref<80x64xi32, #tpu.memory_space<vmem>>, vector<16xi32>,
          %get3A_1452 = arith.index_cast %add3A_1417 : i32 to index
          %get3A_1453 = arith.constant 16 : index
          %get3A_1454 = tpu.vector_load %arg16[%get3A_1452, %get3A_1453] {strides = array<i32>} : memref<80x128xf32, #tpu.memory_space<vmem>>, vector<16xf32>,
          %get3A_1455 = arith.index_cast %add3A_1417 : i32 to index
          %get3A_1456 = arith.constant 80 : index
          %get3A_1457 = tpu.vector_load %arg16[%get3A_1455, %get3A_1456] {strides = array<i32>} : memref<80x128xf32, #tpu.memory_space<vmem>>, vector<16xf32>,
          %shift_left3A_1458 = arith.constant 16 : i32
          %shift_left3A_1459 = vector.broadcast %shift_left3A_1458 : i32 to vector<16xi32>
          %shift_left3A_1460 = arith.shli %get3A_1451, %shift_left3A_1459 : vector<16xi32>
          %bitcast3A_1461 = vector.bitcast %shift_left3A_1460 : vector<16xi32> to vector<16xf32>
          %add3A_1462 = arith.addf %bitcast3A_1461, %get3A_1454 : vector<16xf32>
          %max3A_1463 = arith.constant 0.000000e+00 : f32
          %max3A_1464 = vector.broadcast %max3A_1463 : f32 to vector<16xf32>
          %max3A_1465 = arith.maximumf %add3A_1462, %max3A_1464 : vector<16xf32>
          %swap3A_1466 = arith.index_cast %add3A_1417 : i32 to index
          %swap3A_1467 = arith.constant 16 : index
          %swap3A_1468 = tpu.vector_load %arg16[%swap3A_1466, %swap3A_1467] {strides = array<i32>} : memref<80x128xf32, #tpu.memory_space<vmem>>, vector<16xf32>,
          tpu.vector_store %arg16[%swap3A_1466, %swap3A_1467], %max3A_1465 {strides = array<i32>} : memref<80x128xf32, #tpu.memory_space<vmem>>, vector<16xf32>,
          %and3A_1469 = arith.constant -65536 : i32
          %and3A_1470 = vector.broadcast %and3A_1469 : i32 to vector<16xi32>
          %and3A_1471 = arith.andi %get3A_1451, %and3A_1470 : vector<16xi32>
          %bitcast3A_1472 = vector.bitcast %and3A_1471 : vector<16xi32> to vector<16xf32>
          %add3A_1473 = arith.addf %bitcast3A_1472, %get3A_1457 : vector<16xf32>
          %max3A_1474 = arith.constant 0.000000e+00 : f32
          %max3A_1475 = vector.broadcast %max3A_1474 : f32 to vector<16xf32>
          %max3A_1476 = arith.maximumf %add3A_1473, %max3A_1475 : vector<16xf32>
          %swap3A_1477 = arith.index_cast %add3A_1417 : i32 to index
          %swap3A_1478 = arith.constant 80 : index
          %swap3A_1479 = tpu.vector_load %arg16[%swap3A_1477, %swap3A_1478] {strides = array<i32>} : memref<80x128xf32, #tpu.memory_space<vmem>>, vector<16xf32>,
          tpu.vector_store %arg16[%swap3A_1477, %swap3A_1478], %max3A_1476 {strides = array<i32>} : memref<80x128xf32, #tpu.memory_space<vmem>>, vector<16xf32>,
          %get3A_1480 = arith.index_cast %add3A_1417 : i32 to index
          %get3A_1481 = arith.constant 32 : index
          %get3A_1482 = tpu.vector_load %arg18[%get3A_1480, %get3A_1481] {strides = array<i32>} : memref<80x64xi32, #tpu.memory_space<vmem>>, vector<16xi32>,
          %get3A_1483 = arith.index_cast %add3A_1417 : i32 to index
          %get3A_1484 = arith.constant 32 : index
          %get3A_1485 = tpu.vector_load %arg16[%get3A_1483, %get3A_1484] {strides = array<i32>} : memref<80x128xf32, #tpu.memory_space<vmem>>, vector<16xf32>,
          %get3A_1486 = arith.index_cast %add3A_1417 : i32 to index
          %get3A_1487 = arith.constant 96 : index
          %get3A_1488 = tpu.vector_load %arg16[%get3A_1486, %get3A_1487] {strides = array<i32>} : memref<80x128xf32, #tpu.memory_space<vmem>>, vector<16xf32>,
          %shift_left3A_1489 = arith.constant 16 : i32
          %shift_left3A_1490 = vector.broadcast %shift_left3A_1489 : i32 to vector<16xi32>
          %shift_left3A_1491 = arith.shli %get3A_1482, %shift_left3A_1490 : vector<16xi32>
          %bitcast3A_1492 = vector.bitcast %shift_left3A_1491 : vector<16xi32> to vector<16xf32>
          %add3A_1493 = arith.addf %bitcast3A_1492, %get3A_1485 : vector<16xf32>
          %max3A_1494 = arith.constant 0.000000e+00 : f32
          %max3A_1495 = vector.broadcast %max3A_1494 : f32 to vector<16xf32>
          %max3A_1496 = arith.maximumf %add3A_1493, %max3A_1495 : vector<16xf32>
          %swap3A_1497 = arith.index_cast %add3A_1417 : i32 to index
          %swap3A_1498 = arith.constant 32 : index
          %swap3A_1499 = tpu.vector_load %arg16[%swap3A_1497, %swap3A_1498] {strides = array<i32>} : memref<80x128xf32, #tpu.memory_space<vmem>>, vector<16xf32>,
          tpu.vector_store %arg16[%swap3A_1497, %swap3A_1498], %max3A_1496 {strides = array<i32>} : memref<80x128xf32, #tpu.memory_space<vmem>>, vector<16xf32>,
          %and3A_1500 = arith.constant -65536 : i32
          %and3A_1501 = vector.broadcast %and3A_1500 : i32 to vector<16xi32>
          %and3A_1502 = arith.andi %get3A_1482, %and3A_1501 : vector<16xi32>
          %bitcast3A_1503 = vector.bitcast %and3A_1502 : vector<16xi32> to vector<16xf32>
          %add3A_1504 = arith.addf %bitcast3A_1503, %get3A_1488 : vector<16xf32>
          %max3A_1505 = arith.constant 0.000000e+00 : f32
          %max3A_1506 = vector.broadcast %max3A_1505 : f32 to vector<16xf32>
          %max3A_1507 = arith.maximumf %add3A_1504, %max3A_1506 : vector<16xf32>
          %swap3A_1508 = arith.index_cast %add3A_1417 : i32 to index
          %swap3A_1509 = arith.constant 96 : index
          %swap3A_1510 = tpu.vector_load %arg16[%swap3A_1508, %swap3A_1509] {strides = array<i32>} : memref<80x128xf32, #tpu.memory_space<vmem>>, vector<16xf32>,
          tpu.vector_store %arg16[%swap3A_1508, %swap3A_1509], %max3A_1507 {strides = array<i32>} : memref<80x128xf32, #tpu.memory_space<vmem>>, vector<16xf32>,
          %get3A_1511 = arith.index_cast %add3A_1417 : i32 to index
          %get3A_1512 = arith.constant 48 : index
          %get3A_1513 = tpu.vector_load %arg18[%get3A_1511, %get3A_1512] {strides = array<i32>} : memref<80x64xi32, #tpu.memory_space<vmem>>, vector<16xi32>,
          %get3A_1514 = arith.index_cast %add3A_1417 : i32 to index
          %get3A_1515 = arith.constant 48 : index
          %get3A_1516 = tpu.vector_load %arg16[%get3A_1514, %get3A_1515] {strides = array<i32>} : memref<80x128xf32, #tpu.memory_space<vmem>>, vector<16xf32>,
          %get3A_1517 = arith.index_cast %add3A_1417 : i32 to index
          %get3A_1518 = arith.constant 112 : index
          %get3A_1519 = tpu.vector_load %arg16[%get3A_1517, %get3A_1518] {strides = array<i32>} : memref<80x128xf32, #tpu.memory_space<vmem>>, vector<16xf32>,
          %shift_left3A_1520 = arith.constant 16 : i32
          %shift_left3A_1521 = vector.broadcast %shift_left3A_1520 : i32 to vector<16xi32>
          %shift_left3A_1522 = arith.shli %get3A_1513, %shift_left3A_1521 : vector<16xi32>
          %bitcast3A_1523 = vector.bitcast %shift_left3A_1522 : vector<16xi32> to vector<16xf32>
          %add3A_1524 = arith.addf %bitcast3A_1523, %get3A_1516 : vector<16xf32>
          %max3A_1525 = arith.constant 0.000000e+00 : f32
          %max3A_1526 = vector.broadcast %max3A_1525 : f32 to vector<16xf32>
          %max3A_1527 = arith.maximumf %add3A_1524, %max3A_1526 : vector<16xf32>
          %swap3A_1528 = arith.index_cast %add3A_1417 : i32 to index
          %swap3A_1529 = arith.constant 48 : index
          %swap3A_1530 = tpu.vector_load %arg16[%swap3A_1528, %swap3A_1529] {strides = array<i32>} : memref<80x128xf32, #tpu.memory_space<vmem>>, vector<16xf32>,
          tpu.vector_store %arg16[%swap3A_1528, %swap3A_1529], %max3A_1527 {strides = array<i32>} : memref<80x128xf32, #tpu.memory_space<vmem>>, vector<16xf32>,
          %and3A_1531 = arith.constant -65536 : i32
          %and3A_1532 = vector.broadcast %and3A_1531 : i32 to vector<16xi32>
          %and3A_1533 = arith.andi %get3A_1513, %and3A_1532 : vector<16xi32>
          %bitcast3A_1534 = vector.bitcast %and3A_1533 : vector<16xi32> to vector<16xf32>
          %add3A_1535 = arith.addf %bitcast3A_1534, %get3A_1519 : vector<16xf32>
          %max3A_1536 = arith.constant 0.000000e+00 : f32
          %max3A_1537 = vector.broadcast %max3A_1536 : f32 to vector<16xf32>
          %max3A_1538 = arith.maximumf %add3A_1535, %max3A_1537 : vector<16xf32>
          %swap3A_1539 = arith.index_cast %add3A_1417 : i32 to index
          %swap3A_1540 = arith.constant 112 : index
          %swap3A_1541 = tpu.vector_load %arg16[%swap3A_1539, %swap3A_1540] {strides = array<i32>} : memref<80x128xf32, #tpu.memory_space<vmem>>, vector<16xf32>,
          tpu.vector_store %arg16[%swap3A_1539, %swap3A_1540], %max3A_1538 {strides = array<i32>} : memref<80x128xf32, #tpu.memory_space<vmem>>, vector<16xf32>,
        }
        %scan3A_1277 = arith.constant 40 : i32
        %dma_start3A_1278 = arith.constant 0 : i32
        %dma_start3A_1279 = arith.constant 0 : i32
        %dma_start3A_1280 = tpu.memref_slice %arg14[%dma_start3A_1278, %dma_start3A_1279] : memref<1x80xi32, #tpu.memory_space<vmem>> -> memref<1x80xi32, #tpu.memory_space<vmem>>
        %dma_start3A_1281 = tpu.memref_squeeze %dma_start3A_1280 : memref<1x80xi32, #tpu.memory_space<vmem>> -> memref<80xi32, #tpu.memory_space<vmem>>
        %dma_start3A_1282 = arith.constant 0 : i32
        %dma_start3A_1283 = arith.constant 0 : i32
        %dma_start3A_1284 = tpu.memref_slice %arg30[%dma_start3A_1282, %dma_start3A_1283] : memref<10000x128xf32, #tpu.memory_space<vmem_shared>> -> memref<10000x128xf32, #tpu.memory_space<vmem_shared>>
        tpu.enqueue_indirect_dma source(%arg16 : memref<80x128xf32, #tpu.memory_space<vmem>>) target(%dma_start3A_1284 : memref<10000x128xf32, #tpu.memory_space<vmem_shared>>) offsets(%dma_start3A_1281 : memref<80xi32, #tpu.memory_space<vmem>>) semaphore(%arg28 : memref<!tpu.dma_semaphore, #tpu.memory_space<semaphore_mem>>) {add = true}
      } else {
      }
      %add3A_1250 = arith.constant 3 : i32
      %add3A_1251 = arith.addi %add3A_1231, %add3A_1250 : i32
      %mul3A_1252 = arith.constant 32 : i32
      %mul3A_1253 = arith.muli %mul3A_1252, %add3A_1251 : i32
      %add3A_1254 = arith.addi %add3A, %mul3A_1253 : i32
      %lt3A_1255 = arith.constant 4000 : i32
      %lt3A_1256 = arith.cmpi slt, %add3A_1254, %lt3A_1255 : i32
      %convert_element_type3A_1257 = arith.extui %lt3A_1256 : i1 to i32
      %cond3A_1258 = arith.constant 0 : i32
      %cond3A_1259 = arith.cmpi ne, %convert_element_type3A_1257, %cond3A_1258 : i32
      scf.if %cond3A_1259 {
        %dma_start3A_1260 = arith.constant 0 : i32
        %dma_start3A_1261 = tpu.memref_slice %arg4[%add3A_1254, %dma_start3A_1260] : memref<4000x80xi32, #tpu.memory_space<hbm>> -> memref<1x80xi32, #tpu.memory_space<hbm>>
        %dma_start3A_1262 = arith.constant 0 : i32
        %dma_start3A_1263 = tpu.memref_slice %arg4[%add3A_1254, %dma_start3A_1262] : memref<4000x80xi32, #tpu.memory_space<hbm>> -> memref<1x80xi32, #tpu.memory_space<hbm>>
        tpu.enqueue_dma source(%dma_start3A_1263 : memref<1x80xi32, #tpu.memory_space<hbm>>) target(%arg9 : memref<1x80xi32, #tpu.memory_space<vmem>>) target_semaphore(%arg21 : memref<!tpu.dma_semaphore, #tpu.memory_space<semaphore_mem>>)
        %dma_start3A_1264 = arith.constant 0 : i32
        %dma_start3A_1265 = tpu.memref_slice %arg5[%add3A_1254, %dma_start3A_1264] : memref<4000x80xi32, #tpu.memory_space<hbm>> -> memref<1x80xi32, #tpu.memory_space<hbm>>
        %dma_start3A_1266 = arith.constant 0 : i32
        %dma_start3A_1267 = tpu.memref_slice %arg5[%add3A_1254, %dma_start3A_1266] : memref<4000x80xi32, #tpu.memory_space<hbm>> -> memref<1x80xi32, #tpu.memory_space<hbm>>
        tpu.enqueue_dma source(%dma_start3A_1267 : memref<1x80xi32, #tpu.memory_space<hbm>>) target(%arg13 : memref<1x80xi32, #tpu.memory_space<vmem>>) target_semaphore(%arg21 : memref<!tpu.dma_semaphore, #tpu.memory_space<semaphore_mem>>)
      } else {
      }
    }
    %scan3A_1092 = arith.constant 31 : i32
    %add3A_1093 = arith.constant 3904 : i32
    %add3A_1094 = arith.addi %add3A, %add3A_1093 : i32
    %lt3A = arith.constant 4000 : i32
    %lt3A_1095 = arith.cmpi slt, %add3A_1094, %lt3A : i32
    %add3A_1096 = arith.constant 64 : i32
    %add3A_1097 = arith.addi %add3A_1094, %add3A_1096 : i32
    %ge3A = arith.constant 4000 : i32
    %ge3A_1098 = arith.cmpi sge, %add3A_1097, %ge3A : i32
    %and3A = arith.andi %lt3A_1095, %ge3A_1098 : i1
    %convert_element_type3A = arith.extui %and3A : i1 to i32
    %cond3A = arith.constant 0 : i32
    %cond3A_1099 = arith.cmpi ne, %convert_element_type3A, %cond3A : i32
    scf.if %cond3A_1099 {
      %dma_wait3A_1135 = arith.constant 0 : i32
      %dma_wait3A_1136 = arith.constant 0 : i32
      %dma_wait3A_1137 = tpu.memref_slice %arg13[%dma_wait3A_1135, %dma_wait3A_1136] : memref<1x80xi32, #tpu.memory_space<vmem>> -> memref<1x80xi32, #tpu.memory_space<vmem>>
      %dma_wait3A_1138 = tpu.memref_squeeze %dma_wait3A_1137 : memref<1x80xi32, #tpu.memory_space<vmem>> -> memref<80xi32, #tpu.memory_space<vmem>>
      %dma_wait3A_1139 = arith.constant 0 : i32
      %dma_wait3A_1140 = arith.constant 0 : i32
      %dma_wait3A_1141 = tpu.memref_slice %arg30[%dma_wait3A_1139, %dma_wait3A_1140] : memref<10000x128xf32, #tpu.memory_space<vmem_shared>> -> memref<10000x128xf32, #tpu.memory_space<vmem_shared>>
      tpu.wait_indirect_dma semaphore(%arg27 : memref<!tpu.dma_semaphore, #tpu.memory_space<semaphore_mem>>) src(%arg15 : memref<80x128xf32, #tpu.memory_space<vmem>>) dst(%dma_wait3A_1141 : memref<10000x128xf32, #tpu.memory_space<vmem_shared>>)
    } else {
    }
    %add3A_1100 = arith.constant 3936 : i32
    %add3A_1101 = arith.addi %add3A, %add3A_1100 : i32
    %lt3A_1102 = arith.constant 4000 : i32
    %lt3A_1103 = arith.cmpi slt, %add3A_1101, %lt3A_1102 : i32
    %add3A_1104 = arith.constant 64 : i32
    %add3A_1105 = arith.addi %add3A_1101, %add3A_1104 : i32
    %ge3A_1106 = arith.constant 4000 : i32
    %ge3A_1107 = arith.cmpi sge, %add3A_1105, %ge3A_1106 : i32
    %and3A_1108 = arith.andi %lt3A_1103, %ge3A_1107 : i1
    %convert_element_type3A_1109 = arith.extui %and3A_1108 : i1 to i32
    %cond3A_1110 = arith.constant 0 : i32
    %cond3A_1111 = arith.cmpi ne, %convert_element_type3A_1109, %cond3A_1110 : i32
    scf.if %cond3A_1111 {
      %dma_wait3A_1135 = arith.constant 0 : i32
      %dma_wait3A_1136 = arith.constant 0 : i32
      %dma_wait3A_1137 = tpu.memref_slice %arg14[%dma_wait3A_1135, %dma_wait3A_1136] : memref<1x80xi32, #tpu.memory_space<vmem>> -> memref<1x80xi32, #tpu.memory_space<vmem>>
      %dma_wait3A_1138 = tpu.memref_squeeze %dma_wait3A_1137 : memref<1x80xi32, #tpu.memory_space<vmem>> -> memref<80xi32, #tpu.memory_space<vmem>>
      %dma_wait3A_1139 = arith.constant 0 : i32
      %dma_wait3A_1140 = arith.constant 0 : i32
      %dma_wait3A_1141 = tpu.memref_slice %arg30[%dma_wait3A_1139, %dma_wait3A_1140] : memref<10000x128xf32, #tpu.memory_space<vmem_shared>> -> memref<10000x128xf32, #tpu.memory_space<vmem_shared>>
      tpu.wait_indirect_dma semaphore(%arg28 : memref<!tpu.dma_semaphore, #tpu.memory_space<semaphore_mem>>) src(%arg16 : memref<80x128xf32, #tpu.memory_space<vmem>>) dst(%dma_wait3A_1141 : memref<10000x128xf32, #tpu.memory_space<vmem_shared>>)
    } else {
    }
    %add3A_1112 = arith.constant 3968 : i32
    %add3A_1113 = arith.addi %add3A, %add3A_1112 : i32
    %lt3A_1114 = arith.constant 4000 : i32
    %lt3A_1115 = arith.cmpi slt, %add3A_1113, %lt3A_1114 : i32
    %add3A_1116 = arith.constant 64 : i32
    %add3A_1117 = arith.addi %add3A_1113, %add3A_1116 : i32
    %ge3A_1118 = arith.constant 4000 : i32
    %ge3A_1119 = arith.cmpi sge, %add3A_1117, %ge3A_1118 : i32
    %and3A_1120 = arith.andi %lt3A_1115, %ge3A_1119 : i1
    %convert_element_type3A_1121 = arith.extui %and3A_1120 : i1 to i32
    %cond3A_1122 = arith.constant 0 : i32
    %cond3A_1123 = arith.cmpi ne, %convert_element_type3A_1121, %cond3A_1122 : i32
    scf.if %cond3A_1123 {
      %dma_wait3A_1135 = arith.constant 0 : i32
      %dma_wait3A_1136 = arith.constant 0 : i32
      %dma_wait3A_1137 = tpu.memref_slice %arg11[%dma_wait3A_1135, %dma_wait3A_1136] : memref<1x80xi32, #tpu.memory_space<vmem>> -> memref<1x80xi32, #tpu.memory_space<vmem>>
      %dma_wait3A_1138 = tpu.memref_squeeze %dma_wait3A_1137 : memref<1x80xi32, #tpu.memory_space<vmem>> -> memref<80xi32, #tpu.memory_space<vmem>>
      %dma_wait3A_1139 = arith.constant 0 : i32
      %dma_wait3A_1140 = arith.constant 0 : i32
      %dma_wait3A_1141 = tpu.memref_slice %arg30[%dma_wait3A_1139, %dma_wait3A_1140] : memref<10000x128xf32, #tpu.memory_space<vmem_shared>> -> memref<10000x128xf32, #tpu.memory_space<vmem_shared>>
      tpu.wait_indirect_dma semaphore(%arg27 : memref<!tpu.dma_semaphore, #tpu.memory_space<semaphore_mem>>) src(%arg15 : memref<80x128xf32, #tpu.memory_space<vmem>>) dst(%dma_wait3A_1141 : memref<10000x128xf32, #tpu.memory_space<vmem_shared>>)
    } else {
    }
    %barrier3A_1124 = arith.constant 0 : index
    tpu.barrier barrier_id(%barrier3A_1124)
    %scan3A_1125 = arith.constant 0 : i32
    %scan3A_1126 = arith.constant 40 : i32
    %scan3A_1127 = arith.addi %scan3A_1125, %scan3A_1126 : i32
    %scan3A_1128 = arith.constant 1 : i32
    scf.for %scan3A_1135 = %scan3A_1125 to %scan3A_1127 step %scan3A_1128  : i32 {
      %mul3A_1136 = arith.constant 1 : i32
      %mul3A_1137 = arith.muli %scan3A_1135, %mul3A_1136 : i32
      %add3A_1138 = arith.constant 0 : i32
      %add3A_1139 = arith.addi %add3A_1138, %mul3A_1137 : i32
      %mul3A_1140 = arith.constant 16 : i32
      %mul3A_1141 = arith.muli %mul3A_1140, %add3A_1139 : i32
      %add3A_1142 = arith.addi %arg1, %mul3A_1141 : i32
      %lt3A_1143 = arith.constant 625 : i32
      %lt3A_1144 = arith.cmpi slt, %add3A_1142, %lt3A_1143 : i32
      %convert_element_type3A_1145 = arith.extui %lt3A_1144 : i1 to i32
      %cond3A_1146 = arith.constant 0 : i32
      %cond3A_1147 = arith.cmpi ne, %convert_element_type3A_1145, %cond3A_1146 : i32
      scf.if %cond3A_1147 {
        %mul3A_1148 = arith.constant 16 : i32
        %mul3A_1149 = arith.muli %add3A_1142, %mul3A_1148 : i32
        %mul3A_1150 = arith.constant 16 : i32
        %mul3A_1151 = arith.muli %add3A_1142, %mul3A_1150 : i32
        %dma_start3A_1152 = arith.constant 0 : i32
        %dma_start3A_1153 = tpu.memref_slice %arg6[%arg0, %mul3A_1151, %dma_start3A_1152] : memref<2x10000x128xf32, #tpu.memory_space<hbm>> -> memref<1x16x128xf32, #tpu.memory_space<hbm>>
        %dma_start3A_1154 = tpu.memref_squeeze %dma_start3A_1153 : memref<1x16x128xf32, #tpu.memory_space<hbm>> -> memref<16x128xf32, #tpu.memory_space<hbm>>
        %dma_start3A_1155 = arith.constant 0 : i32
        %dma_start3A_1156 = tpu.memref_slice %arg30[%mul3A_1149, %dma_start3A_1155] : memref<10000x128xf32, #tpu.memory_space<vmem_shared>> -> memref<16x128xf32, #tpu.memory_space<vmem_shared>>
        tpu.enqueue_dma source(%dma_start3A_1156 : memref<16x128xf32, #tpu.memory_space<vmem_shared>>) target(%dma_start3A_1154 : memref<16x128xf32, #tpu.memory_space<hbm>>) target_semaphore(%arg29 : memref<!tpu.dma_semaphore, #tpu.memory_space<semaphore_mem>>)
      } else {
      }
    }
    %scan3A_1129 = arith.constant 40 : i32
    %scan3A_1130 = arith.constant 0 : i32
    %scan3A_1131 = arith.constant 40 : i32
    %scan3A_1132 = arith.addi %scan3A_1130, %scan3A_1131 : i32
    %scan3A_1133 = arith.constant 1 : i32
    scf.for %scan3A_1135 = %scan3A_1130 to %scan3A_1132 step %scan3A_1133  : i32 {
      %mul3A_1136 = arith.constant 1 : i32
      %mul3A_1137 = arith.muli %scan3A_1135, %mul3A_1136 : i32
      %add3A_1138 = arith.constant 0 : i32
      %add3A_1139 = arith.addi %add3A_1138, %mul3A_1137 : i32
      %mul3A_1140 = arith.constant 16 : i32
      %mul3A_1141 = arith.muli %mul3A_1140, %add3A_1139 : i32
      %add3A_1142 = arith.addi %arg1, %mul3A_1141 : i32
      %lt3A_1143 = arith.constant 625 : i32
      %lt3A_1144 = arith.cmpi slt, %add3A_1142, %lt3A_1143 : i32
      %convert_element_type3A_1145 = arith.extui %lt3A_1144 : i1 to i32
      %cond3A_1146 = arith.constant 0 : i32
      %cond3A_1147 = arith.cmpi ne, %convert_element_type3A_1145, %cond3A_1146 : i32
      scf.if %cond3A_1147 {
        %mul3A_1148 = arith.constant 16 : i32
        %mul3A_1149 = arith.muli %add3A_1142, %mul3A_1148 : i32
        %mul3A_1150 = arith.constant 16 : i32
        %mul3A_1151 = arith.muli %add3A_1142, %mul3A_1150 : i32
        %dma_wait3A_1152 = arith.constant 0 : i32
        %dma_wait3A_1153 = tpu.memref_slice %arg6[%arg0, %mul3A_1151, %dma_wait3A_1152] : memref<2x10000x128xf32, #tpu.memory_space<hbm>> -> memref<1x16x128xf32, #tpu.memory_space<hbm>>
        %dma_wait3A_1154 = tpu.memref_squeeze %dma_wait3A_1153 : memref<1x16x128xf32, #tpu.memory_space<hbm>> -> memref<16x128xf32, #tpu.memory_space<hbm>>
        %dma_wait3A_1155 = arith.constant 0 : i32
        %dma_wait3A_1156 = tpu.memref_slice %arg30[%mul3A_1149, %dma_wait3A_1155] : memref<10000x128xf32, #tpu.memory_space<vmem_shared>> -> memref<16x128xf32, #tpu.memory_space<vmem_shared>>
        tpu.wait_dma2 semaphore(%arg29 : memref<!tpu.dma_semaphore, #tpu.memory_space<semaphore_mem>>) src(%dma_wait3A_1156 : memref<16x128xf32, #tpu.memory_space<vmem_shared>>) dst(%dma_wait3A_1154 : memref<16x128xf32, #tpu.memory_space<hbm>>)
      } else {
      }
    }
    %scan3A_1134 = arith.constant 40 : i32
    return
  }
}

module attributes {stable_mosaic.version = 14 : i64} {
  func.func @_proj_body(%arg0: i32, %arg1: memref<6400x16xf32, #tpu.memory_space<vmem>>, %arg2: memref<200x128xf32, #tpu.memory_space<vmem>>, %arg3: memref<144x128xf32, #tpu.memory_space<vmem>>, %arg4: memref<1x128xf32, #tpu.memory_space<vmem>>, %arg5: memref<6400x64xi32, #tpu.memory_space<vmem>>, %arg6: memref<200x128xf32, #tpu.memory_space<vmem>>) attributes {dimension_semantics = [#tpu.dimension_semantics<arbitrary>], iteration_bounds = array<i64: 50>, scalar_prefetch = 0 : i64, scratch_operands = 0 : i64, tpu.core_type = #tpu.core_type<tc>, window_params = [{transform_indices = @transform_0, window_bounds = array<i64: 6400, 16>}, {transform_indices = @transform_1, window_bounds = array<i64: 200, 128>}, {pipeline_mode = #tpu.pipeline_mode<synchronous>, transform_indices = @transform_2, window_bounds = array<i64: 144, 128>}, {pipeline_mode = #tpu.pipeline_mode<synchronous>, transform_indices = @transform_3, window_bounds = array<i64: 1, 128>}, {transform_indices = @transform_4, window_bounds = array<i64: 6400, 64>}, {transform_indices = @transform_5, window_bounds = array<i64: 200, 128>}]} {
    %get3A = arith.constant 0 : index
    %get3A_0 = arith.constant 0 : index
    %get3A_1 = vector.load %arg3[%get3A, %get3A_0] : memref<144x128xf32, #tpu.memory_space<vmem>>, vector<144x128xf32>
    %get3A_2 = arith.constant 0 : index
    %get3A_3 = arith.constant 0 : index
    %get3A_4 = vector.load %arg1[%get3A_2, %get3A_3] : memref<6400x16xf32, #tpu.memory_space<vmem>>, vector<6400x16xf32>
    %slice3A = vector.extract_strided_slice %get3A_1 {offsets = [128, 0], sizes = [16, 128], strides = [1, 1]} : vector<144x128xf32> to vector<16x128xf32>
    %dot_general3A = arith.constant dense<0.000000e+00> : vector<6400x128xf32>
    %dot_general3A_5 = tpu.matmul %get3A_4, %slice3A, %dot_general3A {dimension_numbers = #tpu.dot_dimension_numbers<[1], [0], [0], [1], [0, 0, 1, 1], [], []>, transpose_lhs_hint = false} : vector<6400x16xf32>, vector<16x128xf32>, vector<6400x128xf32> -> vector<6400x128xf32>
    %slice3A_6 = vector.extract_strided_slice %dot_general3A_5 {offsets = [0, 0], sizes = [6400, 64], strides = [1, 1]} : vector<6400x128xf32> to vector<6400x64xf32>
    %convert_element_type3A = arith.truncf %slice3A_6 : vector<6400x64xf32> to vector<6400x64xbf16>
    %bitcast_convert_type3A = tpu.bitcast %convert_element_type3A : vector<6400x64xbf16> -> vector<6400x64xi16>
    %convert_element_type3A_7 = arith.extui %bitcast_convert_type3A : vector<6400x64xi16> to vector<6400x64xi32>
    %slice3A_8 = vector.extract_strided_slice %dot_general3A_5 {offsets = [0, 64], sizes = [6400, 64], strides = [1, 1]} : vector<6400x128xf32> to vector<6400x64xf32>
    %convert_element_type3A_9 = arith.truncf %slice3A_8 : vector<6400x64xf32> to vector<6400x64xbf16>
    %bitcast_convert_type3A_10 = tpu.bitcast %convert_element_type3A_9 : vector<6400x64xbf16> -> vector<6400x64xi16>
    %convert_element_type3A_11 = arith.extui %bitcast_convert_type3A_10 : vector<6400x64xi16> to vector<6400x64xi32>
    %shift_left3A = arith.constant 16 : i32
    %shift_left3A_12 = vector.broadcast %shift_left3A : i32 to vector<6400x64xi32>
    %shift_left3A_13 = arith.shli %convert_element_type3A_11, %shift_left3A_12 : vector<6400x64xi32>
    %or3A = arith.ori %convert_element_type3A_7, %shift_left3A_13 : vector<6400x64xi32>
    %bitcast_convert_type3A_14 = tpu.bitcast %or3A : vector<6400x64xi32> -> vector<6400x64xi32>
    %swap3A = arith.constant 0 : index
    %swap3A_15 = arith.constant 0 : index
    %swap3A_16 = vector.load %arg5[%swap3A, %swap3A_15] : memref<6400x64xi32, #tpu.memory_space<vmem>>, vector<6400x64xi32>
    tpu.vector_store %arg5[%swap3A, %swap3A_15], %bitcast_convert_type3A_14 {strides = array<i32>} : memref<6400x64xi32, #tpu.memory_space<vmem>>, vector<6400x64xi32>,
    %get3A_17 = arith.constant 0 : index
    %get3A_18 = arith.constant 0 : index
    %get3A_19 = vector.load %arg2[%get3A_17, %get3A_18] : memref<200x128xf32, #tpu.memory_space<vmem>>, vector<200x128xf32>
    %slice3A_20 = vector.extract_strided_slice %get3A_1 {offsets = [0, 0], sizes = [128, 128], strides = [1, 1]} : vector<144x128xf32> to vector<128x128xf32>
    %dot_general3A_21 = arith.constant dense<0.000000e+00> : vector<200x128xf32>
    %dot_general3A_22 = tpu.matmul %get3A_19, %slice3A_20, %dot_general3A_21 {dimension_numbers = #tpu.dot_dimension_numbers<[1], [0], [0], [1], [0, 0, 1, 1], [], []>, transpose_lhs_hint = false} : vector<200x128xf32>, vector<128x128xf32>, vector<200x128xf32> -> vector<200x128xf32>
    %get3A_23 = arith.constant 0 : index
    %get3A_24 = arith.constant 0 : index
    %get3A_25 = vector.load %arg4[%get3A_23, %get3A_24] : memref<1x128xf32, #tpu.memory_space<vmem>>, vector<1x128xf32>
    %add3A = vector.broadcast %get3A_25 : vector<1x128xf32> to vector<200x128xf32>
    %add3A_26 = arith.addf %dot_general3A_22, %add3A : vector<200x128xf32>
    %swap3A_27 = arith.constant 0 : index
    %swap3A_28 = arith.constant 0 : index
    %swap3A_29 = vector.load %arg6[%swap3A_27, %swap3A_28] : memref<200x128xf32, #tpu.memory_space<vmem>>, vector<200x128xf32>
    tpu.vector_store %arg6[%swap3A_27, %swap3A_28], %add3A_26 {strides = array<i32>} : memref<200x128xf32, #tpu.memory_space<vmem>>, vector<200x128xf32>,
    return
  }
  func.func @transform_0(%arg0: i32) -> (i32, i32) {
    %c0_i32 = arith.constant 0 : i32
    %c0_i32_0 = arith.constant 0 : i32
    return %arg0, %c0_i32 : i32, i32
  }
  func.func @transform_1(%arg0: i32) -> (i32, i32) {
    %c0_i32 = arith.constant 0 : i32
    %c0_i32_0 = arith.constant 0 : i32
    return %arg0, %c0_i32 : i32, i32
  }
  func.func @transform_2(%arg0: i32) -> (i32, i32) {
    %c0_i32 = arith.constant 0 : i32
    %c0_i32_0 = arith.constant 0 : i32
    %c0_i32_1 = arith.constant 0 : i32
    return %c0_i32, %c0_i32_0 : i32, i32
  }
  func.func @transform_3(%arg0: i32) -> (i32, i32) {
    %c0_i32 = arith.constant 0 : i32
    %c0_i32_0 = arith.constant 0 : i32
    %c0_i32_1 = arith.constant 0 : i32
    return %c0_i32, %c0_i32_0 : i32, i32
  }
  func.func @transform_4(%arg0: i32) -> (i32, i32) {
    %c0_i32 = arith.constant 0 : i32
    %c0_i32_0 = arith.constant 0 : i32
    return %arg0, %c0_i32 : i32, i32
  }
  func.func @transform_5(%arg0: i32) -> (i32, i32) {
    %c0_i32 = arith.constant 0 : i32
    %c0_i32_0 = arith.constant 0 : i32
    return %arg0, %c0_i32 : i32, i32
  }
}

module attributes {stable_mosaic.version = 14 : i64} {
  func.func @_self_proj_body(%arg0: i32, %arg1: memref<2000x128xf32, #tpu.memory_space<vmem>>, %arg2: memref<256x128xf32, #tpu.memory_space<vmem>>, %arg3: memref<1x128xf32, #tpu.memory_space<vmem>>, %arg4: memref<2000x128xf32, #tpu.memory_space<vmem>>) attributes {dimension_semantics = [#tpu.dimension_semantics<arbitrary>], iteration_bounds = array<i64: 5>, scalar_prefetch = 0 : i64, scratch_operands = 0 : i64, tpu.core_type = #tpu.core_type<tc>, window_params = [{transform_indices = @transform_0, window_bounds = array<i64: 2000, 128>}, {pipeline_mode = #tpu.pipeline_mode<synchronous>, transform_indices = @transform_1, window_bounds = array<i64: 256, 128>}, {pipeline_mode = #tpu.pipeline_mode<synchronous>, transform_indices = @transform_2, window_bounds = array<i64: 1, 128>}, {transform_indices = @transform_3, window_bounds = array<i64: 2000, 128>}]} {
    %get3A = arith.constant 0 : index
    %get3A_0 = arith.constant 0 : index
    %get3A_1 = vector.load %arg1[%get3A, %get3A_0] : memref<2000x128xf32, #tpu.memory_space<vmem>>, vector<2000x128xf32>
    %get3A_2 = arith.constant 0 : index
    %get3A_3 = arith.constant 0 : index
    %get3A_4 = vector.load %arg2[%get3A_2, %get3A_3] : memref<256x128xf32, #tpu.memory_space<vmem>>, vector<256x128xf32>
    %slice3A = vector.extract_strided_slice %get3A_4 {offsets = [0, 0], sizes = [128, 128], strides = [1, 1]} : vector<256x128xf32> to vector<128x128xf32>
    %dot_general3A = arith.constant dense<0.000000e+00> : vector<2000x128xf32>
    %dot_general3A_5 = tpu.matmul %get3A_1, %slice3A, %dot_general3A {dimension_numbers = #tpu.dot_dimension_numbers<[1], [0], [0], [1], [0, 0, 1, 1], [], []>, transpose_lhs_hint = false} : vector<2000x128xf32>, vector<128x128xf32>, vector<2000x128xf32> -> vector<2000x128xf32>
    %get3A_6 = arith.constant 0 : index
    %get3A_7 = arith.constant 0 : index
    %get3A_8 = vector.load %arg3[%get3A_6, %get3A_7] : memref<1x128xf32, #tpu.memory_space<vmem>>, vector<1x128xf32>
    %add3A = vector.broadcast %get3A_8 : vector<1x128xf32> to vector<2000x128xf32>
    %add3A_9 = arith.addf %dot_general3A_5, %add3A : vector<2000x128xf32>
    %swap3A = arith.constant 0 : index
    %swap3A_10 = arith.constant 0 : index
    %swap3A_11 = vector.load %arg4[%swap3A, %swap3A_10] : memref<2000x128xf32, #tpu.memory_space<vmem>>, vector<2000x128xf32>
    tpu.vector_store %arg4[%swap3A, %swap3A_10], %add3A_9 {strides = array<i32>} : memref<2000x128xf32, #tpu.memory_space<vmem>>, vector<2000x128xf32>,
    return
  }
  func.func @transform_0(%arg0: i32) -> (i32, i32) {
    %c0_i32 = arith.constant 0 : i32
    %c0_i32_0 = arith.constant 0 : i32
    return %arg0, %c0_i32 : i32, i32
  }
  func.func @transform_1(%arg0: i32) -> (i32, i32) {
    %c0_i32 = arith.constant 0 : i32
    %c0_i32_0 = arith.constant 0 : i32
    %c0_i32_1 = arith.constant 0 : i32
    return %c0_i32, %c0_i32_0 : i32, i32
  }
  func.func @transform_2(%arg0: i32) -> (i32, i32) {
    %c0_i32 = arith.constant 0 : i32
    %c0_i32_0 = arith.constant 0 : i32
    %c0_i32_1 = arith.constant 0 : i32
    return %c0_i32, %c0_i32_0 : i32, i32
  }
  func.func @transform_3(%arg0: i32) -> (i32, i32) {
    %c0_i32 = arith.constant 0 : i32
    %c0_i32_0 = arith.constant 0 : i32
    return %arg0, %c0_i32 : i32, i32
  }
}

module attributes {stable_mosaic.version = 14 : i64} {
  func.func @_apply_body(%arg0: i32, %arg1: memref<1000x128xf32, #tpu.memory_space<vmem>>, %arg2: memref<2x1000x128xf32, #tpu.memory_space<vmem>>, %arg3: memref<256x128xf32, #tpu.memory_space<vmem>>, %arg4: memref<1000x128xf32, #tpu.memory_space<vmem>>) attributes {dimension_semantics = [#tpu.dimension_semantics<arbitrary>], iteration_bounds = array<i64: 10>, scalar_prefetch = 0 : i64, scratch_operands = 0 : i64, tpu.core_type = #tpu.core_type<tc>, window_params = [{transform_indices = @transform_0, window_bounds = array<i64: 1000, 128>}, {transform_indices = @transform_1, window_bounds = array<i64: 2, 1000, 128>}, {pipeline_mode = #tpu.pipeline_mode<synchronous>, transform_indices = @transform_2, window_bounds = array<i64: 256, 128>}, {transform_indices = @transform_3, window_bounds = array<i64: 1000, 128>}]} {
    %get3A = arith.constant 0 : index
    %get3A_0 = arith.constant 0 : index
    %get3A_1 = arith.constant 0 : index
    %get3A_2 = vector.load %arg2[%get3A, %get3A_0, %get3A_1] : memref<2x1000x128xf32, #tpu.memory_space<vmem>>, vector<1x1000x128xf32>
    %get3A_3 = vector.shape_cast %get3A_2 : vector<1x1000x128xf32> to vector<1000x128xf32>
    %get3A_4 = arith.constant 1 : index
    %get3A_5 = arith.constant 0 : index
    %get3A_6 = arith.constant 0 : index
    %get3A_7 = vector.load %arg2[%get3A_4, %get3A_5, %get3A_6] : memref<2x1000x128xf32, #tpu.memory_space<vmem>>, vector<1x1000x128xf32>
    %get3A_8 = vector.shape_cast %get3A_7 : vector<1x1000x128xf32> to vector<1000x128xf32>
    %add3A = arith.addf %get3A_3, %get3A_8 : vector<1000x128xf32>
    %get3A_9 = arith.constant 0 : index
    %get3A_10 = arith.constant 0 : index
    %get3A_11 = vector.load %arg3[%get3A_9, %get3A_10] : memref<256x128xf32, #tpu.memory_space<vmem>>, vector<256x128xf32>
    %slice3A = vector.extract_strided_slice %get3A_11 {offsets = [128, 0], sizes = [128, 128], strides = [1, 1]} : vector<256x128xf32> to vector<128x128xf32>
    %dot_general3A = arith.constant dense<0.000000e+00> : vector<1000x128xf32>
    %dot_general3A_12 = tpu.matmul %add3A, %slice3A, %dot_general3A {dimension_numbers = #tpu.dot_dimension_numbers<[1], [0], [0], [1], [0, 0, 1, 1], [], []>, transpose_lhs_hint = false} : vector<1000x128xf32>, vector<128x128xf32>, vector<1000x128xf32> -> vector<1000x128xf32>
    %get3A_13 = arith.constant 0 : index
    %get3A_14 = arith.constant 0 : index
    %get3A_15 = vector.load %arg1[%get3A_13, %get3A_14] : memref<1000x128xf32, #tpu.memory_space<vmem>>, vector<1000x128xf32>
    %add3A_16 = arith.addf %dot_general3A_12, %get3A_15 : vector<1000x128xf32>
    %max3A = arith.constant 0.000000e+00 : f32
    %max3A_17 = vector.broadcast %max3A : f32 to vector<1000x128xf32>
    %max3A_18 = arith.maximumf %add3A_16, %max3A_17 : vector<1000x128xf32>
    %swap3A = arith.constant 0 : index
    %swap3A_19 = arith.constant 0 : index
    %swap3A_20 = vector.load %arg4[%swap3A, %swap3A_19] : memref<1000x128xf32, #tpu.memory_space<vmem>>, vector<1000x128xf32>
    tpu.vector_store %arg4[%swap3A, %swap3A_19], %max3A_18 {strides = array<i32>} : memref<1000x128xf32, #tpu.memory_space<vmem>>, vector<1000x128xf32>,
    return
  }
  func.func @transform_0(%arg0: i32) -> (i32, i32) {
    %c0_i32 = arith.constant 0 : i32
    %c0_i32_0 = arith.constant 0 : i32
    return %arg0, %c0_i32 : i32, i32
  }
  func.func @transform_1(%arg0: i32) -> (i32, i32, i32) {
    %c0_i32 = arith.constant 0 : i32
    %c0_i32_0 = arith.constant 0 : i32
    %c0_i32_1 = arith.constant 0 : i32
    return %c0_i32, %arg0, %c0_i32_0 : i32, i32, i32
  }
  func.func @transform_2(%arg0: i32) -> (i32, i32) {
    %c0_i32 = arith.constant 0 : i32
    %c0_i32_0 = arith.constant 0 : i32
    %c0_i32_1 = arith.constant 0 : i32
    return %c0_i32, %c0_i32_0 : i32, i32
  }
  func.func @transform_3(%arg0: i32) -> (i32, i32) {
    %c0_i32 = arith.constant 0 : i32
    %c0_i32_0 = arith.constant 0 : i32
    return %arg0, %c0_i32 : i32, i32
  }
}

</mosaic_0001>

<sc_bundles>
// kernel: kernel.6.cloned.1.call-start
scs
__scs_entry_jumppad:
0x0: {  	(pc) =	sbr.rel $0x88, $3  }
0x1: {  	(tag) =	ssettag $0x0;
	lr =	simm.s32 $0x1  }
0x2: {  	[smem:$0x3F9A] =	sst lr;
	_ =	strace $0xD0000000  }
0x3: {  	_ = 	snop  }
0x4: {  	_ = 	snop  }
0x5: {  	_ = 	snop  }
0x6: {  	_ = 	snop  }
0x7: {  	_ = 	snop  }
__scs_overlays_trampoline_lowered:
0x8: {  	[smem:$0x3FA9] =	sst s0  }
0x9: {  	[smem:$0x3FAA] =	sst s1  }
0xa: {  	[smem:$0x3FAB] =	sst s2  }
0xb: {  	[smem:$0x3FAC] =	sst s3  }
0xc: {  	[smem:$0x3FAD] =	sst s4  }
0xd: {  	[smem:$0x3FAE] =	sst s5  }
0xe: {  	[smem:$0x3FAF] =	sst s6  }
0xf: {  	[smem:$0x3FB0] =	sst s7  }
0x10: {  	[smem:$0x3FB1] =	sst s8  }
0x11: {  	[smem:$0x3FB2] =	sst s9;
	s0 =	simm.s32 @!p0 $0x0  }
0x12: {  	s1 =	sld [smem:$0x3F98];
	s0 =	simm.s32 @p0 $0x1  }
0x13: {  	[smem:$0x3FB3] =	sst s0;
	s0 =	simm.s32 @!p1 $0x0  }
0x14: {  	s2 =	sld [smem:$0x3F97];
	s0 =	simm.s32 @p1 $0x1  }
0x15: {  	[smem:$0x3FB4] =	sst s0;
	s0 =	simm.s32 @!p2 $0x0  }
0x16: {  	s3 =	sld [smem:$0x3FDB];
	s0 =	simm.s32 @p2 $0x1  }
0x17: {  	s4 =	simm.s32 $0x1BF5;
	[smem:$0x3FB6] =	sst s0  }
0x18: {  	s0 =	sld [smem:$0x3F99];
	_ =	swait.ge [sflag:s4], $0x0  }
0x19: {  	s7 =	sld [smem:$0x3F9A]  }
0x1a: {  	s8 =	sadd.s32 $0xFFFFE003, lr  }
0x1b: {  	s9 =	sadd.s32 $0xFFFFFEF7, lr;
	s5 =	simm.s32 $0xFFFFFFFF;
	p2 =	slt.u32 s8, $0xFFFFF086  }
0x1c: {  	p1 =	slt.u32 s9, $0xF7A;
	s5 =	simm.s32 @!p2 $0x0  }
0x1d: {  	s5 =	simm.s32 @p1 $0x1;
	p0 =	seq.s32 s7, s2  }
0x1e: {  	s7 =	smul.u32 @!p0 $0xF7A, s2;
	p2 =	seq.s32 @!p0 s5, $0x0  }
0x1f: {  	s9 =	smul.u32 $0xF7A, s1;
	s8 =	simm.s32 @!p0 $0x1BF5;
	p2 =	por !p2, p0  }
0x20: {  	[sflag:s8] =	ssyncset.s32 @!p0 $0xFFFFF086;
	s6 =	sadd.s32 @!p0 s3, s7;
	s7 =	simm.s32 @!p0 $0x108  }
0x21: {  	s3 =	sadd.s32 s3, s9;
	s6 =	sadd.s32 @!p0 $0x88, s6;
	s7 =	simm.s32 @p2 $0x1082  }
0x22: {  	[simem:s7], [sflag:s8] =	dma.local @!p0 [hbm:s6], $0xF7A  }
0x23: {  	s9 =	sor.u32 $0xD0000000, s2;
	s6 =	simm.s32 $0x108;
	_ =	swait.ge @!p0 [sflag:s8], $0x0  }
0x24: {  	s3 =	sadd.s32 $0x88, s3;
	s6 =	simm.s32 @!p1 $0x1082;
	[sflag:s4] =	ssyncset.s32 $0xFFFFF086  }
0x25: {  	[simem:s6], [sflag:s4] =	dma.local [hbm:s3], $0xF7A  }
0x26: {  	[smem:$0x3F9A] =	sst s1;
	(tag) =	ssettag s2;
	_ =	strace s9  }
0x27: {  	s1 =	sld [smem:$0x3FAA]  }
0x28: {  	s2 =	sld [smem:$0x3FAB]  }
0x29: {  	s4 =	sld [smem:$0x3FAD]  }
0x2a: {  	p0 =	seq.s32 s5, $0x0;
	s5 =	sld [smem:$0x3FAE]  }
0x2b: {  	s6 =	sld [smem:$0x3FAF]  }
0x2c: {  	s7 =	sld [smem:$0x3FB0]  }
0x2d: {  	s3 =	simm.s32 $0x108;
	s8 =	sld [smem:$0x3FB1]  }
0x2e: {  	s3 =	simm.s32 @!p0 $0x1082;
	s9 =	sld [smem:$0x3FB2]  }
0x2f: {  	lr =	sadd.s32 s0, s3;
	s0 =	sld [smem:$0x3FA9]  }
0x30: {  	s3 =	sld [smem:$0x3FAC]  }
0x31: {  	[smem:$0x3FB5] =	sst s10  }
0x32: {  	s10 =	sld [smem:$0x3FB3];
	_ =	sdelay $0x3  }
0x33: {  	p0 =	seq.s32 s10, $0x1;
	s10 =	sld [smem:$0x3FB5];
	_ =	sdelay $0x3  }
0x34: {  	[smem:$0x3FB5] =	sst s10  }
0x35: {  	s10 =	sld [smem:$0x3FB4];
	_ =	sdelay $0x3  }
0x36: {  	p1 =	seq.s32 s10, $0x1;
	s10 =	sld [smem:$0x3FB5];
	_ =	sdelay $0x3  }
0x37: {  	[smem:$0x3FB5] =	sst s10  }
0x38: {  	s10 =	sld [smem:$0x3FB6]  }
0x39: {  	_ = 	snop;
	(pc) =	sbr.ind lr, $3  }
0x3a: {  	_ = 	snop  }
0x3b: {  	_ = 	snop  }
0x3c: {  	p2 =	seq.s32 s10, $0x1;
	s10 =	sld [smem:$0x3FB5]  }
0x3d: {  	_ =	shalt  }
0x3e: {  	_ =	shalt  }
0x3f: {  	_ =	shalt  }
0x40: {  	_ =	shalt  }
0x41: {  	_ =	shalt  }
0x42: {  	_ =	shalt  }
0x43: {  	_ =	shalt  }
0x44: {  	_ =	shalt  }
0x45: {  	_ =	shalt  }
0x46: {  	_ =	shalt  }
0x47: {  	_ =	shalt  }
0x48: {  	_ =	shalt  }
0x49: {  	_ =	shalt  }
0x4a: {  	_ =	shalt  }
0x4b: {  	_ =	shalt  }
0x4c: {  	_ =	shalt  }
0x4d: {  	_ =	shalt  }
0x4e: {  	_ =	shalt  }
0x4f: {  	_ =	shalt  }
0x50: {  	_ =	shalt  }
0x51: {  	_ =	shalt  }
0x52: {  	_ =	shalt  }
0x53: {  	_ =	shalt  }
0x54: {  	_ =	shalt  }
0x55: {  	_ =	shalt  }
0x56: {  	_ =	shalt  }
0x57: {  	_ =	shalt  }
0x58: {  	_ =	shalt  }
0x59: {  	_ =	shalt  }
0x5a: {  	_ =	shalt  }
0x5b: {  	_ =	shalt  }
0x5c: {  	_ =	shalt  }
0x5d: {  	_ =	shalt  }
0x5e: {  	_ =	shalt  }
0x5f: {  	_ =	shalt  }
0x60: {  	_ =	shalt  }
0x61: {  	_ =	shalt  }
0x62: {  	_ =	shalt  }
0x63: {  	_ =	shalt  }
0x64: {  	_ =	shalt  }
0x65: {  	_ =	shalt  }
0x66: {  	_ =	shalt  }
0x67: {  	_ =	shalt  }
0x68: {  	_ =	shalt  }
0x69: {  	_ =	shalt  }
0x6a: {  	_ =	shalt  }
0x6b: {  	_ =	shalt  }
0x6c: {  	_ =	shalt  }
0x6d: {  	_ =	shalt  }
0x6e: {  	_ =	shalt  }
0x6f: {  	_ =	shalt  }
0x70: {  	_ =	shalt  }
0x71: {  	_ =	shalt  }
0x72: {  	_ =	shalt  }
0x73: {  	_ =	shalt  }
0x74: {  	_ =	shalt  }
0x75: {  	_ =	shalt  }
0x76: {  	_ =	shalt  }
0x77: {  	_ =	shalt  }
0x78: {  	_ =	shalt  }
0x79: {  	_ =	shalt  }
0x7a: {  	_ =	shalt  }
0x7b: {  	_ =	shalt  }
0x7c: {  	_ =	shalt  }
0x7d: {  	_ =	shalt  }
0x7e: {  	_ =	shalt  }
0x7f: {  	_ =	shalt  }
0x80: {  	_ =	shalt  }
0x81: {  	_ =	shalt  }
0x82: {  	_ =	shalt  }
0x83: {  	_ =	shalt  }
0x84: {  	_ =	shalt  }
0x85: {  	_ =	shalt  }
0x86: {  	_ =	shalt  }
0x87: {  	_ =	shalt  }
.Lfunc_end0:
.L_simem_size_0:
called_computation_lowered:
.L_overlay_start_0:
0x88: {  	s2 =	sld [smem:$0x3FD9]  }
0x89: {  	s3 =	sld [smem:$0x3FFE];
	_ =	sdelay $0x1  }
0x8a: {  	s1 =	srdreg.scid  }
0x8b: {  	s0 =	sand.u32 $0x1, s1  }
0x8c: {  	s17 =	sshll.u32 s0, $0xA;
	s2 =	sadd.s32 s3, s2  }
0x8d: {  	s2 =	sadd.s32 s2, s17  }
0x8e: {  	[smem:$0x3FC1] =	sst s2  }
0x8f: {  	_ = 	snop  }
0x90: {  	s2 =	sld [smem:$0x3FD0];
	(tm) =	ssettm $0x1  }
0x91: {  	s18 =	sld [smem:$0x3FFB];
	_ =	sdelay $0x3  }
0x92: {  	_ =	strace s18  }
0x93: {  	s3 =	sld [smem:$0x3FFC];
	_ =	sdelay $0x3  }
0x94: {  	_ =	strace s3  }
0x95: {  	s3 =	sld [smem:$0x3FFD];
	_ =	sdelay $0x3  }
0x96: {  	_ =	strace s3  }
0x97: {  	_ =	strace $0x8FFFFFFF  }
0x98: {  	s19 =	sld [smem:$0x3FDB];
	_ =	sdelay $0x1  }
0x99: {  	s4 =	simm.s32 $_scs_section_size  }
0x9a: {  	s5 =	simm.s32 $_size__tile_overlayer_lowered;
	s6 =	simm.s32 $_tile_overlayer_lowered  }
0x9b: {  	s22 =	simm.s32 $0x1BFF;
	s21 =	sshll.u32 s6, $0x1;
	s3 =	sadd.s32 s4, s19  }
0x9c: {  	s7 =	simm.s32 $0x0;
	s20 =	sshll.u32 s5, $0x1;
	s5 =	sadd.s32 s21, s3  }
0x9d: {  	[timem:s7], [sflag:s22] =	dma.local [hbm:s5], s20  }
0x9e: {  	_ =	swait.ge [sflag:s22], s20  }
0x9f: {  	s4 =	ssub.s32 $0x0, s20;
	[sflag:s22] =	ssyncset.done $0x0  }
0xa0: {  	[sflag:s22] =	ssyncadd.s32 s4;
	_ =	sdelay $0x1  }
0xa1: {  	s23 =	simm.s32 $0x1B8B  }
0xa2: {  	_ =	swait.ge [sflag:s23], $0x1  }
0xa3: {  	[sflag:s23] =	ssyncset.done $0x0  }
0xa4: {  	s25 =	simm.s32 $0x1B8E;
	s24 =	sld [smem:$0x3FFE];
	[sflag:s23] =	ssyncadd.s32 $0xFFFFFFFF  }
0xa5: {  	s26 =	simm.s32 $execute0_lowered;
	[smem:$0x3FD2] =	sst s25  }
0xa6: {  	s5 =	sshll.u32 s26, $0x1;
	_ =	strace $0x80000046;
	[dreg:$0x1] =	wrdreg $0xFFFFFFFF  }
0xa7: {  	s28 =	simm.s32 $_size_execute0_lowered;
	s3 =	sadd.s32 s3, s5;
	[dreg:$0x0] =	wrdreg $0x0  }
0xa8: {  	s5 =	sshll.u32 s28, $0x1;
	[dreg:$0x2] =	wrdreg s3  }
0xa9: {  	[dreg:$0x3] =	wrdreg s5  }
0xaa: {  	[dreg:$0x4] =	wrdreg $0xC0  }
0xab: {  	_ =	task [dreg:s7], $0x5FFFF  }
0xac: {  	[dreg:$0x1] =	wrdreg $0xFFFFFFFF  }
0xad: {  	[dreg:$0x0] =	wrdreg $0x60  }
0xae: {  	[dreg:$0x2] =	wrdreg s2  }
0xaf: {  	[dreg:$0x3] =	wrdreg s24  }
0xb0: {  	[dreg:$0x4] =	wrdreg $0xA4000  }
0xb1: {  	[dreg:$0x5] =	wrdreg $0x9  }
0xb2: {  	_ =	task.clear_ibuf [dreg:s7], $0x6FFFF;
	_ =	strace $0x90000046  }
0xb3: {  	s29 =	simm.s32 $0x9;
	_ =	strace $0x80000048  }
0xb4: {  	_ =	swait.ge [sflag:s29], $0x1  }
0xb5: {  	[sflag:s29] =	ssyncadd.s32 $0xFFFFFFFF  }
0xb6: {  	_ =	strace $0x90000048  }
0xb7: {  	_ =	sfence  }
0xb8: {  	s30 =	sld [smem:$0x0];
	_ =	sdelay $0x2  }
0xb9: {  	s31 =	sshll.u32 s1, $0xD;
	s1 =	sshrl.u32 s1, $0x2  }
0xba: {  	s3 =	sand.u32 $0x4000, s31;
	s1 =	sadd.s32 s1, s30  }
0xbb: {  	s0 =	sor.u32 s3, s0;
	s1 =	sshll.u32 s1, $0x11  }
0xbc: {  	s0 =	sor.u32 s1, s0  }
0xbd: {  	s0 =	sadd.s32 $0x8F2B, s0  }
0xbe: {  	[sflag:s0] =	ssyncadd.remote.s32 $0x1  }
0xbf: {  	_ =	sfence.sel $0xFFFF  }
0xc0: {  	[dreg:$0x0] =	wrdreg $0xFFFFFFFF;
	(pc) =	sbr.abs _section_cstart, $3  }
0xc1: {  	[dreg:$0x1] =	wrdreg $0xFFFFFFFF  }
0xc2: {  	_ =	task.clear_ibuf [dreg:s7], $0x2FFFF;
	_ =	strace $0x9FFFFFFF  }
0xc3: {  	(tm) =	ssettm $0x7FFFFFFF  }
tec
execute0_lowered:
.L_overlay_start_1:
0x0: {  	(tag) =	ssettag $0x1  }
0x1: {  	s1 =	rddreg [dreg:$0x0]  }
0x2: {  	s3 =	rddreg [dreg:$0x1]  }
0x3: {  	s2 =	rddreg [dreg:$0x2];
	s28 =	simm.s32 $0x0;
	s0 =	srdreg.scid  }
0x4: {  	s4 =	stileid.u32;
	s30 =	simm.s32 $0x80;
	[smem:$0x7FF] =	sst s28  }
0x5: {  	s8 =	sand.u32 $0x1, s0;
	s5 =	sadd.s32 $0x502A00, s3;
	s0 =	sshll.u32 s4, $0xB  }
0x6: {  	s6 =	sadd.s32 $0x4E3600, s3;
	s7 =	sadd.s32 $0x4F3000, s3;
	s12 =	sshll.u32 s4, $0x7  }
0x7: {  	_ =	strace $0x80000047;
	s9 =	smul.u32 $0x138800, s8;
	s10 =	ssub.s32 $0x2, s8  }
0x8: {  	s8 =	sshll.u32 s8, $0x4;
	s12 =	sand.u32 $0x380, s12;
	s24 =	sshrl.u32 s10, $0x1  }
0x9: {  	s8 =	sor.u32 s4, s8;
	s9 =	sadd.s32 s0, s9;
	s10 =	ssub.s32 s10, s24  }
0xa: {  	s25 =	sshll.u32 s8, $0x7;
	s11 =	sor.u32 $0x20, s8;
	s14 =	sor.u32 $0x40, s8  }
0xb: {  	s26 =	smul.u32 $0x500, s8;
	s31 =	sor.u32 $0x60, s8;
	s0 =	sadd.s32 s0, s2  }
0xc: {  	s9 =	sshrl.u32 s9, $0x3;
	s13 =	sshll.u32 s11, $0x7;
	s11 =	smul.u32 $0x500, s11  }
0xd: {  	s15 =	sshll.u32 s14, $0x7;
	s18 =	sshll.u32 s31, $0x7;
	s14 =	smul.u32 $0x500, s14  }
0xe: {  	[dreg:$0x1f] =	wrdreg s0;
	s3 =	sadd.s32 s9, s3;
	s13 =	sand.u32 $0x1C00, s13  }
0xf: {  	s9 =	sand.u32 $0xC00, s25;
	s15 =	sand.u32 $0x2C00, s15;
	s13 =	sor.u32 s12, s13  }
0x10: {  	s25 =	smul.u32 $0x500, s31;
	s11 =	sadd.s32 s5, s11;
	s13 =	sshrl.u32 s13, $0x3  }
0x11: {  	s15 =	sor.u32 s12, s15;
	[dreg:$0xa] =	wrdreg s11;
	s16 =	sadd.s32 s6, s13  }
0x12: {  	s29 =	sshrl.u32 s15, $0x3;
	s13 =	sadd.s32 s7, s13;
	[dreg:$0x5] =	wrdreg s16  }
0x13: {  	s9 =	sor.u32 s12, s9;
	s17 =	sadd.s32 s6, s29;
	[dreg:$0x6] =	wrdreg s13  }
0x14: {  	s9 =	sshrl.u32 s9, $0x3;
	s16 =	sadd.s32 s5, s26;
	[dreg:$0x8] =	wrdreg s17  }
0x15: {  	s15 =	sor.u32 $0xA00, s9;
	s13 =	sadd.s32 s7, s29;
	[dreg:$0x7] =	wrdreg s16  }
0x16: {  	s17 =	sor.u32 $0x80, s8;
	s26 =	sadd.s32 s5, s14;
	[dreg:$0x9] =	wrdreg s13  }
0x17: {  	s14 =	sadd.s32 s5, s25;
	s25 =	sor.u32 $0x120, s8;
	[dreg:$0xd] =	wrdreg s26  }
0x18: {  	s16 =	sand.u32 $0x3C00, s18;
	s20 =	sshll.u32 s17, $0x7;
	[dreg:$0x10] =	wrdreg s14  }
0x19: {  	s31 =	smul.u32 $0x500, s17;
	s18 =	sadd.s32 s6, s9;
	[dreg:$0x1c] =	wrdreg s25  }
0x1a: {  	s26 =	sshll.u32 s4, $0x4;
	s13 =	ssub.s32 $0x271, s4;
	s14 =	simm.s32 $0x200  }
0x1b: {  	s25 =	simm.s32 $0x2C00;
	s19 =	sor.u32 s12, s16;
	s22 =	sand.u32 $0x4C00, s20  }
0x1c: {  	s16 =	sadd.s32 s6, s15;
	[dreg:$0x14] =	wrdreg s18;
	s18 =	simm.s32 $0x5400  }
0x1d: {  	s21 =	sshrl.u32 s19, $0x3;
	[dreg:$0x11] =	wrdreg s16;
	s17 =	sadd.s32 s5, s31  }
0x1e: {  	s12 =	sor.u32 s12, s22;
	s19 =	sadd.s32 s7, s9;
	[dreg:$0x13] =	wrdreg s17  }
0x1f: {  	s9 =	sor.u32 $0xC00, s9;
	s22 =	sor.u32 $0xE0, s8;
	[dreg:$0x15] =	wrdreg s19  }
0x20: {  	s31 =	sadd.s32 $0x1600, s3;
	s3 =	simm.s32 $0x6;
	[dreg:$0x19] =	wrdreg s22  }
0x21: {  	s16 =	simm.s32 $0x4;
	s23 =	sadd.s32 s6, s21;
	[smem:$0x7FD] =	sst s31  }
0x22: {  	s11 =	sadd.s32 s7, s21;
	s24 =	sshrl.u32 s12, $0x3;
	[dreg:$0xb] =	wrdreg s23  }
0x23: {  	s20 =	sadd.s32 s6, s9;
	s9 =	sadd.s32 s7, s9;
	[dreg:$0xc] =	wrdreg s11  }
0x24: {  	s21 =	sor.u32 $0xA0, s8;
	s17 =	simm.s32 $0x1;
	[dreg:$0x16] =	wrdreg s20  }
0x25: {  	s19 =	simm.s32 $0x50;
	s12 =	simm.s32 $0x380;
	[dreg:$0x17] =	wrdreg s9  }
0x26: {  	s29 =	sadd.s32 s6, s24;
	s11 =	sadd.s32 s7, s24;
	[dreg:$0x18] =	wrdreg s21  }
0x27: {  	s23 =	sor.u32 $0xC0, s8;
	s24 =	sor.u32 $0x100, s8;
	[dreg:$0xe] =	wrdreg s29  }
0x28: {  	s8 =	sor.u32 $0x140, s8;
	s9 =	sand.u32 $0x70, s26;
	[dreg:$0xf] =	wrdreg s11  }
0x29: {  	s20 =	simm.s32 $0x400;
	s26 =	simm.s32 $0x5;
	[dreg:$0x1a] =	wrdreg s23  }
0x2a: {  	s21 =	simm.s32 $0xA;
	s11 =	sadd.s32 s7, s15;
	[dreg:$0x1b] =	wrdreg s24  }
0x2b: {  	[dreg:$0x1d] =	wrdreg s8;
	s29 =	smax.u32 s10, $0x1;
	s10 =	simm.s32 $0x7  }
0x2c: {  	s15 =	simm.s32 $0x180;
	s23 =	simm.s32 $0x3;
	[dreg:$0x12] =	wrdreg s11  }
0x2d: {  	v0 =	vimm.f32 $0.0e+00;
	s24 =	simm.s32 $0x8;
	[dreg:$0x1e] =	wrdreg s29;
	s11 =	simm.s32 $0x9  }
.LBB2_1:
0x2e: {  	[tilespmem:$0x400] =	vst v0  }
0x2f: {  	[tilespmem:$0x410] =	vst v0  }
0x30: {  	[tilespmem:$0x420] =	vst v0  }
0x31: {  	[tilespmem:$0x430] =	vst v0  }
0x32: {  	[tilespmem:$0x440] =	vst v0  }
0x33: {  	[tilespmem:$0x450] =	vst v0  }
0x34: {  	[tilespmem:$0x460] =	vst v0  }
0x35: {  	[tilespmem:$0x470] =	vst v0  }
0x36: {  	[tilespmem:$0x480] =	vst v0  }
0x37: {  	[tilespmem:$0x490] =	vst v0  }
0x38: {  	[tilespmem:$0x4A0] =	vst v0  }
0x39: {  	[tilespmem:$0x4B0] =	vst v0  }
0x3a: {  	[tilespmem:$0x4C0] =	vst v0  }
0x3b: {  	[tilespmem:$0x4D0] =	vst v0  }
0x3c: {  	[tilespmem:$0x4E0] =	vst v0  }
0x3d: {  	[tilespmem:$0x4F0] =	vst v0  }
0x3e: {  	[tilespmem:$0x500] =	vst v0  }
0x3f: {  	[tilespmem:$0x510] =	vst v0  }
0x40: {  	[tilespmem:$0x520] =	vst v0  }
0x41: {  	[tilespmem:$0x530] =	vst v0  }
0x42: {  	[tilespmem:$0x540] =	vst v0  }
0x43: {  	[tilespmem:$0x550] =	vst v0  }
0x44: {  	[tilespmem:$0x560] =	vst v0  }
0x45: {  	[tilespmem:$0x570] =	vst v0  }
0x46: {  	[tilespmem:$0x580] =	vst v0  }
0x47: {  	[tilespmem:$0x590] =	vst v0  }
0x48: {  	[tilespmem:$0x5A0] =	vst v0  }
0x49: {  	[tilespmem:$0x5B0] =	vst v0  }
0x4a: {  	[tilespmem:$0x5C0] =	vst v0  }
0x4b: {  	[tilespmem:$0x5D0] =	vst v0  }
0x4c: {  	[tilespmem:$0x5E0] =	vst v0  }
0x4d: {  	[tilespmem:$0x5F0] =	vst v0  }
0x4e: {  	[tilespmem:$0x600] =	vst v0  }
0x4f: {  	[tilespmem:$0x610] =	vst v0  }
0x50: {  	[tilespmem:$0x620] =	vst v0  }
0x51: {  	[tilespmem:$0x630] =	vst v0  }
0x52: {  	[tilespmem:$0x640] =	vst v0  }
0x53: {  	[tilespmem:$0x650] =	vst v0  }
0x54: {  	[tilespmem:$0x660] =	vst v0  }
0x55: {  	[tilespmem:$0x670] =	vst v0  }
0x56: {  	[tilespmem:$0x680] =	vst v0  }
0x57: {  	[tilespmem:$0x690] =	vst v0  }
0x58: {  	[tilespmem:$0x6A0] =	vst v0  }
0x59: {  	[tilespmem:$0x6B0] =	vst v0  }
0x5a: {  	[tilespmem:$0x6C0] =	vst v0  }
0x5b: {  	[tilespmem:$0x6D0] =	vst v0  }
0x5c: {  	[tilespmem:$0x6E0] =	vst v0  }
0x5d: {  	[tilespmem:$0x6F0] =	vst v0  }
0x5e: {  	[tilespmem:$0x700] =	vst v0  }
0x5f: {  	[tilespmem:$0x710] =	vst v0  }
0x60: {  	[tilespmem:$0x720] =	vst v0  }
0x61: {  	[tilespmem:$0x730] =	vst v0  }
0x62: {  	[tilespmem:$0x740] =	vst v0  }
0x63: {  	[tilespmem:$0x750] =	vst v0  }
0x64: {  	[tilespmem:$0x760] =	vst v0  }
0x65: {  	[tilespmem:$0x770] =	vst v0  }
0x66: {  	[tilespmem:$0x780] =	vst v0  }
0x67: {  	[tilespmem:$0x790] =	vst v0  }
0x68: {  	[tilespmem:$0x7A0] =	vst v0  }
0x69: {  	[tilespmem:$0x7B0] =	vst v0  }
0x6a: {  	[tilespmem:$0x7C0] =	vst v0  }
0x6b: {  	[tilespmem:$0x7D0] =	vst v0  }
0x6c: {  	[tilespmem:$0x7E0] =	vst v0  }
0x6d: {  	[tilespmem:$0x7F0] =	vst v0  }
0x6e: {  	[tilespmem:$0x800] =	vst v0  }
0x6f: {  	[tilespmem:$0x810] =	vst v0  }
0x70: {  	[tilespmem:$0x820] =	vst v0  }
0x71: {  	[tilespmem:$0x830] =	vst v0  }
0x72: {  	[tilespmem:$0x840] =	vst v0  }
0x73: {  	[tilespmem:$0x850] =	vst v0  }
0x74: {  	[tilespmem:$0x860] =	vst v0  }
0x75: {  	[tilespmem:$0x870] =	vst v0  }
0x76: {  	[tilespmem:$0x880] =	vst v0  }
0x77: {  	[tilespmem:$0x890] =	vst v0  }
0x78: {  	[tilespmem:$0x8A0] =	vst v0  }
0x79: {  	[tilespmem:$0x8B0] =	vst v0  }
0x7a: {  	[tilespmem:$0x8C0] =	vst v0  }
0x7b: {  	[tilespmem:$0x8D0] =	vst v0  }
0x7c: {  	[tilespmem:$0x8E0] =	vst v0  }
0x7d: {  	[tilespmem:$0x8F0] =	vst v0  }
0x7e: {  	[tilespmem:$0x900] =	vst v0  }
0x7f: {  	[tilespmem:$0x910] =	vst v0  }
0x80: {  	[tilespmem:$0x920] =	vst v0  }
0x81: {  	[tilespmem:$0x930] =	vst v0  }
0x82: {  	[tilespmem:$0x940] =	vst v0  }
0x83: {  	[tilespmem:$0x950] =	vst v0  }
0x84: {  	[tilespmem:$0x960] =	vst v0  }
0x85: {  	[tilespmem:$0x970] =	vst v0  }
0x86: {  	[tilespmem:$0x980] =	vst v0  }
0x87: {  	[tilespmem:$0x990] =	vst v0  }
0x88: {  	[tilespmem:$0x9A0] =	vst v0  }
0x89: {  	[tilespmem:$0x9B0] =	vst v0  }
0x8a: {  	[tilespmem:$0x9C0] =	vst v0  }
0x8b: {  	[tilespmem:$0x9D0] =	vst v0  }
0x8c: {  	[tilespmem:$0x9E0] =	vst v0  }
0x8d: {  	[tilespmem:$0x9F0] =	vst v0  }
0x8e: {  	[tilespmem:$0xA00] =	vst v0  }
0x8f: {  	[tilespmem:$0xA10] =	vst v0  }
0x90: {  	[tilespmem:$0xA20] =	vst v0  }
0x91: {  	[tilespmem:$0xA30] =	vst v0  }
0x92: {  	[tilespmem:$0xA40] =	vst v0  }
0x93: {  	[tilespmem:$0xA50] =	vst v0  }
0x94: {  	[tilespmem:$0xA60] =	vst v0  }
0x95: {  	[tilespmem:$0xA70] =	vst v0  }
0x96: {  	[tilespmem:$0xA80] =	vst v0  }
0x97: {  	[tilespmem:$0xA90] =	vst v0  }
0x98: {  	[tilespmem:$0xAA0] =	vst v0  }
0x99: {  	[tilespmem:$0xAB0] =	vst v0  }
0x9a: {  	[tilespmem:$0xAC0] =	vst v0  }
0x9b: {  	[tilespmem:$0xAD0] =	vst v0  }
0x9c: {  	[tilespmem:$0xAE0] =	vst v0  }
0x9d: {  	[tilespmem:$0xAF0] =	vst v0  }
0x9e: {  	[tilespmem:$0xB00] =	vst v0  }
0x9f: {  	[tilespmem:$0xB10] =	vst v0  }
0xa0: {  	[tilespmem:$0xB20] =	vst v0  }
0xa1: {  	[tilespmem:$0xB30] =	vst v0  }
0xa2: {  	[tilespmem:$0xB40] =	vst v0  }
0xa3: {  	[tilespmem:$0xB50] =	vst v0  }
0xa4: {  	[tilespmem:$0xB60] =	vst v0  }
0xa5: {  	[tilespmem:$0xB70] =	vst v0  }
0xa6: {  	[tilespmem:$0xB80] =	vst v0  }
0xa7: {  	[tilespmem:$0xB90] =	vst v0  }
0xa8: {  	[tilespmem:$0xBA0] =	vst v0  }
0xa9: {  	[tilespmem:$0xBB0] =	vst v0  }
0xaa: {  	[tilespmem:$0xBC0] =	vst v0  }
0xab: {  	[tilespmem:$0xBD0] =	vst v0;
	s0 =	sadd.s32 $0x0, s4  }
0xac: {  	[tilespmem:$0xBE0] =	vst v0;
	s29 =	rddreg [dreg:$0x1f];
	p0 =	sgt.u32 s0, $0x270  }
0xad: {  	[tilespmem:$0xBF0] =	vst v0;
	s0 =	simm.s32 $0x10;
	s22 =	sadd.s32 $0x8000, s29;
	s8 =	simm.s32 @!p0 $0x400  }
.LBB2_2:
0xae: {  	[spmem:s29] =	stream.linear.scatter @!p0 [tilespmem:s8], [sflag:$0xB], $0x800, $0x38;
	[tilespmem:$0x1DC80] =	vst v63  }
0xaf: {  	s8 =	smov.u32 s0;
	s0 =	sadd.s32 $0x10, s0  }
0xb0: {  	p1 =	sne.s32 s0, $0x280  }
.Ltmp0:
0xb1: {  	(pc) =	sbr.rel @p1 .LBB2_2-.Ltmp0, $4  }
0xb2: {  	s29 =	smov.u32 s22  }
0xb3: {  	s8 =	sadd.s32 s8, s4  }
0xb4: {  	p0 =	sgt.u32 s8, $0x270  }
0xb5: {  	s22 =	sadd.s32 $0x8000, s22;
	s8 =	simm.s32 @!p0 $0x400  }
0xb6: {  	[spmem:s29] =	stream.linear.scatter @!p0 [tilespmem:s8], [sflag:$0xB], $0x800, $0x38;
	[tilespmem:$0x1DC80] =	vst v63  }
0xb7: {  	p0 =	sle.u32 s13, $0x0  }
0xb8: {  	s22 =	simm.s32 @!p0 $0xB  }
0xb9: {  	_ =	swait.ge @!p0 [sflag:s22], $0x800  }
0xba: {  	s0 =	simm.s32 $0x10;
	[sflag:s22] =	ssyncset.done @!p0 $0x0  }
.LBB2_4:
0xbb: {  	s8 =	smov.u32 s0;
	s0 =	sadd.s32 $0x10, s0  }
0xbc: {  	[sflag:s22] =	ssyncadd.s32 @!p0 $0xFFFFF800;
	p1 =	sne.s32 s0, $0x280  }
.Ltmp1:
0xbd: {  	(pc) =	sbr.rel @p1 .LBB2_4-.Ltmp1, $4  }
0xbe: {  	p0 =	sge.u32 s8, s13  }
0xbf: {  	s22 =	simm.s32 @!p0 $0xB  }
0xc0: {  	_ =	swait.ge @!p0 [sflag:s22], $0x800  }
0xc1: {  	[sflag:s22] =	ssyncset.done @!p0 $0x0  }
0xc2: {  	[sflag:s22] =	ssyncadd.s32 @!p0 $0xFFFFF800  }
0xc3: {  	[bflag:$0x0] =	sbarrier.arrive $0xFFFF  }
0xc4: {  	s0 =	simm.s32 $0x0;
	s8 =	rddreg [dreg:$0x14]  }
0xc5: {  	[tilespmem:s0], [sflag:$0x1] =	stream.linear.gather [hbm4b:s8+s0], $0x80, $0x38;
	[tilespmem:$0x1DC80] =	vst v63  }
0xc6: {  	s22 =	rddreg [dreg:$0x15]  }
0xc7: {  	[tilespmem:s14], [sflag:$0x1] =	stream.linear.gather [hbm4b:s22+s0], $0x80, $0x38;
	[tilespmem:$0x1DC80] =	vst v63  }
0xc8: {  	s31 =	rddreg [dreg:$0x5]  }
0xc9: {  	[tilespmem:s30], [sflag:$0x2] =	stream.linear.gather [hbm4b:s31+s0], $0x80, $0x38;
	[tilespmem:$0x1DC80] =	vst v63  }
0xca: {  	s22 =	rddreg [dreg:$0x6];
	s31 =	simm.s32 $0x280  }
0xcb: {  	[tilespmem:s31], [sflag:$0x2] =	stream.linear.gather [hbm4b:s22+s0], $0x80, $0x38;
	[tilespmem:$0x1DC80] =	vst v63  }
0xcc: {  	_ =	swait.ge [sflag:s17], $0x80  }
0xcd: {  	[sflag:s17] =	ssyncset.done $0x0  }
0xce: {  	[sflag:s17] =	ssyncadd.s32 $0xFFFFFF80  }
0xcf: {  	_ =	swait.ge [sflag:s17], $0x80  }
0xd0: {  	[sflag:s17] =	ssyncset.done $0x0  }
0xd1: {  	s31 =	rddreg [dreg:$0x7];
	[sflag:s17] =	ssyncadd.s32 $0xFFFFFF80  }
0xd2: {  	[tilespmem:s18], [sflag:$0x5] =	stream.linear.gather [hbm4b:s31+s0], $0x2800, $0x38;
	[tilespmem:$0x1DC80] =	vst v63  }
0xd3: {  	_ = 	snop  }
0xd4: {  	[tilespmem:s20], [sflag:$0x7] =	stream.indirect.gather [hbm4b:s1+s19], $0x80, s0, s19, $0xb8;
	[tilespmem:$0x1DC80] =	vst v63  }
0xd5: {  	s22 =	rddreg [dreg:$0x8];
	s31 =	simm.s32 $0x100  }
0xd6: {  	[tilespmem:s31], [sflag:$0x3] =	stream.linear.gather [hbm4b:s22+s0], $0x80, $0x38;
	[tilespmem:$0x1DC80] =	vst v63  }
0xd7: {  	s22 =	rddreg [dreg:$0x9];
	s31 =	simm.s32 $0x300  }
0xd8: {  	[tilespmem:s31], [sflag:$0x3] =	stream.linear.gather [hbm4b:s22+s0], $0x80, $0x38;
	[tilespmem:$0x1DC80] =	vst v63  }
0xd9: {  	s31 =	simm.s32 $0x2  }
0xda: {  	_ =	swait.ge [sflag:s31], $0x80  }
0xdb: {  	[sflag:s31] =	ssyncset.done $0x0  }
0xdc: {  	[sflag:s31] =	ssyncadd.s32 $0xFFFFFF80  }
0xdd: {  	_ =	swait.ge [sflag:s31], $0x80  }
0xde: {  	[sflag:s31] =	ssyncset.done $0x0  }
0xdf: {  	s22 =	rddreg [dreg:$0xa];
	[sflag:s31] =	ssyncadd.s32 $0xFFFFFF80;
	s31 =	simm.s32 $0x7C00  }
0xe0: {  	[tilespmem:s31], [sflag:$0x6] =	stream.linear.gather [hbm4b:s22+s0], $0x2800, $0x38;
	[tilespmem:$0x1DC80] =	vst v63  }
0xe1: {  	_ = 	snop  }
0xe2: {  	[tilespmem:s25], [sflag:$0x8] =	stream.indirect.gather [hbm4b:s1+s19], $0x80, s30, s19, $0xb8;
	[tilespmem:$0x1DC80] =	vst v63  }
0xe3: {  	_ =	swait.ge [sflag:s26], $0x2800  }
0xe4: {  	[sflag:s26] =	ssyncset.done $0x0  }
0xe5: {  	[sflag:s26] =	ssyncadd.s32 $0xFFFFD800  }
0xe6: {  	_ =	swait.ge [sflag:s10], $0x2800  }
0xe7: {  	[sflag:s10] =	ssyncset.done $0x0  }
0xe8: {  	s22 =	simm.s32 $0x0;
	[sflag:s10] =	ssyncadd.s32 $0xFFFFD800  }
0xe9: {  	v4 =	vld [tilespmem:s22+$0x5400]  }
0xea: {  	v5 =	vld [tilespmem:s22+$0x5410]  }
0xeb: {  	v7 =	vld [tilespmem:s22+$0x5420]  }
0xec: {  	v8 =	vld [tilespmem:s22+$0x5430]  }
0xed: {  	v11 =	vld [tilespmem:s22+$0x5480]  }
0xee: {  	v3 =	vld [tilespmem:s22+$0x5490]  }
0xef: {  	v6 =	vld [tilespmem:s22+$0x400]  }
0xf0: {  	v2 =	vld [tilespmem:s22+$0x54A0]  }
0xf1: {  	v9 =	vld [tilespmem:s22+$0x440]  }
0xf2: {  	v1 =	vld [tilespmem:s22+$0x54B0]  }
0xf3: {  	v10 =	vld [tilespmem:s22+$0x410];
	v13 =	vshll.u32 v4, $0x10  }
0xf4: {  	v12 =	vld [tilespmem:s22+$0x450];
	v6 =	vadd.f32 v13, v6  }
0xf5: {  	v14 =	vld [tilespmem:s22+$0x420];
	v4 =	vand.u32 $0xFFFF0000, v4  }
0xf6: {  	v13 =	vld [tilespmem:s22+$0x460];
	v4 =	vadd.f32 v4, v9;
	v6 =	vmax.f32 v6, $0.0e+00  }
0xf7: {  	v15 =	vld [tilespmem:s22+$0x430];
	[tilespmem:s22+$0x400] =	vst v6;
	v6 =	vshll.u32 v5, $0x10  }
0xf8: {  	v9 =	vld [tilespmem:s22+$0x470];
	v4 =	vmax.f32 v4, $0.0e+00;
	v5 =	vand.u32 $0xFFFF0000, v5;
	v6 =	vadd.f32 v6, v10  }
0xf9: {  	v16 =	vld [tilespmem:s22+$0x480];
	[tilespmem:s22+$0x440] =	vst v4;
	v4 =	vadd.f32 v5, v12;
	v10 =	vshll.u32 v7, $0x10  }
0xfa: {  	v5 =	vld [tilespmem:s22+$0x4C0];
	v7 =	vand.u32 $0xFFFF0000, v7;
	v10 =	vadd.f32 v10, v14;
	v6 =	vmax.f32 v6, $0.0e+00  }
0xfb: {  	v12 =	vshll.u32 v8, $0x10;
	v7 =	vadd.f32 v7, v13;
	v4 =	vmax.f32 v4, $0.0e+00;
	[tilespmem:s22+$0x410] =	vst v6;
	v6 =	vld [tilespmem:s22+$0x490]  }
0xfc: {  	v8 =	vand.u32 $0xFFFF0000, v8;
	v12 =	vadd.f32 v12, v15;
	[tilespmem:s22+$0x450] =	vst v4;
	v10 =	vmax.f32 v10, $0.0e+00;
	v4 =	vld [tilespmem:s22+$0x4D0]  }
0xfd: {  	v13 =	vmax.f32 v7, $0.0e+00;
	v7 =	vld [tilespmem:s22+$0x4A0];
	[tilespmem:s22+$0x420] =	vst v10;
	v10 =	vadd.f32 v8, v9;
	v8 =	vshll.u32 v11, $0x10  }
0xfe: {  	s29 =	simm.s32 $0x400;
	v12 =	vmax.f32 v12, $0.0e+00;
	[tilespmem:s22+$0x460] =	vst v13;
	v11 =	vand.u32 $0xFFFF0000, v11;
	v9 =	vadd.f32 v8, v16;
	v8 =	vld [tilespmem:s22+$0x4E0]  }
.LBB2_6:
0xff: {  	p0 =	sne.s32 s29, $0x9C00;
	[tilespmem:s22+$0x430] =	vst v12;
	v10 =	vmax.f32 v10, $0.0e+00;
	v5 =	vadd.f32 v11, v5;
	v11 =	vshll.u32 v3, $0x10;
	v12 =	vld [tilespmem:s22+$0x4B0]  }
0x100: {  	s0 =	sshra.s32 s29, $0x2;
	v3 =	vand.u32 $0xFFFF0000, v3;
	[tilespmem:s22+$0x470] =	vst v10;
	v9 =	vmax.f32 v9, $0.0e+00;
	v6 =	vadd.f32 v11, v6;
	v10 =	vld [tilespmem:s22+$0x4F0]  }
0x101: {  	v11 =	vld [tilespmem:s0+$0x5400];
	[tilespmem:s22+$0x480] =	vst v9;
	v5 =	vmax.f32 v5, $0.0e+00;
	v3 =	vadd.f32 v3, v4;
	v4 =	vshll.u32 v2, $0x10  }
0x102: {  	v2 =	vand.u32 $0xFFFF0000, v2;
	v9 =	vld [tilespmem:s0+$0x5410];
	[tilespmem:s22+$0x4C0] =	vst v5;
	v5 =	vmax.f32 v6, $0.0e+00;
	v4 =	vadd.f32 v4, v7  }
0x103: {  	v6 =	vld [tilespmem:s0+$0x5420];
	[tilespmem:s22+$0x490] =	vst v5;
	v3 =	vmax.f32 v3, $0.0e+00;
	v2 =	vadd.f32 v2, v8;
	v5 =	vshll.u32 v1, $0x10  }
0x104: {  	v1 =	vand.u32 $0xFFFF0000, v1;
	v7 =	vld [tilespmem:s0+$0x5430];
	[tilespmem:s22+$0x4D0] =	vst v3;
	v3 =	vmax.f32 v4, $0.0e+00;
	v4 =	vadd.f32 v5, v12  }
0x105: {  	v8 =	vld [tilespmem:s0+$0x5480];
	[tilespmem:s22+$0x4A0] =	vst v3;
	v2 =	vmax.f32 v2, $0.0e+00;
	v1 =	vadd.f32 v1, v10  }
0x106: {  	v3 =	vld [tilespmem:s0+$0x5490];
	[tilespmem:s22+$0x4E0] =	vst v2;
	v4 =	vmax.f32 v4, $0.0e+00  }
0x107: {  	v2 =	vld [tilespmem:s0+$0x54A0];
	[tilespmem:s22+$0x4B0] =	vst v4;
	v4 =	vmax.f32 v1, $0.0e+00  }
0x108: {  	v1 =	vld [tilespmem:s0+$0x54B0];
	[tilespmem:s22+$0x4F0] =	vst v4;
	s22 =	smov.u32 s0  }
0x109: {  	v4 =	vld [tilespmem:s22+$0x400]  }
0x10a: {  	v5 =	vld [tilespmem:s22+$0x440]  }
0x10b: {  	v10 =	vld [tilespmem:s22+$0x410]  }
0x10c: {  	v12 =	vld [tilespmem:s22+$0x450]  }
0x10d: {  	v13 =	vshll.u32 v11, $0x10;
	v14 =	vld [tilespmem:s22+$0x420]  }
0x10e: {  	v11 =	vand.u32 $0xFFFF0000, v11;
	v4 =	vadd.f32 v13, v4;
	v13 =	vld [tilespmem:s22+$0x460]  }
0x10f: {  	v5 =	vadd.f32 v11, v5;
	v11 =	vshll.u32 v9, $0x10;
	v15 =	vld [tilespmem:s22+$0x430]  }
0x110: {  	v9 =	vand.u32 $0xFFFF0000, v9;
	v4 =	vmax.f32 v4, $0.0e+00;
	v10 =	vadd.f32 v11, v10;
	v11 =	vld [tilespmem:s22+$0x470]  }
0x111: {  	[tilespmem:s22+$0x400] =	vst v4;
	v4 =	vmax.f32 v5, $0.0e+00;
	v9 =	vadd.f32 v9, v12;
	v5 =	vshll.u32 v6, $0x10;
	v16 =	vld [tilespmem:s22+$0x480]  }
.Ltmp2:
0x112: {  	v6 =	vand.u32 $0xFFFF0000, v6;
	[tilespmem:s22+$0x440] =	vst v4;
	v4 =	vmax.f32 v10, $0.0e+00;
	v10 =	vadd.f32 v5, v14;
	v5 =	vld [tilespmem:s22+$0x4C0];
	(pc) =	sbr.rel @p0 .LBB2_6-.Ltmp2, $4  }
0x113: {  	v12 =	vshll.u32 v7, $0x10;
	[tilespmem:s22+$0x410] =	vst v4;
	v4 =	vmax.f32 v9, $0.0e+00;
	v9 =	vadd.f32 v6, v13;
	v6 =	vld [tilespmem:s22+$0x490]  }
0x114: {  	v7 =	vand.u32 $0xFFFF0000, v7;
	[tilespmem:s22+$0x450] =	vst v4;
	v10 =	vmax.f32 v10, $0.0e+00;
	v12 =	vadd.f32 v12, v15;
	v4 =	vld [tilespmem:s22+$0x4D0]  }
0x115: {  	[tilespmem:s22+$0x420] =	vst v10;
	v9 =	vmax.f32 v9, $0.0e+00;
	v10 =	vadd.f32 v7, v11;
	v11 =	vshll.u32 v8, $0x10;
	v7 =	vld [tilespmem:s22+$0x4A0]  }
0x116: {  	s29 =	sadd.s32 $0x400, s29;
	[tilespmem:s22+$0x460] =	vst v9;
	v12 =	vmax.f32 v12, $0.0e+00;
	v9 =	vadd.f32 v11, v16;
	v11 =	vand.u32 $0xFFFF0000, v8;
	v8 =	vld [tilespmem:s22+$0x4E0]  }
0x117: {  	[tilespmem:s22+$0x430] =	vst v12;
	v10 =	vmax.f32 v10, $0.0e+00;
	v12 =	vld [tilespmem:s22+$0x4B0];
	v5 =	vadd.f32 v11, v5;
	v11 =	vshll.u32 v3, $0x10  }
0x118: {  	v3 =	vand.u32 $0xFFFF0000, v3;
	[tilespmem:s22+$0x470] =	vst v10;
	v9 =	vmax.f32 v9, $0.0e+00;
	v6 =	vadd.f32 v11, v6;
	v10 =	vld [tilespmem:s22+$0x4F0]  }
0x119: {  	[tilespmem:s22+$0x480] =	vst v9;
	v5 =	vmax.f32 v5, $0.0e+00;
	v3 =	vadd.f32 v3, v4;
	v4 =	vshll.u32 v2, $0x10  }
0x11a: {  	v2 =	vand.u32 $0xFFFF0000, v2;
	[tilespmem:s22+$0x4C0] =	vst v5;
	v5 =	vmax.f32 v6, $0.0e+00;
	v4 =	vadd.f32 v4, v7  }
0x11b: {  	[tilespmem:s22+$0x490] =	vst v5;
	v3 =	vmax.f32 v3, $0.0e+00;
	v2 =	vadd.f32 v2, v8;
	v5 =	vshll.u32 v1, $0x10  }
0x11c: {  	v1 =	vand.u32 $0xFFFF0000, v1;
	[tilespmem:s22+$0x4D0] =	vst v3;
	v3 =	vmax.f32 v4, $0.0e+00;
	v4 =	vadd.f32 v5, v12  }
0x11d: {  	[tilespmem:s22+$0x4A0] =	vst v3;
	v2 =	vmax.f32 v2, $0.0e+00;
	v1 =	vadd.f32 v1, v10  }
0x11e: {  	[tilespmem:s22+$0x4E0] =	vst v2;
	v2 =	vmax.f32 v4, $0.0e+00  }
0x11f: {  	[tilespmem:s22+$0x4B0] =	vst v2;
	v1 =	vmax.f32 v1, $0.0e+00  }
0x120: {  	[tilespmem:s22+$0x4F0] =	vst v1  }
0x121: {  	[spmem:s2] =	stream.indirect.scatter.add.f32 [tilespmem:s20], [sflag:$0x9], $0x80, s14, s19, $0xb8;
	[tilespmem:$0x1DC80] =	vst v63  }
0x122: {  	s0 =	simm.s32 $0x0;
	s8 =	rddreg [dreg:$0xb]  }
0x123: {  	[tilespmem:s15], [sflag:$0x4] =	stream.linear.gather [hbm4b:s8+s0], $0x80, $0x38;
	[tilespmem:$0x1DC80] =	vst v63  }
0x124: {  	s31 =	rddreg [dreg:$0xc]  }
0x125: {  	[tilespmem:s12], [sflag:$0x4] =	stream.linear.gather [hbm4b:s31+s0], $0x80, $0x38;
	[tilespmem:$0x1DC80] =	vst v63  }
0x126: {  	_ =	swait.ge [sflag:s23], $0x80  }
0x127: {  	[sflag:s23] =	ssyncset.done $0x0  }
0x128: {  	[sflag:s23] =	ssyncadd.s32 $0xFFFFFF80  }
0x129: {  	_ =	swait.ge [sflag:s23], $0x80  }
0x12a: {  	[sflag:s23] =	ssyncset.done $0x0  }
0x12b: {  	[sflag:s23] =	ssyncadd.s32 $0xFFFFFF80  }
0x12c: {  	_ =	swait.ge [sflag:s11], $0x2800  }
0x12d: {  	[sflag:s11] =	ssyncset.done $0x0  }
0x12e: {  	s22 =	rddreg [dreg:$0xd];
	[sflag:s11] =	ssyncadd.s32 $0xFFFFD800  }
0x12f: {  	[tilespmem:s18], [sflag:$0x5] =	stream.linear.gather [hbm4b:s22+s0], $0x2800, $0x38;
	[tilespmem:$0x1DC80] =	vst v63  }
0x130: {  	s31 =	simm.s32 $0x100  }
0x131: {  	[tilespmem:s20], [sflag:$0x7] =	stream.indirect.gather [hbm4b:s1+s19], $0x80, s31, s19, $0xb8;
	[tilespmem:$0x1DC80] =	vst v63  }
0x132: {  	_ =	swait.ge [sflag:s3], $0x2800  }
0x133: {  	[sflag:s3] =	ssyncset.done $0x0  }
0x134: {  	[sflag:s3] =	ssyncadd.s32 $0xFFFFD800  }
0x135: {  	_ =	swait.ge [sflag:s24], $0x2800  }
0x136: {  	[sflag:s24] =	ssyncset.done $0x0  }
0x137: {  	s22 =	simm.s32 $0x0;
	[sflag:s24] =	ssyncadd.s32 $0xFFFFD800  }
0x138: {  	v4 =	vld [tilespmem:s22+$0x7C00]  }
0x139: {  	v5 =	vld [tilespmem:s22+$0x7C10]  }
0x13a: {  	v7 =	vld [tilespmem:s22+$0x7C20]  }
0x13b: {  	v8 =	vld [tilespmem:s22+$0x7C30]  }
0x13c: {  	v11 =	vld [tilespmem:s22+$0x7C80]  }
0x13d: {  	v3 =	vld [tilespmem:s22+$0x7C90]  }
0x13e: {  	v6 =	vld [tilespmem:s22+$0x2C00]  }
0x13f: {  	v2 =	vld [tilespmem:s22+$0x7CA0]  }
0x140: {  	v9 =	vld [tilespmem:s22+$0x2C40]  }
0x141: {  	v1 =	vld [tilespmem:s22+$0x7CB0]  }
0x142: {  	v10 =	vld [tilespmem:s22+$0x2C10];
	v13 =	vshll.u32 v4, $0x10  }
0x143: {  	v12 =	vld [tilespmem:s22+$0x2C50];
	v6 =	vadd.f32 v13, v6  }
0x144: {  	v14 =	vld [tilespmem:s22+$0x2C20];
	v4 =	vand.u32 $0xFFFF0000, v4  }
0x145: {  	v13 =	vld [tilespmem:s22+$0x2C60];
	v4 =	vadd.f32 v4, v9;
	v6 =	vmax.f32 v6, $0.0e+00  }
0x146: {  	v15 =	vld [tilespmem:s22+$0x2C30];
	[tilespmem:s22+$0x2C00] =	vst v6;
	v6 =	vshll.u32 v5, $0x10  }
0x147: {  	v9 =	vld [tilespmem:s22+$0x2C70];
	v4 =	vmax.f32 v4, $0.0e+00;
	v5 =	vand.u32 $0xFFFF0000, v5;
	v6 =	vadd.f32 v6, v10  }
0x148: {  	v16 =	vld [tilespmem:s22+$0x2C80];
	[tilespmem:s22+$0x2C40] =	vst v4;
	v4 =	vadd.f32 v5, v12;
	v10 =	vshll.u32 v7, $0x10  }
0x149: {  	v5 =	vld [tilespmem:s22+$0x2CC0];
	v7 =	vand.u32 $0xFFFF0000, v7;
	v10 =	vadd.f32 v10, v14;
	v6 =	vmax.f32 v6, $0.0e+00  }
0x14a: {  	v12 =	vshll.u32 v8, $0x10;
	v7 =	vadd.f32 v7, v13;
	v4 =	vmax.f32 v4, $0.0e+00;
	[tilespmem:s22+$0x2C10] =	vst v6;
	v6 =	vld [tilespmem:s22+$0x2C90]  }
0x14b: {  	v8 =	vand.u32 $0xFFFF0000, v8;
	v12 =	vadd.f32 v12, v15;
	[tilespmem:s22+$0x2C50] =	vst v4;
	v10 =	vmax.f32 v10, $0.0e+00;
	v4 =	vld [tilespmem:s22+$0x2CD0]  }
0x14c: {  	v13 =	vmax.f32 v7, $0.0e+00;
	v7 =	vld [tilespmem:s22+$0x2CA0];
	[tilespmem:s22+$0x2C20] =	vst v10;
	v10 =	vadd.f32 v8, v9;
	v8 =	vshll.u32 v11, $0x10  }
0x14d: {  	s29 =	simm.s32 $0x400;
	v12 =	vmax.f32 v12, $0.0e+00;
	[tilespmem:s22+$0x2C60] =	vst v13;
	v11 =	vand.u32 $0xFFFF0000, v11;
	v9 =	vadd.f32 v8, v16;
	v8 =	vld [tilespmem:s22+$0x2CE0]  }
.LBB2_8:
0x14e: {  	p0 =	sne.s32 s29, $0x9C00;
	[tilespmem:s22+$0x2C30] =	vst v12;
	v10 =	vmax.f32 v10, $0.0e+00;
	v5 =	vadd.f32 v11, v5;
	v11 =	vshll.u32 v3, $0x10;
	v12 =	vld [tilespmem:s22+$0x2CB0]  }
0x14f: {  	s0 =	sshra.s32 s29, $0x2;
	v3 =	vand.u32 $0xFFFF0000, v3;
	[tilespmem:s22+$0x2C70] =	vst v10;
	v9 =	vmax.f32 v9, $0.0e+00;
	v6 =	vadd.f32 v11, v6;
	v10 =	vld [tilespmem:s22+$0x2CF0]  }
0x150: {  	v11 =	vld [tilespmem:s0+$0x7C00];
	[tilespmem:s22+$0x2C80] =	vst v9;
	v5 =	vmax.f32 v5, $0.0e+00;
	v3 =	vadd.f32 v3, v4;
	v4 =	vshll.u32 v2, $0x10  }
0x151: {  	v2 =	vand.u32 $0xFFFF0000, v2;
	v9 =	vld [tilespmem:s0+$0x7C10];
	[tilespmem:s22+$0x2CC0] =	vst v5;
	v5 =	vmax.f32 v6, $0.0e+00;
	v4 =	vadd.f32 v4, v7  }
0x152: {  	v6 =	vld [tilespmem:s0+$0x7C20];
	[tilespmem:s22+$0x2C90] =	vst v5;
	v3 =	vmax.f32 v3, $0.0e+00;
	v2 =	vadd.f32 v2, v8;
	v5 =	vshll.u32 v1, $0x10  }
0x153: {  	v1 =	vand.u32 $0xFFFF0000, v1;
	v7 =	vld [tilespmem:s0+$0x7C30];
	[tilespmem:s22+$0x2CD0] =	vst v3;
	v3 =	vmax.f32 v4, $0.0e+00;
	v4 =	vadd.f32 v5, v12  }
0x154: {  	v8 =	vld [tilespmem:s0+$0x7C80];
	[tilespmem:s22+$0x2CA0] =	vst v3;
	v2 =	vmax.f32 v2, $0.0e+00;
	v1 =	vadd.f32 v1, v10  }
0x155: {  	v3 =	vld [tilespmem:s0+$0x7C90];
	[tilespmem:s22+$0x2CE0] =	vst v2;
	v4 =	vmax.f32 v4, $0.0e+00  }
0x156: {  	v2 =	vld [tilespmem:s0+$0x7CA0];
	[tilespmem:s22+$0x2CB0] =	vst v4;
	v4 =	vmax.f32 v1, $0.0e+00  }
0x157: {  	v1 =	vld [tilespmem:s0+$0x7CB0];
	[tilespmem:s22+$0x2CF0] =	vst v4;
	s22 =	smov.u32 s0  }
0x158: {  	v4 =	vld [tilespmem:s22+$0x2C00]  }
0x159: {  	v5 =	vld [tilespmem:s22+$0x2C40]  }
0x15a: {  	v10 =	vld [tilespmem:s22+$0x2C10]  }
0x15b: {  	v12 =	vld [tilespmem:s22+$0x2C50]  }
0x15c: {  	v13 =	vshll.u32 v11, $0x10;
	v14 =	vld [tilespmem:s22+$0x2C20]  }
0x15d: {  	v11 =	vand.u32 $0xFFFF0000, v11;
	v4 =	vadd.f32 v13, v4;
	v13 =	vld [tilespmem:s22+$0x2C60]  }
0x15e: {  	v5 =	vadd.f32 v11, v5;
	v11 =	vshll.u32 v9, $0x10;
	v15 =	vld [tilespmem:s22+$0x2C30]  }
0x15f: {  	v9 =	vand.u32 $0xFFFF0000, v9;
	v4 =	vmax.f32 v4, $0.0e+00;
	v10 =	vadd.f32 v11, v10;
	v11 =	vld [tilespmem:s22+$0x2C70]  }
0x160: {  	[tilespmem:s22+$0x2C00] =	vst v4;
	v4 =	vmax.f32 v5, $0.0e+00;
	v9 =	vadd.f32 v9, v12;
	v5 =	vshll.u32 v6, $0x10;
	v16 =	vld [tilespmem:s22+$0x2C80]  }
.Ltmp3:
0x161: {  	v6 =	vand.u32 $0xFFFF0000, v6;
	[tilespmem:s22+$0x2C40] =	vst v4;
	v4 =	vmax.f32 v10, $0.0e+00;
	v10 =	vadd.f32 v5, v14;
	v5 =	vld [tilespmem:s22+$0x2CC0];
	(pc) =	sbr.rel @p0 .LBB2_8-.Ltmp3, $4  }
0x162: {  	v12 =	vshll.u32 v7, $0x10;
	[tilespmem:s22+$0x2C10] =	vst v4;
	v4 =	vmax.f32 v9, $0.0e+00;
	v9 =	vadd.f32 v6, v13;
	v6 =	vld [tilespmem:s22+$0x2C90]  }
0x163: {  	v7 =	vand.u32 $0xFFFF0000, v7;
	[tilespmem:s22+$0x2C50] =	vst v4;
	v10 =	vmax.f32 v10, $0.0e+00;
	v12 =	vadd.f32 v12, v15;
	v4 =	vld [tilespmem:s22+$0x2CD0]  }
0x164: {  	[tilespmem:s22+$0x2C20] =	vst v10;
	v9 =	vmax.f32 v9, $0.0e+00;
	v10 =	vadd.f32 v7, v11;
	v11 =	vshll.u32 v8, $0x10;
	v7 =	vld [tilespmem:s22+$0x2CA0]  }
0x165: {  	s29 =	sadd.s32 $0x400, s29;
	[tilespmem:s22+$0x2C60] =	vst v9;
	v12 =	vmax.f32 v12, $0.0e+00;
	v9 =	vadd.f32 v11, v16;
	v11 =	vand.u32 $0xFFFF0000, v8;
	v8 =	vld [tilespmem:s22+$0x2CE0]  }
0x166: {  	[tilespmem:s22+$0x2C30] =	vst v12;
	v10 =	vmax.f32 v10, $0.0e+00;
	v12 =	vld [tilespmem:s22+$0x2CB0];
	v5 =	vadd.f32 v11, v5;
	v11 =	vshll.u32 v3, $0x10  }
0x167: {  	v3 =	vand.u32 $0xFFFF0000, v3;
	[tilespmem:s22+$0x2C70] =	vst v10;
	v9 =	vmax.f32 v9, $0.0e+00;
	v6 =	vadd.f32 v11, v6;
	v10 =	vld [tilespmem:s22+$0x2CF0]  }
0x168: {  	[tilespmem:s22+$0x2C80] =	vst v9;
	v5 =	vmax.f32 v5, $0.0e+00;
	v3 =	vadd.f32 v3, v4;
	v4 =	vshll.u32 v2, $0x10  }
0x169: {  	v2 =	vand.u32 $0xFFFF0000, v2;
	[tilespmem:s22+$0x2CC0] =	vst v5;
	v5 =	vmax.f32 v6, $0.0e+00;
	v4 =	vadd.f32 v4, v7  }
0x16a: {  	[tilespmem:s22+$0x2C90] =	vst v5;
	v3 =	vmax.f32 v3, $0.0e+00;
	v2 =	vadd.f32 v2, v8;
	v5 =	vshll.u32 v1, $0x10  }
0x16b: {  	v1 =	vand.u32 $0xFFFF0000, v1;
	[tilespmem:s22+$0x2CD0] =	vst v3;
	v3 =	vmax.f32 v4, $0.0e+00;
	v4 =	vadd.f32 v5, v12  }
0x16c: {  	[tilespmem:s22+$0x2CA0] =	vst v3;
	v2 =	vmax.f32 v2, $0.0e+00;
	v1 =	vadd.f32 v1, v10  }
0x16d: {  	[tilespmem:s22+$0x2CE0] =	vst v2;
	v2 =	vmax.f32 v4, $0.0e+00  }
0x16e: {  	[tilespmem:s22+$0x2CB0] =	vst v2;
	v1 =	vmax.f32 v1, $0.0e+00  }
0x16f: {  	s0 =	simm.s32 $0x280;
	[tilespmem:s22+$0x2CF0] =	vst v1  }
0x170: {  	[spmem:s2] =	stream.indirect.scatter.add.f32 [tilespmem:s25], [sflag:$0xA], $0x80, s0, s19, $0xb8;
	[tilespmem:$0x1DC80] =	vst v63  }
0x171: {  	s8 =	rddreg [dreg:$0xe];
	s0 =	simm.s32 $0x0  }
0x172: {  	[tilespmem:s0], [sflag:$0x1] =	stream.linear.gather [hbm4b:s8+s0], $0x80, $0x38;
	[tilespmem:$0x1DC80] =	vst v63  }
0x173: {  	s31 =	rddreg [dreg:$0xf]  }
0x174: {  	[tilespmem:s14], [sflag:$0x1] =	stream.linear.gather [hbm4b:s31+s0], $0x80, $0x38;
	[tilespmem:$0x1DC80] =	vst v63  }
0x175: {  	_ =	swait.ge [sflag:s16], $0x80  }
0x176: {  	[sflag:s16] =	ssyncset.done $0x0  }
0x177: {  	[sflag:s16] =	ssyncadd.s32 $0xFFFFFF80  }
0x178: {  	_ =	swait.ge [sflag:s16], $0x80  }
0x179: {  	[sflag:s16] =	ssyncset.done $0x0  }
0x17a: {  	[sflag:s16] =	ssyncadd.s32 $0xFFFFFF80  }
0x17b: {  	_ =	swait.ge [sflag:s21], $0x2800  }
0x17c: {  	[sflag:s21] =	ssyncset.done $0x0  }
0x17d: {  	s31 =	simm.s32 $0x7C00;
	s22 =	rddreg [dreg:$0x10];
	[sflag:s21] =	ssyncadd.s32 $0xFFFFD800  }
0x17e: {  	[tilespmem:s31], [sflag:$0x6] =	stream.linear.gather [hbm4b:s22+s0], $0x2800, $0x38;
	[tilespmem:$0x1DC80] =	vst v63  }
0x17f: {  	_ = 	snop  }
0x180: {  	[tilespmem:s25], [sflag:$0x8] =	stream.indirect.gather [hbm4b:s1+s19], $0x80, s15, s19, $0xb8;
	[tilespmem:$0x1DC80] =	vst v63  }
0x181: {  	_ =	swait.ge [sflag:s26], $0x2800  }
0x182: {  	[sflag:s26] =	ssyncset.done $0x0  }
0x183: {  	[sflag:s26] =	ssyncadd.s32 $0xFFFFD800  }
0x184: {  	_ =	swait.ge [sflag:s10], $0x2800  }
0x185: {  	[sflag:s10] =	ssyncset.done $0x0  }
0x186: {  	s22 =	simm.s32 $0x0;
	[sflag:s10] =	ssyncadd.s32 $0xFFFFD800  }
0x187: {  	v4 =	vld [tilespmem:s22+$0x5400]  }
0x188: {  	v5 =	vld [tilespmem:s22+$0x5410]  }
0x189: {  	v7 =	vld [tilespmem:s22+$0x5420]  }
0x18a: {  	v8 =	vld [tilespmem:s22+$0x5430]  }
0x18b: {  	v11 =	vld [tilespmem:s22+$0x5480]  }
0x18c: {  	v3 =	vld [tilespmem:s22+$0x5490]  }
0x18d: {  	v6 =	vld [tilespmem:s22+$0x400]  }
0x18e: {  	v2 =	vld [tilespmem:s22+$0x54A0]  }
0x18f: {  	v9 =	vld [tilespmem:s22+$0x440]  }
0x190: {  	v1 =	vld [tilespmem:s22+$0x54B0]  }
0x191: {  	v10 =	vld [tilespmem:s22+$0x410];
	v13 =	vshll.u32 v4, $0x10  }
0x192: {  	v12 =	vld [tilespmem:s22+$0x450];
	v6 =	vadd.f32 v13, v6  }
0x193: {  	v14 =	vld [tilespmem:s22+$0x420];
	v4 =	vand.u32 $0xFFFF0000, v4  }
0x194: {  	v13 =	vld [tilespmem:s22+$0x460];
	v4 =	vadd.f32 v4, v9;
	v6 =	vmax.f32 v6, $0.0e+00  }
0x195: {  	v15 =	vld [tilespmem:s22+$0x430];
	[tilespmem:s22+$0x400] =	vst v6;
	v6 =	vshll.u32 v5, $0x10  }
0x196: {  	v9 =	vld [tilespmem:s22+$0x470];
	v4 =	vmax.f32 v4, $0.0e+00;
	v5 =	vand.u32 $0xFFFF0000, v5;
	v6 =	vadd.f32 v6, v10  }
0x197: {  	v16 =	vld [tilespmem:s22+$0x480];
	[tilespmem:s22+$0x440] =	vst v4;
	v4 =	vadd.f32 v5, v12;
	v10 =	vshll.u32 v7, $0x10  }
0x198: {  	v5 =	vld [tilespmem:s22+$0x4C0];
	v7 =	vand.u32 $0xFFFF0000, v7;
	v10 =	vadd.f32 v10, v14;
	v6 =	vmax.f32 v6, $0.0e+00  }
0x199: {  	v12 =	vshll.u32 v8, $0x10;
	v7 =	vadd.f32 v7, v13;
	v4 =	vmax.f32 v4, $0.0e+00;
	[tilespmem:s22+$0x410] =	vst v6;
	v6 =	vld [tilespmem:s22+$0x490]  }
0x19a: {  	v8 =	vand.u32 $0xFFFF0000, v8;
	v12 =	vadd.f32 v12, v15;
	[tilespmem:s22+$0x450] =	vst v4;
	v10 =	vmax.f32 v10, $0.0e+00;
	v4 =	vld [tilespmem:s22+$0x4D0]  }
0x19b: {  	v13 =	vmax.f32 v7, $0.0e+00;
	v7 =	vld [tilespmem:s22+$0x4A0];
	[tilespmem:s22+$0x420] =	vst v10;
	v10 =	vadd.f32 v8, v9;
	v8 =	vshll.u32 v11, $0x10  }
0x19c: {  	s29 =	simm.s32 $0x400;
	v12 =	vmax.f32 v12, $0.0e+00;
	[tilespmem:s22+$0x460] =	vst v13;
	v11 =	vand.u32 $0xFFFF0000, v11;
	v9 =	vadd.f32 v8, v16;
	v8 =	vld [tilespmem:s22+$0x4E0]  }
.LBB2_10:
0x19d: {  	p0 =	sne.s32 s29, $0x9C00;
	[tilespmem:s22+$0x430] =	vst v12;
	v10 =	vmax.f32 v10, $0.0e+00;
	v5 =	vadd.f32 v11, v5;
	v11 =	vshll.u32 v3, $0x10;
	v12 =	vld [tilespmem:s22+$0x4B0]  }
0x19e: {  	s0 =	sshra.s32 s29, $0x2;
	v3 =	vand.u32 $0xFFFF0000, v3;
	[tilespmem:s22+$0x470] =	vst v10;
	v9 =	vmax.f32 v9, $0.0e+00;
	v6 =	vadd.f32 v11, v6;
	v10 =	vld [tilespmem:s22+$0x4F0]  }
0x19f: {  	v11 =	vld [tilespmem:s0+$0x5400];
	[tilespmem:s22+$0x480] =	vst v9;
	v5 =	vmax.f32 v5, $0.0e+00;
	v3 =	vadd.f32 v3, v4;
	v4 =	vshll.u32 v2, $0x10  }
0x1a0: {  	v2 =	vand.u32 $0xFFFF0000, v2;
	v9 =	vld [tilespmem:s0+$0x5410];
	[tilespmem:s22+$0x4C0] =	vst v5;
	v5 =	vmax.f32 v6, $0.0e+00;
	v4 =	vadd.f32 v4, v7  }
0x1a1: {  	v6 =	vld [tilespmem:s0+$0x5420];
	[tilespmem:s22+$0x490] =	vst v5;
	v3 =	vmax.f32 v3, $0.0e+00;
	v2 =	vadd.f32 v2, v8;
	v5 =	vshll.u32 v1, $0x10  }
0x1a2: {  	v1 =	vand.u32 $0xFFFF0000, v1;
	v7 =	vld [tilespmem:s0+$0x5430];
	[tilespmem:s22+$0x4D0] =	vst v3;
	v3 =	vmax.f32 v4, $0.0e+00;
	v4 =	vadd.f32 v5, v12  }
0x1a3: {  	v8 =	vld [tilespmem:s0+$0x5480];
	[tilespmem:s22+$0x4A0] =	vst v3;
	v2 =	vmax.f32 v2, $0.0e+00;
	v1 =	vadd.f32 v1, v10  }
0x1a4: {  	v3 =	vld [tilespmem:s0+$0x5490];
	[tilespmem:s22+$0x4E0] =	vst v2;
	v4 =	vmax.f32 v4, $0.0e+00  }
0x1a5: {  	v2 =	vld [tilespmem:s0+$0x54A0];
	[tilespmem:s22+$0x4B0] =	vst v4;
	v4 =	vmax.f32 v1, $0.0e+00  }
0x1a6: {  	v1 =	vld [tilespmem:s0+$0x54B0];
	[tilespmem:s22+$0x4F0] =	vst v4;
	s22 =	smov.u32 s0  }
0x1a7: {  	v4 =	vld [tilespmem:s22+$0x400]  }
0x1a8: {  	v5 =	vld [tilespmem:s22+$0x440]  }
0x1a9: {  	v10 =	vld [tilespmem:s22+$0x410]  }
0x1aa: {  	v12 =	vld [tilespmem:s22+$0x450]  }
0x1ab: {  	v13 =	vshll.u32 v11, $0x10;
	v14 =	vld [tilespmem:s22+$0x420]  }
0x1ac: {  	v11 =	vand.u32 $0xFFFF0000, v11;
	v4 =	vadd.f32 v13, v4;
	v13 =	vld [tilespmem:s22+$0x460]  }
0x1ad: {  	v5 =	vadd.f32 v11, v5;
	v11 =	vshll.u32 v9, $0x10;
	v15 =	vld [tilespmem:s22+$0x430]  }
0x1ae: {  	v9 =	vand.u32 $0xFFFF0000, v9;
	v4 =	vmax.f32 v4, $0.0e+00;
	v10 =	vadd.f32 v11, v10;
	v11 =	vld [tilespmem:s22+$0x470]  }
0x1af: {  	[tilespmem:s22+$0x400] =	vst v4;
	v4 =	vmax.f32 v5, $0.0e+00;
	v9 =	vadd.f32 v9, v12;
	v5 =	vshll.u32 v6, $0x10;
	v16 =	vld [tilespmem:s22+$0x480]  }
.Ltmp4:
0x1b0: {  	v6 =	vand.u32 $0xFFFF0000, v6;
	[tilespmem:s22+$0x440] =	vst v4;
	v4 =	vmax.f32 v10, $0.0e+00;
	v10 =	vadd.f32 v5, v14;
	v5 =	vld [tilespmem:s22+$0x4C0];
	(pc) =	sbr.rel @p0 .LBB2_10-.Ltmp4, $4  }
0x1b1: {  	v12 =	vshll.u32 v7, $0x10;
	[tilespmem:s22+$0x410] =	vst v4;
	v4 =	vmax.f32 v9, $0.0e+00;
	v9 =	vadd.f32 v6, v13;
	v6 =	vld [tilespmem:s22+$0x490]  }
0x1b2: {  	v7 =	vand.u32 $0xFFFF0000, v7;
	[tilespmem:s22+$0x450] =	vst v4;
	v10 =	vmax.f32 v10, $0.0e+00;
	v12 =	vadd.f32 v12, v15;
	v4 =	vld [tilespmem:s22+$0x4D0]  }
0x1b3: {  	[tilespmem:s22+$0x420] =	vst v10;
	v9 =	vmax.f32 v9, $0.0e+00;
	v10 =	vadd.f32 v7, v11;
	v11 =	vshll.u32 v8, $0x10;
	v7 =	vld [tilespmem:s22+$0x4A0]  }
0x1b4: {  	s29 =	sadd.s32 $0x400, s29;
	[tilespmem:s22+$0x460] =	vst v9;
	v12 =	vmax.f32 v12, $0.0e+00;
	v9 =	vadd.f32 v11, v16;
	v11 =	vand.u32 $0xFFFF0000, v8;
	v8 =	vld [tilespmem:s22+$0x4E0]  }
0x1b5: {  	[tilespmem:s22+$0x430] =	vst v12;
	v10 =	vmax.f32 v10, $0.0e+00;
	v12 =	vld [tilespmem:s22+$0x4B0];
	v5 =	vadd.f32 v11, v5;
	v11 =	vshll.u32 v3, $0x10  }
0x1b6: {  	v3 =	vand.u32 $0xFFFF0000, v3;
	[tilespmem:s22+$0x470] =	vst v10;
	v9 =	vmax.f32 v9, $0.0e+00;
	v6 =	vadd.f32 v11, v6;
	v10 =	vld [tilespmem:s22+$0x4F0]  }
0x1b7: {  	[tilespmem:s22+$0x480] =	vst v9;
	v5 =	vmax.f32 v5, $0.0e+00;
	v3 =	vadd.f32 v3, v4;
	v4 =	vshll.u32 v2, $0x10  }
0x1b8: {  	v2 =	vand.u32 $0xFFFF0000, v2;
	[tilespmem:s22+$0x4C0] =	vst v5;
	v5 =	vmax.f32 v6, $0.0e+00;
	v4 =	vadd.f32 v4, v7  }
0x1b9: {  	[tilespmem:s22+$0x490] =	vst v5;
	v3 =	vmax.f32 v3, $0.0e+00;
	v2 =	vadd.f32 v2, v8;
	v5 =	vshll.u32 v1, $0x10  }
0x1ba: {  	v1 =	vand.u32 $0xFFFF0000, v1;
	[tilespmem:s22+$0x4D0] =	vst v3;
	v3 =	vmax.f32 v4, $0.0e+00;
	v4 =	vadd.f32 v5, v12  }
0x1bb: {  	[tilespmem:s22+$0x4A0] =	vst v3;
	v2 =	vmax.f32 v2, $0.0e+00;
	v1 =	vadd.f32 v1, v10  }
0x1bc: {  	[tilespmem:s22+$0x4E0] =	vst v2;
	v2 =	vmax.f32 v4, $0.0e+00  }
0x1bd: {  	[tilespmem:s22+$0x4B0] =	vst v2;
	v1 =	vmax.f32 v1, $0.0e+00  }
0x1be: {  	[dreg:$0x4] =	wrdreg s28;
	s0 =	simm.s32 $0x300;
	[tilespmem:s22+$0x4F0] =	vst v1  }
0x1bf: {  	[spmem:s2] =	stream.indirect.scatter.add.f32 [tilespmem:s20], [sflag:$0x9], $0x80, s0, s19, $0xb8;
	[tilespmem:$0x1DC80] =	vst v63  }
0x1c0: {  	s8 =	rddreg [dreg:$0x11];
	s0 =	simm.s32 $0x0  }
0x1c1: {  	[tilespmem:s30], [sflag:$0x2] =	stream.linear.gather [hbm4b:s8+s0], $0x80, $0x38;
	[tilespmem:$0x1DC80] =	vst v63  }
0x1c2: {  	s28 =	rddreg [dreg:$0x12];
	s30 =	simm.s32 $0x280  }
0x1c3: {  	[tilespmem:s30], [sflag:$0x2] =	stream.linear.gather [hbm4b:s28+s0], $0x80, $0x38;
	[tilespmem:$0x1DC80] =	vst v63  }
0x1c4: {  	_ =	swait.ge [sflag:s17], $0x80  }
0x1c5: {  	[sflag:s17] =	ssyncset.done $0x0  }
0x1c6: {  	[sflag:s17] =	ssyncadd.s32 $0xFFFFFF80  }
0x1c7: {  	_ =	swait.ge [sflag:s17], $0x80  }
0x1c8: {  	[sflag:s17] =	ssyncset.done $0x0  }
0x1c9: {  	[sflag:s17] =	ssyncadd.s32 $0xFFFFFF80  }
0x1ca: {  	_ =	swait.ge [sflag:s11], $0x2800  }
0x1cb: {  	[sflag:s11] =	ssyncset.done $0x0  }
0x1cc: {  	s31 =	rddreg [dreg:$0x13];
	[sflag:s11] =	ssyncadd.s32 $0xFFFFD800  }
0x1cd: {  	[tilespmem:s18], [sflag:$0x5] =	stream.linear.gather [hbm4b:s31+s0], $0x2800, $0x38;
	[tilespmem:$0x1DC80] =	vst v63  }
0x1ce: {  	_ = 	snop  }
0x1cf: {  	[tilespmem:s20], [sflag:$0x7] =	stream.indirect.gather [hbm4b:s1+s19], $0x80, s0, s19, $0xb8;
	[tilespmem:$0x1DC80] =	vst v63  }
0x1d0: {  	_ =	swait.ge [sflag:s3], $0x2800  }
0x1d1: {  	[sflag:s3] =	ssyncset.done $0x0  }
0x1d2: {  	[sflag:s3] =	ssyncadd.s32 $0xFFFFD800  }
0x1d3: {  	_ =	swait.ge [sflag:s24], $0x2800  }
0x1d4: {  	[sflag:s24] =	ssyncset.done $0x0  }
0x1d5: {  	s22 =	simm.s32 $0x0;
	[sflag:s24] =	ssyncadd.s32 $0xFFFFD800  }
0x1d6: {  	v4 =	vld [tilespmem:s22+$0x7C00]  }
0x1d7: {  	v5 =	vld [tilespmem:s22+$0x7C10]  }
0x1d8: {  	v7 =	vld [tilespmem:s22+$0x7C20]  }
0x1d9: {  	v8 =	vld [tilespmem:s22+$0x7C30]  }
0x1da: {  	v11 =	vld [tilespmem:s22+$0x7C80]  }
0x1db: {  	v3 =	vld [tilespmem:s22+$0x7C90]  }
0x1dc: {  	v6 =	vld [tilespmem:s22+$0x2C00]  }
0x1dd: {  	v2 =	vld [tilespmem:s22+$0x7CA0]  }
0x1de: {  	v9 =	vld [tilespmem:s22+$0x2C40]  }
0x1df: {  	v1 =	vld [tilespmem:s22+$0x7CB0]  }
0x1e0: {  	v10 =	vld [tilespmem:s22+$0x2C10];
	v13 =	vshll.u32 v4, $0x10  }
0x1e1: {  	v12 =	vld [tilespmem:s22+$0x2C50];
	v6 =	vadd.f32 v13, v6  }
0x1e2: {  	v14 =	vld [tilespmem:s22+$0x2C20];
	v4 =	vand.u32 $0xFFFF0000, v4  }
0x1e3: {  	v13 =	vld [tilespmem:s22+$0x2C60];
	v4 =	vadd.f32 v4, v9;
	v6 =	vmax.f32 v6, $0.0e+00  }
0x1e4: {  	v15 =	vld [tilespmem:s22+$0x2C30];
	[tilespmem:s22+$0x2C00] =	vst v6;
	v6 =	vshll.u32 v5, $0x10  }
0x1e5: {  	v9 =	vld [tilespmem:s22+$0x2C70];
	v4 =	vmax.f32 v4, $0.0e+00;
	v5 =	vand.u32 $0xFFFF0000, v5;
	v6 =	vadd.f32 v6, v10  }
0x1e6: {  	v16 =	vld [tilespmem:s22+$0x2C80];
	[tilespmem:s22+$0x2C40] =	vst v4;
	v4 =	vadd.f32 v5, v12;
	v10 =	vshll.u32 v7, $0x10  }
0x1e7: {  	v5 =	vld [tilespmem:s22+$0x2CC0];
	v7 =	vand.u32 $0xFFFF0000, v7;
	v10 =	vadd.f32 v10, v14;
	v6 =	vmax.f32 v6, $0.0e+00  }
0x1e8: {  	v12 =	vshll.u32 v8, $0x10;
	v7 =	vadd.f32 v7, v13;
	v4 =	vmax.f32 v4, $0.0e+00;
	[tilespmem:s22+$0x2C10] =	vst v6;
	v6 =	vld [tilespmem:s22+$0x2C90]  }
0x1e9: {  	v8 =	vand.u32 $0xFFFF0000, v8;
	v12 =	vadd.f32 v12, v15;
	[tilespmem:s22+$0x2C50] =	vst v4;
	v10 =	vmax.f32 v10, $0.0e+00;
	v4 =	vld [tilespmem:s22+$0x2CD0]  }
0x1ea: {  	v13 =	vmax.f32 v7, $0.0e+00;
	v7 =	vld [tilespmem:s22+$0x2CA0];
	[tilespmem:s22+$0x2C20] =	vst v10;
	v10 =	vadd.f32 v8, v9;
	v8 =	vshll.u32 v11, $0x10  }
0x1eb: {  	s29 =	simm.s32 $0x400;
	v12 =	vmax.f32 v12, $0.0e+00;
	[tilespmem:s22+$0x2C60] =	vst v13;
	v11 =	vand.u32 $0xFFFF0000, v11;
	v9 =	vadd.f32 v8, v16;
	v8 =	vld [tilespmem:s22+$0x2CE0]  }
.LBB2_12:
0x1ec: {  	p0 =	sne.s32 s29, $0x9C00;
	[tilespmem:s22+$0x2C30] =	vst v12;
	v10 =	vmax.f32 v10, $0.0e+00;
	v5 =	vadd.f32 v11, v5;
	v11 =	vshll.u32 v3, $0x10;
	v12 =	vld [tilespmem:s22+$0x2CB0]  }
0x1ed: {  	s0 =	sshra.s32 s29, $0x2;
	v3 =	vand.u32 $0xFFFF0000, v3;
	[tilespmem:s22+$0x2C70] =	vst v10;
	v9 =	vmax.f32 v9, $0.0e+00;
	v6 =	vadd.f32 v11, v6;
	v10 =	vld [tilespmem:s22+$0x2CF0]  }
0x1ee: {  	v11 =	vld [tilespmem:s0+$0x7C00];
	[tilespmem:s22+$0x2C80] =	vst v9;
	v5 =	vmax.f32 v5, $0.0e+00;
	v3 =	vadd.f32 v3, v4;
	v4 =	vshll.u32 v2, $0x10  }
0x1ef: {  	v2 =	vand.u32 $0xFFFF0000, v2;
	v9 =	vld [tilespmem:s0+$0x7C10];
	[tilespmem:s22+$0x2CC0] =	vst v5;
	v5 =	vmax.f32 v6, $0.0e+00;
	v4 =	vadd.f32 v4, v7  }
0x1f0: {  	v6 =	vld [tilespmem:s0+$0x7C20];
	[tilespmem:s22+$0x2C90] =	vst v5;
	v3 =	vmax.f32 v3, $0.0e+00;
	v2 =	vadd.f32 v2, v8;
	v5 =	vshll.u32 v1, $0x10  }
0x1f1: {  	v1 =	vand.u32 $0xFFFF0000, v1;
	v7 =	vld [tilespmem:s0+$0x7C30];
	[tilespmem:s22+$0x2CD0] =	vst v3;
	v3 =	vmax.f32 v4, $0.0e+00;
	v4 =	vadd.f32 v5, v12  }
0x1f2: {  	v8 =	vld [tilespmem:s0+$0x7C80];
	[tilespmem:s22+$0x2CA0] =	vst v3;
	v2 =	vmax.f32 v2, $0.0e+00;
	v1 =	vadd.f32 v1, v10  }
0x1f3: {  	v3 =	vld [tilespmem:s0+$0x7C90];
	[tilespmem:s22+$0x2CE0] =	vst v2;
	v4 =	vmax.f32 v4, $0.0e+00  }
0x1f4: {  	v2 =	vld [tilespmem:s0+$0x7CA0];
	[tilespmem:s22+$0x2CB0] =	vst v4;
	v4 =	vmax.f32 v1, $0.0e+00  }
0x1f5: {  	v1 =	vld [tilespmem:s0+$0x7CB0];
	[tilespmem:s22+$0x2CF0] =	vst v4;
	s22 =	smov.u32 s0  }
0x1f6: {  	v4 =	vld [tilespmem:s22+$0x2C00]  }
0x1f7: {  	v5 =	vld [tilespmem:s22+$0x2C40]  }
0x1f8: {  	v10 =	vld [tilespmem:s22+$0x2C10]  }
0x1f9: {  	v12 =	vld [tilespmem:s22+$0x2C50]  }
0x1fa: {  	v13 =	vshll.u32 v11, $0x10;
	v14 =	vld [tilespmem:s22+$0x2C20]  }
0x1fb: {  	v11 =	vand.u32 $0xFFFF0000, v11;
	v4 =	vadd.f32 v13, v4;
	v13 =	vld [tilespmem:s22+$0x2C60]  }
0x1fc: {  	v5 =	vadd.f32 v11, v5;
	v11 =	vshll.u32 v9, $0x10;
	v15 =	vld [tilespmem:s22+$0x2C30]  }
0x1fd: {  	v9 =	vand.u32 $0xFFFF0000, v9;
	v4 =	vmax.f32 v4, $0.0e+00;
	v10 =	vadd.f32 v11, v10;
	v11 =	vld [tilespmem:s22+$0x2C70]  }
0x1fe: {  	[tilespmem:s22+$0x2C00] =	vst v4;
	v4 =	vmax.f32 v5, $0.0e+00;
	v9 =	vadd.f32 v9, v12;
	v5 =	vshll.u32 v6, $0x10;
	v16 =	vld [tilespmem:s22+$0x2C80]  }
.Ltmp5:
0x1ff: {  	v6 =	vand.u32 $0xFFFF0000, v6;
	[tilespmem:s22+$0x2C40] =	vst v4;
	v4 =	vmax.f32 v10, $0.0e+00;
	v10 =	vadd.f32 v5, v14;
	v5 =	vld [tilespmem:s22+$0x2CC0];
	(pc) =	sbr.rel @p0 .LBB2_12-.Ltmp5, $4  }
0x200: {  	v12 =	vshll.u32 v7, $0x10;
	[tilespmem:s22+$0x2C10] =	vst v4;
	v4 =	vmax.f32 v9, $0.0e+00;
	v9 =	vadd.f32 v6, v13;
	v6 =	vld [tilespmem:s22+$0x2C90]  }
0x201: {  	v7 =	vand.u32 $0xFFFF0000, v7;
	[tilespmem:s22+$0x2C50] =	vst v4;
	v10 =	vmax.f32 v10, $0.0e+00;
	v12 =	vadd.f32 v12, v15;
	v4 =	vld [tilespmem:s22+$0x2CD0]  }
0x202: {  	[tilespmem:s22+$0x2C20] =	vst v10;
	v9 =	vmax.f32 v9, $0.0e+00;
	v10 =	vadd.f32 v7, v11;
	v11 =	vshll.u32 v8, $0x10;
	v7 =	vld [tilespmem:s22+$0x2CA0]  }
0x203: {  	s29 =	sadd.s32 $0x400, s29;
	[tilespmem:s22+$0x2C60] =	vst v9;
	v12 =	vmax.f32 v12, $0.0e+00;
	v9 =	vadd.f32 v11, v16;
	v11 =	vand.u32 $0xFFFF0000, v8;
	v8 =	vld [tilespmem:s22+$0x2CE0]  }
0x204: {  	[tilespmem:s22+$0x2C30] =	vst v12;
	v10 =	vmax.f32 v10, $0.0e+00;
	v57 =	vld [tilespmem:s22+$0x2CB0];
	v5 =	vadd.f32 v11, v5;
	v58 =	vshll.u32 v3, $0x10  }
0x205: {  	v3 =	vand.u32 $0xFFFF0000, v3;
	v59 =	vld [tilespmem:s22+$0x2CF0];
	[tilespmem:s22+$0x2C70] =	vst v10;
	v9 =	vmax.f32 v9, $0.0e+00;
	v6 =	vadd.f32 v58, v6  }
0x206: {  	v60 =	vshll.u32 v2, $0x10;
	[tilespmem:s22+$0x2C80] =	vst v9;
	v5 =	vmax.f32 v5, $0.0e+00;
	v3 =	vadd.f32 v3, v4  }
0x207: {  	v2 =	vand.u32 $0xFFFF0000, v2;
	[tilespmem:s22+$0x2CC0] =	vst v5;
	v61 =	vmax.f32 v6, $0.0e+00;
	v4 =	vadd.f32 v60, v7  }
0x208: {  	v62 =	vshll.u32 v1, $0x10;
	[tilespmem:s22+$0x2C90] =	vst v61;
	v3 =	vmax.f32 v3, $0.0e+00;
	v2 =	vadd.f32 v2, v8  }
0x209: {  	v1 =	vand.u32 $0xFFFF0000, v1;
	[tilespmem:s22+$0x2CD0] =	vst v3;
	v3 =	vmax.f32 v4, $0.0e+00;
	v63 =	vadd.f32 v62, v57  }
0x20a: {  	v1 =	vadd.f32 v1, v59;
	[tilespmem:s22+$0x2CA0] =	vst v3;
	v2 =	vmax.f32 v2, $0.0e+00  }
0x20b: {  	[tilespmem:s22+$0x2CE0] =	vst v2;
	v2 =	vmax.f32 v63, $0.0e+00  }
0x20c: {  	v1 =	vmax.f32 v1, $0.0e+00;
	[tilespmem:s22+$0x2CB0] =	vst v2  }
0x20d: {  	[tilespmem:s22+$0x2CF0] =	vst v1  }
0x20e: {  	[spmem:s2] =	stream.indirect.scatter.add.f32 [tilespmem:s25], [sflag:$0xA], $0x80, s12, s19, $0xb8;
	[tilespmem:$0x1DC80] =	vst v63  }
0x20f: {  	s0 =	rddreg [dreg:$0x16];
	s8 =	simm.s32 $0x100;
	s22 =	simm.s32 $0x0  }
0x210: {  	[tilespmem:s8], [sflag:$0x3] =	stream.linear.gather [hbm4b:s0+s22], $0x80, $0x38;
	[tilespmem:$0x1DC80] =	vst v63  }
0x211: {  	s30 =	rddreg [dreg:$0x17];
	s31 =	simm.s32 $0x300  }
0x212: {  	[tilespmem:s31], [sflag:$0x3] =	stream.linear.gather [hbm4b:s30+s22], $0x80, $0x38;
	[tilespmem:$0x1DC80] =	vst v63  }
.LBB2_14:
0x213: {  	p0 =	seq.s32 s22, $0x1E  }
0x214: {  	s0 =	simm.s32 @!p0 $0x2  }
0x215: {  	_ =	swait.ge @!p0 [sflag:s0], $0x80  }
0x216: {  	[sflag:s0] =	ssyncset.done @!p0 $0x0  }
0x217: {  	[sflag:s0] =	ssyncadd.s32 @!p0 $0xFFFFFF80  }
0x218: {  	_ =	swait.ge @!p0 [sflag:s0], $0x80  }
0x219: {  	[sflag:s0] =	ssyncset.done @!p0 $0x0  }
0x21a: {  	[sflag:s0] =	ssyncadd.s32 @!p0 $0xFFFFFF80;
	s0 =	simm.s32 @!p0 $0xA  }
0x21b: {  	_ =	swait.ge @!p0 [sflag:s0], $0x2800  }
0x21c: {  	s29 =	sshll.u32 s22, $0x7;
	s8 =	rddreg [dreg:$0x18]  }
0x21d: {  	s8 =	sadd.s32 @!p0 s8, s29  }
0x21e: {  	s8 =	smul.u32 @!p0 $0x500, s8  }
0x21f: {  	s30 =	simm.s32 @!p0 $0x7C00;
	[sflag:s0] =	ssyncset.done @!p0 $0x0  }
0x220: {  	[sflag:s0] =	ssyncadd.s32 @!p0 $0xFFFFD800;
	s0 =	sadd.s32 @!p0 s5, s8;
	s8 =	simm.s32 @!p0 $0x0  }
0x221: {  	[tilespmem:s30], [sflag:$0x6] =	stream.linear.gather @!p0 [hbm4b:s0+s8], $0x2800, $0x38;
	[tilespmem:$0x1DC80] =	vst v63  }
0x222: {  	s0 =	simm.s32 @!p0 $0x50;
	s8 =	simm.s32 @!p0 $0x80;
	s30 =	simm.s32 @!p0 $0x2C00  }
0x223: {  	[tilespmem:s30], [sflag:$0x8] =	stream.indirect.gather @!p0 [hbm4b:s1+s0], $0x80, s8, s0, $0xb8;
	[tilespmem:$0x1DC80] =	vst v63  }
0x224: {  	_ =	swait.ge [sflag:s26], $0x2800  }
0x225: {  	[sflag:s26] =	ssyncset.done $0x0  }
0x226: {  	[sflag:s26] =	ssyncadd.s32 $0xFFFFD800  }
0x227: {  	_ =	swait.ge [sflag:s10], $0x2800  }
0x228: {  	[sflag:s10] =	ssyncset.done $0x0  }
0x229: {  	s30 =	simm.s32 $0x0;
	[sflag:s10] =	ssyncadd.s32 $0xFFFFD800  }
0x22a: {  	v4 =	vld [tilespmem:s30+$0x5400]  }
0x22b: {  	v5 =	vld [tilespmem:s30+$0x5410]  }
0x22c: {  	v7 =	vld [tilespmem:s30+$0x5420]  }
0x22d: {  	v8 =	vld [tilespmem:s30+$0x5430]  }
0x22e: {  	v11 =	vld [tilespmem:s30+$0x5480]  }
0x22f: {  	v3 =	vld [tilespmem:s30+$0x5490]  }
0x230: {  	v6 =	vld [tilespmem:s30+$0x400]  }
0x231: {  	v2 =	vld [tilespmem:s30+$0x54A0]  }
0x232: {  	v9 =	vld [tilespmem:s30+$0x440]  }
0x233: {  	v1 =	vld [tilespmem:s30+$0x54B0]  }
0x234: {  	v10 =	vld [tilespmem:s30+$0x410];
	v13 =	vshll.u32 v4, $0x10  }
0x235: {  	v12 =	vld [tilespmem:s30+$0x450];
	v6 =	vadd.f32 v13, v6  }
0x236: {  	v14 =	vld [tilespmem:s30+$0x420];
	v4 =	vand.u32 $0xFFFF0000, v4  }
0x237: {  	v13 =	vld [tilespmem:s30+$0x460];
	v4 =	vadd.f32 v4, v9;
	v6 =	vmax.f32 v6, $0.0e+00  }
0x238: {  	v15 =	vld [tilespmem:s30+$0x430];
	[tilespmem:s30+$0x400] =	vst v6;
	v6 =	vshll.u32 v5, $0x10  }
0x239: {  	v9 =	vld [tilespmem:s30+$0x470];
	v4 =	vmax.f32 v4, $0.0e+00;
	v5 =	vand.u32 $0xFFFF0000, v5;
	v6 =	vadd.f32 v6, v10  }
0x23a: {  	v16 =	vld [tilespmem:s30+$0x480];
	[tilespmem:s30+$0x440] =	vst v4;
	v4 =	vadd.f32 v5, v12;
	v10 =	vshll.u32 v7, $0x10  }
0x23b: {  	v5 =	vld [tilespmem:s30+$0x4C0];
	v7 =	vand.u32 $0xFFFF0000, v7;
	v10 =	vadd.f32 v10, v14;
	v6 =	vmax.f32 v6, $0.0e+00  }
0x23c: {  	v12 =	vshll.u32 v8, $0x10;
	v7 =	vadd.f32 v7, v13;
	v4 =	vmax.f32 v4, $0.0e+00;
	[tilespmem:s30+$0x410] =	vst v6;
	v6 =	vld [tilespmem:s30+$0x490]  }
0x23d: {  	v8 =	vand.u32 $0xFFFF0000, v8;
	v12 =	vadd.f32 v12, v15;
	[tilespmem:s30+$0x450] =	vst v4;
	v10 =	vmax.f32 v10, $0.0e+00;
	v4 =	vld [tilespmem:s30+$0x4D0]  }
0x23e: {  	v13 =	vmax.f32 v7, $0.0e+00;
	v7 =	vld [tilespmem:s30+$0x4A0];
	[tilespmem:s30+$0x420] =	vst v10;
	v10 =	vadd.f32 v8, v9;
	v8 =	vshll.u32 v11, $0x10  }
0x23f: {  	s31 =	simm.s32 $0x400;
	v12 =	vmax.f32 v12, $0.0e+00;
	[tilespmem:s30+$0x460] =	vst v13;
	v11 =	vand.u32 $0xFFFF0000, v11;
	v9 =	vadd.f32 v8, v16;
	v8 =	vld [tilespmem:s30+$0x4E0]  }
.LBB2_15:
0x240: {  	p1 =	sne.s32 s31, $0x9C00;
	[tilespmem:s30+$0x430] =	vst v12;
	v10 =	vmax.f32 v10, $0.0e+00;
	v5 =	vadd.f32 v11, v5;
	v11 =	vshll.u32 v3, $0x10;
	v12 =	vld [tilespmem:s30+$0x4B0]  }
0x241: {  	s0 =	sshra.s32 s31, $0x2;
	v3 =	vand.u32 $0xFFFF0000, v3;
	[tilespmem:s30+$0x470] =	vst v10;
	v9 =	vmax.f32 v9, $0.0e+00;
	v6 =	vadd.f32 v11, v6;
	v10 =	vld [tilespmem:s30+$0x4F0]  }
0x242: {  	v11 =	vld [tilespmem:s0+$0x5400];
	[tilespmem:s30+$0x480] =	vst v9;
	v5 =	vmax.f32 v5, $0.0e+00;
	v3 =	vadd.f32 v3, v4;
	v4 =	vshll.u32 v2, $0x10  }
0x243: {  	v2 =	vand.u32 $0xFFFF0000, v2;
	v9 =	vld [tilespmem:s0+$0x5410];
	[tilespmem:s30+$0x4C0] =	vst v5;
	v5 =	vmax.f32 v6, $0.0e+00;
	v4 =	vadd.f32 v4, v7  }
0x244: {  	v6 =	vld [tilespmem:s0+$0x5420];
	[tilespmem:s30+$0x490] =	vst v5;
	v3 =	vmax.f32 v3, $0.0e+00;
	v2 =	vadd.f32 v2, v8;
	v5 =	vshll.u32 v1, $0x10  }
0x245: {  	v1 =	vand.u32 $0xFFFF0000, v1;
	v7 =	vld [tilespmem:s0+$0x5430];
	[tilespmem:s30+$0x4D0] =	vst v3;
	v3 =	vmax.f32 v4, $0.0e+00;
	v4 =	vadd.f32 v5, v12  }
0x246: {  	v8 =	vld [tilespmem:s0+$0x5480];
	[tilespmem:s30+$0x4A0] =	vst v3;
	v2 =	vmax.f32 v2, $0.0e+00;
	v1 =	vadd.f32 v1, v10  }
0x247: {  	v3 =	vld [tilespmem:s0+$0x5490];
	[tilespmem:s30+$0x4E0] =	vst v2;
	v4 =	vmax.f32 v4, $0.0e+00  }
0x248: {  	v2 =	vld [tilespmem:s0+$0x54A0];
	[tilespmem:s30+$0x4B0] =	vst v4;
	v4 =	vmax.f32 v1, $0.0e+00  }
0x249: {  	v1 =	vld [tilespmem:s0+$0x54B0];
	[tilespmem:s30+$0x4F0] =	vst v4;
	s30 =	smov.u32 s0  }
0x24a: {  	v4 =	vld [tilespmem:s30+$0x400]  }
0x24b: {  	v5 =	vld [tilespmem:s30+$0x440]  }
0x24c: {  	v10 =	vld [tilespmem:s30+$0x410]  }
0x24d: {  	v12 =	vld [tilespmem:s30+$0x450]  }
0x24e: {  	v13 =	vshll.u32 v11, $0x10;
	v14 =	vld [tilespmem:s30+$0x420]  }
0x24f: {  	v11 =	vand.u32 $0xFFFF0000, v11;
	v4 =	vadd.f32 v13, v4;
	v13 =	vld [tilespmem:s30+$0x460]  }
0x250: {  	v5 =	vadd.f32 v11, v5;
	v11 =	vshll.u32 v9, $0x10;
	v15 =	vld [tilespmem:s30+$0x430]  }
0x251: {  	v9 =	vand.u32 $0xFFFF0000, v9;
	v4 =	vmax.f32 v4, $0.0e+00;
	v10 =	vadd.f32 v11, v10;
	v11 =	vld [tilespmem:s30+$0x470]  }
0x252: {  	[tilespmem:s30+$0x400] =	vst v4;
	v4 =	vmax.f32 v5, $0.0e+00;
	v9 =	vadd.f32 v9, v12;
	v5 =	vshll.u32 v6, $0x10;
	v16 =	vld [tilespmem:s30+$0x480]  }
.Ltmp6:
0x253: {  	v6 =	vand.u32 $0xFFFF0000, v6;
	[tilespmem:s30+$0x440] =	vst v4;
	v4 =	vmax.f32 v10, $0.0e+00;
	v10 =	vadd.f32 v5, v14;
	v5 =	vld [tilespmem:s30+$0x4C0];
	(pc) =	sbr.rel @p1 .LBB2_15-.Ltmp6, $4  }
0x254: {  	v12 =	vshll.u32 v7, $0x10;
	[tilespmem:s30+$0x410] =	vst v4;
	v4 =	vmax.f32 v9, $0.0e+00;
	v9 =	vadd.f32 v6, v13;
	v6 =	vld [tilespmem:s30+$0x490]  }
0x255: {  	v7 =	vand.u32 $0xFFFF0000, v7;
	[tilespmem:s30+$0x450] =	vst v4;
	v10 =	vmax.f32 v10, $0.0e+00;
	v12 =	vadd.f32 v12, v15;
	v4 =	vld [tilespmem:s30+$0x4D0]  }
0x256: {  	[tilespmem:s30+$0x420] =	vst v10;
	v9 =	vmax.f32 v9, $0.0e+00;
	v10 =	vadd.f32 v7, v11;
	v11 =	vshll.u32 v8, $0x10;
	v7 =	vld [tilespmem:s30+$0x4A0]  }
0x257: {  	s31 =	sadd.s32 $0x400, s31;
	[tilespmem:s30+$0x460] =	vst v9;
	v12 =	vmax.f32 v12, $0.0e+00;
	v9 =	vadd.f32 v11, v16;
	v11 =	vand.u32 $0xFFFF0000, v8;
	v8 =	vld [tilespmem:s30+$0x4E0]  }
0x258: {  	[tilespmem:s30+$0x430] =	vst v12;
	v10 =	vmax.f32 v10, $0.0e+00;
	v57 =	vld [tilespmem:s30+$0x4B0];
	v5 =	vadd.f32 v11, v5;
	v58 =	vshll.u32 v3, $0x10  }
0x259: {  	v3 =	vand.u32 $0xFFFF0000, v3;
	v59 =	vld [tilespmem:s30+$0x4F0];
	[tilespmem:s30+$0x470] =	vst v10;
	v9 =	vmax.f32 v9, $0.0e+00;
	v6 =	vadd.f32 v58, v6  }
0x25a: {  	v60 =	vshll.u32 v2, $0x10;
	[tilespmem:s30+$0x480] =	vst v9;
	v5 =	vmax.f32 v5, $0.0e+00;
	v3 =	vadd.f32 v3, v4  }
0x25b: {  	v2 =	vand.u32 $0xFFFF0000, v2;
	[tilespmem:s30+$0x4C0] =	vst v5;
	v61 =	vmax.f32 v6, $0.0e+00;
	v4 =	vadd.f32 v60, v7  }
0x25c: {  	v62 =	vshll.u32 v1, $0x10;
	[tilespmem:s30+$0x490] =	vst v61;
	v3 =	vmax.f32 v3, $0.0e+00;
	v2 =	vadd.f32 v2, v8  }
0x25d: {  	v1 =	vand.u32 $0xFFFF0000, v1;
	[tilespmem:s30+$0x4D0] =	vst v3;
	v3 =	vmax.f32 v4, $0.0e+00;
	v63 =	vadd.f32 v62, v57  }
.Ltmp7:
0x25e: {  	v1 =	vadd.f32 v1, v59;
	[tilespmem:s30+$0x4A0] =	vst v3;
	v2 =	vmax.f32 v2, $0.0e+00;
	(pc) =	sbr.rel @p0 .LBB2_24-.Ltmp7, $4  }
0x25f: {  	[tilespmem:s30+$0x4E0] =	vst v2;
	v2 =	vmax.f32 v63, $0.0e+00  }
0x260: {  	v1 =	vmax.f32 v1, $0.0e+00;
	[tilespmem:s30+$0x4B0] =	vst v2  }
0x261: {  	[tilespmem:s30+$0x4F0] =	vst v1  }
0x262: {  	[spmem:s2] =	stream.indirect.scatter.add.f32 [tilespmem:s20], [sflag:$0x9], $0x80, s14, s19, $0xb8;
	[tilespmem:$0x1DC80] =	vst v63  }
0x263: {  	s0 =	rddreg [dreg:$0x19]  }
0x264: {  	s31 =	sadd.s32 s0, s29  }
0x265: {  	s0 =	sshll.u32 s31, $0x4  }
0x266: {  	s0 =	sand.u32 $0x1FF80, s0  }
0x267: {  	s0 =	sor.u32 s9, s0  }
0x268: {  	s30 =	simm.s32 $0x0;
	s8 =	sadd.s32 s6, s0  }
0x269: {  	[tilespmem:s15], [sflag:$0x4] =	stream.linear.gather [hbm4b:s8+s30], $0x80, $0x38;
	[tilespmem:$0x1DC80] =	vst v63  }
0x26a: {  	s0 =	sadd.s32 s7, s0  }
0x26b: {  	[tilespmem:s12], [sflag:$0x4] =	stream.linear.gather [hbm4b:s0+s30], $0x80, $0x38;
	[tilespmem:$0x1DC80] =	vst v63  }
0x26c: {  	_ =	swait.ge [sflag:s23], $0x80  }
0x26d: {  	[sflag:s23] =	ssyncset.done $0x0  }
0x26e: {  	[sflag:s23] =	ssyncadd.s32 $0xFFFFFF80  }
0x26f: {  	_ =	swait.ge [sflag:s23], $0x80  }
0x270: {  	[sflag:s23] =	ssyncset.done $0x0;
	s8 =	rddreg [dreg:$0x1a]  }
0x271: {  	[sflag:s23] =	ssyncadd.s32 $0xFFFFFF80;
	s0 =	sadd.s32 s8, s29  }
0x272: {  	_ =	swait.ge [sflag:s11], $0x2800;
	s0 =	smul.u32 $0x500, s0  }
0x273: {  	[sflag:s11] =	ssyncset.done $0x0  }
0x274: {  	[sflag:s11] =	ssyncadd.s32 $0xFFFFD800;
	s0 =	sadd.s32 s5, s0  }
0x275: {  	[tilespmem:s18], [sflag:$0x5] =	stream.linear.gather [hbm4b:s0+s30], $0x2800, $0x38;
	[tilespmem:$0x1DC80] =	vst v63  }
0x276: {  	s28 =	simm.s32 $0x100  }
0x277: {  	[tilespmem:s20], [sflag:$0x7] =	stream.indirect.gather [hbm4b:s1+s19], $0x80, s28, s19, $0xb8;
	[tilespmem:$0x1DC80] =	vst v63  }
0x278: {  	_ =	swait.ge [sflag:s3], $0x2800  }
0x279: {  	[sflag:s3] =	ssyncset.done $0x0  }
0x27a: {  	[sflag:s3] =	ssyncadd.s32 $0xFFFFD800  }
0x27b: {  	_ =	swait.ge [sflag:s24], $0x2800  }
0x27c: {  	[sflag:s24] =	ssyncset.done $0x0  }
0x27d: {  	s30 =	simm.s32 $0x0;
	[sflag:s24] =	ssyncadd.s32 $0xFFFFD800  }
0x27e: {  	v4 =	vld [tilespmem:s30+$0x7C00]  }
0x27f: {  	v5 =	vld [tilespmem:s30+$0x7C10]  }
0x280: {  	v7 =	vld [tilespmem:s30+$0x7C20]  }
0x281: {  	v8 =	vld [tilespmem:s30+$0x7C30]  }
0x282: {  	v11 =	vld [tilespmem:s30+$0x7C80]  }
0x283: {  	v3 =	vld [tilespmem:s30+$0x7C90]  }
0x284: {  	v6 =	vld [tilespmem:s30+$0x2C00]  }
0x285: {  	v2 =	vld [tilespmem:s30+$0x7CA0]  }
0x286: {  	v9 =	vld [tilespmem:s30+$0x2C40]  }
0x287: {  	v1 =	vld [tilespmem:s30+$0x7CB0]  }
0x288: {  	v10 =	vld [tilespmem:s30+$0x2C10];
	v13 =	vshll.u32 v4, $0x10  }
0x289: {  	v12 =	vld [tilespmem:s30+$0x2C50];
	v6 =	vadd.f32 v13, v6  }
0x28a: {  	v14 =	vld [tilespmem:s30+$0x2C20];
	v4 =	vand.u32 $0xFFFF0000, v4  }
0x28b: {  	v13 =	vld [tilespmem:s30+$0x2C60];
	v4 =	vadd.f32 v4, v9;
	v6 =	vmax.f32 v6, $0.0e+00  }
0x28c: {  	v15 =	vld [tilespmem:s30+$0x2C30];
	[tilespmem:s30+$0x2C00] =	vst v6;
	v6 =	vshll.u32 v5, $0x10  }
0x28d: {  	v9 =	vld [tilespmem:s30+$0x2C70];
	v4 =	vmax.f32 v4, $0.0e+00;
	v5 =	vand.u32 $0xFFFF0000, v5;
	v6 =	vadd.f32 v6, v10  }
0x28e: {  	v16 =	vld [tilespmem:s30+$0x2C80];
	[tilespmem:s30+$0x2C40] =	vst v4;
	v4 =	vadd.f32 v5, v12;
	v10 =	vshll.u32 v7, $0x10  }
0x28f: {  	v5 =	vld [tilespmem:s30+$0x2CC0];
	v7 =	vand.u32 $0xFFFF0000, v7;
	v10 =	vadd.f32 v10, v14;
	v6 =	vmax.f32 v6, $0.0e+00  }
0x290: {  	v12 =	vshll.u32 v8, $0x10;
	v7 =	vadd.f32 v7, v13;
	v4 =	vmax.f32 v4, $0.0e+00;
	[tilespmem:s30+$0x2C10] =	vst v6;
	v6 =	vld [tilespmem:s30+$0x2C90]  }
0x291: {  	v8 =	vand.u32 $0xFFFF0000, v8;
	v12 =	vadd.f32 v12, v15;
	[tilespmem:s30+$0x2C50] =	vst v4;
	v10 =	vmax.f32 v10, $0.0e+00;
	v4 =	vld [tilespmem:s30+$0x2CD0]  }
0x292: {  	v13 =	vmax.f32 v7, $0.0e+00;
	v7 =	vld [tilespmem:s30+$0x2CA0];
	[tilespmem:s30+$0x2C20] =	vst v10;
	v10 =	vadd.f32 v8, v9;
	v8 =	vshll.u32 v11, $0x10  }
0x293: {  	s0 =	simm.s32 $0x400;
	v12 =	vmax.f32 v12, $0.0e+00;
	[tilespmem:s30+$0x2C60] =	vst v13;
	v11 =	vand.u32 $0xFFFF0000, v11;
	v9 =	vadd.f32 v8, v16;
	v8 =	vld [tilespmem:s30+$0x2CE0]  }
.LBB2_18:
0x294: {  	p0 =	sne.s32 s0, $0x9C00;
	[tilespmem:s30+$0x2C30] =	vst v12;
	v10 =	vmax.f32 v10, $0.0e+00;
	v5 =	vadd.f32 v11, v5;
	v11 =	vshll.u32 v3, $0x10;
	v12 =	vld [tilespmem:s30+$0x2CB0]  }
0x295: {  	s8 =	sshra.s32 s0, $0x2;
	v3 =	vand.u32 $0xFFFF0000, v3;
	[tilespmem:s30+$0x2C70] =	vst v10;
	v9 =	vmax.f32 v9, $0.0e+00;
	v6 =	vadd.f32 v11, v6;
	v10 =	vld [tilespmem:s30+$0x2CF0]  }
0x296: {  	v11 =	vld [tilespmem:s8+$0x7C00];
	[tilespmem:s30+$0x2C80] =	vst v9;
	v5 =	vmax.f32 v5, $0.0e+00;
	v3 =	vadd.f32 v3, v4;
	v4 =	vshll.u32 v2, $0x10  }
0x297: {  	v2 =	vand.u32 $0xFFFF0000, v2;
	v9 =	vld [tilespmem:s8+$0x7C10];
	[tilespmem:s30+$0x2CC0] =	vst v5;
	v5 =	vmax.f32 v6, $0.0e+00;
	v4 =	vadd.f32 v4, v7  }
0x298: {  	v6 =	vld [tilespmem:s8+$0x7C20];
	[tilespmem:s30+$0x2C90] =	vst v5;
	v3 =	vmax.f32 v3, $0.0e+00;
	v2 =	vadd.f32 v2, v8;
	v5 =	vshll.u32 v1, $0x10  }
0x299: {  	v1 =	vand.u32 $0xFFFF0000, v1;
	v7 =	vld [tilespmem:s8+$0x7C30];
	[tilespmem:s30+$0x2CD0] =	vst v3;
	v3 =	vmax.f32 v4, $0.0e+00;
	v4 =	vadd.f32 v5, v12  }
0x29a: {  	v8 =	vld [tilespmem:s8+$0x7C80];
	[tilespmem:s30+$0x2CA0] =	vst v3;
	v2 =	vmax.f32 v2, $0.0e+00;
	v1 =	vadd.f32 v1, v10  }
0x29b: {  	v3 =	vld [tilespmem:s8+$0x7C90];
	[tilespmem:s30+$0x2CE0] =	vst v2;
	v4 =	vmax.f32 v4, $0.0e+00  }
0x29c: {  	v2 =	vld [tilespmem:s8+$0x7CA0];
	[tilespmem:s30+$0x2CB0] =	vst v4;
	v4 =	vmax.f32 v1, $0.0e+00  }
0x29d: {  	v1 =	vld [tilespmem:s8+$0x7CB0];
	[tilespmem:s30+$0x2CF0] =	vst v4;
	s30 =	smov.u32 s8  }
0x29e: {  	v4 =	vld [tilespmem:s30+$0x2C00]  }
0x29f: {  	v5 =	vld [tilespmem:s30+$0x2C40]  }
0x2a0: {  	v10 =	vld [tilespmem:s30+$0x2C10]  }
0x2a1: {  	v12 =	vld [tilespmem:s30+$0x2C50]  }
0x2a2: {  	v13 =	vshll.u32 v11, $0x10;
	v14 =	vld [tilespmem:s30+$0x2C20]  }
0x2a3: {  	v11 =	vand.u32 $0xFFFF0000, v11;
	v4 =	vadd.f32 v13, v4;
	v13 =	vld [tilespmem:s30+$0x2C60]  }
0x2a4: {  	v5 =	vadd.f32 v11, v5;
	v11 =	vshll.u32 v9, $0x10;
	v15 =	vld [tilespmem:s30+$0x2C30]  }
0x2a5: {  	v9 =	vand.u32 $0xFFFF0000, v9;
	v4 =	vmax.f32 v4, $0.0e+00;
	v10 =	vadd.f32 v11, v10;
	v11 =	vld [tilespmem:s30+$0x2C70]  }
0x2a6: {  	[tilespmem:s30+$0x2C00] =	vst v4;
	v4 =	vmax.f32 v5, $0.0e+00;
	v9 =	vadd.f32 v9, v12;
	v5 =	vshll.u32 v6, $0x10;
	v16 =	vld [tilespmem:s30+$0x2C80]  }
.Ltmp8:
0x2a7: {  	v6 =	vand.u32 $0xFFFF0000, v6;
	[tilespmem:s30+$0x2C40] =	vst v4;
	v4 =	vmax.f32 v10, $0.0e+00;
	v10 =	vadd.f32 v5, v14;
	v5 =	vld [tilespmem:s30+$0x2CC0];
	(pc) =	sbr.rel @p0 .LBB2_18-.Ltmp8, $4  }
0x2a8: {  	v12 =	vshll.u32 v7, $0x10;
	[tilespmem:s30+$0x2C10] =	vst v4;
	v4 =	vmax.f32 v9, $0.0e+00;
	v9 =	vadd.f32 v6, v13;
	v6 =	vld [tilespmem:s30+$0x2C90]  }
0x2a9: {  	v7 =	vand.u32 $0xFFFF0000, v7;
	[tilespmem:s30+$0x2C50] =	vst v4;
	v10 =	vmax.f32 v10, $0.0e+00;
	v12 =	vadd.f32 v12, v15;
	v4 =	vld [tilespmem:s30+$0x2CD0]  }
0x2aa: {  	[tilespmem:s30+$0x2C20] =	vst v10;
	v9 =	vmax.f32 v9, $0.0e+00;
	v10 =	vadd.f32 v7, v11;
	v11 =	vshll.u32 v8, $0x10;
	v7 =	vld [tilespmem:s30+$0x2CA0]  }
0x2ab: {  	s0 =	sadd.s32 $0x400, s0;
	[tilespmem:s30+$0x2C60] =	vst v9;
	v12 =	vmax.f32 v12, $0.0e+00;
	v9 =	vadd.f32 v11, v16;
	v11 =	vand.u32 $0xFFFF0000, v8;
	v8 =	vld [tilespmem:s30+$0x2CE0]  }
0x2ac: {  	[tilespmem:s30+$0x2C30] =	vst v12;
	v10 =	vmax.f32 v10, $0.0e+00;
	v12 =	vld [tilespmem:s30+$0x2CB0];
	v5 =	vadd.f32 v11, v5;
	v11 =	vshll.u32 v3, $0x10  }
0x2ad: {  	v3 =	vand.u32 $0xFFFF0000, v3;
	[tilespmem:s30+$0x2C70] =	vst v10;
	v9 =	vmax.f32 v9, $0.0e+00;
	v6 =	vadd.f32 v11, v6;
	v10 =	vld [tilespmem:s30+$0x2CF0]  }
0x2ae: {  	[tilespmem:s30+$0x2C80] =	vst v9;
	v5 =	vmax.f32 v5, $0.0e+00;
	v3 =	vadd.f32 v3, v4;
	v4 =	vshll.u32 v2, $0x10  }
0x2af: {  	v2 =	vand.u32 $0xFFFF0000, v2;
	[tilespmem:s30+$0x2CC0] =	vst v5;
	v5 =	vmax.f32 v6, $0.0e+00;
	v4 =	vadd.f32 v4, v7  }
0x2b0: {  	[tilespmem:s30+$0x2C90] =	vst v5;
	v3 =	vmax.f32 v3, $0.0e+00;
	v2 =	vadd.f32 v2, v8;
	v5 =	vshll.u32 v1, $0x10  }
0x2b1: {  	v1 =	vand.u32 $0xFFFF0000, v1;
	[tilespmem:s30+$0x2CD0] =	vst v3;
	v3 =	vmax.f32 v4, $0.0e+00;
	v4 =	vadd.f32 v5, v12  }
0x2b2: {  	[tilespmem:s30+$0x2CA0] =	vst v3;
	v2 =	vmax.f32 v2, $0.0e+00;
	v1 =	vadd.f32 v1, v10  }
0x2b3: {  	[tilespmem:s30+$0x2CE0] =	vst v2;
	v2 =	vmax.f32 v4, $0.0e+00  }
0x2b4: {  	s28 =	rddreg [dreg:$0x1b];
	[tilespmem:s30+$0x2CB0] =	vst v2;
	v1 =	vmax.f32 v1, $0.0e+00  }
0x2b5: {  	s0 =	simm.s32 $0x280;
	[tilespmem:s30+$0x2CF0] =	vst v1;
	s30 =	sadd.s32 s28, s29  }
0x2b6: {  	[spmem:s2] =	stream.indirect.scatter.add.f32 [tilespmem:s25], [sflag:$0xA], $0x80, s0, s19, $0xb8;
	[tilespmem:$0x1DC80] =	vst v63  }
0x2b7: {  	s0 =	sshll.u32 s30, $0x4  }
0x2b8: {  	s0 =	sand.u32 $0x1F980, s0  }
0x2b9: {  	s0 =	sor.u32 s9, s0  }
0x2ba: {  	s28 =	simm.s32 $0x0;
	s8 =	sadd.s32 s6, s0  }
0x2bb: {  	[tilespmem:s28], [sflag:$0x1] =	stream.linear.gather [hbm4b:s8+s28], $0x80, $0x38;
	[tilespmem:$0x1DC80] =	vst v63  }
0x2bc: {  	s0 =	sadd.s32 s7, s0  }
0x2bd: {  	[tilespmem:s14], [sflag:$0x1] =	stream.linear.gather [hbm4b:s0+s28], $0x80, $0x38;
	[tilespmem:$0x1DC80] =	vst v63  }
0x2be: {  	_ =	swait.ge [sflag:s16], $0x80  }
0x2bf: {  	[sflag:s16] =	ssyncset.done $0x0  }
0x2c0: {  	[sflag:s16] =	ssyncadd.s32 $0xFFFFFF80  }
0x2c1: {  	_ =	swait.ge [sflag:s16], $0x80  }
0x2c2: {  	[sflag:s16] =	ssyncset.done $0x0  }
0x2c3: {  	[sflag:s16] =	ssyncadd.s32 $0xFFFFFF80  }
0x2c4: {  	s8 =	smul.u32 $0x500, s31;
	_ =	swait.ge [sflag:s21], $0x2800  }
0x2c5: {  	[sflag:s21] =	ssyncset.done $0x0  }
0x2c6: {  	s0 =	sadd.s32 s5, s8;
	s8 =	simm.s32 $0x7C00;
	[sflag:s21] =	ssyncadd.s32 $0xFFFFD800  }
0x2c7: {  	[tilespmem:s8], [sflag:$0x6] =	stream.linear.gather [hbm4b:s0+s28], $0x2800, $0x38;
	[tilespmem:$0x1DC80] =	vst v63  }
0x2c8: {  	_ = 	snop  }
0x2c9: {  	[tilespmem:s25], [sflag:$0x8] =	stream.indirect.gather [hbm4b:s1+s19], $0x80, s15, s19, $0xb8;
	[tilespmem:$0x1DC80] =	vst v63  }
0x2ca: {  	_ =	swait.ge [sflag:s26], $0x2800  }
0x2cb: {  	[sflag:s26] =	ssyncset.done $0x0  }
0x2cc: {  	[sflag:s26] =	ssyncadd.s32 $0xFFFFD800  }
0x2cd: {  	_ =	swait.ge [sflag:s10], $0x2800  }
0x2ce: {  	[sflag:s10] =	ssyncset.done $0x0  }
0x2cf: {  	s31 =	simm.s32 $0x0;
	[sflag:s10] =	ssyncadd.s32 $0xFFFFD800  }
0x2d0: {  	v4 =	vld [tilespmem:s31+$0x5400]  }
0x2d1: {  	v5 =	vld [tilespmem:s31+$0x5410]  }
0x2d2: {  	v7 =	vld [tilespmem:s31+$0x5420]  }
0x2d3: {  	v8 =	vld [tilespmem:s31+$0x5430]  }
0x2d4: {  	v11 =	vld [tilespmem:s31+$0x5480]  }
0x2d5: {  	v3 =	vld [tilespmem:s31+$0x5490]  }
0x2d6: {  	v6 =	vld [tilespmem:s31+$0x400]  }
0x2d7: {  	v2 =	vld [tilespmem:s31+$0x54A0]  }
0x2d8: {  	v9 =	vld [tilespmem:s31+$0x440]  }
0x2d9: {  	v1 =	vld [tilespmem:s31+$0x54B0]  }
0x2da: {  	v10 =	vld [tilespmem:s31+$0x410];
	v13 =	vshll.u32 v4, $0x10  }
0x2db: {  	v12 =	vld [tilespmem:s31+$0x450];
	v6 =	vadd.f32 v13, v6  }
0x2dc: {  	v14 =	vld [tilespmem:s31+$0x420];
	v4 =	vand.u32 $0xFFFF0000, v4  }
0x2dd: {  	v13 =	vld [tilespmem:s31+$0x460];
	v4 =	vadd.f32 v4, v9;
	v6 =	vmax.f32 v6, $0.0e+00  }
0x2de: {  	v15 =	vld [tilespmem:s31+$0x430];
	[tilespmem:s31+$0x400] =	vst v6;
	v6 =	vshll.u32 v5, $0x10  }
0x2df: {  	v9 =	vld [tilespmem:s31+$0x470];
	v4 =	vmax.f32 v4, $0.0e+00;
	v5 =	vand.u32 $0xFFFF0000, v5;
	v6 =	vadd.f32 v6, v10  }
0x2e0: {  	v16 =	vld [tilespmem:s31+$0x480];
	[tilespmem:s31+$0x440] =	vst v4;
	v4 =	vadd.f32 v5, v12;
	v10 =	vshll.u32 v7, $0x10  }
0x2e1: {  	v5 =	vld [tilespmem:s31+$0x4C0];
	v7 =	vand.u32 $0xFFFF0000, v7;
	v10 =	vadd.f32 v10, v14;
	v6 =	vmax.f32 v6, $0.0e+00  }
0x2e2: {  	v12 =	vshll.u32 v8, $0x10;
	v7 =	vadd.f32 v7, v13;
	v4 =	vmax.f32 v4, $0.0e+00;
	[tilespmem:s31+$0x410] =	vst v6;
	v6 =	vld [tilespmem:s31+$0x490]  }
0x2e3: {  	v8 =	vand.u32 $0xFFFF0000, v8;
	v12 =	vadd.f32 v12, v15;
	[tilespmem:s31+$0x450] =	vst v4;
	v10 =	vmax.f32 v10, $0.0e+00;
	v4 =	vld [tilespmem:s31+$0x4D0]  }
0x2e4: {  	v13 =	vmax.f32 v7, $0.0e+00;
	v7 =	vld [tilespmem:s31+$0x4A0];
	[tilespmem:s31+$0x420] =	vst v10;
	v10 =	vadd.f32 v8, v9;
	v8 =	vshll.u32 v11, $0x10  }
0x2e5: {  	s0 =	simm.s32 $0x400;
	v12 =	vmax.f32 v12, $0.0e+00;
	[tilespmem:s31+$0x460] =	vst v13;
	v11 =	vand.u32 $0xFFFF0000, v11;
	v9 =	vadd.f32 v8, v16;
	v8 =	vld [tilespmem:s31+$0x4E0]  }
.LBB2_20:
0x2e6: {  	p0 =	sne.s32 s0, $0x9C00;
	[tilespmem:s31+$0x430] =	vst v12;
	v10 =	vmax.f32 v10, $0.0e+00;
	v5 =	vadd.f32 v11, v5;
	v11 =	vshll.u32 v3, $0x10;
	v12 =	vld [tilespmem:s31+$0x4B0]  }
0x2e7: {  	s8 =	sshra.s32 s0, $0x2;
	v3 =	vand.u32 $0xFFFF0000, v3;
	[tilespmem:s31+$0x470] =	vst v10;
	v9 =	vmax.f32 v9, $0.0e+00;
	v6 =	vadd.f32 v11, v6;
	v10 =	vld [tilespmem:s31+$0x4F0]  }
0x2e8: {  	v11 =	vld [tilespmem:s8+$0x5400];
	[tilespmem:s31+$0x480] =	vst v9;
	v5 =	vmax.f32 v5, $0.0e+00;
	v3 =	vadd.f32 v3, v4;
	v4 =	vshll.u32 v2, $0x10  }
0x2e9: {  	v2 =	vand.u32 $0xFFFF0000, v2;
	v9 =	vld [tilespmem:s8+$0x5410];
	[tilespmem:s31+$0x4C0] =	vst v5;
	v5 =	vmax.f32 v6, $0.0e+00;
	v4 =	vadd.f32 v4, v7  }
0x2ea: {  	v6 =	vld [tilespmem:s8+$0x5420];
	[tilespmem:s31+$0x490] =	vst v5;
	v3 =	vmax.f32 v3, $0.0e+00;
	v2 =	vadd.f32 v2, v8;
	v5 =	vshll.u32 v1, $0x10  }
0x2eb: {  	v1 =	vand.u32 $0xFFFF0000, v1;
	v7 =	vld [tilespmem:s8+$0x5430];
	[tilespmem:s31+$0x4D0] =	vst v3;
	v3 =	vmax.f32 v4, $0.0e+00;
	v4 =	vadd.f32 v5, v12  }
0x2ec: {  	v8 =	vld [tilespmem:s8+$0x5480];
	[tilespmem:s31+$0x4A0] =	vst v3;
	v2 =	vmax.f32 v2, $0.0e+00;
	v1 =	vadd.f32 v1, v10  }
0x2ed: {  	v3 =	vld [tilespmem:s8+$0x5490];
	[tilespmem:s31+$0x4E0] =	vst v2;
	v4 =	vmax.f32 v4, $0.0e+00  }
0x2ee: {  	v2 =	vld [tilespmem:s8+$0x54A0];
	[tilespmem:s31+$0x4B0] =	vst v4;
	v4 =	vmax.f32 v1, $0.0e+00  }
0x2ef: {  	v1 =	vld [tilespmem:s8+$0x54B0];
	[tilespmem:s31+$0x4F0] =	vst v4;
	s31 =	smov.u32 s8  }
0x2f0: {  	v4 =	vld [tilespmem:s31+$0x400]  }
0x2f1: {  	v5 =	vld [tilespmem:s31+$0x440]  }
0x2f2: {  	v10 =	vld [tilespmem:s31+$0x410]  }
0x2f3: {  	v12 =	vld [tilespmem:s31+$0x450]  }
0x2f4: {  	v13 =	vshll.u32 v11, $0x10;
	v14 =	vld [tilespmem:s31+$0x420]  }
0x2f5: {  	v11 =	vand.u32 $0xFFFF0000, v11;
	v4 =	vadd.f32 v13, v4;
	v13 =	vld [tilespmem:s31+$0x460]  }
0x2f6: {  	v5 =	vadd.f32 v11, v5;
	v11 =	vshll.u32 v9, $0x10;
	v15 =	vld [tilespmem:s31+$0x430]  }
0x2f7: {  	v9 =	vand.u32 $0xFFFF0000, v9;
	v4 =	vmax.f32 v4, $0.0e+00;
	v10 =	vadd.f32 v11, v10;
	v11 =	vld [tilespmem:s31+$0x470]  }
0x2f8: {  	[tilespmem:s31+$0x400] =	vst v4;
	v4 =	vmax.f32 v5, $0.0e+00;
	v9 =	vadd.f32 v9, v12;
	v5 =	vshll.u32 v6, $0x10;
	v16 =	vld [tilespmem:s31+$0x480]  }
.Ltmp9:
0x2f9: {  	v6 =	vand.u32 $0xFFFF0000, v6;
	[tilespmem:s31+$0x440] =	vst v4;
	v4 =	vmax.f32 v10, $0.0e+00;
	v10 =	vadd.f32 v5, v14;
	v5 =	vld [tilespmem:s31+$0x4C0];
	(pc) =	sbr.rel @p0 .LBB2_20-.Ltmp9, $4  }
0x2fa: {  	v12 =	vshll.u32 v7, $0x10;
	[tilespmem:s31+$0x410] =	vst v4;
	v4 =	vmax.f32 v9, $0.0e+00;
	v9 =	vadd.f32 v6, v13;
	v6 =	vld [tilespmem:s31+$0x490]  }
0x2fb: {  	v7 =	vand.u32 $0xFFFF0000, v7;
	[tilespmem:s31+$0x450] =	vst v4;
	v10 =	vmax.f32 v10, $0.0e+00;
	v12 =	vadd.f32 v12, v15;
	v4 =	vld [tilespmem:s31+$0x4D0]  }
0x2fc: {  	[tilespmem:s31+$0x420] =	vst v10;
	v9 =	vmax.f32 v9, $0.0e+00;
	v10 =	vadd.f32 v7, v11;
	v11 =	vshll.u32 v8, $0x10;
	v7 =	vld [tilespmem:s31+$0x4A0]  }
0x2fd: {  	s0 =	sadd.s32 $0x400, s0;
	[tilespmem:s31+$0x460] =	vst v9;
	v12 =	vmax.f32 v12, $0.0e+00;
	v9 =	vadd.f32 v11, v16;
	v11 =	vand.u32 $0xFFFF0000, v8;
	v8 =	vld [tilespmem:s31+$0x4E0]  }
0x2fe: {  	[tilespmem:s31+$0x430] =	vst v12;
	v10 =	vmax.f32 v10, $0.0e+00;
	v12 =	vld [tilespmem:s31+$0x4B0];
	v5 =	vadd.f32 v11, v5;
	v11 =	vshll.u32 v3, $0x10  }
0x2ff: {  	v3 =	vand.u32 $0xFFFF0000, v3;
	[tilespmem:s31+$0x470] =	vst v10;
	v9 =	vmax.f32 v9, $0.0e+00;
	v6 =	vadd.f32 v11, v6;
	v10 =	vld [tilespmem:s31+$0x4F0]  }
0x300: {  	[tilespmem:s31+$0x480] =	vst v9;
	v5 =	vmax.f32 v5, $0.0e+00;
	v3 =	vadd.f32 v3, v4;
	v4 =	vshll.u32 v2, $0x10  }
0x301: {  	v2 =	vand.u32 $0xFFFF0000, v2;
	[tilespmem:s31+$0x4C0] =	vst v5;
	v5 =	vmax.f32 v6, $0.0e+00;
	v4 =	vadd.f32 v4, v7  }
0x302: {  	[tilespmem:s31+$0x490] =	vst v5;
	v3 =	vmax.f32 v3, $0.0e+00;
	v2 =	vadd.f32 v2, v8;
	v5 =	vshll.u32 v1, $0x10  }
0x303: {  	v1 =	vand.u32 $0xFFFF0000, v1;
	[tilespmem:s31+$0x4D0] =	vst v3;
	v3 =	vmax.f32 v4, $0.0e+00;
	v4 =	vadd.f32 v5, v12  }
0x304: {  	[tilespmem:s31+$0x4A0] =	vst v3;
	v2 =	vmax.f32 v2, $0.0e+00;
	v1 =	vadd.f32 v1, v10  }
0x305: {  	[tilespmem:s31+$0x4E0] =	vst v2;
	v2 =	vmax.f32 v4, $0.0e+00  }
0x306: {  	[tilespmem:s31+$0x4B0] =	vst v2;
	v1 =	vmax.f32 v1, $0.0e+00  }
0x307: {  	s0 =	simm.s32 $0x300;
	[tilespmem:s31+$0x4F0] =	vst v1  }
0x308: {  	[spmem:s2] =	stream.indirect.scatter.add.f32 [tilespmem:s20], [sflag:$0x9], $0x80, s0, s19, $0xb8;
	[tilespmem:$0x1DC80] =	vst v63  }
0x309: {  	p0 =	sgt.u32 s22, $0x1C;
	s0 =	rddreg [dreg:$0x1c]  }
0x30a: {  	s0 =	sadd.s32 @!p0 s0, s29  }
0x30b: {  	s0 =	sshll.u32 @!p0 s0, $0x4  }
0x30c: {  	s0 =	sand.u32 @!p0 $0x1FB80, s0  }
0x30d: {  	s0 =	sor.u32 @!p0 s9, s0  }
0x30e: {  	s28 =	simm.s32 @!p0 $0x0;
	s31 =	simm.s32 @!p0 $0x80;
	s8 =	sadd.s32 @!p0 s6, s0  }
0x30f: {  	[tilespmem:s31], [sflag:$0x2] =	stream.linear.gather @!p0 [hbm4b:s8+s28], $0x80, $0x38;
	[tilespmem:$0x1DC80] =	vst v63  }
0x310: {  	s0 =	sadd.s32 @!p0 s7, s0;
	s8 =	simm.s32 @!p0 $0x280  }
0x311: {  	[tilespmem:s8], [sflag:$0x2] =	stream.linear.gather @!p0 [hbm4b:s0+s28], $0x80, $0x38;
	[tilespmem:$0x1DC80] =	vst v63  }
0x312: {  	_ =	swait.ge [sflag:s17], $0x80  }
0x313: {  	[sflag:s17] =	ssyncset.done $0x0  }
0x314: {  	[sflag:s17] =	ssyncadd.s32 $0xFFFFFF80  }
0x315: {  	_ =	swait.ge [sflag:s17], $0x80  }
0x316: {  	[sflag:s17] =	ssyncset.done $0x0  }
0x317: {  	[sflag:s17] =	ssyncadd.s32 $0xFFFFFF80  }
0x318: {  	s28 =	smul.u32 $0x500, s30;
	_ =	swait.ge [sflag:s11], $0x2800  }
0x319: {  	[sflag:s11] =	ssyncset.done $0x0  }
0x31a: {  	s31 =	simm.s32 $0x0;
	s0 =	sadd.s32 s5, s28;
	[sflag:s11] =	ssyncadd.s32 $0xFFFFD800  }
0x31b: {  	[tilespmem:s18], [sflag:$0x5] =	stream.linear.gather [hbm4b:s0+s31], $0x2800, $0x38;
	[tilespmem:$0x1DC80] =	vst v63  }
0x31c: {  	_ = 	snop  }
0x31d: {  	[tilespmem:s20], [sflag:$0x7] =	stream.indirect.gather [hbm4b:s1+s19], $0x80, s31, s19, $0xb8;
	[tilespmem:$0x1DC80] =	vst v63  }
0x31e: {  	_ =	swait.ge [sflag:s3], $0x2800  }
0x31f: {  	[sflag:s3] =	ssyncset.done $0x0  }
0x320: {  	[sflag:s3] =	ssyncadd.s32 $0xFFFFD800  }
0x321: {  	_ =	swait.ge [sflag:s24], $0x2800  }
0x322: {  	[sflag:s24] =	ssyncset.done $0x0  }
0x323: {  	s30 =	simm.s32 $0x0;
	[sflag:s24] =	ssyncadd.s32 $0xFFFFD800  }
0x324: {  	v4 =	vld [tilespmem:s30+$0x7C00]  }
0x325: {  	v5 =	vld [tilespmem:s30+$0x7C10]  }
0x326: {  	v7 =	vld [tilespmem:s30+$0x7C20]  }
0x327: {  	v8 =	vld [tilespmem:s30+$0x7C30]  }
0x328: {  	v11 =	vld [tilespmem:s30+$0x7C80]  }
0x329: {  	v3 =	vld [tilespmem:s30+$0x7C90]  }
0x32a: {  	v6 =	vld [tilespmem:s30+$0x2C00]  }
0x32b: {  	v2 =	vld [tilespmem:s30+$0x7CA0]  }
0x32c: {  	v9 =	vld [tilespmem:s30+$0x2C40]  }
0x32d: {  	v1 =	vld [tilespmem:s30+$0x7CB0]  }
0x32e: {  	v10 =	vld [tilespmem:s30+$0x2C10];
	v13 =	vshll.u32 v4, $0x10  }
0x32f: {  	v12 =	vld [tilespmem:s30+$0x2C50];
	v6 =	vadd.f32 v13, v6  }
0x330: {  	v14 =	vld [tilespmem:s30+$0x2C20];
	v4 =	vand.u32 $0xFFFF0000, v4  }
0x331: {  	v13 =	vld [tilespmem:s30+$0x2C60];
	v4 =	vadd.f32 v4, v9;
	v6 =	vmax.f32 v6, $0.0e+00  }
0x332: {  	v15 =	vld [tilespmem:s30+$0x2C30];
	[tilespmem:s30+$0x2C00] =	vst v6;
	v6 =	vshll.u32 v5, $0x10  }
0x333: {  	v9 =	vld [tilespmem:s30+$0x2C70];
	v4 =	vmax.f32 v4, $0.0e+00;
	v5 =	vand.u32 $0xFFFF0000, v5;
	v6 =	vadd.f32 v6, v10  }
0x334: {  	v16 =	vld [tilespmem:s30+$0x2C80];
	[tilespmem:s30+$0x2C40] =	vst v4;
	v4 =	vadd.f32 v5, v12;
	v10 =	vshll.u32 v7, $0x10  }
0x335: {  	v5 =	vld [tilespmem:s30+$0x2CC0];
	v7 =	vand.u32 $0xFFFF0000, v7;
	v10 =	vadd.f32 v10, v14;
	v6 =	vmax.f32 v6, $0.0e+00  }
0x336: {  	v12 =	vshll.u32 v8, $0x10;
	v7 =	vadd.f32 v7, v13;
	v4 =	vmax.f32 v4, $0.0e+00;
	[tilespmem:s30+$0x2C10] =	vst v6;
	v6 =	vld [tilespmem:s30+$0x2C90]  }
0x337: {  	v8 =	vand.u32 $0xFFFF0000, v8;
	v12 =	vadd.f32 v12, v15;
	[tilespmem:s30+$0x2C50] =	vst v4;
	v10 =	vmax.f32 v10, $0.0e+00;
	v4 =	vld [tilespmem:s30+$0x2CD0]  }
0x338: {  	v13 =	vmax.f32 v7, $0.0e+00;
	v7 =	vld [tilespmem:s30+$0x2CA0];
	[tilespmem:s30+$0x2C20] =	vst v10;
	v10 =	vadd.f32 v8, v9;
	v8 =	vshll.u32 v11, $0x10  }
0x339: {  	s0 =	simm.s32 $0x400;
	v12 =	vmax.f32 v12, $0.0e+00;
	[tilespmem:s30+$0x2C60] =	vst v13;
	v11 =	vand.u32 $0xFFFF0000, v11;
	v9 =	vadd.f32 v8, v16;
	v8 =	vld [tilespmem:s30+$0x2CE0]  }
.LBB2_22:
0x33a: {  	p1 =	sne.s32 s0, $0x9C00;
	[tilespmem:s30+$0x2C30] =	vst v12;
	v10 =	vmax.f32 v10, $0.0e+00;
	v5 =	vadd.f32 v11, v5;
	v11 =	vshll.u32 v3, $0x10;
	v12 =	vld [tilespmem:s30+$0x2CB0]  }
0x33b: {  	s8 =	sshra.s32 s0, $0x2;
	v3 =	vand.u32 $0xFFFF0000, v3;
	[tilespmem:s30+$0x2C70] =	vst v10;
	v9 =	vmax.f32 v9, $0.0e+00;
	v6 =	vadd.f32 v11, v6;
	v10 =	vld [tilespmem:s30+$0x2CF0]  }
0x33c: {  	v11 =	vld [tilespmem:s8+$0x7C00];
	[tilespmem:s30+$0x2C80] =	vst v9;
	v5 =	vmax.f32 v5, $0.0e+00;
	v3 =	vadd.f32 v3, v4;
	v4 =	vshll.u32 v2, $0x10  }
0x33d: {  	v2 =	vand.u32 $0xFFFF0000, v2;
	v9 =	vld [tilespmem:s8+$0x7C10];
	[tilespmem:s30+$0x2CC0] =	vst v5;
	v5 =	vmax.f32 v6, $0.0e+00;
	v4 =	vadd.f32 v4, v7  }
0x33e: {  	v6 =	vld [tilespmem:s8+$0x7C20];
	[tilespmem:s30+$0x2C90] =	vst v5;
	v3 =	vmax.f32 v3, $0.0e+00;
	v2 =	vadd.f32 v2, v8;
	v5 =	vshll.u32 v1, $0x10  }
0x33f: {  	v1 =	vand.u32 $0xFFFF0000, v1;
	v7 =	vld [tilespmem:s8+$0x7C30];
	[tilespmem:s30+$0x2CD0] =	vst v3;
	v3 =	vmax.f32 v4, $0.0e+00;
	v4 =	vadd.f32 v5, v12  }
0x340: {  	v8 =	vld [tilespmem:s8+$0x7C80];
	[tilespmem:s30+$0x2CA0] =	vst v3;
	v2 =	vmax.f32 v2, $0.0e+00;
	v1 =	vadd.f32 v1, v10  }
0x341: {  	v3 =	vld [tilespmem:s8+$0x7C90];
	[tilespmem:s30+$0x2CE0] =	vst v2;
	v4 =	vmax.f32 v4, $0.0e+00  }
0x342: {  	v2 =	vld [tilespmem:s8+$0x7CA0];
	[tilespmem:s30+$0x2CB0] =	vst v4;
	v4 =	vmax.f32 v1, $0.0e+00  }
0x343: {  	v1 =	vld [tilespmem:s8+$0x7CB0];
	[tilespmem:s30+$0x2CF0] =	vst v4;
	s30 =	smov.u32 s8  }
0x344: {  	v4 =	vld [tilespmem:s30+$0x2C00]  }
0x345: {  	v5 =	vld [tilespmem:s30+$0x2C40]  }
0x346: {  	v10 =	vld [tilespmem:s30+$0x2C10]  }
0x347: {  	v12 =	vld [tilespmem:s30+$0x2C50]  }
0x348: {  	v13 =	vshll.u32 v11, $0x10;
	v14 =	vld [tilespmem:s30+$0x2C20]  }
0x349: {  	v11 =	vand.u32 $0xFFFF0000, v11;
	v4 =	vadd.f32 v13, v4;
	v13 =	vld [tilespmem:s30+$0x2C60]  }
0x34a: {  	v5 =	vadd.f32 v11, v5;
	v11 =	vshll.u32 v9, $0x10;
	v15 =	vld [tilespmem:s30+$0x2C30]  }
0x34b: {  	v9 =	vand.u32 $0xFFFF0000, v9;
	v4 =	vmax.f32 v4, $0.0e+00;
	v10 =	vadd.f32 v11, v10;
	v11 =	vld [tilespmem:s30+$0x2C70]  }
0x34c: {  	[tilespmem:s30+$0x2C00] =	vst v4;
	v4 =	vmax.f32 v5, $0.0e+00;
	v9 =	vadd.f32 v9, v12;
	v5 =	vshll.u32 v6, $0x10;
	v16 =	vld [tilespmem:s30+$0x2C80]  }
.Ltmp10:
0x34d: {  	v6 =	vand.u32 $0xFFFF0000, v6;
	[tilespmem:s30+$0x2C40] =	vst v4;
	v4 =	vmax.f32 v10, $0.0e+00;
	v10 =	vadd.f32 v5, v14;
	v5 =	vld [tilespmem:s30+$0x2CC0];
	(pc) =	sbr.rel @p1 .LBB2_22-.Ltmp10, $4  }
0x34e: {  	v12 =	vshll.u32 v7, $0x10;
	[tilespmem:s30+$0x2C10] =	vst v4;
	v4 =	vmax.f32 v9, $0.0e+00;
	v9 =	vadd.f32 v6, v13;
	v6 =	vld [tilespmem:s30+$0x2C90]  }
0x34f: {  	v7 =	vand.u32 $0xFFFF0000, v7;
	[tilespmem:s30+$0x2C50] =	vst v4;
	v10 =	vmax.f32 v10, $0.0e+00;
	v12 =	vadd.f32 v12, v15;
	v4 =	vld [tilespmem:s30+$0x2CD0]  }
0x350: {  	[tilespmem:s30+$0x2C20] =	vst v10;
	v9 =	vmax.f32 v9, $0.0e+00;
	v10 =	vadd.f32 v7, v11;
	v11 =	vshll.u32 v8, $0x10;
	v7 =	vld [tilespmem:s30+$0x2CA0]  }
0x351: {  	s0 =	sadd.s32 $0x400, s0;
	[tilespmem:s30+$0x2C60] =	vst v9;
	v12 =	vmax.f32 v12, $0.0e+00;
	v9 =	vadd.f32 v11, v16;
	v11 =	vand.u32 $0xFFFF0000, v8;
	v8 =	vld [tilespmem:s30+$0x2CE0]  }
0x352: {  	[tilespmem:s30+$0x2C30] =	vst v12;
	v10 =	vmax.f32 v10, $0.0e+00;
	v57 =	vld [tilespmem:s30+$0x2CB0];
	v5 =	vadd.f32 v11, v5;
	v58 =	vshll.u32 v3, $0x10  }
0x353: {  	v3 =	vand.u32 $0xFFFF0000, v3;
	v59 =	vld [tilespmem:s30+$0x2CF0];
	[tilespmem:s30+$0x2C70] =	vst v10;
	v9 =	vmax.f32 v9, $0.0e+00;
	v6 =	vadd.f32 v58, v6  }
0x354: {  	v60 =	vshll.u32 v2, $0x10;
	[tilespmem:s30+$0x2C80] =	vst v9;
	v5 =	vmax.f32 v5, $0.0e+00;
	v3 =	vadd.f32 v3, v4  }
0x355: {  	v2 =	vand.u32 $0xFFFF0000, v2;
	[tilespmem:s30+$0x2CC0] =	vst v5;
	v61 =	vmax.f32 v6, $0.0e+00;
	v4 =	vadd.f32 v60, v7  }
0x356: {  	v62 =	vshll.u32 v1, $0x10;
	[tilespmem:s30+$0x2C90] =	vst v61;
	v3 =	vmax.f32 v3, $0.0e+00;
	v2 =	vadd.f32 v2, v8  }
0x357: {  	v1 =	vand.u32 $0xFFFF0000, v1;
	s0 =	rddreg [dreg:$0x1d];
	[tilespmem:s30+$0x2CD0] =	vst v3;
	v3 =	vmax.f32 v4, $0.0e+00;
	v63 =	vadd.f32 v62, v57  }
0x358: {  	s0 =	sadd.s32 @!p0 s0, s29;
	v1 =	vadd.f32 v1, v59;
	[tilespmem:s30+$0x2CA0] =	vst v3;
	v2 =	vmax.f32 v2, $0.0e+00  }
0x359: {  	s0 =	sshll.u32 @!p0 s0, $0x4;
	[tilespmem:s30+$0x2CE0] =	vst v2;
	v2 =	vmax.f32 v63, $0.0e+00  }
0x35a: {  	s0 =	sand.u32 @!p0 $0x1FD80, s0;
	v1 =	vmax.f32 v1, $0.0e+00;
	[tilespmem:s30+$0x2CB0] =	vst v2  }
0x35b: {  	s0 =	sor.u32 @!p0 s9, s0;
	[tilespmem:s30+$0x2CF0] =	vst v1  }
0x35c: {  	[spmem:s2] =	stream.indirect.scatter.add.f32 [tilespmem:s25], [sflag:$0xA], $0x80, s12, s19, $0xb8;
	[tilespmem:$0x1DC80] =	vst v63  }
0x35d: {  	s28 =	simm.s32 @!p0 $0x0;
	s29 =	simm.s32 @!p0 $0x100;
	s8 =	sadd.s32 @!p0 s6, s0  }
0x35e: {  	[tilespmem:s29], [sflag:$0x3] =	stream.linear.gather @!p0 [hbm4b:s8+s28], $0x80, $0x38;
	[tilespmem:$0x1DC80] =	vst v63  }
0x35f: {  	s22 =	sadd.s32 $0x1, s22;
	s0 =	sadd.s32 @!p0 s7, s0;
	s8 =	simm.s32 @!p0 $0x300  }
0x360: {  	[tilespmem:s8], [sflag:$0x3] =	stream.linear.gather @!p0 [hbm4b:s0+s28], $0x80, $0x38;
	[tilespmem:$0x1DC80] =	vst v63  }
0x361: {  	p0 =	sne.s32 s22, $0x1F  }
.Ltmp11:
0x362: {  	_ = 	snop;
	(pc) =	sbr.rel @p0 .LBB2_14-.Ltmp11, $1  }
0x363: {  	_ =	sdelay $0x3  }
.LBB2_24:
0x364: {  	_ =	swait.ge [sflag:s21], $0x2800  }
0x365: {  	[sflag:s21] =	ssyncset.done $0x0  }
0x366: {  	[sflag:s21] =	ssyncadd.s32 $0xFFFFD800  }
0x367: {  	_ =	swait.ge [sflag:s11], $0x2800  }
0x368: {  	[sflag:s11] =	ssyncset.done $0x0  }
0x369: {  	[sflag:s11] =	ssyncadd.s32 $0xFFFFD800  }
0x36a: {  	s0 =	sadd.s32 $0x0, s4;
	[bflag:$0x0] =	sbarrier.arrive $0xFFFF  }
0x36b: {  	p0 =	sgt.u32 s0, $0x270;
	s30 =	sld [smem:$0x7FD]  }
0x36c: {  	s8 =	sshll.u32 @!p0 s4, $0x6  }
0x36d: {  	s0 =	simm.s32 $0x10;
	s31 =	sor.u32 @!p0 $0x1C0B, s8;
	s28 =	rddreg [dreg:$0x1f]  }
0x36e: {  	s22 =	sadd.s32 $0x8000, s28;
	s8 =	sshrl.u32 @!p0 s28, $0x3;
	s29 =	sadd.s32 $0x1000, s30  }
.LBB2_25:
0x36f: {  	[hbm:s30], [sflag:s31] =	dma.local @!p0 [spmem:s8], $0x100  }
0x370: {  	s8 =	smov.u32 s0;
	s0 =	sadd.s32 $0x10, s0  }
0x371: {  	p1 =	sne.s32 s0, $0x280  }
.Ltmp12:
0x372: {  	(pc) =	sbr.rel @p1 .LBB2_25-.Ltmp12, $4  }
0x373: {  	s28 =	smov.u32 s22;
	s8 =	sadd.s32 s8, s4  }
0x374: {  	s30 =	smov.u32 s29;
	p0 =	sgt.u32 s8, $0x270  }
0x375: {  	s22 =	sadd.s32 $0x8000, s22;
	s8 =	sshll.u32 @!p0 s4, $0x6  }
0x376: {  	s29 =	sadd.s32 $0x1000, s29;
	s31 =	sor.u32 @!p0 $0x1C0B, s8;
	s8 =	sshrl.u32 @!p0 s28, $0x3  }
0x377: {  	[hbm:s30], [sflag:s31] =	dma.local @!p0 [spmem:s8], $0x100  }
0x378: {  	p0 =	sle.u32 s13, $0x0  }
0x379: {  	s22 =	simm.s32 @!p0 $0xB  }
0x37a: {  	_ =	swait.ge @!p0 [sflag:s22], $0x100  }
0x37b: {  	s0 =	simm.s32 $0x10;
	[sflag:s22] =	ssyncset.done @!p0 $0x0  }
.LBB2_27:
0x37c: {  	s8 =	smov.u32 s0;
	s0 =	sadd.s32 $0x10, s0  }
0x37d: {  	[sflag:s22] =	ssyncadd.s32 @!p0 $0xFFFFFF00;
	p1 =	sne.s32 s0, $0x280  }
.Ltmp13:
0x37e: {  	(pc) =	sbr.rel @p1 .LBB2_27-.Ltmp13, $4  }
0x37f: {  	p0 =	sge.u32 s8, s13  }
0x380: {  	s22 =	simm.s32 @!p0 $0xB  }
0x381: {  	_ =	swait.ge @!p0 [sflag:s22], $0x100  }
0x382: {  	[sflag:s22] =	ssyncset.done @!p0 $0x0  }
0x383: {  	s28 =	rddreg [dreg:$0x4]  }
0x384: {  	s0 =	rddreg [dreg:$0x1e];
	s28 =	sadd.s32 $0x1, s28  }
0x385: {  	p1 =	sne.s32 s28, s0  }
.Ltmp14:
0x386: {  	_ = 	snop;
	(pc) =	sbr.rel @p1 .LBB2_1-.Ltmp14, $2  }
0x387: {  	_ =	sdelay $0x2  }
0x388: {  	[sflag:s22] =	ssyncadd.s32 @!p0 $0xFFFFFF00;
	s30 =	simm.s32 $0x80  }
0x389: {  	_ =	sfence.sel $0x180000  }
0x38a: {  	[bflag:$0x0] =	sbarrier.arrive $0xFFFF  }
0x38b: {  	_ =	strace $0x90000047  }
0x38c: {  	[bflag:$0x2] =	sbarrier.arrive $0xFFFF  }
0x38d: {  	p0 =	sne.s32 s4, $0x0;
	s0 =	rddreg [dreg:$0x3]  }
0x38e: {  	s0 =	sadd.s32 @!p0 $0x100000, s0  }
0x38f: {  	[sflag:s0] =	ssyncadd.tile.s32 @!p0 $0x1;
	_ =	shalt  }
.Lfunc_end2:
_tile_overlayer_lowered:
.L_overlay_start_2:
0x390: {  	(tag) =	ssettag $0x2  }
0x391: {  	s0 =	rddreg [dreg:$0x0];
	s2 =	stileid.u32  }
0x392: {  	s1 =	rddreg [dreg:$0x1];
	p0 =	sne.s32 s2, $0x0  }
0x393: {  	s3 =	rddreg [dreg:$0x2];
	[bflag:$0x3] =	sbarrier.arrive $0xFFFF;
	s2 =	simm.s32 @!p0 $0x1C0C  }
0x394: {  	[timem:s3], [sflag:s2] =	dma.local @!p0 [hbm:s0], s1  }
0x395: {  	s0 =	simm.s32 @!p0 $0xC  }
0x396: {  	_ =	swait.ge @!p0 [sflag:s0], s1  }
0x397: {  	s1 =	ssub.s32 @!p0 $0x0, s1;
	[sflag:s0] =	ssyncset.done @!p0 $0x0  }
0x398: {  	[sflag:s0] =	ssyncadd.s32 @!p0 s1  }
0x399: {  	[bflag:$0x3] =	sbarrier.arrive $0xFFFF  }
0x39a: {  	_ =	shalt  }

</sc_bundles>
